<compile_context>
chip_gen: v7x
topology: tpu7x:2x2x1
jax: 0.10.2.dev20260603
libtpu: 0.0.44.dev20260713+nightly
codegen_flags: <defaults>
</compile_context>

<pallas_src>
import functools

import jax
import jax.numpy as jnp
from jax import lax
from jax.experimental import pallas as pl
from jax.experimental.pallas import tpu as pltpu
from jax.experimental.pallas import tpu_sc as plsc

N_NODES = 10000
N_EDGES = 160000
D = 256
DH = D // 2
EPS = 1e-5

LANES = 16
E_BLK = 80
N_CHUNKS = N_EDGES // E_BLK
NW = 32
MAX_STEPS = -(-N_CHUNKS // NW)
NB = 3

_HI_MASK = -65536



def _ln_body(x_ref, g_ref, b_ref, o_ref):
    x = x_ref[...]
    mean = jnp.mean(x, axis=-1, keepdims=True)
    var = jnp.mean((x - mean) ** 2, axis=-1, keepdims=True)
    xn = (x - mean) * lax.rsqrt(var + EPS) * g_ref[...] + b_ref[...]
    lo = lax.bitcast_convert_type(xn[:, :DH].astype(jnp.bfloat16), jnp.uint16)
    hi = lax.bitcast_convert_type(xn[:, DH:].astype(jnp.bfloat16), jnp.uint16)
    packed = lo.astype(jnp.uint32) | (hi.astype(jnp.uint32) << 16)
    o_ref[...] = lax.bitcast_convert_type(packed, jnp.int32)


def _layernorm_packed(x, gamma, beta):
    blk = 5000
    return pl.pallas_call(
        _ln_body,
        grid=(N_NODES // blk,),
        in_specs=[
            pl.BlockSpec((blk, D), lambda i: (i, 0)),
            pl.BlockSpec((D,), lambda i: (0,)),
            pl.BlockSpec((D,), lambda i: (0,)),
        ],
        out_specs=pl.BlockSpec((blk, DH), lambda i: (i, 0)),
        out_shape=jax.ShapeDtypeStruct((N_NODES, DH), jnp.int32),
    )(x, gamma, beta)



_MESH = plsc.VectorSubcoreMesh(core_axis_name="c", subcore_axis_name="s")


@functools.partial(
    pl.kernel,
    out_type=jax.ShapeDtypeStruct((N_EDGES, D), jnp.float32),
    mesh=_MESH,
    scratch_types=(
        [pltpu.VMEM((E_BLK,), jnp.int32)] * (2 * NB)
        + [pltpu.VMEM((E_BLK, DH), jnp.int32)] * (2 * NB)
        + [pltpu.VMEM((E_BLK, D), jnp.float32)] * NB
        + [pltpu.SemaphoreType.DMA] * (3 * NB)
    ),
)
def _gather_mul(xn_hbm, src_hbm, dst_hbm, out_hbm,
                si0, di0, si1, di1, si2, di2,
                a0, b0, a1, b1, a2, b2, o0, o1, o2,
                gi0, gi1, gi2, g0, g1, g2, w0, w1, w2):
    wid = lax.axis_index("s") * 2 + lax.axis_index("c")
    SI, DI = (si0, si1, si2), (di0, di1, di2)
    A, B, O = (a0, a1, a2), (b0, b1, b2), (o0, o1, o2)
    GI, G, W = (gi0, gi1, gi2), (g0, g1, g2), (w0, w1, w2)

    def cbase(s):
        return (wid + s * NW) * E_BLK

    def valid(s):
        return (wid + s * NW) < N_CHUNKS

    def fire_idx(s, k):
        pltpu.async_copy(src_hbm.at[pl.ds(cbase(s), E_BLK)], SI[k], GI[k])
        pltpu.async_copy(dst_hbm.at[pl.ds(cbase(s), E_BLK)], DI[k], GI[k])

    def wait_idx(k):
        pltpu.make_async_copy(src_hbm.at[pl.ds(0, E_BLK)], SI[k], GI[k]).wait()
        pltpu.make_async_copy(dst_hbm.at[pl.ds(0, E_BLK)], DI[k], GI[k]).wait()

    def fire_gathers(k):
        pltpu.async_copy(xn_hbm.at[SI[k]], A[k], G[k])
        pltpu.async_copy(xn_hbm.at[DI[k]], B[k], G[k])

    def wait_gathers(k):
        pltpu.make_async_copy(xn_hbm.at[pl.ds(0, E_BLK)], A[k], G[k]).wait()
        pltpu.make_async_copy(xn_hbm.at[pl.ds(0, E_BLK)], B[k], G[k]).wait()

    def fire_wb(s, k):
        pltpu.async_copy(O[k], out_hbm.at[pl.ds(cbase(s), E_BLK)], W[k])

    def wait_wb(k):
        pltpu.make_async_copy(O[k], out_hbm.at[pl.ds(0, E_BLK)], W[k]).wait()

    def multiply(k):
        ak, bk, ok = A[k], B[k], O[k]

        @plsc.parallel_loop(0, E_BLK, unroll=4)
        def _row(e):
            for j in range(DH // LANES):
                sl = pl.ds(j * LANES, LANES)
                wa = ak[e, sl]
                wb = bk[e, sl]
                a_lo = lax.bitcast_convert_type(wa << 16, jnp.float32)
                b_lo = lax.bitcast_convert_type(wb << 16, jnp.float32)
                a_hi = lax.bitcast_convert_type(wa & _HI_MASK, jnp.float32)
                b_hi = lax.bitcast_convert_type(wb & _HI_MASK, jnp.float32)
                ok[e, sl] = a_lo * b_lo
                ok[e, pl.ds(DH + j * LANES, LANES)] = a_hi * b_hi

    fire_idx(0, 0)
    fire_idx(1, 1)
    fire_idx(2, 2)
    wait_idx(0)
    fire_gathers(0)
    wait_idx(1)
    fire_gathers(1)

    def step(s, k):
        k2 = (k + 2) % NB

        @pl.when(valid(s + 2))
        def _():
            wait_idx(k2)
            fire_gathers(k2)

        @pl.when(valid(s))
        def _():
            wait_gathers(k)

        @pl.when(valid(s + 3))
        def _():
            fire_idx(s + 3, k)

        @pl.when(jnp.logical_and(s >= 3, valid(s - 3)))
        def _():
            wait_wb(k)

        @pl.when(valid(s))
        def _():
            multiply(k)
            fire_wb(s, k)

    def triple(i, _):
        s0 = 3 * i
        step(s0, 0)
        step(s0 + 1, 1)
        step(s0 + 2, 2)
        return 0

    lax.fori_loop(0, (MAX_STEPS + 3 + 2) // 3, triple, 0)


def kernel(data, x, edge, gamma, beta):
    xn_packed = _layernorm_packed(x, gamma, beta)
    src = edge[0]
    dst = edge[1]
    return _gather_mul(xn_packed, src, dst)

# --- scband reference (transcript-rebuilt; emitter-appended) ---
"""Pipeline reference for scband-prodigy-predictor-77841987272996 (READ-ONLY COPY).

The authoritative reference and input builder live on the scoring server;
editing this copy changes nothing except your own understanding.
"""

import jax, jax.numpy as jnp
import numpy as np

N_NODES = 10000
N_EDGES = 160000
D = 256
EPS = 1e-5

def setup_inputs(seed: int = 0) -> dict:
    key = jax.random.key(seed)
    k1, k2 = jax.random.split(key)
    data = jnp.zeros((1,), dtype=jnp.float32)  # unused placeholder arg in original forward
    x = jax.random.normal(k1, (N_NODES, D), dtype=jnp.float32)
    edge = jax.random.randint(k2, (2, N_EDGES), 0, N_NODES, dtype=jnp.int32)
    # Learned LayerNorm parameters (nn.LayerNorm(hidden_dim) default init)
    gamma = jnp.ones((D,), dtype=jnp.float32)
    beta = jnp.zeros((D,), dtype=jnp.float32)
    return {"data": data, "x": x, "edge": edge, "gamma": gamma, "beta": beta}

def reference(data, x, edge, gamma, beta):
    # LayerNorm over last dim (self.scale)
    mean = jnp.mean(x, axis=-1, keepdims=True)
    var = jnp.var(x, axis=-1, keepdims=True)
    xn = (x - mean) / jnp.sqrt(var + EPS) * gamma + beta
    # Per-edge elementwise product of endpoint features: x[edge[0]] * x[edge[1]]
    src = jnp.take(xn, edge[0], axis=0)
    dst = jnp.take(xn, edge[1], axis=0)
    return src * dst

if __name__ == "__main__":
    import jax
    _d = setup_inputs()
    print(jax.jit(kernel)(*tuple(_d.values())))

</pallas_src>

<mosaic_0001>
#map = affine_map<(d0, d1) -> (0, 0)>
#map1 = affine_map<(d0, d1) -> (0)>
module attributes {stable_mosaic.version = 14 : i64} {
  func.func @_gather_mul(%arg0: i32, %arg1: i32, %arg2: memref<10000x128xi32, #tpu.memory_space<hbm>>, %arg3: memref<160000xi32, #tpu.memory_space<hbm>>, %arg4: memref<160000xi32, #tpu.memory_space<hbm>>, %arg5: memref<160000x256xf32, #tpu.memory_space<hbm>>, %arg6: memref<80xi32, #tpu.memory_space<vmem>>, %arg7: memref<80xi32, #tpu.memory_space<vmem>>, %arg8: memref<80xi32, #tpu.memory_space<vmem>>, %arg9: memref<80xi32, #tpu.memory_space<vmem>>, %arg10: memref<80xi32, #tpu.memory_space<vmem>>, %arg11: memref<80xi32, #tpu.memory_space<vmem>>, %arg12: memref<80x128xi32, #tpu.memory_space<vmem>>, %arg13: memref<80x128xi32, #tpu.memory_space<vmem>>, %arg14: memref<80x128xi32, #tpu.memory_space<vmem>>, %arg15: memref<80x128xi32, #tpu.memory_space<vmem>>, %arg16: memref<80x128xi32, #tpu.memory_space<vmem>>, %arg17: memref<80x128xi32, #tpu.memory_space<vmem>>, %arg18: memref<80x256xf32, #tpu.memory_space<vmem>>, %arg19: memref<80x256xf32, #tpu.memory_space<vmem>>, %arg20: memref<80x256xf32, #tpu.memory_space<vmem>>, %arg21: memref<!tpu.dma_semaphore, #tpu.memory_space<semaphore_mem>>, %arg22: memref<!tpu.dma_semaphore, #tpu.memory_space<semaphore_mem>>, %arg23: memref<!tpu.dma_semaphore, #tpu.memory_space<semaphore_mem>>, %arg24: memref<!tpu.dma_semaphore, #tpu.memory_space<semaphore_mem>>, %arg25: memref<!tpu.dma_semaphore, #tpu.memory_space<semaphore_mem>>, %arg26: memref<!tpu.dma_semaphore, #tpu.memory_space<semaphore_mem>>, %arg27: memref<!tpu.dma_semaphore, #tpu.memory_space<semaphore_mem>>, %arg28: memref<!tpu.dma_semaphore, #tpu.memory_space<semaphore_mem>>, %arg29: memref<!tpu.dma_semaphore, #tpu.memory_space<semaphore_mem>>) attributes {dimension_semantics = [#tpu.dimension_semantics<core_parallel>, #tpu.dimension_semantics<subcore_parallel>], iteration_bounds = array<i64: 2, 16>, scalar_prefetch = 0 : i64, scratch_operands = 24 : i64, tpu.core_type = #tpu.core_type<sc_vector_subcore>, window_params = [{transform_indices = #map}, {transform_indices = #map1}, {transform_indices = #map1}, {transform_indices = #map}]} {
    %mul3A = arith.constant 2 : i32
    %mul3A_0 = arith.muli %arg1, %mul3A : i32
    %add3A = arith.addi %mul3A_0, %arg0 : i32
    %add3A_1 = arith.constant 0 : i32
    %add3A_2 = arith.addi %add3A, %add3A_1 : i32
    %mul3A_3 = arith.constant 80 : i32
    %mul3A_4 = arith.muli %add3A_2, %mul3A_3 : i32
    %dma_start3A = tpu.memref_slice %arg3[%mul3A_4] : memref<160000xi32, #tpu.memory_space<hbm>> -> memref<80xi32, #tpu.memory_space<hbm>>
    %dma_start3A_5 = tpu.memref_slice %arg3[%mul3A_4] : memref<160000xi32, #tpu.memory_space<hbm>> -> memref<80xi32, #tpu.memory_space<hbm>>
    tpu.enqueue_dma source(%dma_start3A_5 : memref<80xi32, #tpu.memory_space<hbm>>) target(%arg6 : memref<80xi32, #tpu.memory_space<vmem>>) target_semaphore(%arg21 : memref<!tpu.dma_semaphore, #tpu.memory_space<semaphore_mem>>)
    %add3A_6 = arith.constant 0 : i32
    %add3A_7 = arith.addi %add3A, %add3A_6 : i32
    %mul3A_8 = arith.constant 80 : i32
    %mul3A_9 = arith.muli %add3A_7, %mul3A_8 : i32
    %dma_start3A_10 = tpu.memref_slice %arg4[%mul3A_9] : memref<160000xi32, #tpu.memory_space<hbm>> -> memref<80xi32, #tpu.memory_space<hbm>>
    %dma_start3A_11 = tpu.memref_slice %arg4[%mul3A_9] : memref<160000xi32, #tpu.memory_space<hbm>> -> memref<80xi32, #tpu.memory_space<hbm>>
    tpu.enqueue_dma source(%dma_start3A_11 : memref<80xi32, #tpu.memory_space<hbm>>) target(%arg7 : memref<80xi32, #tpu.memory_space<vmem>>) target_semaphore(%arg21 : memref<!tpu.dma_semaphore, #tpu.memory_space<semaphore_mem>>)
    %add3A_12 = arith.constant 32 : i32
    %add3A_13 = arith.addi %add3A, %add3A_12 : i32
    %mul3A_14 = arith.constant 80 : i32
    %mul3A_15 = arith.muli %add3A_13, %mul3A_14 : i32
    %dma_start3A_16 = tpu.memref_slice %arg3[%mul3A_15] : memref<160000xi32, #tpu.memory_space<hbm>> -> memref<80xi32, #tpu.memory_space<hbm>>
    %dma_start3A_17 = tpu.memref_slice %arg3[%mul3A_15] : memref<160000xi32, #tpu.memory_space<hbm>> -> memref<80xi32, #tpu.memory_space<hbm>>
    tpu.enqueue_dma source(%dma_start3A_17 : memref<80xi32, #tpu.memory_space<hbm>>) target(%arg8 : memref<80xi32, #tpu.memory_space<vmem>>) target_semaphore(%arg22 : memref<!tpu.dma_semaphore, #tpu.memory_space<semaphore_mem>>)
    %add3A_18 = arith.constant 32 : i32
    %add3A_19 = arith.addi %add3A, %add3A_18 : i32
    %mul3A_20 = arith.constant 80 : i32
    %mul3A_21 = arith.muli %add3A_19, %mul3A_20 : i32
    %dma_start3A_22 = tpu.memref_slice %arg4[%mul3A_21] : memref<160000xi32, #tpu.memory_space<hbm>> -> memref<80xi32, #tpu.memory_space<hbm>>
    %dma_start3A_23 = tpu.memref_slice %arg4[%mul3A_21] : memref<160000xi32, #tpu.memory_space<hbm>> -> memref<80xi32, #tpu.memory_space<hbm>>
    tpu.enqueue_dma source(%dma_start3A_23 : memref<80xi32, #tpu.memory_space<hbm>>) target(%arg9 : memref<80xi32, #tpu.memory_space<vmem>>) target_semaphore(%arg22 : memref<!tpu.dma_semaphore, #tpu.memory_space<semaphore_mem>>)
    %add3A_24 = arith.constant 64 : i32
    %add3A_25 = arith.addi %add3A, %add3A_24 : i32
    %mul3A_26 = arith.constant 80 : i32
    %mul3A_27 = arith.muli %add3A_25, %mul3A_26 : i32
    %dma_start3A_28 = tpu.memref_slice %arg3[%mul3A_27] : memref<160000xi32, #tpu.memory_space<hbm>> -> memref<80xi32, #tpu.memory_space<hbm>>
    %dma_start3A_29 = tpu.memref_slice %arg3[%mul3A_27] : memref<160000xi32, #tpu.memory_space<hbm>> -> memref<80xi32, #tpu.memory_space<hbm>>
    tpu.enqueue_dma source(%dma_start3A_29 : memref<80xi32, #tpu.memory_space<hbm>>) target(%arg10 : memref<80xi32, #tpu.memory_space<vmem>>) target_semaphore(%arg23 : memref<!tpu.dma_semaphore, #tpu.memory_space<semaphore_mem>>)
    %add3A_30 = arith.constant 64 : i32
    %add3A_31 = arith.addi %add3A, %add3A_30 : i32
    %mul3A_32 = arith.constant 80 : i32
    %mul3A_33 = arith.muli %add3A_31, %mul3A_32 : i32
    %dma_start3A_34 = tpu.memref_slice %arg4[%mul3A_33] : memref<160000xi32, #tpu.memory_space<hbm>> -> memref<80xi32, #tpu.memory_space<hbm>>
    %dma_start3A_35 = tpu.memref_slice %arg4[%mul3A_33] : memref<160000xi32, #tpu.memory_space<hbm>> -> memref<80xi32, #tpu.memory_space<hbm>>
    tpu.enqueue_dma source(%dma_start3A_35 : memref<80xi32, #tpu.memory_space<hbm>>) target(%arg11 : memref<80xi32, #tpu.memory_space<vmem>>) target_semaphore(%arg23 : memref<!tpu.dma_semaphore, #tpu.memory_space<semaphore_mem>>)
    %dma_wait3A = arith.constant 0 : i32
    %dma_wait3A_36 = tpu.memref_slice %arg3[%dma_wait3A] : memref<160000xi32, #tpu.memory_space<hbm>> -> memref<80xi32, #tpu.memory_space<hbm>>
    %dma_wait3A_37 = arith.constant 0 : i32
    %dma_wait3A_38 = tpu.memref_slice %arg3[%dma_wait3A_37] : memref<160000xi32, #tpu.memory_space<hbm>> -> memref<80xi32, #tpu.memory_space<hbm>>
    tpu.wait_dma2 semaphore(%arg21 : memref<!tpu.dma_semaphore, #tpu.memory_space<semaphore_mem>>) src(%dma_wait3A_38 : memref<80xi32, #tpu.memory_space<hbm>>) dst(%arg6 : memref<80xi32, #tpu.memory_space<vmem>>)
    %dma_wait3A_39 = arith.constant 0 : i32
    %dma_wait3A_40 = tpu.memref_slice %arg4[%dma_wait3A_39] : memref<160000xi32, #tpu.memory_space<hbm>> -> memref<80xi32, #tpu.memory_space<hbm>>
    %dma_wait3A_41 = arith.constant 0 : i32
    %dma_wait3A_42 = tpu.memref_slice %arg4[%dma_wait3A_41] : memref<160000xi32, #tpu.memory_space<hbm>> -> memref<80xi32, #tpu.memory_space<hbm>>
    tpu.wait_dma2 semaphore(%arg21 : memref<!tpu.dma_semaphore, #tpu.memory_space<semaphore_mem>>) src(%dma_wait3A_42 : memref<80xi32, #tpu.memory_space<hbm>>) dst(%arg7 : memref<80xi32, #tpu.memory_space<vmem>>)
    %dma_start3A_43 = arith.constant 0 : i32
    %dma_start3A_44 = arith.constant 0 : i32
    %dma_start3A_45 = tpu.memref_slice %arg2[%dma_start3A_43, %dma_start3A_44] : memref<10000x128xi32, #tpu.memory_space<hbm>> -> memref<10000x128xi32, #tpu.memory_space<hbm>>
    tpu.enqueue_indirect_dma source(%dma_start3A_45 : memref<10000x128xi32, #tpu.memory_space<hbm>>) target(%arg12 : memref<80x128xi32, #tpu.memory_space<vmem>>) offsets(%arg6 : memref<80xi32, #tpu.memory_space<vmem>>) semaphore(%arg24 : memref<!tpu.dma_semaphore, #tpu.memory_space<semaphore_mem>>)
    %dma_start3A_46 = arith.constant 0 : i32
    %dma_start3A_47 = arith.constant 0 : i32
    %dma_start3A_48 = tpu.memref_slice %arg2[%dma_start3A_46, %dma_start3A_47] : memref<10000x128xi32, #tpu.memory_space<hbm>> -> memref<10000x128xi32, #tpu.memory_space<hbm>>
    tpu.enqueue_indirect_dma source(%dma_start3A_48 : memref<10000x128xi32, #tpu.memory_space<hbm>>) target(%arg13 : memref<80x128xi32, #tpu.memory_space<vmem>>) offsets(%arg7 : memref<80xi32, #tpu.memory_space<vmem>>) semaphore(%arg24 : memref<!tpu.dma_semaphore, #tpu.memory_space<semaphore_mem>>)
    %dma_wait3A_49 = arith.constant 0 : i32
    %dma_wait3A_50 = tpu.memref_slice %arg3[%dma_wait3A_49] : memref<160000xi32, #tpu.memory_space<hbm>> -> memref<80xi32, #tpu.memory_space<hbm>>
    %dma_wait3A_51 = arith.constant 0 : i32
    %dma_wait3A_52 = tpu.memref_slice %arg3[%dma_wait3A_51] : memref<160000xi32, #tpu.memory_space<hbm>> -> memref<80xi32, #tpu.memory_space<hbm>>
    tpu.wait_dma2 semaphore(%arg22 : memref<!tpu.dma_semaphore, #tpu.memory_space<semaphore_mem>>) src(%dma_wait3A_52 : memref<80xi32, #tpu.memory_space<hbm>>) dst(%arg8 : memref<80xi32, #tpu.memory_space<vmem>>)
    %dma_wait3A_53 = arith.constant 0 : i32
    %dma_wait3A_54 = tpu.memref_slice %arg4[%dma_wait3A_53] : memref<160000xi32, #tpu.memory_space<hbm>> -> memref<80xi32, #tpu.memory_space<hbm>>
    %dma_wait3A_55 = arith.constant 0 : i32
    %dma_wait3A_56 = tpu.memref_slice %arg4[%dma_wait3A_55] : memref<160000xi32, #tpu.memory_space<hbm>> -> memref<80xi32, #tpu.memory_space<hbm>>
    tpu.wait_dma2 semaphore(%arg22 : memref<!tpu.dma_semaphore, #tpu.memory_space<semaphore_mem>>) src(%dma_wait3A_56 : memref<80xi32, #tpu.memory_space<hbm>>) dst(%arg9 : memref<80xi32, #tpu.memory_space<vmem>>)
    %dma_start3A_57 = arith.constant 0 : i32
    %dma_start3A_58 = arith.constant 0 : i32
    %dma_start3A_59 = tpu.memref_slice %arg2[%dma_start3A_57, %dma_start3A_58] : memref<10000x128xi32, #tpu.memory_space<hbm>> -> memref<10000x128xi32, #tpu.memory_space<hbm>>
    tpu.enqueue_indirect_dma source(%dma_start3A_59 : memref<10000x128xi32, #tpu.memory_space<hbm>>) target(%arg14 : memref<80x128xi32, #tpu.memory_space<vmem>>) offsets(%arg8 : memref<80xi32, #tpu.memory_space<vmem>>) semaphore(%arg25 : memref<!tpu.dma_semaphore, #tpu.memory_space<semaphore_mem>>)
    %dma_start3A_60 = arith.constant 0 : i32
    %dma_start3A_61 = arith.constant 0 : i32
    %dma_start3A_62 = tpu.memref_slice %arg2[%dma_start3A_60, %dma_start3A_61] : memref<10000x128xi32, #tpu.memory_space<hbm>> -> memref<10000x128xi32, #tpu.memory_space<hbm>>
    tpu.enqueue_indirect_dma source(%dma_start3A_62 : memref<10000x128xi32, #tpu.memory_space<hbm>>) target(%arg15 : memref<80x128xi32, #tpu.memory_space<vmem>>) offsets(%arg9 : memref<80xi32, #tpu.memory_space<vmem>>) semaphore(%arg25 : memref<!tpu.dma_semaphore, #tpu.memory_space<semaphore_mem>>)
    %scan3A = arith.constant 0 : i32
    %scan3A_63 = arith.constant 0 : i32
    %scan3A_64 = arith.constant 22 : i32
    %scan3A_65 = arith.addi %scan3A_63, %scan3A_64 : i32
    %scan3A_66 = arith.constant 1 : i32
    %scan3A_67 = scf.for %scan3A_69 = %scan3A_63 to %scan3A_65 step %scan3A_66 iter_args(%scan3A_70 = %scan3A) -> (i32)  : i32 {
      %mul3A_71 = arith.constant 3 : i32
      %mul3A_72 = arith.muli %mul3A_71, %scan3A_69 : i32
      %add3A_73 = arith.constant 2 : i32
      %add3A_74 = arith.addi %mul3A_72, %add3A_73 : i32
      %mul3A_75 = arith.constant 32 : i32
      %mul3A_76 = arith.muli %add3A_74, %mul3A_75 : i32
      %add3A_77 = arith.addi %add3A, %mul3A_76 : i32
      %lt3A = arith.constant 2000 : i32
      %lt3A_78 = arith.cmpi slt, %add3A_77, %lt3A : i32
      %convert_element_type3A = arith.extui %lt3A_78 : i1 to i32
      %cond3A = arith.constant 0 : i32
      %cond3A_79 = arith.cmpi ne, %convert_element_type3A, %cond3A : i32
      scf.if %cond3A_79 {
        %dma_wait3A_219 = arith.constant 0 : i32
        %dma_wait3A_220 = tpu.memref_slice %arg3[%dma_wait3A_219] : memref<160000xi32, #tpu.memory_space<hbm>> -> memref<80xi32, #tpu.memory_space<hbm>>
        %dma_wait3A_221 = arith.constant 0 : i32
        %dma_wait3A_222 = tpu.memref_slice %arg3[%dma_wait3A_221] : memref<160000xi32, #tpu.memory_space<hbm>> -> memref<80xi32, #tpu.memory_space<hbm>>
        tpu.wait_dma2 semaphore(%arg23 : memref<!tpu.dma_semaphore, #tpu.memory_space<semaphore_mem>>) src(%dma_wait3A_222 : memref<80xi32, #tpu.memory_space<hbm>>) dst(%arg10 : memref<80xi32, #tpu.memory_space<vmem>>)
        %dma_wait3A_223 = arith.constant 0 : i32
        %dma_wait3A_224 = tpu.memref_slice %arg4[%dma_wait3A_223] : memref<160000xi32, #tpu.memory_space<hbm>> -> memref<80xi32, #tpu.memory_space<hbm>>
        %dma_wait3A_225 = arith.constant 0 : i32
        %dma_wait3A_226 = tpu.memref_slice %arg4[%dma_wait3A_225] : memref<160000xi32, #tpu.memory_space<hbm>> -> memref<80xi32, #tpu.memory_space<hbm>>
        tpu.wait_dma2 semaphore(%arg23 : memref<!tpu.dma_semaphore, #tpu.memory_space<semaphore_mem>>) src(%dma_wait3A_226 : memref<80xi32, #tpu.memory_space<hbm>>) dst(%arg11 : memref<80xi32, #tpu.memory_space<vmem>>)
        %dma_start3A_227 = arith.constant 0 : i32
        %dma_start3A_228 = arith.constant 0 : i32
        %dma_start3A_229 = tpu.memref_slice %arg2[%dma_start3A_227, %dma_start3A_228] : memref<10000x128xi32, #tpu.memory_space<hbm>> -> memref<10000x128xi32, #tpu.memory_space<hbm>>
        tpu.enqueue_indirect_dma source(%dma_start3A_229 : memref<10000x128xi32, #tpu.memory_space<hbm>>) target(%arg16 : memref<80x128xi32, #tpu.memory_space<vmem>>) offsets(%arg10 : memref<80xi32, #tpu.memory_space<vmem>>) semaphore(%arg26 : memref<!tpu.dma_semaphore, #tpu.memory_space<semaphore_mem>>)
        %dma_start3A_230 = arith.constant 0 : i32
        %dma_start3A_231 = arith.constant 0 : i32
        %dma_start3A_232 = tpu.memref_slice %arg2[%dma_start3A_230, %dma_start3A_231] : memref<10000x128xi32, #tpu.memory_space<hbm>> -> memref<10000x128xi32, #tpu.memory_space<hbm>>
        tpu.enqueue_indirect_dma source(%dma_start3A_232 : memref<10000x128xi32, #tpu.memory_space<hbm>>) target(%arg17 : memref<80x128xi32, #tpu.memory_space<vmem>>) offsets(%arg11 : memref<80xi32, #tpu.memory_space<vmem>>) semaphore(%arg26 : memref<!tpu.dma_semaphore, #tpu.memory_space<semaphore_mem>>)
      } else {
      }
      %mul3A_80 = arith.constant 32 : i32
      %mul3A_81 = arith.muli %mul3A_72, %mul3A_80 : i32
      %add3A_82 = arith.addi %add3A, %mul3A_81 : i32
      %lt3A_83 = arith.constant 2000 : i32
      %lt3A_84 = arith.cmpi slt, %add3A_82, %lt3A_83 : i32
      %convert_element_type3A_85 = arith.extui %lt3A_84 : i1 to i32
      %cond3A_86 = arith.constant 0 : i32
      %cond3A_87 = arith.cmpi ne, %convert_element_type3A_85, %cond3A_86 : i32
      scf.if %cond3A_87 {
        %dma_wait3A_219 = arith.constant 0 : i32
        %dma_wait3A_220 = arith.constant 0 : i32
        %dma_wait3A_221 = tpu.memref_slice %arg2[%dma_wait3A_219, %dma_wait3A_220] : memref<10000x128xi32, #tpu.memory_space<hbm>> -> memref<80x128xi32, #tpu.memory_space<hbm>>
        %dma_wait3A_222 = arith.constant 0 : i32
        %dma_wait3A_223 = arith.constant 0 : i32
        %dma_wait3A_224 = tpu.memref_slice %arg2[%dma_wait3A_222, %dma_wait3A_223] : memref<10000x128xi32, #tpu.memory_space<hbm>> -> memref<80x128xi32, #tpu.memory_space<hbm>>
        tpu.wait_dma2 semaphore(%arg24 : memref<!tpu.dma_semaphore, #tpu.memory_space<semaphore_mem>>) src(%dma_wait3A_224 : memref<80x128xi32, #tpu.memory_space<hbm>>) dst(%arg12 : memref<80x128xi32, #tpu.memory_space<vmem>>)
        %dma_wait3A_225 = arith.constant 0 : i32
        %dma_wait3A_226 = arith.constant 0 : i32
        %dma_wait3A_227 = tpu.memref_slice %arg2[%dma_wait3A_225, %dma_wait3A_226] : memref<10000x128xi32, #tpu.memory_space<hbm>> -> memref<80x128xi32, #tpu.memory_space<hbm>>
        %dma_wait3A_228 = arith.constant 0 : i32
        %dma_wait3A_229 = arith.constant 0 : i32
        %dma_wait3A_230 = tpu.memref_slice %arg2[%dma_wait3A_228, %dma_wait3A_229] : memref<10000x128xi32, #tpu.memory_space<hbm>> -> memref<80x128xi32, #tpu.memory_space<hbm>>
        tpu.wait_dma2 semaphore(%arg24 : memref<!tpu.dma_semaphore, #tpu.memory_space<semaphore_mem>>) src(%dma_wait3A_230 : memref<80x128xi32, #tpu.memory_space<hbm>>) dst(%arg13 : memref<80x128xi32, #tpu.memory_space<vmem>>)
      } else {
      }
      %add3A_88 = arith.constant 3 : i32
      %add3A_89 = arith.addi %mul3A_72, %add3A_88 : i32
      %mul3A_90 = arith.constant 32 : i32
      %mul3A_91 = arith.muli %add3A_89, %mul3A_90 : i32
      %add3A_92 = arith.addi %add3A, %mul3A_91 : i32
      %lt3A_93 = arith.constant 2000 : i32
      %lt3A_94 = arith.cmpi slt, %add3A_92, %lt3A_93 : i32
      %convert_element_type3A_95 = arith.extui %lt3A_94 : i1 to i32
      %cond3A_96 = arith.constant 0 : i32
      %cond3A_97 = arith.cmpi ne, %convert_element_type3A_95, %cond3A_96 : i32
      scf.if %cond3A_97 {
        %add3A_219 = arith.constant 3 : i32
        %add3A_220 = arith.addi %mul3A_72, %add3A_219 : i32
        %mul3A_221 = arith.constant 32 : i32
        %mul3A_222 = arith.muli %add3A_220, %mul3A_221 : i32
        %add3A_223 = arith.addi %add3A, %mul3A_222 : i32
        %mul3A_224 = arith.constant 80 : i32
        %mul3A_225 = arith.muli %add3A_223, %mul3A_224 : i32
        %dma_start3A_226 = tpu.memref_slice %arg3[%mul3A_225] : memref<160000xi32, #tpu.memory_space<hbm>> -> memref<80xi32, #tpu.memory_space<hbm>>
        %dma_start3A_227 = tpu.memref_slice %arg3[%mul3A_225] : memref<160000xi32, #tpu.memory_space<hbm>> -> memref<80xi32, #tpu.memory_space<hbm>>
        tpu.enqueue_dma source(%dma_start3A_227 : memref<80xi32, #tpu.memory_space<hbm>>) target(%arg6 : memref<80xi32, #tpu.memory_space<vmem>>) target_semaphore(%arg21 : memref<!tpu.dma_semaphore, #tpu.memory_space<semaphore_mem>>)
        %mul3A_228 = arith.constant 32 : i32
        %mul3A_229 = arith.muli %add3A_220, %mul3A_228 : i32
        %add3A_230 = arith.addi %add3A, %mul3A_229 : i32
        %mul3A_231 = arith.constant 80 : i32
        %mul3A_232 = arith.muli %add3A_230, %mul3A_231 : i32
        %dma_start3A_233 = tpu.memref_slice %arg4[%mul3A_232] : memref<160000xi32, #tpu.memory_space<hbm>> -> memref<80xi32, #tpu.memory_space<hbm>>
        %dma_start3A_234 = tpu.memref_slice %arg4[%mul3A_232] : memref<160000xi32, #tpu.memory_space<hbm>> -> memref<80xi32, #tpu.memory_space<hbm>>
        tpu.enqueue_dma source(%dma_start3A_234 : memref<80xi32, #tpu.memory_space<hbm>>) target(%arg7 : memref<80xi32, #tpu.memory_space<vmem>>) target_semaphore(%arg21 : memref<!tpu.dma_semaphore, #tpu.memory_space<semaphore_mem>>)
      } else {
      }
      %ge3A = arith.constant 3 : i32
      %ge3A_98 = arith.cmpi sge, %mul3A_72, %ge3A : i32
      %sub3A = arith.constant 3 : i32
      %sub3A_99 = arith.subi %mul3A_72, %sub3A : i32
      %mul3A_100 = arith.constant 32 : i32
      %mul3A_101 = arith.muli %sub3A_99, %mul3A_100 : i32
      %add3A_102 = arith.addi %add3A, %mul3A_101 : i32
      %lt3A_103 = arith.constant 2000 : i32
      %lt3A_104 = arith.cmpi slt, %add3A_102, %lt3A_103 : i32
      %and3A = arith.andi %ge3A_98, %lt3A_104 : i1
      %convert_element_type3A_105 = arith.extui %and3A : i1 to i32
      %cond3A_106 = arith.constant 0 : i32
      %cond3A_107 = arith.cmpi ne, %convert_element_type3A_105, %cond3A_106 : i32
      scf.if %cond3A_107 {
        %dma_wait3A_219 = arith.constant 0 : i32
        %dma_wait3A_220 = arith.constant 0 : i32
        %dma_wait3A_221 = tpu.memref_slice %arg5[%dma_wait3A_219, %dma_wait3A_220] : memref<160000x256xf32, #tpu.memory_space<hbm>> -> memref<80x256xf32, #tpu.memory_space<hbm>>
        %dma_wait3A_222 = arith.constant 0 : i32
        %dma_wait3A_223 = arith.constant 0 : i32
        %dma_wait3A_224 = tpu.memref_slice %arg5[%dma_wait3A_222, %dma_wait3A_223] : memref<160000x256xf32, #tpu.memory_space<hbm>> -> memref<80x256xf32, #tpu.memory_space<hbm>>
        tpu.wait_dma2 semaphore(%arg27 : memref<!tpu.dma_semaphore, #tpu.memory_space<semaphore_mem>>) src(%arg18 : memref<80x256xf32, #tpu.memory_space<vmem>>) dst(%dma_wait3A_224 : memref<80x256xf32, #tpu.memory_space<hbm>>)
      } else {
      }
      %mul3A_108 = arith.constant 32 : i32
      %mul3A_109 = arith.muli %mul3A_72, %mul3A_108 : i32
      %add3A_110 = arith.addi %add3A, %mul3A_109 : i32
      %lt3A_111 = arith.constant 2000 : i32
      %lt3A_112 = arith.cmpi slt, %add3A_110, %lt3A_111 : i32
      %convert_element_type3A_113 = arith.extui %lt3A_112 : i1 to i32
      %cond3A_114 = arith.constant 0 : i32
      %cond3A_115 = arith.cmpi ne, %convert_element_type3A_113, %cond3A_114 : i32
      scf.if %cond3A_115 {
        %parallel_loop3A = arith.constant 0 : i32
        %parallel_loop3A_219 = arith.constant 80 : i32
        %parallel_loop3A_220 = arith.constant 1 : i32
        scf.for %parallel_loop3A_230 = %parallel_loop3A to %parallel_loop3A_219 step %parallel_loop3A_220  : i32 {
          %parallel_loop3A_231 = arith.index_cast %parallel_loop3A_230 : i32 to index
          %parallel_loop3A_232 = arith.constant 0 : index
          %parallel_loop3A_233 = tpu.vector_load %arg12[%parallel_loop3A_231, %parallel_loop3A_232] {strides = array<i32>} : memref<80x128xi32, #tpu.memory_space<vmem>>, vector<1x16xi32>,
          %parallel_loop3A_234 = vector.shape_cast %parallel_loop3A_233 : vector<1x16xi32> to vector<16xi32>
          %parallel_loop3A_235 = arith.index_cast %parallel_loop3A_230 : i32 to index
          %parallel_loop3A_236 = arith.constant 0 : index
          %parallel_loop3A_237 = tpu.vector_load %arg13[%parallel_loop3A_235, %parallel_loop3A_236] {strides = array<i32>} : memref<80x128xi32, #tpu.memory_space<vmem>>, vector<1x16xi32>,
          %parallel_loop3A_238 = vector.shape_cast %parallel_loop3A_237 : vector<1x16xi32> to vector<16xi32>
          %parallel_loop3A_239 = arith.constant 16 : i32
          %parallel_loop3A_240 = vector.broadcast %parallel_loop3A_239 : i32 to vector<16xi32>
          %parallel_loop3A_241 = arith.shli %parallel_loop3A_234, %parallel_loop3A_240 : vector<16xi32>
          %parallel_loop3A_242 = tpu.bitcast %parallel_loop3A_241 : vector<16xi32> -> vector<16xf32>
          %parallel_loop3A_243 = arith.constant 16 : i32
          %parallel_loop3A_244 = vector.broadcast %parallel_loop3A_243 : i32 to vector<16xi32>
          %parallel_loop3A_245 = arith.shli %parallel_loop3A_238, %parallel_loop3A_244 : vector<16xi32>
          %parallel_loop3A_246 = tpu.bitcast %parallel_loop3A_245 : vector<16xi32> -> vector<16xf32>
          %parallel_loop3A_247 = arith.constant -65536 : i32
          %parallel_loop3A_248 = vector.broadcast %parallel_loop3A_247 : i32 to vector<16xi32>
          %parallel_loop3A_249 = arith.andi %parallel_loop3A_234, %parallel_loop3A_248 : vector<16xi32>
          %parallel_loop3A_250 = tpu.bitcast %parallel_loop3A_249 : vector<16xi32> -> vector<16xf32>
          %parallel_loop3A_251 = arith.constant -65536 : i32
          %parallel_loop3A_252 = vector.broadcast %parallel_loop3A_251 : i32 to vector<16xi32>
          %parallel_loop3A_253 = arith.andi %parallel_loop3A_238, %parallel_loop3A_252 : vector<16xi32>
          %parallel_loop3A_254 = tpu.bitcast %parallel_loop3A_253 : vector<16xi32> -> vector<16xf32>
          %parallel_loop3A_255 = arith.mulf %parallel_loop3A_242, %parallel_loop3A_246 : vector<16xf32>
          %parallel_loop3A_256 = arith.index_cast %parallel_loop3A_230 : i32 to index
          %parallel_loop3A_257 = arith.constant 0 : index
          %parallel_loop3A_258 = tpu.vector_load %arg18[%parallel_loop3A_256, %parallel_loop3A_257] {strides = array<i32>} : memref<80x256xf32, #tpu.memory_space<vmem>>, vector<1x16xf32>,
          %parallel_loop3A_259 = vector.shape_cast %parallel_loop3A_258 : vector<1x16xf32> to vector<16xf32>
          %parallel_loop3A_260 = vector.shape_cast %parallel_loop3A_255 : vector<16xf32> to vector<1x16xf32>
          tpu.vector_store %arg18[%parallel_loop3A_256, %parallel_loop3A_257], %parallel_loop3A_260 {strides = array<i32>} : memref<80x256xf32, #tpu.memory_space<vmem>>, vector<1x16xf32>,
          %parallel_loop3A_261 = arith.mulf %parallel_loop3A_250, %parallel_loop3A_254 : vector<16xf32>
          %parallel_loop3A_262 = arith.index_cast %parallel_loop3A_230 : i32 to index
          %parallel_loop3A_263 = arith.constant 128 : index
          %parallel_loop3A_264 = tpu.vector_load %arg18[%parallel_loop3A_262, %parallel_loop3A_263] {strides = array<i32>} : memref<80x256xf32, #tpu.memory_space<vmem>>, vector<1x16xf32>,
          %parallel_loop3A_265 = vector.shape_cast %parallel_loop3A_264 : vector<1x16xf32> to vector<16xf32>
          %parallel_loop3A_266 = vector.shape_cast %parallel_loop3A_261 : vector<16xf32> to vector<1x16xf32>
          tpu.vector_store %arg18[%parallel_loop3A_262, %parallel_loop3A_263], %parallel_loop3A_266 {strides = array<i32>} : memref<80x256xf32, #tpu.memory_space<vmem>>, vector<1x16xf32>,
          %parallel_loop3A_267 = arith.index_cast %parallel_loop3A_230 : i32 to index
          %parallel_loop3A_268 = arith.constant 16 : index
          %parallel_loop3A_269 = tpu.vector_load %arg12[%parallel_loop3A_267, %parallel_loop3A_268] {strides = array<i32>} : memref<80x128xi32, #tpu.memory_space<vmem>>, vector<1x16xi32>,
          %parallel_loop3A_270 = vector.shape_cast %parallel_loop3A_269 : vector<1x16xi32> to vector<16xi32>
          %parallel_loop3A_271 = arith.index_cast %parallel_loop3A_230 : i32 to index
          %parallel_loop3A_272 = arith.constant 16 : index
          %parallel_loop3A_273 = tpu.vector_load %arg13[%parallel_loop3A_271, %parallel_loop3A_272] {strides = array<i32>} : memref<80x128xi32, #tpu.memory_space<vmem>>, vector<1x16xi32>,
          %parallel_loop3A_274 = vector.shape_cast %parallel_loop3A_273 : vector<1x16xi32> to vector<16xi32>
          %parallel_loop3A_275 = arith.constant 16 : i32
          %parallel_loop3A_276 = vector.broadcast %parallel_loop3A_275 : i32 to vector<16xi32>
          %parallel_loop3A_277 = arith.shli %parallel_loop3A_270, %parallel_loop3A_276 : vector<16xi32>
          %parallel_loop3A_278 = tpu.bitcast %parallel_loop3A_277 : vector<16xi32> -> vector<16xf32>
          %parallel_loop3A_279 = arith.constant 16 : i32
          %parallel_loop3A_280 = vector.broadcast %parallel_loop3A_279 : i32 to vector<16xi32>
          %parallel_loop3A_281 = arith.shli %parallel_loop3A_274, %parallel_loop3A_280 : vector<16xi32>
          %parallel_loop3A_282 = tpu.bitcast %parallel_loop3A_281 : vector<16xi32> -> vector<16xf32>
          %parallel_loop3A_283 = arith.constant -65536 : i32
          %parallel_loop3A_284 = vector.broadcast %parallel_loop3A_283 : i32 to vector<16xi32>
          %parallel_loop3A_285 = arith.andi %parallel_loop3A_270, %parallel_loop3A_284 : vector<16xi32>
          %parallel_loop3A_286 = tpu.bitcast %parallel_loop3A_285 : vector<16xi32> -> vector<16xf32>
          %parallel_loop3A_287 = arith.constant -65536 : i32
          %parallel_loop3A_288 = vector.broadcast %parallel_loop3A_287 : i32 to vector<16xi32>
          %parallel_loop3A_289 = arith.andi %parallel_loop3A_274, %parallel_loop3A_288 : vector<16xi32>
          %parallel_loop3A_290 = tpu.bitcast %parallel_loop3A_289 : vector<16xi32> -> vector<16xf32>
          %parallel_loop3A_291 = arith.mulf %parallel_loop3A_278, %parallel_loop3A_282 : vector<16xf32>
          %parallel_loop3A_292 = arith.index_cast %parallel_loop3A_230 : i32 to index
          %parallel_loop3A_293 = arith.constant 16 : index
          %parallel_loop3A_294 = tpu.vector_load %arg18[%parallel_loop3A_292, %parallel_loop3A_293] {strides = array<i32>} : memref<80x256xf32, #tpu.memory_space<vmem>>, vector<1x16xf32>,
          %parallel_loop3A_295 = vector.shape_cast %parallel_loop3A_294 : vector<1x16xf32> to vector<16xf32>
          %parallel_loop3A_296 = vector.shape_cast %parallel_loop3A_291 : vector<16xf32> to vector<1x16xf32>
          tpu.vector_store %arg18[%parallel_loop3A_292, %parallel_loop3A_293], %parallel_loop3A_296 {strides = array<i32>} : memref<80x256xf32, #tpu.memory_space<vmem>>, vector<1x16xf32>,
          %parallel_loop3A_297 = arith.mulf %parallel_loop3A_286, %parallel_loop3A_290 : vector<16xf32>
          %parallel_loop3A_298 = arith.index_cast %parallel_loop3A_230 : i32 to index
          %parallel_loop3A_299 = arith.constant 144 : index
          %parallel_loop3A_300 = tpu.vector_load %arg18[%parallel_loop3A_298, %parallel_loop3A_299] {strides = array<i32>} : memref<80x256xf32, #tpu.memory_space<vmem>>, vector<1x16xf32>,
          %parallel_loop3A_301 = vector.shape_cast %parallel_loop3A_300 : vector<1x16xf32> to vector<16xf32>
          %parallel_loop3A_302 = vector.shape_cast %parallel_loop3A_297 : vector<16xf32> to vector<1x16xf32>
          tpu.vector_store %arg18[%parallel_loop3A_298, %parallel_loop3A_299], %parallel_loop3A_302 {strides = array<i32>} : memref<80x256xf32, #tpu.memory_space<vmem>>, vector<1x16xf32>,
          %parallel_loop3A_303 = arith.index_cast %parallel_loop3A_230 : i32 to index
          %parallel_loop3A_304 = arith.constant 32 : index
          %parallel_loop3A_305 = tpu.vector_load %arg12[%parallel_loop3A_303, %parallel_loop3A_304] {strides = array<i32>} : memref<80x128xi32, #tpu.memory_space<vmem>>, vector<1x16xi32>,
          %parallel_loop3A_306 = vector.shape_cast %parallel_loop3A_305 : vector<1x16xi32> to vector<16xi32>
          %parallel_loop3A_307 = arith.index_cast %parallel_loop3A_230 : i32 to index
          %parallel_loop3A_308 = arith.constant 32 : index
          %parallel_loop3A_309 = tpu.vector_load %arg13[%parallel_loop3A_307, %parallel_loop3A_308] {strides = array<i32>} : memref<80x128xi32, #tpu.memory_space<vmem>>, vector<1x16xi32>,
          %parallel_loop3A_310 = vector.shape_cast %parallel_loop3A_309 : vector<1x16xi32> to vector<16xi32>
          %parallel_loop3A_311 = arith.constant 16 : i32
          %parallel_loop3A_312 = vector.broadcast %parallel_loop3A_311 : i32 to vector<16xi32>
          %parallel_loop3A_313 = arith.shli %parallel_loop3A_306, %parallel_loop3A_312 : vector<16xi32>
          %parallel_loop3A_314 = tpu.bitcast %parallel_loop3A_313 : vector<16xi32> -> vector<16xf32>
          %parallel_loop3A_315 = arith.constant 16 : i32
          %parallel_loop3A_316 = vector.broadcast %parallel_loop3A_315 : i32 to vector<16xi32>
          %parallel_loop3A_317 = arith.shli %parallel_loop3A_310, %parallel_loop3A_316 : vector<16xi32>
          %parallel_loop3A_318 = tpu.bitcast %parallel_loop3A_317 : vector<16xi32> -> vector<16xf32>
          %parallel_loop3A_319 = arith.constant -65536 : i32
          %parallel_loop3A_320 = vector.broadcast %parallel_loop3A_319 : i32 to vector<16xi32>
          %parallel_loop3A_321 = arith.andi %parallel_loop3A_306, %parallel_loop3A_320 : vector<16xi32>
          %parallel_loop3A_322 = tpu.bitcast %parallel_loop3A_321 : vector<16xi32> -> vector<16xf32>
          %parallel_loop3A_323 = arith.constant -65536 : i32
          %parallel_loop3A_324 = vector.broadcast %parallel_loop3A_323 : i32 to vector<16xi32>
          %parallel_loop3A_325 = arith.andi %parallel_loop3A_310, %parallel_loop3A_324 : vector<16xi32>
          %parallel_loop3A_326 = tpu.bitcast %parallel_loop3A_325 : vector<16xi32> -> vector<16xf32>
          %parallel_loop3A_327 = arith.mulf %parallel_loop3A_314, %parallel_loop3A_318 : vector<16xf32>
          %parallel_loop3A_328 = arith.index_cast %parallel_loop3A_230 : i32 to index
          %parallel_loop3A_329 = arith.constant 32 : index
          %parallel_loop3A_330 = tpu.vector_load %arg18[%parallel_loop3A_328, %parallel_loop3A_329] {strides = array<i32>} : memref<80x256xf32, #tpu.memory_space<vmem>>, vector<1x16xf32>,
          %parallel_loop3A_331 = vector.shape_cast %parallel_loop3A_330 : vector<1x16xf32> to vector<16xf32>
          %parallel_loop3A_332 = vector.shape_cast %parallel_loop3A_327 : vector<16xf32> to vector<1x16xf32>
          tpu.vector_store %arg18[%parallel_loop3A_328, %parallel_loop3A_329], %parallel_loop3A_332 {strides = array<i32>} : memref<80x256xf32, #tpu.memory_space<vmem>>, vector<1x16xf32>,
          %parallel_loop3A_333 = arith.mulf %parallel_loop3A_322, %parallel_loop3A_326 : vector<16xf32>
          %parallel_loop3A_334 = arith.index_cast %parallel_loop3A_230 : i32 to index
          %parallel_loop3A_335 = arith.constant 160 : index
          %parallel_loop3A_336 = tpu.vector_load %arg18[%parallel_loop3A_334, %parallel_loop3A_335] {strides = array<i32>} : memref<80x256xf32, #tpu.memory_space<vmem>>, vector<1x16xf32>,
          %parallel_loop3A_337 = vector.shape_cast %parallel_loop3A_336 : vector<1x16xf32> to vector<16xf32>
          %parallel_loop3A_338 = vector.shape_cast %parallel_loop3A_333 : vector<16xf32> to vector<1x16xf32>
          tpu.vector_store %arg18[%parallel_loop3A_334, %parallel_loop3A_335], %parallel_loop3A_338 {strides = array<i32>} : memref<80x256xf32, #tpu.memory_space<vmem>>, vector<1x16xf32>,
          %parallel_loop3A_339 = arith.index_cast %parallel_loop3A_230 : i32 to index
          %parallel_loop3A_340 = arith.constant 48 : index
          %parallel_loop3A_341 = tpu.vector_load %arg12[%parallel_loop3A_339, %parallel_loop3A_340] {strides = array<i32>} : memref<80x128xi32, #tpu.memory_space<vmem>>, vector<1x16xi32>,
          %parallel_loop3A_342 = vector.shape_cast %parallel_loop3A_341 : vector<1x16xi32> to vector<16xi32>
          %parallel_loop3A_343 = arith.index_cast %parallel_loop3A_230 : i32 to index
          %parallel_loop3A_344 = arith.constant 48 : index
          %parallel_loop3A_345 = tpu.vector_load %arg13[%parallel_loop3A_343, %parallel_loop3A_344] {strides = array<i32>} : memref<80x128xi32, #tpu.memory_space<vmem>>, vector<1x16xi32>,
          %parallel_loop3A_346 = vector.shape_cast %parallel_loop3A_345 : vector<1x16xi32> to vector<16xi32>
          %parallel_loop3A_347 = arith.constant 16 : i32
          %parallel_loop3A_348 = vector.broadcast %parallel_loop3A_347 : i32 to vector<16xi32>
          %parallel_loop3A_349 = arith.shli %parallel_loop3A_342, %parallel_loop3A_348 : vector<16xi32>
          %parallel_loop3A_350 = tpu.bitcast %parallel_loop3A_349 : vector<16xi32> -> vector<16xf32>
          %parallel_loop3A_351 = arith.constant 16 : i32
          %parallel_loop3A_352 = vector.broadcast %parallel_loop3A_351 : i32 to vector<16xi32>
          %parallel_loop3A_353 = arith.shli %parallel_loop3A_346, %parallel_loop3A_352 : vector<16xi32>
          %parallel_loop3A_354 = tpu.bitcast %parallel_loop3A_353 : vector<16xi32> -> vector<16xf32>
          %parallel_loop3A_355 = arith.constant -65536 : i32
          %parallel_loop3A_356 = vector.broadcast %parallel_loop3A_355 : i32 to vector<16xi32>
          %parallel_loop3A_357 = arith.andi %parallel_loop3A_342, %parallel_loop3A_356 : vector<16xi32>
          %parallel_loop3A_358 = tpu.bitcast %parallel_loop3A_357 : vector<16xi32> -> vector<16xf32>
          %parallel_loop3A_359 = arith.constant -65536 : i32
          %parallel_loop3A_360 = vector.broadcast %parallel_loop3A_359 : i32 to vector<16xi32>
          %parallel_loop3A_361 = arith.andi %parallel_loop3A_346, %parallel_loop3A_360 : vector<16xi32>
          %parallel_loop3A_362 = tpu.bitcast %parallel_loop3A_361 : vector<16xi32> -> vector<16xf32>
          %parallel_loop3A_363 = arith.mulf %parallel_loop3A_350, %parallel_loop3A_354 : vector<16xf32>
          %parallel_loop3A_364 = arith.index_cast %parallel_loop3A_230 : i32 to index
          %parallel_loop3A_365 = arith.constant 48 : index
          %parallel_loop3A_366 = tpu.vector_load %arg18[%parallel_loop3A_364, %parallel_loop3A_365] {strides = array<i32>} : memref<80x256xf32, #tpu.memory_space<vmem>>, vector<1x16xf32>,
          %parallel_loop3A_367 = vector.shape_cast %parallel_loop3A_366 : vector<1x16xf32> to vector<16xf32>
          %parallel_loop3A_368 = vector.shape_cast %parallel_loop3A_363 : vector<16xf32> to vector<1x16xf32>
          tpu.vector_store %arg18[%parallel_loop3A_364, %parallel_loop3A_365], %parallel_loop3A_368 {strides = array<i32>} : memref<80x256xf32, #tpu.memory_space<vmem>>, vector<1x16xf32>,
          %parallel_loop3A_369 = arith.mulf %parallel_loop3A_358, %parallel_loop3A_362 : vector<16xf32>
          %parallel_loop3A_370 = arith.index_cast %parallel_loop3A_230 : i32 to index
          %parallel_loop3A_371 = arith.constant 176 : index
          %parallel_loop3A_372 = tpu.vector_load %arg18[%parallel_loop3A_370, %parallel_loop3A_371] {strides = array<i32>} : memref<80x256xf32, #tpu.memory_space<vmem>>, vector<1x16xf32>,
          %parallel_loop3A_373 = vector.shape_cast %parallel_loop3A_372 : vector<1x16xf32> to vector<16xf32>
          %parallel_loop3A_374 = vector.shape_cast %parallel_loop3A_369 : vector<16xf32> to vector<1x16xf32>
          tpu.vector_store %arg18[%parallel_loop3A_370, %parallel_loop3A_371], %parallel_loop3A_374 {strides = array<i32>} : memref<80x256xf32, #tpu.memory_space<vmem>>, vector<1x16xf32>,
          %parallel_loop3A_375 = arith.index_cast %parallel_loop3A_230 : i32 to index
          %parallel_loop3A_376 = arith.constant 64 : index
          %parallel_loop3A_377 = tpu.vector_load %arg12[%parallel_loop3A_375, %parallel_loop3A_376] {strides = array<i32>} : memref<80x128xi32, #tpu.memory_space<vmem>>, vector<1x16xi32>,
          %parallel_loop3A_378 = vector.shape_cast %parallel_loop3A_377 : vector<1x16xi32> to vector<16xi32>
          %parallel_loop3A_379 = arith.index_cast %parallel_loop3A_230 : i32 to index
          %parallel_loop3A_380 = arith.constant 64 : index
          %parallel_loop3A_381 = tpu.vector_load %arg13[%parallel_loop3A_379, %parallel_loop3A_380] {strides = array<i32>} : memref<80x128xi32, #tpu.memory_space<vmem>>, vector<1x16xi32>,
          %parallel_loop3A_382 = vector.shape_cast %parallel_loop3A_381 : vector<1x16xi32> to vector<16xi32>
          %parallel_loop3A_383 = arith.constant 16 : i32
          %parallel_loop3A_384 = vector.broadcast %parallel_loop3A_383 : i32 to vector<16xi32>
          %parallel_loop3A_385 = arith.shli %parallel_loop3A_378, %parallel_loop3A_384 : vector<16xi32>
          %parallel_loop3A_386 = tpu.bitcast %parallel_loop3A_385 : vector<16xi32> -> vector<16xf32>
          %parallel_loop3A_387 = arith.constant 16 : i32
          %parallel_loop3A_388 = vector.broadcast %parallel_loop3A_387 : i32 to vector<16xi32>
          %parallel_loop3A_389 = arith.shli %parallel_loop3A_382, %parallel_loop3A_388 : vector<16xi32>
          %parallel_loop3A_390 = tpu.bitcast %parallel_loop3A_389 : vector<16xi32> -> vector<16xf32>
          %parallel_loop3A_391 = arith.constant -65536 : i32
          %parallel_loop3A_392 = vector.broadcast %parallel_loop3A_391 : i32 to vector<16xi32>
          %parallel_loop3A_393 = arith.andi %parallel_loop3A_378, %parallel_loop3A_392 : vector<16xi32>
          %parallel_loop3A_394 = tpu.bitcast %parallel_loop3A_393 : vector<16xi32> -> vector<16xf32>
          %parallel_loop3A_395 = arith.constant -65536 : i32
          %parallel_loop3A_396 = vector.broadcast %parallel_loop3A_395 : i32 to vector<16xi32>
          %parallel_loop3A_397 = arith.andi %parallel_loop3A_382, %parallel_loop3A_396 : vector<16xi32>
          %parallel_loop3A_398 = tpu.bitcast %parallel_loop3A_397 : vector<16xi32> -> vector<16xf32>
          %parallel_loop3A_399 = arith.mulf %parallel_loop3A_386, %parallel_loop3A_390 : vector<16xf32>
          %parallel_loop3A_400 = arith.index_cast %parallel_loop3A_230 : i32 to index
          %parallel_loop3A_401 = arith.constant 64 : index
          %parallel_loop3A_402 = tpu.vector_load %arg18[%parallel_loop3A_400, %parallel_loop3A_401] {strides = array<i32>} : memref<80x256xf32, #tpu.memory_space<vmem>>, vector<1x16xf32>,
          %parallel_loop3A_403 = vector.shape_cast %parallel_loop3A_402 : vector<1x16xf32> to vector<16xf32>
          %parallel_loop3A_404 = vector.shape_cast %parallel_loop3A_399 : vector<16xf32> to vector<1x16xf32>
          tpu.vector_store %arg18[%parallel_loop3A_400, %parallel_loop3A_401], %parallel_loop3A_404 {strides = array<i32>} : memref<80x256xf32, #tpu.memory_space<vmem>>, vector<1x16xf32>,
          %parallel_loop3A_405 = arith.mulf %parallel_loop3A_394, %parallel_loop3A_398 : vector<16xf32>
          %parallel_loop3A_406 = arith.index_cast %parallel_loop3A_230 : i32 to index
          %parallel_loop3A_407 = arith.constant 192 : index
          %parallel_loop3A_408 = tpu.vector_load %arg18[%parallel_loop3A_406, %parallel_loop3A_407] {strides = array<i32>} : memref<80x256xf32, #tpu.memory_space<vmem>>, vector<1x16xf32>,
          %parallel_loop3A_409 = vector.shape_cast %parallel_loop3A_408 : vector<1x16xf32> to vector<16xf32>
          %parallel_loop3A_410 = vector.shape_cast %parallel_loop3A_405 : vector<16xf32> to vector<1x16xf32>
          tpu.vector_store %arg18[%parallel_loop3A_406, %parallel_loop3A_407], %parallel_loop3A_410 {strides = array<i32>} : memref<80x256xf32, #tpu.memory_space<vmem>>, vector<1x16xf32>,
          %parallel_loop3A_411 = arith.index_cast %parallel_loop3A_230 : i32 to index
          %parallel_loop3A_412 = arith.constant 80 : index
          %parallel_loop3A_413 = tpu.vector_load %arg12[%parallel_loop3A_411, %parallel_loop3A_412] {strides = array<i32>} : memref<80x128xi32, #tpu.memory_space<vmem>>, vector<1x16xi32>,
          %parallel_loop3A_414 = vector.shape_cast %parallel_loop3A_413 : vector<1x16xi32> to vector<16xi32>
          %parallel_loop3A_415 = arith.index_cast %parallel_loop3A_230 : i32 to index
          %parallel_loop3A_416 = arith.constant 80 : index
          %parallel_loop3A_417 = tpu.vector_load %arg13[%parallel_loop3A_415, %parallel_loop3A_416] {strides = array<i32>} : memref<80x128xi32, #tpu.memory_space<vmem>>, vector<1x16xi32>,
          %parallel_loop3A_418 = vector.shape_cast %parallel_loop3A_417 : vector<1x16xi32> to vector<16xi32>
          %parallel_loop3A_419 = arith.constant 16 : i32
          %parallel_loop3A_420 = vector.broadcast %parallel_loop3A_419 : i32 to vector<16xi32>
          %parallel_loop3A_421 = arith.shli %parallel_loop3A_414, %parallel_loop3A_420 : vector<16xi32>
          %parallel_loop3A_422 = tpu.bitcast %parallel_loop3A_421 : vector<16xi32> -> vector<16xf32>
          %parallel_loop3A_423 = arith.constant 16 : i32
          %parallel_loop3A_424 = vector.broadcast %parallel_loop3A_423 : i32 to vector<16xi32>
          %parallel_loop3A_425 = arith.shli %parallel_loop3A_418, %parallel_loop3A_424 : vector<16xi32>
          %parallel_loop3A_426 = tpu.bitcast %parallel_loop3A_425 : vector<16xi32> -> vector<16xf32>
          %parallel_loop3A_427 = arith.constant -65536 : i32
          %parallel_loop3A_428 = vector.broadcast %parallel_loop3A_427 : i32 to vector<16xi32>
          %parallel_loop3A_429 = arith.andi %parallel_loop3A_414, %parallel_loop3A_428 : vector<16xi32>
          %parallel_loop3A_430 = tpu.bitcast %parallel_loop3A_429 : vector<16xi32> -> vector<16xf32>
          %parallel_loop3A_431 = arith.constant -65536 : i32
          %parallel_loop3A_432 = vector.broadcast %parallel_loop3A_431 : i32 to vector<16xi32>
          %parallel_loop3A_433 = arith.andi %parallel_loop3A_418, %parallel_loop3A_432 : vector<16xi32>
          %parallel_loop3A_434 = tpu.bitcast %parallel_loop3A_433 : vector<16xi32> -> vector<16xf32>
          %parallel_loop3A_435 = arith.mulf %parallel_loop3A_422, %parallel_loop3A_426 : vector<16xf32>
          %parallel_loop3A_436 = arith.index_cast %parallel_loop3A_230 : i32 to index
          %parallel_loop3A_437 = arith.constant 80 : index
          %parallel_loop3A_438 = tpu.vector_load %arg18[%parallel_loop3A_436, %parallel_loop3A_437] {strides = array<i32>} : memref<80x256xf32, #tpu.memory_space<vmem>>, vector<1x16xf32>,
          %parallel_loop3A_439 = vector.shape_cast %parallel_loop3A_438 : vector<1x16xf32> to vector<16xf32>
          %parallel_loop3A_440 = vector.shape_cast %parallel_loop3A_435 : vector<16xf32> to vector<1x16xf32>
          tpu.vector_store %arg18[%parallel_loop3A_436, %parallel_loop3A_437], %parallel_loop3A_440 {strides = array<i32>} : memref<80x256xf32, #tpu.memory_space<vmem>>, vector<1x16xf32>,
          %parallel_loop3A_441 = arith.mulf %parallel_loop3A_430, %parallel_loop3A_434 : vector<16xf32>
          %parallel_loop3A_442 = arith.index_cast %parallel_loop3A_230 : i32 to index
          %parallel_loop3A_443 = arith.constant 208 : index
          %parallel_loop3A_444 = tpu.vector_load %arg18[%parallel_loop3A_442, %parallel_loop3A_443] {strides = array<i32>} : memref<80x256xf32, #tpu.memory_space<vmem>>, vector<1x16xf32>,
          %parallel_loop3A_445 = vector.shape_cast %parallel_loop3A_444 : vector<1x16xf32> to vector<16xf32>
          %parallel_loop3A_446 = vector.shape_cast %parallel_loop3A_441 : vector<16xf32> to vector<1x16xf32>
          tpu.vector_store %arg18[%parallel_loop3A_442, %parallel_loop3A_443], %parallel_loop3A_446 {strides = array<i32>} : memref<80x256xf32, #tpu.memory_space<vmem>>, vector<1x16xf32>,
          %parallel_loop3A_447 = arith.index_cast %parallel_loop3A_230 : i32 to index
          %parallel_loop3A_448 = arith.constant 96 : index
          %parallel_loop3A_449 = tpu.vector_load %arg12[%parallel_loop3A_447, %parallel_loop3A_448] {strides = array<i32>} : memref<80x128xi32, #tpu.memory_space<vmem>>, vector<1x16xi32>,
          %parallel_loop3A_450 = vector.shape_cast %parallel_loop3A_449 : vector<1x16xi32> to vector<16xi32>
          %parallel_loop3A_451 = arith.index_cast %parallel_loop3A_230 : i32 to index
          %parallel_loop3A_452 = arith.constant 96 : index
          %parallel_loop3A_453 = tpu.vector_load %arg13[%parallel_loop3A_451, %parallel_loop3A_452] {strides = array<i32>} : memref<80x128xi32, #tpu.memory_space<vmem>>, vector<1x16xi32>,
          %parallel_loop3A_454 = vector.shape_cast %parallel_loop3A_453 : vector<1x16xi32> to vector<16xi32>
          %parallel_loop3A_455 = arith.constant 16 : i32
          %parallel_loop3A_456 = vector.broadcast %parallel_loop3A_455 : i32 to vector<16xi32>
          %parallel_loop3A_457 = arith.shli %parallel_loop3A_450, %parallel_loop3A_456 : vector<16xi32>
          %parallel_loop3A_458 = tpu.bitcast %parallel_loop3A_457 : vector<16xi32> -> vector<16xf32>
          %parallel_loop3A_459 = arith.constant 16 : i32
          %parallel_loop3A_460 = vector.broadcast %parallel_loop3A_459 : i32 to vector<16xi32>
          %parallel_loop3A_461 = arith.shli %parallel_loop3A_454, %parallel_loop3A_460 : vector<16xi32>
          %parallel_loop3A_462 = tpu.bitcast %parallel_loop3A_461 : vector<16xi32> -> vector<16xf32>
          %parallel_loop3A_463 = arith.constant -65536 : i32
          %parallel_loop3A_464 = vector.broadcast %parallel_loop3A_463 : i32 to vector<16xi32>
          %parallel_loop3A_465 = arith.andi %parallel_loop3A_450, %parallel_loop3A_464 : vector<16xi32>
          %parallel_loop3A_466 = tpu.bitcast %parallel_loop3A_465 : vector<16xi32> -> vector<16xf32>
          %parallel_loop3A_467 = arith.constant -65536 : i32
          %parallel_loop3A_468 = vector.broadcast %parallel_loop3A_467 : i32 to vector<16xi32>
          %parallel_loop3A_469 = arith.andi %parallel_loop3A_454, %parallel_loop3A_468 : vector<16xi32>
          %parallel_loop3A_470 = tpu.bitcast %parallel_loop3A_469 : vector<16xi32> -> vector<16xf32>
          %parallel_loop3A_471 = arith.mulf %parallel_loop3A_458, %parallel_loop3A_462 : vector<16xf32>
          %parallel_loop3A_472 = arith.index_cast %parallel_loop3A_230 : i32 to index
          %parallel_loop3A_473 = arith.constant 96 : index
          %parallel_loop3A_474 = tpu.vector_load %arg18[%parallel_loop3A_472, %parallel_loop3A_473] {strides = array<i32>} : memref<80x256xf32, #tpu.memory_space<vmem>>, vector<1x16xf32>,
          %parallel_loop3A_475 = vector.shape_cast %parallel_loop3A_474 : vector<1x16xf32> to vector<16xf32>
          %parallel_loop3A_476 = vector.shape_cast %parallel_loop3A_471 : vector<16xf32> to vector<1x16xf32>
          tpu.vector_store %arg18[%parallel_loop3A_472, %parallel_loop3A_473], %parallel_loop3A_476 {strides = array<i32>} : memref<80x256xf32, #tpu.memory_space<vmem>>, vector<1x16xf32>,
          %parallel_loop3A_477 = arith.mulf %parallel_loop3A_466, %parallel_loop3A_470 : vector<16xf32>
          %parallel_loop3A_478 = arith.index_cast %parallel_loop3A_230 : i32 to index
          %parallel_loop3A_479 = arith.constant 224 : index
          %parallel_loop3A_480 = tpu.vector_load %arg18[%parallel_loop3A_478, %parallel_loop3A_479] {strides = array<i32>} : memref<80x256xf32, #tpu.memory_space<vmem>>, vector<1x16xf32>,
          %parallel_loop3A_481 = vector.shape_cast %parallel_loop3A_480 : vector<1x16xf32> to vector<16xf32>
          %parallel_loop3A_482 = vector.shape_cast %parallel_loop3A_477 : vector<16xf32> to vector<1x16xf32>
          tpu.vector_store %arg18[%parallel_loop3A_478, %parallel_loop3A_479], %parallel_loop3A_482 {strides = array<i32>} : memref<80x256xf32, #tpu.memory_space<vmem>>, vector<1x16xf32>,
          %parallel_loop3A_483 = arith.index_cast %parallel_loop3A_230 : i32 to index
          %parallel_loop3A_484 = arith.constant 112 : index
          %parallel_loop3A_485 = tpu.vector_load %arg12[%parallel_loop3A_483, %parallel_loop3A_484] {strides = array<i32>} : memref<80x128xi32, #tpu.memory_space<vmem>>, vector<1x16xi32>,
          %parallel_loop3A_486 = vector.shape_cast %parallel_loop3A_485 : vector<1x16xi32> to vector<16xi32>
          %parallel_loop3A_487 = arith.index_cast %parallel_loop3A_230 : i32 to index
          %parallel_loop3A_488 = arith.constant 112 : index
          %parallel_loop3A_489 = tpu.vector_load %arg13[%parallel_loop3A_487, %parallel_loop3A_488] {strides = array<i32>} : memref<80x128xi32, #tpu.memory_space<vmem>>, vector<1x16xi32>,
          %parallel_loop3A_490 = vector.shape_cast %parallel_loop3A_489 : vector<1x16xi32> to vector<16xi32>
          %parallel_loop3A_491 = arith.constant 16 : i32
          %parallel_loop3A_492 = vector.broadcast %parallel_loop3A_491 : i32 to vector<16xi32>
          %parallel_loop3A_493 = arith.shli %parallel_loop3A_486, %parallel_loop3A_492 : vector<16xi32>
          %parallel_loop3A_494 = tpu.bitcast %parallel_loop3A_493 : vector<16xi32> -> vector<16xf32>
          %parallel_loop3A_495 = arith.constant 16 : i32
          %parallel_loop3A_496 = vector.broadcast %parallel_loop3A_495 : i32 to vector<16xi32>
          %parallel_loop3A_497 = arith.shli %parallel_loop3A_490, %parallel_loop3A_496 : vector<16xi32>
          %parallel_loop3A_498 = tpu.bitcast %parallel_loop3A_497 : vector<16xi32> -> vector<16xf32>
          %parallel_loop3A_499 = arith.constant -65536 : i32
          %parallel_loop3A_500 = vector.broadcast %parallel_loop3A_499 : i32 to vector<16xi32>
          %parallel_loop3A_501 = arith.andi %parallel_loop3A_486, %parallel_loop3A_500 : vector<16xi32>
          %parallel_loop3A_502 = tpu.bitcast %parallel_loop3A_501 : vector<16xi32> -> vector<16xf32>
          %parallel_loop3A_503 = arith.constant -65536 : i32
          %parallel_loop3A_504 = vector.broadcast %parallel_loop3A_503 : i32 to vector<16xi32>
          %parallel_loop3A_505 = arith.andi %parallel_loop3A_490, %parallel_loop3A_504 : vector<16xi32>
          %parallel_loop3A_506 = tpu.bitcast %parallel_loop3A_505 : vector<16xi32> -> vector<16xf32>
          %parallel_loop3A_507 = arith.mulf %parallel_loop3A_494, %parallel_loop3A_498 : vector<16xf32>
          %parallel_loop3A_508 = arith.index_cast %parallel_loop3A_230 : i32 to index
          %parallel_loop3A_509 = arith.constant 112 : index
          %parallel_loop3A_510 = tpu.vector_load %arg18[%parallel_loop3A_508, %parallel_loop3A_509] {strides = array<i32>} : memref<80x256xf32, #tpu.memory_space<vmem>>, vector<1x16xf32>,
          %parallel_loop3A_511 = vector.shape_cast %parallel_loop3A_510 : vector<1x16xf32> to vector<16xf32>
          %parallel_loop3A_512 = vector.shape_cast %parallel_loop3A_507 : vector<16xf32> to vector<1x16xf32>
          tpu.vector_store %arg18[%parallel_loop3A_508, %parallel_loop3A_509], %parallel_loop3A_512 {strides = array<i32>} : memref<80x256xf32, #tpu.memory_space<vmem>>, vector<1x16xf32>,
          %parallel_loop3A_513 = arith.mulf %parallel_loop3A_502, %parallel_loop3A_506 : vector<16xf32>
          %parallel_loop3A_514 = arith.index_cast %parallel_loop3A_230 : i32 to index
          %parallel_loop3A_515 = arith.constant 240 : index
          %parallel_loop3A_516 = tpu.vector_load %arg18[%parallel_loop3A_514, %parallel_loop3A_515] {strides = array<i32>} : memref<80x256xf32, #tpu.memory_space<vmem>>, vector<1x16xf32>,
          %parallel_loop3A_517 = vector.shape_cast %parallel_loop3A_516 : vector<1x16xf32> to vector<16xf32>
          %parallel_loop3A_518 = vector.shape_cast %parallel_loop3A_513 : vector<16xf32> to vector<1x16xf32>
          tpu.vector_store %arg18[%parallel_loop3A_514, %parallel_loop3A_515], %parallel_loop3A_518 {strides = array<i32>} : memref<80x256xf32, #tpu.memory_space<vmem>>, vector<1x16xf32>,
        } {sc.loop_unroll_factor = 4 : i64, sc.parallel_access}
        %mul3A_221 = arith.constant 32 : i32
        %mul3A_222 = arith.muli %mul3A_72, %mul3A_221 : i32
        %add3A_223 = arith.addi %add3A, %mul3A_222 : i32
        %mul3A_224 = arith.constant 80 : i32
        %mul3A_225 = arith.muli %add3A_223, %mul3A_224 : i32
        %dma_start3A_226 = arith.constant 0 : i32
        %dma_start3A_227 = tpu.memref_slice %arg5[%mul3A_225, %dma_start3A_226] : memref<160000x256xf32, #tpu.memory_space<hbm>> -> memref<80x256xf32, #tpu.memory_space<hbm>>
        %dma_start3A_228 = arith.constant 0 : i32
        %dma_start3A_229 = tpu.memref_slice %arg5[%mul3A_225, %dma_start3A_228] : memref<160000x256xf32, #tpu.memory_space<hbm>> -> memref<80x256xf32, #tpu.memory_space<hbm>>
        tpu.enqueue_dma source(%arg18 : memref<80x256xf32, #tpu.memory_space<vmem>>) target(%dma_start3A_229 : memref<80x256xf32, #tpu.memory_space<hbm>>) target_semaphore(%arg27 : memref<!tpu.dma_semaphore, #tpu.memory_space<semaphore_mem>>)
      } else {
      }
      %add3A_116 = arith.constant 1 : i32
      %add3A_117 = arith.addi %mul3A_72, %add3A_116 : i32
      %add3A_118 = arith.constant 2 : i32
      %add3A_119 = arith.addi %add3A_117, %add3A_118 : i32
      %mul3A_120 = arith.constant 32 : i32
      %mul3A_121 = arith.muli %add3A_119, %mul3A_120 : i32
      %add3A_122 = arith.addi %add3A, %mul3A_121 : i32
      %lt3A_123 = arith.constant 2000 : i32
      %lt3A_124 = arith.cmpi slt, %add3A_122, %lt3A_123 : i32
      %convert_element_type3A_125 = arith.extui %lt3A_124 : i1 to i32
      %cond3A_126 = arith.constant 0 : i32
      %cond3A_127 = arith.cmpi ne, %convert_element_type3A_125, %cond3A_126 : i32
      scf.if %cond3A_127 {
        %dma_wait3A_219 = arith.constant 0 : i32
        %dma_wait3A_220 = tpu.memref_slice %arg3[%dma_wait3A_219] : memref<160000xi32, #tpu.memory_space<hbm>> -> memref<80xi32, #tpu.memory_space<hbm>>
        %dma_wait3A_221 = arith.constant 0 : i32
        %dma_wait3A_222 = tpu.memref_slice %arg3[%dma_wait3A_221] : memref<160000xi32, #tpu.memory_space<hbm>> -> memref<80xi32, #tpu.memory_space<hbm>>
        tpu.wait_dma2 semaphore(%arg21 : memref<!tpu.dma_semaphore, #tpu.memory_space<semaphore_mem>>) src(%dma_wait3A_222 : memref<80xi32, #tpu.memory_space<hbm>>) dst(%arg6 : memref<80xi32, #tpu.memory_space<vmem>>)
        %dma_wait3A_223 = arith.constant 0 : i32
        %dma_wait3A_224 = tpu.memref_slice %arg4[%dma_wait3A_223] : memref<160000xi32, #tpu.memory_space<hbm>> -> memref<80xi32, #tpu.memory_space<hbm>>
        %dma_wait3A_225 = arith.constant 0 : i32
        %dma_wait3A_226 = tpu.memref_slice %arg4[%dma_wait3A_225] : memref<160000xi32, #tpu.memory_space<hbm>> -> memref<80xi32, #tpu.memory_space<hbm>>
        tpu.wait_dma2 semaphore(%arg21 : memref<!tpu.dma_semaphore, #tpu.memory_space<semaphore_mem>>) src(%dma_wait3A_226 : memref<80xi32, #tpu.memory_space<hbm>>) dst(%arg7 : memref<80xi32, #tpu.memory_space<vmem>>)
        %dma_start3A_227 = arith.constant 0 : i32
        %dma_start3A_228 = arith.constant 0 : i32
        %dma_start3A_229 = tpu.memref_slice %arg2[%dma_start3A_227, %dma_start3A_228] : memref<10000x128xi32, #tpu.memory_space<hbm>> -> memref<10000x128xi32, #tpu.memory_space<hbm>>
        tpu.enqueue_indirect_dma source(%dma_start3A_229 : memref<10000x128xi32, #tpu.memory_space<hbm>>) target(%arg12 : memref<80x128xi32, #tpu.memory_space<vmem>>) offsets(%arg6 : memref<80xi32, #tpu.memory_space<vmem>>) semaphore(%arg24 : memref<!tpu.dma_semaphore, #tpu.memory_space<semaphore_mem>>)
        %dma_start3A_230 = arith.constant 0 : i32
        %dma_start3A_231 = arith.constant 0 : i32
        %dma_start3A_232 = tpu.memref_slice %arg2[%dma_start3A_230, %dma_start3A_231] : memref<10000x128xi32, #tpu.memory_space<hbm>> -> memref<10000x128xi32, #tpu.memory_space<hbm>>
        tpu.enqueue_indirect_dma source(%dma_start3A_232 : memref<10000x128xi32, #tpu.memory_space<hbm>>) target(%arg13 : memref<80x128xi32, #tpu.memory_space<vmem>>) offsets(%arg7 : memref<80xi32, #tpu.memory_space<vmem>>) semaphore(%arg24 : memref<!tpu.dma_semaphore, #tpu.memory_space<semaphore_mem>>)
      } else {
      }
      %mul3A_128 = arith.constant 32 : i32
      %mul3A_129 = arith.muli %add3A_117, %mul3A_128 : i32
      %add3A_130 = arith.addi %add3A, %mul3A_129 : i32
      %lt3A_131 = arith.constant 2000 : i32
      %lt3A_132 = arith.cmpi slt, %add3A_130, %lt3A_131 : i32
      %convert_element_type3A_133 = arith.extui %lt3A_132 : i1 to i32
      %cond3A_134 = arith.constant 0 : i32
      %cond3A_135 = arith.cmpi ne, %convert_element_type3A_133, %cond3A_134 : i32
      scf.if %cond3A_135 {
        %dma_wait3A_219 = arith.constant 0 : i32
        %dma_wait3A_220 = arith.constant 0 : i32
        %dma_wait3A_221 = tpu.memref_slice %arg2[%dma_wait3A_219, %dma_wait3A_220] : memref<10000x128xi32, #tpu.memory_space<hbm>> -> memref<80x128xi32, #tpu.memory_space<hbm>>
        %dma_wait3A_222 = arith.constant 0 : i32
        %dma_wait3A_223 = arith.constant 0 : i32
        %dma_wait3A_224 = tpu.memref_slice %arg2[%dma_wait3A_222, %dma_wait3A_223] : memref<10000x128xi32, #tpu.memory_space<hbm>> -> memref<80x128xi32, #tpu.memory_space<hbm>>
        tpu.wait_dma2 semaphore(%arg25 : memref<!tpu.dma_semaphore, #tpu.memory_space<semaphore_mem>>) src(%dma_wait3A_224 : memref<80x128xi32, #tpu.memory_space<hbm>>) dst(%arg14 : memref<80x128xi32, #tpu.memory_space<vmem>>)
        %dma_wait3A_225 = arith.constant 0 : i32
        %dma_wait3A_226 = arith.constant 0 : i32
        %dma_wait3A_227 = tpu.memref_slice %arg2[%dma_wait3A_225, %dma_wait3A_226] : memref<10000x128xi32, #tpu.memory_space<hbm>> -> memref<80x128xi32, #tpu.memory_space<hbm>>
        %dma_wait3A_228 = arith.constant 0 : i32
        %dma_wait3A_229 = arith.constant 0 : i32
        %dma_wait3A_230 = tpu.memref_slice %arg2[%dma_wait3A_228, %dma_wait3A_229] : memref<10000x128xi32, #tpu.memory_space<hbm>> -> memref<80x128xi32, #tpu.memory_space<hbm>>
        tpu.wait_dma2 semaphore(%arg25 : memref<!tpu.dma_semaphore, #tpu.memory_space<semaphore_mem>>) src(%dma_wait3A_230 : memref<80x128xi32, #tpu.memory_space<hbm>>) dst(%arg15 : memref<80x128xi32, #tpu.memory_space<vmem>>)
      } else {
      }
      %add3A_136 = arith.constant 3 : i32
      %add3A_137 = arith.addi %add3A_117, %add3A_136 : i32
      %mul3A_138 = arith.constant 32 : i32
      %mul3A_139 = arith.muli %add3A_137, %mul3A_138 : i32
      %add3A_140 = arith.addi %add3A, %mul3A_139 : i32
      %lt3A_141 = arith.constant 2000 : i32
      %lt3A_142 = arith.cmpi slt, %add3A_140, %lt3A_141 : i32
      %convert_element_type3A_143 = arith.extui %lt3A_142 : i1 to i32
      %cond3A_144 = arith.constant 0 : i32
      %cond3A_145 = arith.cmpi ne, %convert_element_type3A_143, %cond3A_144 : i32
      scf.if %cond3A_145 {
        %add3A_219 = arith.constant 3 : i32
        %add3A_220 = arith.addi %add3A_117, %add3A_219 : i32
        %mul3A_221 = arith.constant 32 : i32
        %mul3A_222 = arith.muli %add3A_220, %mul3A_221 : i32
        %add3A_223 = arith.addi %add3A, %mul3A_222 : i32
        %mul3A_224 = arith.constant 80 : i32
        %mul3A_225 = arith.muli %add3A_223, %mul3A_224 : i32
        %dma_start3A_226 = tpu.memref_slice %arg3[%mul3A_225] : memref<160000xi32, #tpu.memory_space<hbm>> -> memref<80xi32, #tpu.memory_space<hbm>>
        %dma_start3A_227 = tpu.memref_slice %arg3[%mul3A_225] : memref<160000xi32, #tpu.memory_space<hbm>> -> memref<80xi32, #tpu.memory_space<hbm>>
        tpu.enqueue_dma source(%dma_start3A_227 : memref<80xi32, #tpu.memory_space<hbm>>) target(%arg8 : memref<80xi32, #tpu.memory_space<vmem>>) target_semaphore(%arg22 : memref<!tpu.dma_semaphore, #tpu.memory_space<semaphore_mem>>)
        %mul3A_228 = arith.constant 32 : i32
        %mul3A_229 = arith.muli %add3A_220, %mul3A_228 : i32
        %add3A_230 = arith.addi %add3A, %mul3A_229 : i32
        %mul3A_231 = arith.constant 80 : i32
        %mul3A_232 = arith.muli %add3A_230, %mul3A_231 : i32
        %dma_start3A_233 = tpu.memref_slice %arg4[%mul3A_232] : memref<160000xi32, #tpu.memory_space<hbm>> -> memref<80xi32, #tpu.memory_space<hbm>>
        %dma_start3A_234 = tpu.memref_slice %arg4[%mul3A_232] : memref<160000xi32, #tpu.memory_space<hbm>> -> memref<80xi32, #tpu.memory_space<hbm>>
        tpu.enqueue_dma source(%dma_start3A_234 : memref<80xi32, #tpu.memory_space<hbm>>) target(%arg9 : memref<80xi32, #tpu.memory_space<vmem>>) target_semaphore(%arg22 : memref<!tpu.dma_semaphore, #tpu.memory_space<semaphore_mem>>)
      } else {
      }
      %ge3A_146 = arith.constant 3 : i32
      %ge3A_147 = arith.cmpi sge, %add3A_117, %ge3A_146 : i32
      %sub3A_148 = arith.constant 3 : i32
      %sub3A_149 = arith.subi %add3A_117, %sub3A_148 : i32
      %mul3A_150 = arith.constant 32 : i32
      %mul3A_151 = arith.muli %sub3A_149, %mul3A_150 : i32
      %add3A_152 = arith.addi %add3A, %mul3A_151 : i32
      %lt3A_153 = arith.constant 2000 : i32
      %lt3A_154 = arith.cmpi slt, %add3A_152, %lt3A_153 : i32
      %and3A_155 = arith.andi %ge3A_147, %lt3A_154 : i1
      %convert_element_type3A_156 = arith.extui %and3A_155 : i1 to i32
      %cond3A_157 = arith.constant 0 : i32
      %cond3A_158 = arith.cmpi ne, %convert_element_type3A_156, %cond3A_157 : i32
      scf.if %cond3A_158 {
        %dma_wait3A_219 = arith.constant 0 : i32
        %dma_wait3A_220 = arith.constant 0 : i32
        %dma_wait3A_221 = tpu.memref_slice %arg5[%dma_wait3A_219, %dma_wait3A_220] : memref<160000x256xf32, #tpu.memory_space<hbm>> -> memref<80x256xf32, #tpu.memory_space<hbm>>
        %dma_wait3A_222 = arith.constant 0 : i32
        %dma_wait3A_223 = arith.constant 0 : i32
        %dma_wait3A_224 = tpu.memref_slice %arg5[%dma_wait3A_222, %dma_wait3A_223] : memref<160000x256xf32, #tpu.memory_space<hbm>> -> memref<80x256xf32, #tpu.memory_space<hbm>>
        tpu.wait_dma2 semaphore(%arg28 : memref<!tpu.dma_semaphore, #tpu.memory_space<semaphore_mem>>) src(%arg19 : memref<80x256xf32, #tpu.memory_space<vmem>>) dst(%dma_wait3A_224 : memref<80x256xf32, #tpu.memory_space<hbm>>)
      } else {
      }
      %mul3A_159 = arith.constant 32 : i32
      %mul3A_160 = arith.muli %add3A_117, %mul3A_159 : i32
      %add3A_161 = arith.addi %add3A, %mul3A_160 : i32
      %lt3A_162 = arith.constant 2000 : i32
      %lt3A_163 = arith.cmpi slt, %add3A_161, %lt3A_162 : i32
      %convert_element_type3A_164 = arith.extui %lt3A_163 : i1 to i32
      %cond3A_165 = arith.constant 0 : i32
      %cond3A_166 = arith.cmpi ne, %convert_element_type3A_164, %cond3A_165 : i32
      scf.if %cond3A_166 {
        %parallel_loop3A = arith.constant 0 : i32
        %parallel_loop3A_219 = arith.constant 80 : i32
        %parallel_loop3A_220 = arith.constant 1 : i32
        scf.for %parallel_loop3A_230 = %parallel_loop3A to %parallel_loop3A_219 step %parallel_loop3A_220  : i32 {
          %parallel_loop3A_231 = arith.index_cast %parallel_loop3A_230 : i32 to index
          %parallel_loop3A_232 = arith.constant 0 : index
          %parallel_loop3A_233 = tpu.vector_load %arg14[%parallel_loop3A_231, %parallel_loop3A_232] {strides = array<i32>} : memref<80x128xi32, #tpu.memory_space<vmem>>, vector<1x16xi32>,
          %parallel_loop3A_234 = vector.shape_cast %parallel_loop3A_233 : vector<1x16xi32> to vector<16xi32>
          %parallel_loop3A_235 = arith.index_cast %parallel_loop3A_230 : i32 to index
          %parallel_loop3A_236 = arith.constant 0 : index
          %parallel_loop3A_237 = tpu.vector_load %arg15[%parallel_loop3A_235, %parallel_loop3A_236] {strides = array<i32>} : memref<80x128xi32, #tpu.memory_space<vmem>>, vector<1x16xi32>,
          %parallel_loop3A_238 = vector.shape_cast %parallel_loop3A_237 : vector<1x16xi32> to vector<16xi32>
          %parallel_loop3A_239 = arith.constant 16 : i32
          %parallel_loop3A_240 = vector.broadcast %parallel_loop3A_239 : i32 to vector<16xi32>
          %parallel_loop3A_241 = arith.shli %parallel_loop3A_234, %parallel_loop3A_240 : vector<16xi32>
          %parallel_loop3A_242 = tpu.bitcast %parallel_loop3A_241 : vector<16xi32> -> vector<16xf32>
          %parallel_loop3A_243 = arith.constant 16 : i32
          %parallel_loop3A_244 = vector.broadcast %parallel_loop3A_243 : i32 to vector<16xi32>
          %parallel_loop3A_245 = arith.shli %parallel_loop3A_238, %parallel_loop3A_244 : vector<16xi32>
          %parallel_loop3A_246 = tpu.bitcast %parallel_loop3A_245 : vector<16xi32> -> vector<16xf32>
          %parallel_loop3A_247 = arith.constant -65536 : i32
          %parallel_loop3A_248 = vector.broadcast %parallel_loop3A_247 : i32 to vector<16xi32>
          %parallel_loop3A_249 = arith.andi %parallel_loop3A_234, %parallel_loop3A_248 : vector<16xi32>
          %parallel_loop3A_250 = tpu.bitcast %parallel_loop3A_249 : vector<16xi32> -> vector<16xf32>
          %parallel_loop3A_251 = arith.constant -65536 : i32
          %parallel_loop3A_252 = vector.broadcast %parallel_loop3A_251 : i32 to vector<16xi32>
          %parallel_loop3A_253 = arith.andi %parallel_loop3A_238, %parallel_loop3A_252 : vector<16xi32>
          %parallel_loop3A_254 = tpu.bitcast %parallel_loop3A_253 : vector<16xi32> -> vector<16xf32>
          %parallel_loop3A_255 = arith.mulf %parallel_loop3A_242, %parallel_loop3A_246 : vector<16xf32>
          %parallel_loop3A_256 = arith.index_cast %parallel_loop3A_230 : i32 to index
          %parallel_loop3A_257 = arith.constant 0 : index
          %parallel_loop3A_258 = tpu.vector_load %arg19[%parallel_loop3A_256, %parallel_loop3A_257] {strides = array<i32>} : memref<80x256xf32, #tpu.memory_space<vmem>>, vector<1x16xf32>,
          %parallel_loop3A_259 = vector.shape_cast %parallel_loop3A_258 : vector<1x16xf32> to vector<16xf32>
          %parallel_loop3A_260 = vector.shape_cast %parallel_loop3A_255 : vector<16xf32> to vector<1x16xf32>
          tpu.vector_store %arg19[%parallel_loop3A_256, %parallel_loop3A_257], %parallel_loop3A_260 {strides = array<i32>} : memref<80x256xf32, #tpu.memory_space<vmem>>, vector<1x16xf32>,
          %parallel_loop3A_261 = arith.mulf %parallel_loop3A_250, %parallel_loop3A_254 : vector<16xf32>
          %parallel_loop3A_262 = arith.index_cast %parallel_loop3A_230 : i32 to index
          %parallel_loop3A_263 = arith.constant 128 : index
          %parallel_loop3A_264 = tpu.vector_load %arg19[%parallel_loop3A_262, %parallel_loop3A_263] {strides = array<i32>} : memref<80x256xf32, #tpu.memory_space<vmem>>, vector<1x16xf32>,
          %parallel_loop3A_265 = vector.shape_cast %parallel_loop3A_264 : vector<1x16xf32> to vector<16xf32>
          %parallel_loop3A_266 = vector.shape_cast %parallel_loop3A_261 : vector<16xf32> to vector<1x16xf32>
          tpu.vector_store %arg19[%parallel_loop3A_262, %parallel_loop3A_263], %parallel_loop3A_266 {strides = array<i32>} : memref<80x256xf32, #tpu.memory_space<vmem>>, vector<1x16xf32>,
          %parallel_loop3A_267 = arith.index_cast %parallel_loop3A_230 : i32 to index
          %parallel_loop3A_268 = arith.constant 16 : index
          %parallel_loop3A_269 = tpu.vector_load %arg14[%parallel_loop3A_267, %parallel_loop3A_268] {strides = array<i32>} : memref<80x128xi32, #tpu.memory_space<vmem>>, vector<1x16xi32>,
          %parallel_loop3A_270 = vector.shape_cast %parallel_loop3A_269 : vector<1x16xi32> to vector<16xi32>
          %parallel_loop3A_271 = arith.index_cast %parallel_loop3A_230 : i32 to index
          %parallel_loop3A_272 = arith.constant 16 : index
          %parallel_loop3A_273 = tpu.vector_load %arg15[%parallel_loop3A_271, %parallel_loop3A_272] {strides = array<i32>} : memref<80x128xi32, #tpu.memory_space<vmem>>, vector<1x16xi32>,
          %parallel_loop3A_274 = vector.shape_cast %parallel_loop3A_273 : vector<1x16xi32> to vector<16xi32>
          %parallel_loop3A_275 = arith.constant 16 : i32
          %parallel_loop3A_276 = vector.broadcast %parallel_loop3A_275 : i32 to vector<16xi32>
          %parallel_loop3A_277 = arith.shli %parallel_loop3A_270, %parallel_loop3A_276 : vector<16xi32>
          %parallel_loop3A_278 = tpu.bitcast %parallel_loop3A_277 : vector<16xi32> -> vector<16xf32>
          %parallel_loop3A_279 = arith.constant 16 : i32
          %parallel_loop3A_280 = vector.broadcast %parallel_loop3A_279 : i32 to vector<16xi32>
          %parallel_loop3A_281 = arith.shli %parallel_loop3A_274, %parallel_loop3A_280 : vector<16xi32>
          %parallel_loop3A_282 = tpu.bitcast %parallel_loop3A_281 : vector<16xi32> -> vector<16xf32>
          %parallel_loop3A_283 = arith.constant -65536 : i32
          %parallel_loop3A_284 = vector.broadcast %parallel_loop3A_283 : i32 to vector<16xi32>
          %parallel_loop3A_285 = arith.andi %parallel_loop3A_270, %parallel_loop3A_284 : vector<16xi32>
          %parallel_loop3A_286 = tpu.bitcast %parallel_loop3A_285 : vector<16xi32> -> vector<16xf32>
          %parallel_loop3A_287 = arith.constant -65536 : i32
          %parallel_loop3A_288 = vector.broadcast %parallel_loop3A_287 : i32 to vector<16xi32>
          %parallel_loop3A_289 = arith.andi %parallel_loop3A_274, %parallel_loop3A_288 : vector<16xi32>
          %parallel_loop3A_290 = tpu.bitcast %parallel_loop3A_289 : vector<16xi32> -> vector<16xf32>
          %parallel_loop3A_291 = arith.mulf %parallel_loop3A_278, %parallel_loop3A_282 : vector<16xf32>
          %parallel_loop3A_292 = arith.index_cast %parallel_loop3A_230 : i32 to index
          %parallel_loop3A_293 = arith.constant 16 : index
          %parallel_loop3A_294 = tpu.vector_load %arg19[%parallel_loop3A_292, %parallel_loop3A_293] {strides = array<i32>} : memref<80x256xf32, #tpu.memory_space<vmem>>, vector<1x16xf32>,
          %parallel_loop3A_295 = vector.shape_cast %parallel_loop3A_294 : vector<1x16xf32> to vector<16xf32>
          %parallel_loop3A_296 = vector.shape_cast %parallel_loop3A_291 : vector<16xf32> to vector<1x16xf32>
          tpu.vector_store %arg19[%parallel_loop3A_292, %parallel_loop3A_293], %parallel_loop3A_296 {strides = array<i32>} : memref<80x256xf32, #tpu.memory_space<vmem>>, vector<1x16xf32>,
          %parallel_loop3A_297 = arith.mulf %parallel_loop3A_286, %parallel_loop3A_290 : vector<16xf32>
          %parallel_loop3A_298 = arith.index_cast %parallel_loop3A_230 : i32 to index
          %parallel_loop3A_299 = arith.constant 144 : index
          %parallel_loop3A_300 = tpu.vector_load %arg19[%parallel_loop3A_298, %parallel_loop3A_299] {strides = array<i32>} : memref<80x256xf32, #tpu.memory_space<vmem>>, vector<1x16xf32>,
          %parallel_loop3A_301 = vector.shape_cast %parallel_loop3A_300 : vector<1x16xf32> to vector<16xf32>
          %parallel_loop3A_302 = vector.shape_cast %parallel_loop3A_297 : vector<16xf32> to vector<1x16xf32>
          tpu.vector_store %arg19[%parallel_loop3A_298, %parallel_loop3A_299], %parallel_loop3A_302 {strides = array<i32>} : memref<80x256xf32, #tpu.memory_space<vmem>>, vector<1x16xf32>,
          %parallel_loop3A_303 = arith.index_cast %parallel_loop3A_230 : i32 to index
          %parallel_loop3A_304 = arith.constant 32 : index
          %parallel_loop3A_305 = tpu.vector_load %arg14[%parallel_loop3A_303, %parallel_loop3A_304] {strides = array<i32>} : memref<80x128xi32, #tpu.memory_space<vmem>>, vector<1x16xi32>,
          %parallel_loop3A_306 = vector.shape_cast %parallel_loop3A_305 : vector<1x16xi32> to vector<16xi32>
          %parallel_loop3A_307 = arith.index_cast %parallel_loop3A_230 : i32 to index
          %parallel_loop3A_308 = arith.constant 32 : index
          %parallel_loop3A_309 = tpu.vector_load %arg15[%parallel_loop3A_307, %parallel_loop3A_308] {strides = array<i32>} : memref<80x128xi32, #tpu.memory_space<vmem>>, vector<1x16xi32>,
          %parallel_loop3A_310 = vector.shape_cast %parallel_loop3A_309 : vector<1x16xi32> to vector<16xi32>
          %parallel_loop3A_311 = arith.constant 16 : i32
          %parallel_loop3A_312 = vector.broadcast %parallel_loop3A_311 : i32 to vector<16xi32>
          %parallel_loop3A_313 = arith.shli %parallel_loop3A_306, %parallel_loop3A_312 : vector<16xi32>
          %parallel_loop3A_314 = tpu.bitcast %parallel_loop3A_313 : vector<16xi32> -> vector<16xf32>
          %parallel_loop3A_315 = arith.constant 16 : i32
          %parallel_loop3A_316 = vector.broadcast %parallel_loop3A_315 : i32 to vector<16xi32>
          %parallel_loop3A_317 = arith.shli %parallel_loop3A_310, %parallel_loop3A_316 : vector<16xi32>
          %parallel_loop3A_318 = tpu.bitcast %parallel_loop3A_317 : vector<16xi32> -> vector<16xf32>
          %parallel_loop3A_319 = arith.constant -65536 : i32
          %parallel_loop3A_320 = vector.broadcast %parallel_loop3A_319 : i32 to vector<16xi32>
          %parallel_loop3A_321 = arith.andi %parallel_loop3A_306, %parallel_loop3A_320 : vector<16xi32>
          %parallel_loop3A_322 = tpu.bitcast %parallel_loop3A_321 : vector<16xi32> -> vector<16xf32>
          %parallel_loop3A_323 = arith.constant -65536 : i32
          %parallel_loop3A_324 = vector.broadcast %parallel_loop3A_323 : i32 to vector<16xi32>
          %parallel_loop3A_325 = arith.andi %parallel_loop3A_310, %parallel_loop3A_324 : vector<16xi32>
          %parallel_loop3A_326 = tpu.bitcast %parallel_loop3A_325 : vector<16xi32> -> vector<16xf32>
          %parallel_loop3A_327 = arith.mulf %parallel_loop3A_314, %parallel_loop3A_318 : vector<16xf32>
          %parallel_loop3A_328 = arith.index_cast %parallel_loop3A_230 : i32 to index
          %parallel_loop3A_329 = arith.constant 32 : index
          %parallel_loop3A_330 = tpu.vector_load %arg19[%parallel_loop3A_328, %parallel_loop3A_329] {strides = array<i32>} : memref<80x256xf32, #tpu.memory_space<vmem>>, vector<1x16xf32>,
          %parallel_loop3A_331 = vector.shape_cast %parallel_loop3A_330 : vector<1x16xf32> to vector<16xf32>
          %parallel_loop3A_332 = vector.shape_cast %parallel_loop3A_327 : vector<16xf32> to vector<1x16xf32>
          tpu.vector_store %arg19[%parallel_loop3A_328, %parallel_loop3A_329], %parallel_loop3A_332 {strides = array<i32>} : memref<80x256xf32, #tpu.memory_space<vmem>>, vector<1x16xf32>,
          %parallel_loop3A_333 = arith.mulf %parallel_loop3A_322, %parallel_loop3A_326 : vector<16xf32>
          %parallel_loop3A_334 = arith.index_cast %parallel_loop3A_230 : i32 to index
          %parallel_loop3A_335 = arith.constant 160 : index
          %parallel_loop3A_336 = tpu.vector_load %arg19[%parallel_loop3A_334, %parallel_loop3A_335] {strides = array<i32>} : memref<80x256xf32, #tpu.memory_space<vmem>>, vector<1x16xf32>,
          %parallel_loop3A_337 = vector.shape_cast %parallel_loop3A_336 : vector<1x16xf32> to vector<16xf32>
          %parallel_loop3A_338 = vector.shape_cast %parallel_loop3A_333 : vector<16xf32> to vector<1x16xf32>
          tpu.vector_store %arg19[%parallel_loop3A_334, %parallel_loop3A_335], %parallel_loop3A_338 {strides = array<i32>} : memref<80x256xf32, #tpu.memory_space<vmem>>, vector<1x16xf32>,
          %parallel_loop3A_339 = arith.index_cast %parallel_loop3A_230 : i32 to index
          %parallel_loop3A_340 = arith.constant 48 : index
          %parallel_loop3A_341 = tpu.vector_load %arg14[%parallel_loop3A_339, %parallel_loop3A_340] {strides = array<i32>} : memref<80x128xi32, #tpu.memory_space<vmem>>, vector<1x16xi32>,
          %parallel_loop3A_342 = vector.shape_cast %parallel_loop3A_341 : vector<1x16xi32> to vector<16xi32>
          %parallel_loop3A_343 = arith.index_cast %parallel_loop3A_230 : i32 to index
          %parallel_loop3A_344 = arith.constant 48 : index
          %parallel_loop3A_345 = tpu.vector_load %arg15[%parallel_loop3A_343, %parallel_loop3A_344] {strides = array<i32>} : memref<80x128xi32, #tpu.memory_space<vmem>>, vector<1x16xi32>,
          %parallel_loop3A_346 = vector.shape_cast %parallel_loop3A_345 : vector<1x16xi32> to vector<16xi32>
          %parallel_loop3A_347 = arith.constant 16 : i32
          %parallel_loop3A_348 = vector.broadcast %parallel_loop3A_347 : i32 to vector<16xi32>
          %parallel_loop3A_349 = arith.shli %parallel_loop3A_342, %parallel_loop3A_348 : vector<16xi32>
          %parallel_loop3A_350 = tpu.bitcast %parallel_loop3A_349 : vector<16xi32> -> vector<16xf32>
          %parallel_loop3A_351 = arith.constant 16 : i32
          %parallel_loop3A_352 = vector.broadcast %parallel_loop3A_351 : i32 to vector<16xi32>
          %parallel_loop3A_353 = arith.shli %parallel_loop3A_346, %parallel_loop3A_352 : vector<16xi32>
          %parallel_loop3A_354 = tpu.bitcast %parallel_loop3A_353 : vector<16xi32> -> vector<16xf32>
          %parallel_loop3A_355 = arith.constant -65536 : i32
          %parallel_loop3A_356 = vector.broadcast %parallel_loop3A_355 : i32 to vector<16xi32>
          %parallel_loop3A_357 = arith.andi %parallel_loop3A_342, %parallel_loop3A_356 : vector<16xi32>
          %parallel_loop3A_358 = tpu.bitcast %parallel_loop3A_357 : vector<16xi32> -> vector<16xf32>
          %parallel_loop3A_359 = arith.constant -65536 : i32
          %parallel_loop3A_360 = vector.broadcast %parallel_loop3A_359 : i32 to vector<16xi32>
          %parallel_loop3A_361 = arith.andi %parallel_loop3A_346, %parallel_loop3A_360 : vector<16xi32>
          %parallel_loop3A_362 = tpu.bitcast %parallel_loop3A_361 : vector<16xi32> -> vector<16xf32>
          %parallel_loop3A_363 = arith.mulf %parallel_loop3A_350, %parallel_loop3A_354 : vector<16xf32>
          %parallel_loop3A_364 = arith.index_cast %parallel_loop3A_230 : i32 to index
          %parallel_loop3A_365 = arith.constant 48 : index
          %parallel_loop3A_366 = tpu.vector_load %arg19[%parallel_loop3A_364, %parallel_loop3A_365] {strides = array<i32>} : memref<80x256xf32, #tpu.memory_space<vmem>>, vector<1x16xf32>,
          %parallel_loop3A_367 = vector.shape_cast %parallel_loop3A_366 : vector<1x16xf32> to vector<16xf32>
          %parallel_loop3A_368 = vector.shape_cast %parallel_loop3A_363 : vector<16xf32> to vector<1x16xf32>
          tpu.vector_store %arg19[%parallel_loop3A_364, %parallel_loop3A_365], %parallel_loop3A_368 {strides = array<i32>} : memref<80x256xf32, #tpu.memory_space<vmem>>, vector<1x16xf32>,
          %parallel_loop3A_369 = arith.mulf %parallel_loop3A_358, %parallel_loop3A_362 : vector<16xf32>
          %parallel_loop3A_370 = arith.index_cast %parallel_loop3A_230 : i32 to index
          %parallel_loop3A_371 = arith.constant 176 : index
          %parallel_loop3A_372 = tpu.vector_load %arg19[%parallel_loop3A_370, %parallel_loop3A_371] {strides = array<i32>} : memref<80x256xf32, #tpu.memory_space<vmem>>, vector<1x16xf32>,
          %parallel_loop3A_373 = vector.shape_cast %parallel_loop3A_372 : vector<1x16xf32> to vector<16xf32>
          %parallel_loop3A_374 = vector.shape_cast %parallel_loop3A_369 : vector<16xf32> to vector<1x16xf32>
          tpu.vector_store %arg19[%parallel_loop3A_370, %parallel_loop3A_371], %parallel_loop3A_374 {strides = array<i32>} : memref<80x256xf32, #tpu.memory_space<vmem>>, vector<1x16xf32>,
          %parallel_loop3A_375 = arith.index_cast %parallel_loop3A_230 : i32 to index
          %parallel_loop3A_376 = arith.constant 64 : index
          %parallel_loop3A_377 = tpu.vector_load %arg14[%parallel_loop3A_375, %parallel_loop3A_376] {strides = array<i32>} : memref<80x128xi32, #tpu.memory_space<vmem>>, vector<1x16xi32>,
          %parallel_loop3A_378 = vector.shape_cast %parallel_loop3A_377 : vector<1x16xi32> to vector<16xi32>
          %parallel_loop3A_379 = arith.index_cast %parallel_loop3A_230 : i32 to index
          %parallel_loop3A_380 = arith.constant 64 : index
          %parallel_loop3A_381 = tpu.vector_load %arg15[%parallel_loop3A_379, %parallel_loop3A_380] {strides = array<i32>} : memref<80x128xi32, #tpu.memory_space<vmem>>, vector<1x16xi32>,
          %parallel_loop3A_382 = vector.shape_cast %parallel_loop3A_381 : vector<1x16xi32> to vector<16xi32>
          %parallel_loop3A_383 = arith.constant 16 : i32
          %parallel_loop3A_384 = vector.broadcast %parallel_loop3A_383 : i32 to vector<16xi32>
          %parallel_loop3A_385 = arith.shli %parallel_loop3A_378, %parallel_loop3A_384 : vector<16xi32>
          %parallel_loop3A_386 = tpu.bitcast %parallel_loop3A_385 : vector<16xi32> -> vector<16xf32>
          %parallel_loop3A_387 = arith.constant 16 : i32
          %parallel_loop3A_388 = vector.broadcast %parallel_loop3A_387 : i32 to vector<16xi32>
          %parallel_loop3A_389 = arith.shli %parallel_loop3A_382, %parallel_loop3A_388 : vector<16xi32>
          %parallel_loop3A_390 = tpu.bitcast %parallel_loop3A_389 : vector<16xi32> -> vector<16xf32>
          %parallel_loop3A_391 = arith.constant -65536 : i32
          %parallel_loop3A_392 = vector.broadcast %parallel_loop3A_391 : i32 to vector<16xi32>
          %parallel_loop3A_393 = arith.andi %parallel_loop3A_378, %parallel_loop3A_392 : vector<16xi32>
          %parallel_loop3A_394 = tpu.bitcast %parallel_loop3A_393 : vector<16xi32> -> vector<16xf32>
          %parallel_loop3A_395 = arith.constant -65536 : i32
          %parallel_loop3A_396 = vector.broadcast %parallel_loop3A_395 : i32 to vector<16xi32>
          %parallel_loop3A_397 = arith.andi %parallel_loop3A_382, %parallel_loop3A_396 : vector<16xi32>
          %parallel_loop3A_398 = tpu.bitcast %parallel_loop3A_397 : vector<16xi32> -> vector<16xf32>
          %parallel_loop3A_399 = arith.mulf %parallel_loop3A_386, %parallel_loop3A_390 : vector<16xf32>
          %parallel_loop3A_400 = arith.index_cast %parallel_loop3A_230 : i32 to index
          %parallel_loop3A_401 = arith.constant 64 : index
          %parallel_loop3A_402 = tpu.vector_load %arg19[%parallel_loop3A_400, %parallel_loop3A_401] {strides = array<i32>} : memref<80x256xf32, #tpu.memory_space<vmem>>, vector<1x16xf32>,
          %parallel_loop3A_403 = vector.shape_cast %parallel_loop3A_402 : vector<1x16xf32> to vector<16xf32>
          %parallel_loop3A_404 = vector.shape_cast %parallel_loop3A_399 : vector<16xf32> to vector<1x16xf32>
          tpu.vector_store %arg19[%parallel_loop3A_400, %parallel_loop3A_401], %parallel_loop3A_404 {strides = array<i32>} : memref<80x256xf32, #tpu.memory_space<vmem>>, vector<1x16xf32>,
          %parallel_loop3A_405 = arith.mulf %parallel_loop3A_394, %parallel_loop3A_398 : vector<16xf32>
          %parallel_loop3A_406 = arith.index_cast %parallel_loop3A_230 : i32 to index
          %parallel_loop3A_407 = arith.constant 192 : index
          %parallel_loop3A_408 = tpu.vector_load %arg19[%parallel_loop3A_406, %parallel_loop3A_407] {strides = array<i32>} : memref<80x256xf32, #tpu.memory_space<vmem>>, vector<1x16xf32>,
          %parallel_loop3A_409 = vector.shape_cast %parallel_loop3A_408 : vector<1x16xf32> to vector<16xf32>
          %parallel_loop3A_410 = vector.shape_cast %parallel_loop3A_405 : vector<16xf32> to vector<1x16xf32>
          tpu.vector_store %arg19[%parallel_loop3A_406, %parallel_loop3A_407], %parallel_loop3A_410 {strides = array<i32>} : memref<80x256xf32, #tpu.memory_space<vmem>>, vector<1x16xf32>,
          %parallel_loop3A_411 = arith.index_cast %parallel_loop3A_230 : i32 to index
          %parallel_loop3A_412 = arith.constant 80 : index
          %parallel_loop3A_413 = tpu.vector_load %arg14[%parallel_loop3A_411, %parallel_loop3A_412] {strides = array<i32>} : memref<80x128xi32, #tpu.memory_space<vmem>>, vector<1x16xi32>,
          %parallel_loop3A_414 = vector.shape_cast %parallel_loop3A_413 : vector<1x16xi32> to vector<16xi32>
          %parallel_loop3A_415 = arith.index_cast %parallel_loop3A_230 : i32 to index
          %parallel_loop3A_416 = arith.constant 80 : index
          %parallel_loop3A_417 = tpu.vector_load %arg15[%parallel_loop3A_415, %parallel_loop3A_416] {strides = array<i32>} : memref<80x128xi32, #tpu.memory_space<vmem>>, vector<1x16xi32>,
          %parallel_loop3A_418 = vector.shape_cast %parallel_loop3A_417 : vector<1x16xi32> to vector<16xi32>
          %parallel_loop3A_419 = arith.constant 16 : i32
          %parallel_loop3A_420 = vector.broadcast %parallel_loop3A_419 : i32 to vector<16xi32>
          %parallel_loop3A_421 = arith.shli %parallel_loop3A_414, %parallel_loop3A_420 : vector<16xi32>
          %parallel_loop3A_422 = tpu.bitcast %parallel_loop3A_421 : vector<16xi32> -> vector<16xf32>
          %parallel_loop3A_423 = arith.constant 16 : i32
          %parallel_loop3A_424 = vector.broadcast %parallel_loop3A_423 : i32 to vector<16xi32>
          %parallel_loop3A_425 = arith.shli %parallel_loop3A_418, %parallel_loop3A_424 : vector<16xi32>
          %parallel_loop3A_426 = tpu.bitcast %parallel_loop3A_425 : vector<16xi32> -> vector<16xf32>
          %parallel_loop3A_427 = arith.constant -65536 : i32
          %parallel_loop3A_428 = vector.broadcast %parallel_loop3A_427 : i32 to vector<16xi32>
          %parallel_loop3A_429 = arith.andi %parallel_loop3A_414, %parallel_loop3A_428 : vector<16xi32>
          %parallel_loop3A_430 = tpu.bitcast %parallel_loop3A_429 : vector<16xi32> -> vector<16xf32>
          %parallel_loop3A_431 = arith.constant -65536 : i32
          %parallel_loop3A_432 = vector.broadcast %parallel_loop3A_431 : i32 to vector<16xi32>
          %parallel_loop3A_433 = arith.andi %parallel_loop3A_418, %parallel_loop3A_432 : vector<16xi32>
          %parallel_loop3A_434 = tpu.bitcast %parallel_loop3A_433 : vector<16xi32> -> vector<16xf32>
          %parallel_loop3A_435 = arith.mulf %parallel_loop3A_422, %parallel_loop3A_426 : vector<16xf32>
          %parallel_loop3A_436 = arith.index_cast %parallel_loop3A_230 : i32 to index
          %parallel_loop3A_437 = arith.constant 80 : index
          %parallel_loop3A_438 = tpu.vector_load %arg19[%parallel_loop3A_436, %parallel_loop3A_437] {strides = array<i32>} : memref<80x256xf32, #tpu.memory_space<vmem>>, vector<1x16xf32>,
          %parallel_loop3A_439 = vector.shape_cast %parallel_loop3A_438 : vector<1x16xf32> to vector<16xf32>
          %parallel_loop3A_440 = vector.shape_cast %parallel_loop3A_435 : vector<16xf32> to vector<1x16xf32>
          tpu.vector_store %arg19[%parallel_loop3A_436, %parallel_loop3A_437], %parallel_loop3A_440 {strides = array<i32>} : memref<80x256xf32, #tpu.memory_space<vmem>>, vector<1x16xf32>,
          %parallel_loop3A_441 = arith.mulf %parallel_loop3A_430, %parallel_loop3A_434 : vector<16xf32>
          %parallel_loop3A_442 = arith.index_cast %parallel_loop3A_230 : i32 to index
          %parallel_loop3A_443 = arith.constant 208 : index
          %parallel_loop3A_444 = tpu.vector_load %arg19[%parallel_loop3A_442, %parallel_loop3A_443] {strides = array<i32>} : memref<80x256xf32, #tpu.memory_space<vmem>>, vector<1x16xf32>,
          %parallel_loop3A_445 = vector.shape_cast %parallel_loop3A_444 : vector<1x16xf32> to vector<16xf32>
          %parallel_loop3A_446 = vector.shape_cast %parallel_loop3A_441 : vector<16xf32> to vector<1x16xf32>
          tpu.vector_store %arg19[%parallel_loop3A_442, %parallel_loop3A_443], %parallel_loop3A_446 {strides = array<i32>} : memref<80x256xf32, #tpu.memory_space<vmem>>, vector<1x16xf32>,
          %parallel_loop3A_447 = arith.index_cast %parallel_loop3A_230 : i32 to index
          %parallel_loop3A_448 = arith.constant 96 : index
          %parallel_loop3A_449 = tpu.vector_load %arg14[%parallel_loop3A_447, %parallel_loop3A_448] {strides = array<i32>} : memref<80x128xi32, #tpu.memory_space<vmem>>, vector<1x16xi32>,
          %parallel_loop3A_450 = vector.shape_cast %parallel_loop3A_449 : vector<1x16xi32> to vector<16xi32>
          %parallel_loop3A_451 = arith.index_cast %parallel_loop3A_230 : i32 to index
          %parallel_loop3A_452 = arith.constant 96 : index
          %parallel_loop3A_453 = tpu.vector_load %arg15[%parallel_loop3A_451, %parallel_loop3A_452] {strides = array<i32>} : memref<80x128xi32, #tpu.memory_space<vmem>>, vector<1x16xi32>,
          %parallel_loop3A_454 = vector.shape_cast %parallel_loop3A_453 : vector<1x16xi32> to vector<16xi32>
          %parallel_loop3A_455 = arith.constant 16 : i32
          %parallel_loop3A_456 = vector.broadcast %parallel_loop3A_455 : i32 to vector<16xi32>
          %parallel_loop3A_457 = arith.shli %parallel_loop3A_450, %parallel_loop3A_456 : vector<16xi32>
          %parallel_loop3A_458 = tpu.bitcast %parallel_loop3A_457 : vector<16xi32> -> vector<16xf32>
          %parallel_loop3A_459 = arith.constant 16 : i32
          %parallel_loop3A_460 = vector.broadcast %parallel_loop3A_459 : i32 to vector<16xi32>
          %parallel_loop3A_461 = arith.shli %parallel_loop3A_454, %parallel_loop3A_460 : vector<16xi32>
          %parallel_loop3A_462 = tpu.bitcast %parallel_loop3A_461 : vector<16xi32> -> vector<16xf32>
          %parallel_loop3A_463 = arith.constant -65536 : i32
          %parallel_loop3A_464 = vector.broadcast %parallel_loop3A_463 : i32 to vector<16xi32>
          %parallel_loop3A_465 = arith.andi %parallel_loop3A_450, %parallel_loop3A_464 : vector<16xi32>
          %parallel_loop3A_466 = tpu.bitcast %parallel_loop3A_465 : vector<16xi32> -> vector<16xf32>
          %parallel_loop3A_467 = arith.constant -65536 : i32
          %parallel_loop3A_468 = vector.broadcast %parallel_loop3A_467 : i32 to vector<16xi32>
          %parallel_loop3A_469 = arith.andi %parallel_loop3A_454, %parallel_loop3A_468 : vector<16xi32>
          %parallel_loop3A_470 = tpu.bitcast %parallel_loop3A_469 : vector<16xi32> -> vector<16xf32>
          %parallel_loop3A_471 = arith.mulf %parallel_loop3A_458, %parallel_loop3A_462 : vector<16xf32>
          %parallel_loop3A_472 = arith.index_cast %parallel_loop3A_230 : i32 to index
          %parallel_loop3A_473 = arith.constant 96 : index
          %parallel_loop3A_474 = tpu.vector_load %arg19[%parallel_loop3A_472, %parallel_loop3A_473] {strides = array<i32>} : memref<80x256xf32, #tpu.memory_space<vmem>>, vector<1x16xf32>,
          %parallel_loop3A_475 = vector.shape_cast %parallel_loop3A_474 : vector<1x16xf32> to vector<16xf32>
          %parallel_loop3A_476 = vector.shape_cast %parallel_loop3A_471 : vector<16xf32> to vector<1x16xf32>
          tpu.vector_store %arg19[%parallel_loop3A_472, %parallel_loop3A_473], %parallel_loop3A_476 {strides = array<i32>} : memref<80x256xf32, #tpu.memory_space<vmem>>, vector<1x16xf32>,
          %parallel_loop3A_477 = arith.mulf %parallel_loop3A_466, %parallel_loop3A_470 : vector<16xf32>
          %parallel_loop3A_478 = arith.index_cast %parallel_loop3A_230 : i32 to index
          %parallel_loop3A_479 = arith.constant 224 : index
          %parallel_loop3A_480 = tpu.vector_load %arg19[%parallel_loop3A_478, %parallel_loop3A_479] {strides = array<i32>} : memref<80x256xf32, #tpu.memory_space<vmem>>, vector<1x16xf32>,
          %parallel_loop3A_481 = vector.shape_cast %parallel_loop3A_480 : vector<1x16xf32> to vector<16xf32>
          %parallel_loop3A_482 = vector.shape_cast %parallel_loop3A_477 : vector<16xf32> to vector<1x16xf32>
          tpu.vector_store %arg19[%parallel_loop3A_478, %parallel_loop3A_479], %parallel_loop3A_482 {strides = array<i32>} : memref<80x256xf32, #tpu.memory_space<vmem>>, vector<1x16xf32>,
          %parallel_loop3A_483 = arith.index_cast %parallel_loop3A_230 : i32 to index
          %parallel_loop3A_484 = arith.constant 112 : index
          %parallel_loop3A_485 = tpu.vector_load %arg14[%parallel_loop3A_483, %parallel_loop3A_484] {strides = array<i32>} : memref<80x128xi32, #tpu.memory_space<vmem>>, vector<1x16xi32>,
          %parallel_loop3A_486 = vector.shape_cast %parallel_loop3A_485 : vector<1x16xi32> to vector<16xi32>
          %parallel_loop3A_487 = arith.index_cast %parallel_loop3A_230 : i32 to index
          %parallel_loop3A_488 = arith.constant 112 : index
          %parallel_loop3A_489 = tpu.vector_load %arg15[%parallel_loop3A_487, %parallel_loop3A_488] {strides = array<i32>} : memref<80x128xi32, #tpu.memory_space<vmem>>, vector<1x16xi32>,
          %parallel_loop3A_490 = vector.shape_cast %parallel_loop3A_489 : vector<1x16xi32> to vector<16xi32>
          %parallel_loop3A_491 = arith.constant 16 : i32
          %parallel_loop3A_492 = vector.broadcast %parallel_loop3A_491 : i32 to vector<16xi32>
          %parallel_loop3A_493 = arith.shli %parallel_loop3A_486, %parallel_loop3A_492 : vector<16xi32>
          %parallel_loop3A_494 = tpu.bitcast %parallel_loop3A_493 : vector<16xi32> -> vector<16xf32>
          %parallel_loop3A_495 = arith.constant 16 : i32
          %parallel_loop3A_496 = vector.broadcast %parallel_loop3A_495 : i32 to vector<16xi32>
          %parallel_loop3A_497 = arith.shli %parallel_loop3A_490, %parallel_loop3A_496 : vector<16xi32>
          %parallel_loop3A_498 = tpu.bitcast %parallel_loop3A_497 : vector<16xi32> -> vector<16xf32>
          %parallel_loop3A_499 = arith.constant -65536 : i32
          %parallel_loop3A_500 = vector.broadcast %parallel_loop3A_499 : i32 to vector<16xi32>
          %parallel_loop3A_501 = arith.andi %parallel_loop3A_486, %parallel_loop3A_500 : vector<16xi32>
          %parallel_loop3A_502 = tpu.bitcast %parallel_loop3A_501 : vector<16xi32> -> vector<16xf32>
          %parallel_loop3A_503 = arith.constant -65536 : i32
          %parallel_loop3A_504 = vector.broadcast %parallel_loop3A_503 : i32 to vector<16xi32>
          %parallel_loop3A_505 = arith.andi %parallel_loop3A_490, %parallel_loop3A_504 : vector<16xi32>
          %parallel_loop3A_506 = tpu.bitcast %parallel_loop3A_505 : vector<16xi32> -> vector<16xf32>
          %parallel_loop3A_507 = arith.mulf %parallel_loop3A_494, %parallel_loop3A_498 : vector<16xf32>
          %parallel_loop3A_508 = arith.index_cast %parallel_loop3A_230 : i32 to index
          %parallel_loop3A_509 = arith.constant 112 : index
          %parallel_loop3A_510 = tpu.vector_load %arg19[%parallel_loop3A_508, %parallel_loop3A_509] {strides = array<i32>} : memref<80x256xf32, #tpu.memory_space<vmem>>, vector<1x16xf32>,
          %parallel_loop3A_511 = vector.shape_cast %parallel_loop3A_510 : vector<1x16xf32> to vector<16xf32>
          %parallel_loop3A_512 = vector.shape_cast %parallel_loop3A_507 : vector<16xf32> to vector<1x16xf32>
          tpu.vector_store %arg19[%parallel_loop3A_508, %parallel_loop3A_509], %parallel_loop3A_512 {strides = array<i32>} : memref<80x256xf32, #tpu.memory_space<vmem>>, vector<1x16xf32>,
          %parallel_loop3A_513 = arith.mulf %parallel_loop3A_502, %parallel_loop3A_506 : vector<16xf32>
          %parallel_loop3A_514 = arith.index_cast %parallel_loop3A_230 : i32 to index
          %parallel_loop3A_515 = arith.constant 240 : index
          %parallel_loop3A_516 = tpu.vector_load %arg19[%parallel_loop3A_514, %parallel_loop3A_515] {strides = array<i32>} : memref<80x256xf32, #tpu.memory_space<vmem>>, vector<1x16xf32>,
          %parallel_loop3A_517 = vector.shape_cast %parallel_loop3A_516 : vector<1x16xf32> to vector<16xf32>
          %parallel_loop3A_518 = vector.shape_cast %parallel_loop3A_513 : vector<16xf32> to vector<1x16xf32>
          tpu.vector_store %arg19[%parallel_loop3A_514, %parallel_loop3A_515], %parallel_loop3A_518 {strides = array<i32>} : memref<80x256xf32, #tpu.memory_space<vmem>>, vector<1x16xf32>,
        } {sc.loop_unroll_factor = 4 : i64, sc.parallel_access}
        %mul3A_221 = arith.constant 32 : i32
        %mul3A_222 = arith.muli %add3A_117, %mul3A_221 : i32
        %add3A_223 = arith.addi %add3A, %mul3A_222 : i32
        %mul3A_224 = arith.constant 80 : i32
        %mul3A_225 = arith.muli %add3A_223, %mul3A_224 : i32
        %dma_start3A_226 = arith.constant 0 : i32
        %dma_start3A_227 = tpu.memref_slice %arg5[%mul3A_225, %dma_start3A_226] : memref<160000x256xf32, #tpu.memory_space<hbm>> -> memref<80x256xf32, #tpu.memory_space<hbm>>
        %dma_start3A_228 = arith.constant 0 : i32
        %dma_start3A_229 = tpu.memref_slice %arg5[%mul3A_225, %dma_start3A_228] : memref<160000x256xf32, #tpu.memory_space<hbm>> -> memref<80x256xf32, #tpu.memory_space<hbm>>
        tpu.enqueue_dma source(%arg19 : memref<80x256xf32, #tpu.memory_space<vmem>>) target(%dma_start3A_229 : memref<80x256xf32, #tpu.memory_space<hbm>>) target_semaphore(%arg28 : memref<!tpu.dma_semaphore, #tpu.memory_space<semaphore_mem>>)
      } else {
      }
      %add3A_167 = arith.constant 2 : i32
      %add3A_168 = arith.addi %mul3A_72, %add3A_167 : i32
      %add3A_169 = arith.constant 2 : i32
      %add3A_170 = arith.addi %add3A_168, %add3A_169 : i32
      %mul3A_171 = arith.constant 32 : i32
      %mul3A_172 = arith.muli %add3A_170, %mul3A_171 : i32
      %add3A_173 = arith.addi %add3A, %mul3A_172 : i32
      %lt3A_174 = arith.constant 2000 : i32
      %lt3A_175 = arith.cmpi slt, %add3A_173, %lt3A_174 : i32
      %convert_element_type3A_176 = arith.extui %lt3A_175 : i1 to i32
      %cond3A_177 = arith.constant 0 : i32
      %cond3A_178 = arith.cmpi ne, %convert_element_type3A_176, %cond3A_177 : i32
      scf.if %cond3A_178 {
        %dma_wait3A_219 = arith.constant 0 : i32
        %dma_wait3A_220 = tpu.memref_slice %arg3[%dma_wait3A_219] : memref<160000xi32, #tpu.memory_space<hbm>> -> memref<80xi32, #tpu.memory_space<hbm>>
        %dma_wait3A_221 = arith.constant 0 : i32
        %dma_wait3A_222 = tpu.memref_slice %arg3[%dma_wait3A_221] : memref<160000xi32, #tpu.memory_space<hbm>> -> memref<80xi32, #tpu.memory_space<hbm>>
        tpu.wait_dma2 semaphore(%arg22 : memref<!tpu.dma_semaphore, #tpu.memory_space<semaphore_mem>>) src(%dma_wait3A_222 : memref<80xi32, #tpu.memory_space<hbm>>) dst(%arg8 : memref<80xi32, #tpu.memory_space<vmem>>)
        %dma_wait3A_223 = arith.constant 0 : i32
        %dma_wait3A_224 = tpu.memref_slice %arg4[%dma_wait3A_223] : memref<160000xi32, #tpu.memory_space<hbm>> -> memref<80xi32, #tpu.memory_space<hbm>>
        %dma_wait3A_225 = arith.constant 0 : i32
        %dma_wait3A_226 = tpu.memref_slice %arg4[%dma_wait3A_225] : memref<160000xi32, #tpu.memory_space<hbm>> -> memref<80xi32, #tpu.memory_space<hbm>>
        tpu.wait_dma2 semaphore(%arg22 : memref<!tpu.dma_semaphore, #tpu.memory_space<semaphore_mem>>) src(%dma_wait3A_226 : memref<80xi32, #tpu.memory_space<hbm>>) dst(%arg9 : memref<80xi32, #tpu.memory_space<vmem>>)
        %dma_start3A_227 = arith.constant 0 : i32
        %dma_start3A_228 = arith.constant 0 : i32
        %dma_start3A_229 = tpu.memref_slice %arg2[%dma_start3A_227, %dma_start3A_228] : memref<10000x128xi32, #tpu.memory_space<hbm>> -> memref<10000x128xi32, #tpu.memory_space<hbm>>
        tpu.enqueue_indirect_dma source(%dma_start3A_229 : memref<10000x128xi32, #tpu.memory_space<hbm>>) target(%arg14 : memref<80x128xi32, #tpu.memory_space<vmem>>) offsets(%arg8 : memref<80xi32, #tpu.memory_space<vmem>>) semaphore(%arg25 : memref<!tpu.dma_semaphore, #tpu.memory_space<semaphore_mem>>)
        %dma_start3A_230 = arith.constant 0 : i32
        %dma_start3A_231 = arith.constant 0 : i32
        %dma_start3A_232 = tpu.memref_slice %arg2[%dma_start3A_230, %dma_start3A_231] : memref<10000x128xi32, #tpu.memory_space<hbm>> -> memref<10000x128xi32, #tpu.memory_space<hbm>>
        tpu.enqueue_indirect_dma source(%dma_start3A_232 : memref<10000x128xi32, #tpu.memory_space<hbm>>) target(%arg15 : memref<80x128xi32, #tpu.memory_space<vmem>>) offsets(%arg9 : memref<80xi32, #tpu.memory_space<vmem>>) semaphore(%arg25 : memref<!tpu.dma_semaphore, #tpu.memory_space<semaphore_mem>>)
      } else {
      }
      %mul3A_179 = arith.constant 32 : i32
      %mul3A_180 = arith.muli %add3A_168, %mul3A_179 : i32
      %add3A_181 = arith.addi %add3A, %mul3A_180 : i32
      %lt3A_182 = arith.constant 2000 : i32
      %lt3A_183 = arith.cmpi slt, %add3A_181, %lt3A_182 : i32
      %convert_element_type3A_184 = arith.extui %lt3A_183 : i1 to i32
      %cond3A_185 = arith.constant 0 : i32
      %cond3A_186 = arith.cmpi ne, %convert_element_type3A_184, %cond3A_185 : i32
      scf.if %cond3A_186 {
        %dma_wait3A_219 = arith.constant 0 : i32
        %dma_wait3A_220 = arith.constant 0 : i32
        %dma_wait3A_221 = tpu.memref_slice %arg2[%dma_wait3A_219, %dma_wait3A_220] : memref<10000x128xi32, #tpu.memory_space<hbm>> -> memref<80x128xi32, #tpu.memory_space<hbm>>
        %dma_wait3A_222 = arith.constant 0 : i32
        %dma_wait3A_223 = arith.constant 0 : i32
        %dma_wait3A_224 = tpu.memref_slice %arg2[%dma_wait3A_222, %dma_wait3A_223] : memref<10000x128xi32, #tpu.memory_space<hbm>> -> memref<80x128xi32, #tpu.memory_space<hbm>>
        tpu.wait_dma2 semaphore(%arg26 : memref<!tpu.dma_semaphore, #tpu.memory_space<semaphore_mem>>) src(%dma_wait3A_224 : memref<80x128xi32, #tpu.memory_space<hbm>>) dst(%arg16 : memref<80x128xi32, #tpu.memory_space<vmem>>)
        %dma_wait3A_225 = arith.constant 0 : i32
        %dma_wait3A_226 = arith.constant 0 : i32
        %dma_wait3A_227 = tpu.memref_slice %arg2[%dma_wait3A_225, %dma_wait3A_226] : memref<10000x128xi32, #tpu.memory_space<hbm>> -> memref<80x128xi32, #tpu.memory_space<hbm>>
        %dma_wait3A_228 = arith.constant 0 : i32
        %dma_wait3A_229 = arith.constant 0 : i32
        %dma_wait3A_230 = tpu.memref_slice %arg2[%dma_wait3A_228, %dma_wait3A_229] : memref<10000x128xi32, #tpu.memory_space<hbm>> -> memref<80x128xi32, #tpu.memory_space<hbm>>
        tpu.wait_dma2 semaphore(%arg26 : memref<!tpu.dma_semaphore, #tpu.memory_space<semaphore_mem>>) src(%dma_wait3A_230 : memref<80x128xi32, #tpu.memory_space<hbm>>) dst(%arg17 : memref<80x128xi32, #tpu.memory_space<vmem>>)
      } else {
      }
      %add3A_187 = arith.constant 3 : i32
      %add3A_188 = arith.addi %add3A_168, %add3A_187 : i32
      %mul3A_189 = arith.constant 32 : i32
      %mul3A_190 = arith.muli %add3A_188, %mul3A_189 : i32
      %add3A_191 = arith.addi %add3A, %mul3A_190 : i32
      %lt3A_192 = arith.constant 2000 : i32
      %lt3A_193 = arith.cmpi slt, %add3A_191, %lt3A_192 : i32
      %convert_element_type3A_194 = arith.extui %lt3A_193 : i1 to i32
      %cond3A_195 = arith.constant 0 : i32
      %cond3A_196 = arith.cmpi ne, %convert_element_type3A_194, %cond3A_195 : i32
      scf.if %cond3A_196 {
        %add3A_219 = arith.constant 3 : i32
        %add3A_220 = arith.addi %add3A_168, %add3A_219 : i32
        %mul3A_221 = arith.constant 32 : i32
        %mul3A_222 = arith.muli %add3A_220, %mul3A_221 : i32
        %add3A_223 = arith.addi %add3A, %mul3A_222 : i32
        %mul3A_224 = arith.constant 80 : i32
        %mul3A_225 = arith.muli %add3A_223, %mul3A_224 : i32
        %dma_start3A_226 = tpu.memref_slice %arg3[%mul3A_225] : memref<160000xi32, #tpu.memory_space<hbm>> -> memref<80xi32, #tpu.memory_space<hbm>>
        %dma_start3A_227 = tpu.memref_slice %arg3[%mul3A_225] : memref<160000xi32, #tpu.memory_space<hbm>> -> memref<80xi32, #tpu.memory_space<hbm>>
        tpu.enqueue_dma source(%dma_start3A_227 : memref<80xi32, #tpu.memory_space<hbm>>) target(%arg10 : memref<80xi32, #tpu.memory_space<vmem>>) target_semaphore(%arg23 : memref<!tpu.dma_semaphore, #tpu.memory_space<semaphore_mem>>)
        %mul3A_228 = arith.constant 32 : i32
        %mul3A_229 = arith.muli %add3A_220, %mul3A_228 : i32
        %add3A_230 = arith.addi %add3A, %mul3A_229 : i32
        %mul3A_231 = arith.constant 80 : i32
        %mul3A_232 = arith.muli %add3A_230, %mul3A_231 : i32
        %dma_start3A_233 = tpu.memref_slice %arg4[%mul3A_232] : memref<160000xi32, #tpu.memory_space<hbm>> -> memref<80xi32, #tpu.memory_space<hbm>>
        %dma_start3A_234 = tpu.memref_slice %arg4[%mul3A_232] : memref<160000xi32, #tpu.memory_space<hbm>> -> memref<80xi32, #tpu.memory_space<hbm>>
        tpu.enqueue_dma source(%dma_start3A_234 : memref<80xi32, #tpu.memory_space<hbm>>) target(%arg11 : memref<80xi32, #tpu.memory_space<vmem>>) target_semaphore(%arg23 : memref<!tpu.dma_semaphore, #tpu.memory_space<semaphore_mem>>)
      } else {
      }
      %ge3A_197 = arith.constant 3 : i32
      %ge3A_198 = arith.cmpi sge, %add3A_168, %ge3A_197 : i32
      %sub3A_199 = arith.constant 3 : i32
      %sub3A_200 = arith.subi %add3A_168, %sub3A_199 : i32
      %mul3A_201 = arith.constant 32 : i32
      %mul3A_202 = arith.muli %sub3A_200, %mul3A_201 : i32
      %add3A_203 = arith.addi %add3A, %mul3A_202 : i32
      %lt3A_204 = arith.constant 2000 : i32
      %lt3A_205 = arith.cmpi slt, %add3A_203, %lt3A_204 : i32
      %and3A_206 = arith.andi %ge3A_198, %lt3A_205 : i1
      %convert_element_type3A_207 = arith.extui %and3A_206 : i1 to i32
      %cond3A_208 = arith.constant 0 : i32
      %cond3A_209 = arith.cmpi ne, %convert_element_type3A_207, %cond3A_208 : i32
      scf.if %cond3A_209 {
        %dma_wait3A_219 = arith.constant 0 : i32
        %dma_wait3A_220 = arith.constant 0 : i32
        %dma_wait3A_221 = tpu.memref_slice %arg5[%dma_wait3A_219, %dma_wait3A_220] : memref<160000x256xf32, #tpu.memory_space<hbm>> -> memref<80x256xf32, #tpu.memory_space<hbm>>
        %dma_wait3A_222 = arith.constant 0 : i32
        %dma_wait3A_223 = arith.constant 0 : i32
        %dma_wait3A_224 = tpu.memref_slice %arg5[%dma_wait3A_222, %dma_wait3A_223] : memref<160000x256xf32, #tpu.memory_space<hbm>> -> memref<80x256xf32, #tpu.memory_space<hbm>>
        tpu.wait_dma2 semaphore(%arg29 : memref<!tpu.dma_semaphore, #tpu.memory_space<semaphore_mem>>) src(%arg20 : memref<80x256xf32, #tpu.memory_space<vmem>>) dst(%dma_wait3A_224 : memref<80x256xf32, #tpu.memory_space<hbm>>)
      } else {
      }
      %mul3A_210 = arith.constant 32 : i32
      %mul3A_211 = arith.muli %add3A_168, %mul3A_210 : i32
      %add3A_212 = arith.addi %add3A, %mul3A_211 : i32
      %lt3A_213 = arith.constant 2000 : i32
      %lt3A_214 = arith.cmpi slt, %add3A_212, %lt3A_213 : i32
      %convert_element_type3A_215 = arith.extui %lt3A_214 : i1 to i32
      %cond3A_216 = arith.constant 0 : i32
      %cond3A_217 = arith.cmpi ne, %convert_element_type3A_215, %cond3A_216 : i32
      scf.if %cond3A_217 {
        %parallel_loop3A = arith.constant 0 : i32
        %parallel_loop3A_219 = arith.constant 80 : i32
        %parallel_loop3A_220 = arith.constant 1 : i32
        scf.for %parallel_loop3A_230 = %parallel_loop3A to %parallel_loop3A_219 step %parallel_loop3A_220  : i32 {
          %parallel_loop3A_231 = arith.index_cast %parallel_loop3A_230 : i32 to index
          %parallel_loop3A_232 = arith.constant 0 : index
          %parallel_loop3A_233 = tpu.vector_load %arg16[%parallel_loop3A_231, %parallel_loop3A_232] {strides = array<i32>} : memref<80x128xi32, #tpu.memory_space<vmem>>, vector<1x16xi32>,
          %parallel_loop3A_234 = vector.shape_cast %parallel_loop3A_233 : vector<1x16xi32> to vector<16xi32>
          %parallel_loop3A_235 = arith.index_cast %parallel_loop3A_230 : i32 to index
          %parallel_loop3A_236 = arith.constant 0 : index
          %parallel_loop3A_237 = tpu.vector_load %arg17[%parallel_loop3A_235, %parallel_loop3A_236] {strides = array<i32>} : memref<80x128xi32, #tpu.memory_space<vmem>>, vector<1x16xi32>,
          %parallel_loop3A_238 = vector.shape_cast %parallel_loop3A_237 : vector<1x16xi32> to vector<16xi32>
          %parallel_loop3A_239 = arith.constant 16 : i32
          %parallel_loop3A_240 = vector.broadcast %parallel_loop3A_239 : i32 to vector<16xi32>
          %parallel_loop3A_241 = arith.shli %parallel_loop3A_234, %parallel_loop3A_240 : vector<16xi32>
          %parallel_loop3A_242 = tpu.bitcast %parallel_loop3A_241 : vector<16xi32> -> vector<16xf32>
          %parallel_loop3A_243 = arith.constant 16 : i32
          %parallel_loop3A_244 = vector.broadcast %parallel_loop3A_243 : i32 to vector<16xi32>
          %parallel_loop3A_245 = arith.shli %parallel_loop3A_238, %parallel_loop3A_244 : vector<16xi32>
          %parallel_loop3A_246 = tpu.bitcast %parallel_loop3A_245 : vector<16xi32> -> vector<16xf32>
          %parallel_loop3A_247 = arith.constant -65536 : i32
          %parallel_loop3A_248 = vector.broadcast %parallel_loop3A_247 : i32 to vector<16xi32>
          %parallel_loop3A_249 = arith.andi %parallel_loop3A_234, %parallel_loop3A_248 : vector<16xi32>
          %parallel_loop3A_250 = tpu.bitcast %parallel_loop3A_249 : vector<16xi32> -> vector<16xf32>
          %parallel_loop3A_251 = arith.constant -65536 : i32
          %parallel_loop3A_252 = vector.broadcast %parallel_loop3A_251 : i32 to vector<16xi32>
          %parallel_loop3A_253 = arith.andi %parallel_loop3A_238, %parallel_loop3A_252 : vector<16xi32>
          %parallel_loop3A_254 = tpu.bitcast %parallel_loop3A_253 : vector<16xi32> -> vector<16xf32>
          %parallel_loop3A_255 = arith.mulf %parallel_loop3A_242, %parallel_loop3A_246 : vector<16xf32>
          %parallel_loop3A_256 = arith.index_cast %parallel_loop3A_230 : i32 to index
          %parallel_loop3A_257 = arith.constant 0 : index
          %parallel_loop3A_258 = tpu.vector_load %arg20[%parallel_loop3A_256, %parallel_loop3A_257] {strides = array<i32>} : memref<80x256xf32, #tpu.memory_space<vmem>>, vector<1x16xf32>,
          %parallel_loop3A_259 = vector.shape_cast %parallel_loop3A_258 : vector<1x16xf32> to vector<16xf32>
          %parallel_loop3A_260 = vector.shape_cast %parallel_loop3A_255 : vector<16xf32> to vector<1x16xf32>
          tpu.vector_store %arg20[%parallel_loop3A_256, %parallel_loop3A_257], %parallel_loop3A_260 {strides = array<i32>} : memref<80x256xf32, #tpu.memory_space<vmem>>, vector<1x16xf32>,
          %parallel_loop3A_261 = arith.mulf %parallel_loop3A_250, %parallel_loop3A_254 : vector<16xf32>
          %parallel_loop3A_262 = arith.index_cast %parallel_loop3A_230 : i32 to index
          %parallel_loop3A_263 = arith.constant 128 : index
          %parallel_loop3A_264 = tpu.vector_load %arg20[%parallel_loop3A_262, %parallel_loop3A_263] {strides = array<i32>} : memref<80x256xf32, #tpu.memory_space<vmem>>, vector<1x16xf32>,
          %parallel_loop3A_265 = vector.shape_cast %parallel_loop3A_264 : vector<1x16xf32> to vector<16xf32>
          %parallel_loop3A_266 = vector.shape_cast %parallel_loop3A_261 : vector<16xf32> to vector<1x16xf32>
          tpu.vector_store %arg20[%parallel_loop3A_262, %parallel_loop3A_263], %parallel_loop3A_266 {strides = array<i32>} : memref<80x256xf32, #tpu.memory_space<vmem>>, vector<1x16xf32>,
          %parallel_loop3A_267 = arith.index_cast %parallel_loop3A_230 : i32 to index
          %parallel_loop3A_268 = arith.constant 16 : index
          %parallel_loop3A_269 = tpu.vector_load %arg16[%parallel_loop3A_267, %parallel_loop3A_268] {strides = array<i32>} : memref<80x128xi32, #tpu.memory_space<vmem>>, vector<1x16xi32>,
          %parallel_loop3A_270 = vector.shape_cast %parallel_loop3A_269 : vector<1x16xi32> to vector<16xi32>
          %parallel_loop3A_271 = arith.index_cast %parallel_loop3A_230 : i32 to index
          %parallel_loop3A_272 = arith.constant 16 : index
          %parallel_loop3A_273 = tpu.vector_load %arg17[%parallel_loop3A_271, %parallel_loop3A_272] {strides = array<i32>} : memref<80x128xi32, #tpu.memory_space<vmem>>, vector<1x16xi32>,
          %parallel_loop3A_274 = vector.shape_cast %parallel_loop3A_273 : vector<1x16xi32> to vector<16xi32>
          %parallel_loop3A_275 = arith.constant 16 : i32
          %parallel_loop3A_276 = vector.broadcast %parallel_loop3A_275 : i32 to vector<16xi32>
          %parallel_loop3A_277 = arith.shli %parallel_loop3A_270, %parallel_loop3A_276 : vector<16xi32>
          %parallel_loop3A_278 = tpu.bitcast %parallel_loop3A_277 : vector<16xi32> -> vector<16xf32>
          %parallel_loop3A_279 = arith.constant 16 : i32
          %parallel_loop3A_280 = vector.broadcast %parallel_loop3A_279 : i32 to vector<16xi32>
          %parallel_loop3A_281 = arith.shli %parallel_loop3A_274, %parallel_loop3A_280 : vector<16xi32>
          %parallel_loop3A_282 = tpu.bitcast %parallel_loop3A_281 : vector<16xi32> -> vector<16xf32>
          %parallel_loop3A_283 = arith.constant -65536 : i32
          %parallel_loop3A_284 = vector.broadcast %parallel_loop3A_283 : i32 to vector<16xi32>
          %parallel_loop3A_285 = arith.andi %parallel_loop3A_270, %parallel_loop3A_284 : vector<16xi32>
          %parallel_loop3A_286 = tpu.bitcast %parallel_loop3A_285 : vector<16xi32> -> vector<16xf32>
          %parallel_loop3A_287 = arith.constant -65536 : i32
          %parallel_loop3A_288 = vector.broadcast %parallel_loop3A_287 : i32 to vector<16xi32>
          %parallel_loop3A_289 = arith.andi %parallel_loop3A_274, %parallel_loop3A_288 : vector<16xi32>
          %parallel_loop3A_290 = tpu.bitcast %parallel_loop3A_289 : vector<16xi32> -> vector<16xf32>
          %parallel_loop3A_291 = arith.mulf %parallel_loop3A_278, %parallel_loop3A_282 : vector<16xf32>
          %parallel_loop3A_292 = arith.index_cast %parallel_loop3A_230 : i32 to index
          %parallel_loop3A_293 = arith.constant 16 : index
          %parallel_loop3A_294 = tpu.vector_load %arg20[%parallel_loop3A_292, %parallel_loop3A_293] {strides = array<i32>} : memref<80x256xf32, #tpu.memory_space<vmem>>, vector<1x16xf32>,
          %parallel_loop3A_295 = vector.shape_cast %parallel_loop3A_294 : vector<1x16xf32> to vector<16xf32>
          %parallel_loop3A_296 = vector.shape_cast %parallel_loop3A_291 : vector<16xf32> to vector<1x16xf32>
          tpu.vector_store %arg20[%parallel_loop3A_292, %parallel_loop3A_293], %parallel_loop3A_296 {strides = array<i32>} : memref<80x256xf32, #tpu.memory_space<vmem>>, vector<1x16xf32>,
          %parallel_loop3A_297 = arith.mulf %parallel_loop3A_286, %parallel_loop3A_290 : vector<16xf32>
          %parallel_loop3A_298 = arith.index_cast %parallel_loop3A_230 : i32 to index
          %parallel_loop3A_299 = arith.constant 144 : index
          %parallel_loop3A_300 = tpu.vector_load %arg20[%parallel_loop3A_298, %parallel_loop3A_299] {strides = array<i32>} : memref<80x256xf32, #tpu.memory_space<vmem>>, vector<1x16xf32>,
          %parallel_loop3A_301 = vector.shape_cast %parallel_loop3A_300 : vector<1x16xf32> to vector<16xf32>
          %parallel_loop3A_302 = vector.shape_cast %parallel_loop3A_297 : vector<16xf32> to vector<1x16xf32>
          tpu.vector_store %arg20[%parallel_loop3A_298, %parallel_loop3A_299], %parallel_loop3A_302 {strides = array<i32>} : memref<80x256xf32, #tpu.memory_space<vmem>>, vector<1x16xf32>,
          %parallel_loop3A_303 = arith.index_cast %parallel_loop3A_230 : i32 to index
          %parallel_loop3A_304 = arith.constant 32 : index
          %parallel_loop3A_305 = tpu.vector_load %arg16[%parallel_loop3A_303, %parallel_loop3A_304] {strides = array<i32>} : memref<80x128xi32, #tpu.memory_space<vmem>>, vector<1x16xi32>,
          %parallel_loop3A_306 = vector.shape_cast %parallel_loop3A_305 : vector<1x16xi32> to vector<16xi32>
          %parallel_loop3A_307 = arith.index_cast %parallel_loop3A_230 : i32 to index
          %parallel_loop3A_308 = arith.constant 32 : index
          %parallel_loop3A_309 = tpu.vector_load %arg17[%parallel_loop3A_307, %parallel_loop3A_308] {strides = array<i32>} : memref<80x128xi32, #tpu.memory_space<vmem>>, vector<1x16xi32>,
          %parallel_loop3A_310 = vector.shape_cast %parallel_loop3A_309 : vector<1x16xi32> to vector<16xi32>
          %parallel_loop3A_311 = arith.constant 16 : i32
          %parallel_loop3A_312 = vector.broadcast %parallel_loop3A_311 : i32 to vector<16xi32>
          %parallel_loop3A_313 = arith.shli %parallel_loop3A_306, %parallel_loop3A_312 : vector<16xi32>
          %parallel_loop3A_314 = tpu.bitcast %parallel_loop3A_313 : vector<16xi32> -> vector<16xf32>
          %parallel_loop3A_315 = arith.constant 16 : i32
          %parallel_loop3A_316 = vector.broadcast %parallel_loop3A_315 : i32 to vector<16xi32>
          %parallel_loop3A_317 = arith.shli %parallel_loop3A_310, %parallel_loop3A_316 : vector<16xi32>
          %parallel_loop3A_318 = tpu.bitcast %parallel_loop3A_317 : vector<16xi32> -> vector<16xf32>
          %parallel_loop3A_319 = arith.constant -65536 : i32
          %parallel_loop3A_320 = vector.broadcast %parallel_loop3A_319 : i32 to vector<16xi32>
          %parallel_loop3A_321 = arith.andi %parallel_loop3A_306, %parallel_loop3A_320 : vector<16xi32>
          %parallel_loop3A_322 = tpu.bitcast %parallel_loop3A_321 : vector<16xi32> -> vector<16xf32>
          %parallel_loop3A_323 = arith.constant -65536 : i32
          %parallel_loop3A_324 = vector.broadcast %parallel_loop3A_323 : i32 to vector<16xi32>
          %parallel_loop3A_325 = arith.andi %parallel_loop3A_310, %parallel_loop3A_324 : vector<16xi32>
          %parallel_loop3A_326 = tpu.bitcast %parallel_loop3A_325 : vector<16xi32> -> vector<16xf32>
          %parallel_loop3A_327 = arith.mulf %parallel_loop3A_314, %parallel_loop3A_318 : vector<16xf32>
          %parallel_loop3A_328 = arith.index_cast %parallel_loop3A_230 : i32 to index
          %parallel_loop3A_329 = arith.constant 32 : index
          %parallel_loop3A_330 = tpu.vector_load %arg20[%parallel_loop3A_328, %parallel_loop3A_329] {strides = array<i32>} : memref<80x256xf32, #tpu.memory_space<vmem>>, vector<1x16xf32>,
          %parallel_loop3A_331 = vector.shape_cast %parallel_loop3A_330 : vector<1x16xf32> to vector<16xf32>
          %parallel_loop3A_332 = vector.shape_cast %parallel_loop3A_327 : vector<16xf32> to vector<1x16xf32>
          tpu.vector_store %arg20[%parallel_loop3A_328, %parallel_loop3A_329], %parallel_loop3A_332 {strides = array<i32>} : memref<80x256xf32, #tpu.memory_space<vmem>>, vector<1x16xf32>,
          %parallel_loop3A_333 = arith.mulf %parallel_loop3A_322, %parallel_loop3A_326 : vector<16xf32>
          %parallel_loop3A_334 = arith.index_cast %parallel_loop3A_230 : i32 to index
          %parallel_loop3A_335 = arith.constant 160 : index
          %parallel_loop3A_336 = tpu.vector_load %arg20[%parallel_loop3A_334, %parallel_loop3A_335] {strides = array<i32>} : memref<80x256xf32, #tpu.memory_space<vmem>>, vector<1x16xf32>,
          %parallel_loop3A_337 = vector.shape_cast %parallel_loop3A_336 : vector<1x16xf32> to vector<16xf32>
          %parallel_loop3A_338 = vector.shape_cast %parallel_loop3A_333 : vector<16xf32> to vector<1x16xf32>
          tpu.vector_store %arg20[%parallel_loop3A_334, %parallel_loop3A_335], %parallel_loop3A_338 {strides = array<i32>} : memref<80x256xf32, #tpu.memory_space<vmem>>, vector<1x16xf32>,
          %parallel_loop3A_339 = arith.index_cast %parallel_loop3A_230 : i32 to index
          %parallel_loop3A_340 = arith.constant 48 : index
          %parallel_loop3A_341 = tpu.vector_load %arg16[%parallel_loop3A_339, %parallel_loop3A_340] {strides = array<i32>} : memref<80x128xi32, #tpu.memory_space<vmem>>, vector<1x16xi32>,
          %parallel_loop3A_342 = vector.shape_cast %parallel_loop3A_341 : vector<1x16xi32> to vector<16xi32>
          %parallel_loop3A_343 = arith.index_cast %parallel_loop3A_230 : i32 to index
          %parallel_loop3A_344 = arith.constant 48 : index
          %parallel_loop3A_345 = tpu.vector_load %arg17[%parallel_loop3A_343, %parallel_loop3A_344] {strides = array<i32>} : memref<80x128xi32, #tpu.memory_space<vmem>>, vector<1x16xi32>,
          %parallel_loop3A_346 = vector.shape_cast %parallel_loop3A_345 : vector<1x16xi32> to vector<16xi32>
          %parallel_loop3A_347 = arith.constant 16 : i32
          %parallel_loop3A_348 = vector.broadcast %parallel_loop3A_347 : i32 to vector<16xi32>
          %parallel_loop3A_349 = arith.shli %parallel_loop3A_342, %parallel_loop3A_348 : vector<16xi32>
          %parallel_loop3A_350 = tpu.bitcast %parallel_loop3A_349 : vector<16xi32> -> vector<16xf32>
          %parallel_loop3A_351 = arith.constant 16 : i32
          %parallel_loop3A_352 = vector.broadcast %parallel_loop3A_351 : i32 to vector<16xi32>
          %parallel_loop3A_353 = arith.shli %parallel_loop3A_346, %parallel_loop3A_352 : vector<16xi32>
          %parallel_loop3A_354 = tpu.bitcast %parallel_loop3A_353 : vector<16xi32> -> vector<16xf32>
          %parallel_loop3A_355 = arith.constant -65536 : i32
          %parallel_loop3A_356 = vector.broadcast %parallel_loop3A_355 : i32 to vector<16xi32>
          %parallel_loop3A_357 = arith.andi %parallel_loop3A_342, %parallel_loop3A_356 : vector<16xi32>
          %parallel_loop3A_358 = tpu.bitcast %parallel_loop3A_357 : vector<16xi32> -> vector<16xf32>
          %parallel_loop3A_359 = arith.constant -65536 : i32
          %parallel_loop3A_360 = vector.broadcast %parallel_loop3A_359 : i32 to vector<16xi32>
          %parallel_loop3A_361 = arith.andi %parallel_loop3A_346, %parallel_loop3A_360 : vector<16xi32>
          %parallel_loop3A_362 = tpu.bitcast %parallel_loop3A_361 : vector<16xi32> -> vector<16xf32>
          %parallel_loop3A_363 = arith.mulf %parallel_loop3A_350, %parallel_loop3A_354 : vector<16xf32>
          %parallel_loop3A_364 = arith.index_cast %parallel_loop3A_230 : i32 to index
          %parallel_loop3A_365 = arith.constant 48 : index
          %parallel_loop3A_366 = tpu.vector_load %arg20[%parallel_loop3A_364, %parallel_loop3A_365] {strides = array<i32>} : memref<80x256xf32, #tpu.memory_space<vmem>>, vector<1x16xf32>,
          %parallel_loop3A_367 = vector.shape_cast %parallel_loop3A_366 : vector<1x16xf32> to vector<16xf32>
          %parallel_loop3A_368 = vector.shape_cast %parallel_loop3A_363 : vector<16xf32> to vector<1x16xf32>
          tpu.vector_store %arg20[%parallel_loop3A_364, %parallel_loop3A_365], %parallel_loop3A_368 {strides = array<i32>} : memref<80x256xf32, #tpu.memory_space<vmem>>, vector<1x16xf32>,
          %parallel_loop3A_369 = arith.mulf %parallel_loop3A_358, %parallel_loop3A_362 : vector<16xf32>
          %parallel_loop3A_370 = arith.index_cast %parallel_loop3A_230 : i32 to index
          %parallel_loop3A_371 = arith.constant 176 : index
          %parallel_loop3A_372 = tpu.vector_load %arg20[%parallel_loop3A_370, %parallel_loop3A_371] {strides = array<i32>} : memref<80x256xf32, #tpu.memory_space<vmem>>, vector<1x16xf32>,
          %parallel_loop3A_373 = vector.shape_cast %parallel_loop3A_372 : vector<1x16xf32> to vector<16xf32>
          %parallel_loop3A_374 = vector.shape_cast %parallel_loop3A_369 : vector<16xf32> to vector<1x16xf32>
          tpu.vector_store %arg20[%parallel_loop3A_370, %parallel_loop3A_371], %parallel_loop3A_374 {strides = array<i32>} : memref<80x256xf32, #tpu.memory_space<vmem>>, vector<1x16xf32>,
          %parallel_loop3A_375 = arith.index_cast %parallel_loop3A_230 : i32 to index
          %parallel_loop3A_376 = arith.constant 64 : index
          %parallel_loop3A_377 = tpu.vector_load %arg16[%parallel_loop3A_375, %parallel_loop3A_376] {strides = array<i32>} : memref<80x128xi32, #tpu.memory_space<vmem>>, vector<1x16xi32>,
          %parallel_loop3A_378 = vector.shape_cast %parallel_loop3A_377 : vector<1x16xi32> to vector<16xi32>
          %parallel_loop3A_379 = arith.index_cast %parallel_loop3A_230 : i32 to index
          %parallel_loop3A_380 = arith.constant 64 : index
          %parallel_loop3A_381 = tpu.vector_load %arg17[%parallel_loop3A_379, %parallel_loop3A_380] {strides = array<i32>} : memref<80x128xi32, #tpu.memory_space<vmem>>, vector<1x16xi32>,
          %parallel_loop3A_382 = vector.shape_cast %parallel_loop3A_381 : vector<1x16xi32> to vector<16xi32>
          %parallel_loop3A_383 = arith.constant 16 : i32
          %parallel_loop3A_384 = vector.broadcast %parallel_loop3A_383 : i32 to vector<16xi32>
          %parallel_loop3A_385 = arith.shli %parallel_loop3A_378, %parallel_loop3A_384 : vector<16xi32>
          %parallel_loop3A_386 = tpu.bitcast %parallel_loop3A_385 : vector<16xi32> -> vector<16xf32>
          %parallel_loop3A_387 = arith.constant 16 : i32
          %parallel_loop3A_388 = vector.broadcast %parallel_loop3A_387 : i32 to vector<16xi32>
          %parallel_loop3A_389 = arith.shli %parallel_loop3A_382, %parallel_loop3A_388 : vector<16xi32>
          %parallel_loop3A_390 = tpu.bitcast %parallel_loop3A_389 : vector<16xi32> -> vector<16xf32>
          %parallel_loop3A_391 = arith.constant -65536 : i32
          %parallel_loop3A_392 = vector.broadcast %parallel_loop3A_391 : i32 to vector<16xi32>
          %parallel_loop3A_393 = arith.andi %parallel_loop3A_378, %parallel_loop3A_392 : vector<16xi32>
          %parallel_loop3A_394 = tpu.bitcast %parallel_loop3A_393 : vector<16xi32> -> vector<16xf32>
          %parallel_loop3A_395 = arith.constant -65536 : i32
          %parallel_loop3A_396 = vector.broadcast %parallel_loop3A_395 : i32 to vector<16xi32>
          %parallel_loop3A_397 = arith.andi %parallel_loop3A_382, %parallel_loop3A_396 : vector<16xi32>
          %parallel_loop3A_398 = tpu.bitcast %parallel_loop3A_397 : vector<16xi32> -> vector<16xf32>
          %parallel_loop3A_399 = arith.mulf %parallel_loop3A_386, %parallel_loop3A_390 : vector<16xf32>
          %parallel_loop3A_400 = arith.index_cast %parallel_loop3A_230 : i32 to index
          %parallel_loop3A_401 = arith.constant 64 : index
          %parallel_loop3A_402 = tpu.vector_load %arg20[%parallel_loop3A_400, %parallel_loop3A_401] {strides = array<i32>} : memref<80x256xf32, #tpu.memory_space<vmem>>, vector<1x16xf32>,
          %parallel_loop3A_403 = vector.shape_cast %parallel_loop3A_402 : vector<1x16xf32> to vector<16xf32>
          %parallel_loop3A_404 = vector.shape_cast %parallel_loop3A_399 : vector<16xf32> to vector<1x16xf32>
          tpu.vector_store %arg20[%parallel_loop3A_400, %parallel_loop3A_401], %parallel_loop3A_404 {strides = array<i32>} : memref<80x256xf32, #tpu.memory_space<vmem>>, vector<1x16xf32>,
          %parallel_loop3A_405 = arith.mulf %parallel_loop3A_394, %parallel_loop3A_398 : vector<16xf32>
          %parallel_loop3A_406 = arith.index_cast %parallel_loop3A_230 : i32 to index
          %parallel_loop3A_407 = arith.constant 192 : index
          %parallel_loop3A_408 = tpu.vector_load %arg20[%parallel_loop3A_406, %parallel_loop3A_407] {strides = array<i32>} : memref<80x256xf32, #tpu.memory_space<vmem>>, vector<1x16xf32>,
          %parallel_loop3A_409 = vector.shape_cast %parallel_loop3A_408 : vector<1x16xf32> to vector<16xf32>
          %parallel_loop3A_410 = vector.shape_cast %parallel_loop3A_405 : vector<16xf32> to vector<1x16xf32>
          tpu.vector_store %arg20[%parallel_loop3A_406, %parallel_loop3A_407], %parallel_loop3A_410 {strides = array<i32>} : memref<80x256xf32, #tpu.memory_space<vmem>>, vector<1x16xf32>,
          %parallel_loop3A_411 = arith.index_cast %parallel_loop3A_230 : i32 to index
          %parallel_loop3A_412 = arith.constant 80 : index
          %parallel_loop3A_413 = tpu.vector_load %arg16[%parallel_loop3A_411, %parallel_loop3A_412] {strides = array<i32>} : memref<80x128xi32, #tpu.memory_space<vmem>>, vector<1x16xi32>,
          %parallel_loop3A_414 = vector.shape_cast %parallel_loop3A_413 : vector<1x16xi32> to vector<16xi32>
          %parallel_loop3A_415 = arith.index_cast %parallel_loop3A_230 : i32 to index
          %parallel_loop3A_416 = arith.constant 80 : index
          %parallel_loop3A_417 = tpu.vector_load %arg17[%parallel_loop3A_415, %parallel_loop3A_416] {strides = array<i32>} : memref<80x128xi32, #tpu.memory_space<vmem>>, vector<1x16xi32>,
          %parallel_loop3A_418 = vector.shape_cast %parallel_loop3A_417 : vector<1x16xi32> to vector<16xi32>
          %parallel_loop3A_419 = arith.constant 16 : i32
          %parallel_loop3A_420 = vector.broadcast %parallel_loop3A_419 : i32 to vector<16xi32>
          %parallel_loop3A_421 = arith.shli %parallel_loop3A_414, %parallel_loop3A_420 : vector<16xi32>
          %parallel_loop3A_422 = tpu.bitcast %parallel_loop3A_421 : vector<16xi32> -> vector<16xf32>
          %parallel_loop3A_423 = arith.constant 16 : i32
          %parallel_loop3A_424 = vector.broadcast %parallel_loop3A_423 : i32 to vector<16xi32>
          %parallel_loop3A_425 = arith.shli %parallel_loop3A_418, %parallel_loop3A_424 : vector<16xi32>
          %parallel_loop3A_426 = tpu.bitcast %parallel_loop3A_425 : vector<16xi32> -> vector<16xf32>
          %parallel_loop3A_427 = arith.constant -65536 : i32
          %parallel_loop3A_428 = vector.broadcast %parallel_loop3A_427 : i32 to vector<16xi32>
          %parallel_loop3A_429 = arith.andi %parallel_loop3A_414, %parallel_loop3A_428 : vector<16xi32>
          %parallel_loop3A_430 = tpu.bitcast %parallel_loop3A_429 : vector<16xi32> -> vector<16xf32>
          %parallel_loop3A_431 = arith.constant -65536 : i32
          %parallel_loop3A_432 = vector.broadcast %parallel_loop3A_431 : i32 to vector<16xi32>
          %parallel_loop3A_433 = arith.andi %parallel_loop3A_418, %parallel_loop3A_432 : vector<16xi32>
          %parallel_loop3A_434 = tpu.bitcast %parallel_loop3A_433 : vector<16xi32> -> vector<16xf32>
          %parallel_loop3A_435 = arith.mulf %parallel_loop3A_422, %parallel_loop3A_426 : vector<16xf32>
          %parallel_loop3A_436 = arith.index_cast %parallel_loop3A_230 : i32 to index
          %parallel_loop3A_437 = arith.constant 80 : index
          %parallel_loop3A_438 = tpu.vector_load %arg20[%parallel_loop3A_436, %parallel_loop3A_437] {strides = array<i32>} : memref<80x256xf32, #tpu.memory_space<vmem>>, vector<1x16xf32>,
          %parallel_loop3A_439 = vector.shape_cast %parallel_loop3A_438 : vector<1x16xf32> to vector<16xf32>
          %parallel_loop3A_440 = vector.shape_cast %parallel_loop3A_435 : vector<16xf32> to vector<1x16xf32>
          tpu.vector_store %arg20[%parallel_loop3A_436, %parallel_loop3A_437], %parallel_loop3A_440 {strides = array<i32>} : memref<80x256xf32, #tpu.memory_space<vmem>>, vector<1x16xf32>,
          %parallel_loop3A_441 = arith.mulf %parallel_loop3A_430, %parallel_loop3A_434 : vector<16xf32>
          %parallel_loop3A_442 = arith.index_cast %parallel_loop3A_230 : i32 to index
          %parallel_loop3A_443 = arith.constant 208 : index
          %parallel_loop3A_444 = tpu.vector_load %arg20[%parallel_loop3A_442, %parallel_loop3A_443] {strides = array<i32>} : memref<80x256xf32, #tpu.memory_space<vmem>>, vector<1x16xf32>,
          %parallel_loop3A_445 = vector.shape_cast %parallel_loop3A_444 : vector<1x16xf32> to vector<16xf32>
          %parallel_loop3A_446 = vector.shape_cast %parallel_loop3A_441 : vector<16xf32> to vector<1x16xf32>
          tpu.vector_store %arg20[%parallel_loop3A_442, %parallel_loop3A_443], %parallel_loop3A_446 {strides = array<i32>} : memref<80x256xf32, #tpu.memory_space<vmem>>, vector<1x16xf32>,
          %parallel_loop3A_447 = arith.index_cast %parallel_loop3A_230 : i32 to index
          %parallel_loop3A_448 = arith.constant 96 : index
          %parallel_loop3A_449 = tpu.vector_load %arg16[%parallel_loop3A_447, %parallel_loop3A_448] {strides = array<i32>} : memref<80x128xi32, #tpu.memory_space<vmem>>, vector<1x16xi32>,
          %parallel_loop3A_450 = vector.shape_cast %parallel_loop3A_449 : vector<1x16xi32> to vector<16xi32>
          %parallel_loop3A_451 = arith.index_cast %parallel_loop3A_230 : i32 to index
          %parallel_loop3A_452 = arith.constant 96 : index
          %parallel_loop3A_453 = tpu.vector_load %arg17[%parallel_loop3A_451, %parallel_loop3A_452] {strides = array<i32>} : memref<80x128xi32, #tpu.memory_space<vmem>>, vector<1x16xi32>,
          %parallel_loop3A_454 = vector.shape_cast %parallel_loop3A_453 : vector<1x16xi32> to vector<16xi32>
          %parallel_loop3A_455 = arith.constant 16 : i32
          %parallel_loop3A_456 = vector.broadcast %parallel_loop3A_455 : i32 to vector<16xi32>
          %parallel_loop3A_457 = arith.shli %parallel_loop3A_450, %parallel_loop3A_456 : vector<16xi32>
          %parallel_loop3A_458 = tpu.bitcast %parallel_loop3A_457 : vector<16xi32> -> vector<16xf32>
          %parallel_loop3A_459 = arith.constant 16 : i32
          %parallel_loop3A_460 = vector.broadcast %parallel_loop3A_459 : i32 to vector<16xi32>
          %parallel_loop3A_461 = arith.shli %parallel_loop3A_454, %parallel_loop3A_460 : vector<16xi32>
          %parallel_loop3A_462 = tpu.bitcast %parallel_loop3A_461 : vector<16xi32> -> vector<16xf32>
          %parallel_loop3A_463 = arith.constant -65536 : i32
          %parallel_loop3A_464 = vector.broadcast %parallel_loop3A_463 : i32 to vector<16xi32>
          %parallel_loop3A_465 = arith.andi %parallel_loop3A_450, %parallel_loop3A_464 : vector<16xi32>
          %parallel_loop3A_466 = tpu.bitcast %parallel_loop3A_465 : vector<16xi32> -> vector<16xf32>
          %parallel_loop3A_467 = arith.constant -65536 : i32
          %parallel_loop3A_468 = vector.broadcast %parallel_loop3A_467 : i32 to vector<16xi32>
          %parallel_loop3A_469 = arith.andi %parallel_loop3A_454, %parallel_loop3A_468 : vector<16xi32>
          %parallel_loop3A_470 = tpu.bitcast %parallel_loop3A_469 : vector<16xi32> -> vector<16xf32>
          %parallel_loop3A_471 = arith.mulf %parallel_loop3A_458, %parallel_loop3A_462 : vector<16xf32>
          %parallel_loop3A_472 = arith.index_cast %parallel_loop3A_230 : i32 to index
          %parallel_loop3A_473 = arith.constant 96 : index
          %parallel_loop3A_474 = tpu.vector_load %arg20[%parallel_loop3A_472, %parallel_loop3A_473] {strides = array<i32>} : memref<80x256xf32, #tpu.memory_space<vmem>>, vector<1x16xf32>,
          %parallel_loop3A_475 = vector.shape_cast %parallel_loop3A_474 : vector<1x16xf32> to vector<16xf32>
          %parallel_loop3A_476 = vector.shape_cast %parallel_loop3A_471 : vector<16xf32> to vector<1x16xf32>
          tpu.vector_store %arg20[%parallel_loop3A_472, %parallel_loop3A_473], %parallel_loop3A_476 {strides = array<i32>} : memref<80x256xf32, #tpu.memory_space<vmem>>, vector<1x16xf32>,
          %parallel_loop3A_477 = arith.mulf %parallel_loop3A_466, %parallel_loop3A_470 : vector<16xf32>
          %parallel_loop3A_478 = arith.index_cast %parallel_loop3A_230 : i32 to index
          %parallel_loop3A_479 = arith.constant 224 : index
          %parallel_loop3A_480 = tpu.vector_load %arg20[%parallel_loop3A_478, %parallel_loop3A_479] {strides = array<i32>} : memref<80x256xf32, #tpu.memory_space<vmem>>, vector<1x16xf32>,
          %parallel_loop3A_481 = vector.shape_cast %parallel_loop3A_480 : vector<1x16xf32> to vector<16xf32>
          %parallel_loop3A_482 = vector.shape_cast %parallel_loop3A_477 : vector<16xf32> to vector<1x16xf32>
          tpu.vector_store %arg20[%parallel_loop3A_478, %parallel_loop3A_479], %parallel_loop3A_482 {strides = array<i32>} : memref<80x256xf32, #tpu.memory_space<vmem>>, vector<1x16xf32>,
          %parallel_loop3A_483 = arith.index_cast %parallel_loop3A_230 : i32 to index
          %parallel_loop3A_484 = arith.constant 112 : index
          %parallel_loop3A_485 = tpu.vector_load %arg16[%parallel_loop3A_483, %parallel_loop3A_484] {strides = array<i32>} : memref<80x128xi32, #tpu.memory_space<vmem>>, vector<1x16xi32>,
          %parallel_loop3A_486 = vector.shape_cast %parallel_loop3A_485 : vector<1x16xi32> to vector<16xi32>
          %parallel_loop3A_487 = arith.index_cast %parallel_loop3A_230 : i32 to index
          %parallel_loop3A_488 = arith.constant 112 : index
          %parallel_loop3A_489 = tpu.vector_load %arg17[%parallel_loop3A_487, %parallel_loop3A_488] {strides = array<i32>} : memref<80x128xi32, #tpu.memory_space<vmem>>, vector<1x16xi32>,
          %parallel_loop3A_490 = vector.shape_cast %parallel_loop3A_489 : vector<1x16xi32> to vector<16xi32>
          %parallel_loop3A_491 = arith.constant 16 : i32
          %parallel_loop3A_492 = vector.broadcast %parallel_loop3A_491 : i32 to vector<16xi32>
          %parallel_loop3A_493 = arith.shli %parallel_loop3A_486, %parallel_loop3A_492 : vector<16xi32>
          %parallel_loop3A_494 = tpu.bitcast %parallel_loop3A_493 : vector<16xi32> -> vector<16xf32>
          %parallel_loop3A_495 = arith.constant 16 : i32
          %parallel_loop3A_496 = vector.broadcast %parallel_loop3A_495 : i32 to vector<16xi32>
          %parallel_loop3A_497 = arith.shli %parallel_loop3A_490, %parallel_loop3A_496 : vector<16xi32>
          %parallel_loop3A_498 = tpu.bitcast %parallel_loop3A_497 : vector<16xi32> -> vector<16xf32>
          %parallel_loop3A_499 = arith.constant -65536 : i32
          %parallel_loop3A_500 = vector.broadcast %parallel_loop3A_499 : i32 to vector<16xi32>
          %parallel_loop3A_501 = arith.andi %parallel_loop3A_486, %parallel_loop3A_500 : vector<16xi32>
          %parallel_loop3A_502 = tpu.bitcast %parallel_loop3A_501 : vector<16xi32> -> vector<16xf32>
          %parallel_loop3A_503 = arith.constant -65536 : i32
          %parallel_loop3A_504 = vector.broadcast %parallel_loop3A_503 : i32 to vector<16xi32>
          %parallel_loop3A_505 = arith.andi %parallel_loop3A_490, %parallel_loop3A_504 : vector<16xi32>
          %parallel_loop3A_506 = tpu.bitcast %parallel_loop3A_505 : vector<16xi32> -> vector<16xf32>
          %parallel_loop3A_507 = arith.mulf %parallel_loop3A_494, %parallel_loop3A_498 : vector<16xf32>
          %parallel_loop3A_508 = arith.index_cast %parallel_loop3A_230 : i32 to index
          %parallel_loop3A_509 = arith.constant 112 : index
          %parallel_loop3A_510 = tpu.vector_load %arg20[%parallel_loop3A_508, %parallel_loop3A_509] {strides = array<i32>} : memref<80x256xf32, #tpu.memory_space<vmem>>, vector<1x16xf32>,
          %parallel_loop3A_511 = vector.shape_cast %parallel_loop3A_510 : vector<1x16xf32> to vector<16xf32>
          %parallel_loop3A_512 = vector.shape_cast %parallel_loop3A_507 : vector<16xf32> to vector<1x16xf32>
          tpu.vector_store %arg20[%parallel_loop3A_508, %parallel_loop3A_509], %parallel_loop3A_512 {strides = array<i32>} : memref<80x256xf32, #tpu.memory_space<vmem>>, vector<1x16xf32>,
          %parallel_loop3A_513 = arith.mulf %parallel_loop3A_502, %parallel_loop3A_506 : vector<16xf32>
          %parallel_loop3A_514 = arith.index_cast %parallel_loop3A_230 : i32 to index
          %parallel_loop3A_515 = arith.constant 240 : index
          %parallel_loop3A_516 = tpu.vector_load %arg20[%parallel_loop3A_514, %parallel_loop3A_515] {strides = array<i32>} : memref<80x256xf32, #tpu.memory_space<vmem>>, vector<1x16xf32>,
          %parallel_loop3A_517 = vector.shape_cast %parallel_loop3A_516 : vector<1x16xf32> to vector<16xf32>
          %parallel_loop3A_518 = vector.shape_cast %parallel_loop3A_513 : vector<16xf32> to vector<1x16xf32>
          tpu.vector_store %arg20[%parallel_loop3A_514, %parallel_loop3A_515], %parallel_loop3A_518 {strides = array<i32>} : memref<80x256xf32, #tpu.memory_space<vmem>>, vector<1x16xf32>,
        } {sc.loop_unroll_factor = 4 : i64, sc.parallel_access}
        %mul3A_221 = arith.constant 32 : i32
        %mul3A_222 = arith.muli %add3A_168, %mul3A_221 : i32
        %add3A_223 = arith.addi %add3A, %mul3A_222 : i32
        %mul3A_224 = arith.constant 80 : i32
        %mul3A_225 = arith.muli %add3A_223, %mul3A_224 : i32
        %dma_start3A_226 = arith.constant 0 : i32
        %dma_start3A_227 = tpu.memref_slice %arg5[%mul3A_225, %dma_start3A_226] : memref<160000x256xf32, #tpu.memory_space<hbm>> -> memref<80x256xf32, #tpu.memory_space<hbm>>
        %dma_start3A_228 = arith.constant 0 : i32
        %dma_start3A_229 = tpu.memref_slice %arg5[%mul3A_225, %dma_start3A_228] : memref<160000x256xf32, #tpu.memory_space<hbm>> -> memref<80x256xf32, #tpu.memory_space<hbm>>
        tpu.enqueue_dma source(%arg20 : memref<80x256xf32, #tpu.memory_space<vmem>>) target(%dma_start3A_229 : memref<80x256xf32, #tpu.memory_space<hbm>>) target_semaphore(%arg29 : memref<!tpu.dma_semaphore, #tpu.memory_space<semaphore_mem>>)
      } else {
      }
      %scan3A_218 = arith.constant 0 : i32
      scf.yield %scan3A_218 : i32
    }
    %scan3A_68 = arith.constant 22 : i32
    return
  }
}

module attributes {stable_mosaic.version = 14 : i64} {
  func.func @_ln_body(%arg0: i32, %arg1: memref<5000x256xf32, #tpu.memory_space<vmem>>, %arg2: memref<256xf32, #tpu.memory_space<vmem>>, %arg3: memref<256xf32, #tpu.memory_space<vmem>>, %arg4: memref<5000x128xi32, #tpu.memory_space<vmem>>) attributes {dimension_semantics = [#tpu.dimension_semantics<arbitrary>], iteration_bounds = array<i64: 2>, scalar_prefetch = 0 : i64, scratch_operands = 0 : i64, tpu.core_type = #tpu.core_type<tc>, window_params = [{transform_indices = @transform_0, window_bounds = array<i64: 5000, 256>}, {pipeline_mode = #tpu.pipeline_mode<synchronous>, transform_indices = @transform_1, window_bounds = array<i64: 256>}, {pipeline_mode = #tpu.pipeline_mode<synchronous>, transform_indices = @transform_2, window_bounds = array<i64: 256>}, {transform_indices = @transform_3, window_bounds = array<i64: 5000, 128>}]} {
    %get3A = arith.constant 0 : index
    %get3A_0 = arith.constant 0 : index
    %get3A_1 = vector.load %arg1[%get3A, %get3A_0] : memref<5000x256xf32, #tpu.memory_space<vmem>>, vector<5000x256xf32>
    %reduce_sum3A = arith.constant dense<0.000000e+00> : vector<5000xf32>
    %reduce_sum3A_2 = vector.multi_reduction <add>, %get3A_1, %reduce_sum3A [1] : vector<5000x256xf32> to vector<5000xf32>
    %broadcast_in_dim3A = vector.shape_cast %reduce_sum3A_2 : vector<5000xf32> to vector<5000x1xf32>
    %div3A = arith.constant 2.560000e+02 : f32
    %div3A_3 = vector.broadcast %div3A : f32 to vector<5000x1xf32>
    %div3A_4 = arith.divf %broadcast_in_dim3A, %div3A_3 : vector<5000x1xf32>
    %sub3A = vector.broadcast %div3A_4 : vector<5000x1xf32> to vector<5000x256xf32>
    %sub3A_5 = arith.subf %get3A_1, %sub3A : vector<5000x256xf32>
    %integer_pow3A = arith.mulf %sub3A_5, %sub3A_5 : vector<5000x256xf32>
    %reduce_sum3A_6 = arith.constant dense<0.000000e+00> : vector<5000xf32>
    %reduce_sum3A_7 = vector.multi_reduction <add>, %integer_pow3A, %reduce_sum3A_6 [1] : vector<5000x256xf32> to vector<5000xf32>
    %broadcast_in_dim3A_8 = vector.shape_cast %reduce_sum3A_7 : vector<5000xf32> to vector<5000x1xf32>
    %div3A_9 = arith.constant 2.560000e+02 : f32
    %div3A_10 = vector.broadcast %div3A_9 : f32 to vector<5000x1xf32>
    %div3A_11 = arith.divf %broadcast_in_dim3A_8, %div3A_10 : vector<5000x1xf32>
    %sub3A_12 = vector.broadcast %div3A_4 : vector<5000x1xf32> to vector<5000x256xf32>
    %sub3A_13 = arith.subf %get3A_1, %sub3A_12 : vector<5000x256xf32>
    %add3A = arith.constant 9.99999974E-6 : f32
    %add3A_14 = vector.broadcast %add3A : f32 to vector<5000x1xf32>
    %add3A_15 = arith.addf %div3A_11, %add3A_14 : vector<5000x1xf32>
    %rsqrt3A = math.rsqrt %add3A_15 : vector<5000x1xf32>
    %mul3A = vector.broadcast %rsqrt3A : vector<5000x1xf32> to vector<5000x256xf32>
    %mul3A_16 = arith.mulf %sub3A_13, %mul3A : vector<5000x256xf32>
    %get3A_17 = arith.constant 0 : index
    %get3A_18 = vector.load %arg2[%get3A_17] : memref<256xf32, #tpu.memory_space<vmem>>, vector<256xf32>
    %broadcast_in_dim3A_19 = vector.shape_cast %get3A_18 : vector<256xf32> to vector<1x256xf32>
    %mul3A_20 = vector.broadcast %broadcast_in_dim3A_19 : vector<1x256xf32> to vector<5000x256xf32>
    %mul3A_21 = arith.mulf %mul3A_16, %mul3A_20 : vector<5000x256xf32>
    %get3A_22 = arith.constant 0 : index
    %get3A_23 = vector.load %arg3[%get3A_22] : memref<256xf32, #tpu.memory_space<vmem>>, vector<256xf32>
    %broadcast_in_dim3A_24 = vector.shape_cast %get3A_23 : vector<256xf32> to vector<1x256xf32>
    %add3A_25 = vector.broadcast %broadcast_in_dim3A_24 : vector<1x256xf32> to vector<5000x256xf32>
    %add3A_26 = arith.addf %mul3A_21, %add3A_25 : vector<5000x256xf32>
    %slice3A = vector.extract_strided_slice %add3A_26 {offsets = [0, 0], sizes = [5000, 128], strides = [1, 1]} : vector<5000x256xf32> to vector<5000x128xf32>
    %convert_element_type3A = arith.truncf %slice3A : vector<5000x128xf32> to vector<5000x128xbf16>
    %bitcast_convert_type3A = tpu.bitcast %convert_element_type3A : vector<5000x128xbf16> -> vector<5000x128xi16>
    %slice3A_27 = vector.extract_strided_slice %add3A_26 {offsets = [0, 128], sizes = [5000, 128], strides = [1, 1]} : vector<5000x256xf32> to vector<5000x128xf32>
    %convert_element_type3A_28 = arith.truncf %slice3A_27 : vector<5000x128xf32> to vector<5000x128xbf16>
    %bitcast_convert_type3A_29 = tpu.bitcast %convert_element_type3A_28 : vector<5000x128xbf16> -> vector<5000x128xi16>
    %convert_element_type3A_30 = arith.extui %bitcast_convert_type3A : vector<5000x128xi16> to vector<5000x128xi32>
    %convert_element_type3A_31 = arith.extui %bitcast_convert_type3A_29 : vector<5000x128xi16> to vector<5000x128xi32>
    %shift_left3A = arith.constant 16 : i32
    %shift_left3A_32 = vector.broadcast %shift_left3A : i32 to vector<5000x128xi32>
    %shift_left3A_33 = arith.shli %convert_element_type3A_31, %shift_left3A_32 : vector<5000x128xi32>
    %or3A = arith.ori %convert_element_type3A_30, %shift_left3A_33 : vector<5000x128xi32>
    %bitcast_convert_type3A_34 = tpu.bitcast %or3A : vector<5000x128xi32> -> vector<5000x128xi32>
    %swap3A = arith.constant 0 : index
    %swap3A_35 = arith.constant 0 : index
    %swap3A_36 = vector.load %arg4[%swap3A, %swap3A_35] : memref<5000x128xi32, #tpu.memory_space<vmem>>, vector<5000x128xi32>
    tpu.vector_store %arg4[%swap3A, %swap3A_35], %bitcast_convert_type3A_34 {strides = array<i32>} : memref<5000x128xi32, #tpu.memory_space<vmem>>, vector<5000x128xi32>,
    return
  }
  func.func @transform_0(%arg0: i32) -> (i32, i32) {
    %c0_i32 = arith.constant 0 : i32
    %c0_i32_0 = arith.constant 0 : i32
    return %arg0, %c0_i32 : i32, i32
  }
  func.func @transform_1(%arg0: i32) -> i32 {
    %c0_i32 = arith.constant 0 : i32
    %c0_i32_0 = arith.constant 0 : i32
    return %c0_i32 : i32
  }
  func.func @transform_2(%arg0: i32) -> i32 {
    %c0_i32 = arith.constant 0 : i32
    %c0_i32_0 = arith.constant 0 : i32
    return %c0_i32 : i32
  }
  func.func @transform_3(%arg0: i32) -> (i32, i32) {
    %c0_i32 = arith.constant 0 : i32
    %c0_i32_0 = arith.constant 0 : i32
    return %arg0, %c0_i32 : i32, i32
  }
}

</mosaic_0001>

<sc_bundles>
// kernel: kernel.4.cloned.1.call-start
scs
__scs_entry_jumppad:
0x0: {  	(pc) =	sbr.rel $0x88, $3  }
0x1: {  	(tag) =	ssettag $0x0;
	lr =	simm.s32 $0x1  }
0x2: {  	[smem:$0x3F9D] =	sst lr;
	_ =	strace $0xD0000000  }
0x3: {  	_ = 	snop  }
0x4: {  	_ = 	snop  }
0x5: {  	_ = 	snop  }
0x6: {  	_ = 	snop  }
0x7: {  	_ = 	snop  }
__scs_overlays_trampoline_lowered:
0x8: {  	[smem:$0x3FAC] =	sst s0  }
0x9: {  	[smem:$0x3FAD] =	sst s1  }
0xa: {  	[smem:$0x3FAE] =	sst s2  }
0xb: {  	[smem:$0x3FAF] =	sst s3  }
0xc: {  	[smem:$0x3FB0] =	sst s4  }
0xd: {  	[smem:$0x3FB1] =	sst s5  }
0xe: {  	[smem:$0x3FB2] =	sst s6  }
0xf: {  	[smem:$0x3FB3] =	sst s7  }
0x10: {  	[smem:$0x3FB4] =	sst s8  }
0x11: {  	[smem:$0x3FB5] =	sst s9;
	s0 =	simm.s32 @!p0 $0x0  }
0x12: {  	s1 =	sld [smem:$0x3F9B];
	s0 =	simm.s32 @p0 $0x1  }
0x13: {  	[smem:$0x3FB6] =	sst s0;
	s0 =	simm.s32 @!p1 $0x0  }
0x14: {  	s2 =	sld [smem:$0x3F9A];
	s0 =	simm.s32 @p1 $0x1  }
0x15: {  	[smem:$0x3FB7] =	sst s0;
	s0 =	simm.s32 @!p2 $0x0  }
0x16: {  	s3 =	sld [smem:$0x3FDB];
	s0 =	simm.s32 @p2 $0x1  }
0x17: {  	s4 =	simm.s32 $0x1BF5;
	[smem:$0x3FB9] =	sst s0  }
0x18: {  	s0 =	sld [smem:$0x3F9C];
	_ =	swait.ge [sflag:s4], $0x0  }
0x19: {  	s7 =	sld [smem:$0x3F9D]  }
0x1a: {  	s8 =	sadd.s32 $0xFFFFE003, lr  }
0x1b: {  	s9 =	sadd.s32 $0xFFFFFEF7, lr;
	s5 =	simm.s32 $0xFFFFFFFF;
	p2 =	slt.u32 s8, $0xFFFFF086  }
0x1c: {  	p1 =	slt.u32 s9, $0xF7A;
	s5 =	simm.s32 @!p2 $0x0  }
0x1d: {  	s5 =	simm.s32 @p1 $0x1;
	p0 =	seq.s32 s7, s2  }
0x1e: {  	s7 =	smul.u32 @!p0 $0xF7A, s2;
	p2 =	seq.s32 @!p0 s5, $0x0  }
0x1f: {  	s9 =	smul.u32 $0xF7A, s1;
	s8 =	simm.s32 @!p0 $0x1BF5;
	p2 =	por !p2, p0  }
0x20: {  	[sflag:s8] =	ssyncset.s32 @!p0 $0xFFFFF086;
	s6 =	sadd.s32 @!p0 s3, s7;
	s7 =	simm.s32 @!p0 $0x108  }
0x21: {  	s3 =	sadd.s32 s3, s9;
	s6 =	sadd.s32 @!p0 $0x88, s6;
	s7 =	simm.s32 @p2 $0x1082  }
0x22: {  	[simem:s7], [sflag:s8] =	dma.local @!p0 [hbm:s6], $0xF7A  }
0x23: {  	s9 =	sor.u32 $0xD0000000, s2;
	s6 =	simm.s32 $0x108;
	_ =	swait.ge @!p0 [sflag:s8], $0x0  }
0x24: {  	s3 =	sadd.s32 $0x88, s3;
	s6 =	simm.s32 @!p1 $0x1082;
	[sflag:s4] =	ssyncset.s32 $0xFFFFF086  }
0x25: {  	[simem:s6], [sflag:s4] =	dma.local [hbm:s3], $0xF7A  }
0x26: {  	[smem:$0x3F9D] =	sst s1;
	(tag) =	ssettag s2;
	_ =	strace s9  }
0x27: {  	s1 =	sld [smem:$0x3FAD]  }
0x28: {  	s2 =	sld [smem:$0x3FAE]  }
0x29: {  	s4 =	sld [smem:$0x3FB0]  }
0x2a: {  	p0 =	seq.s32 s5, $0x0;
	s5 =	sld [smem:$0x3FB1]  }
0x2b: {  	s6 =	sld [smem:$0x3FB2]  }
0x2c: {  	s7 =	sld [smem:$0x3FB3]  }
0x2d: {  	s3 =	simm.s32 $0x108;
	s8 =	sld [smem:$0x3FB4]  }
0x2e: {  	s3 =	simm.s32 @!p0 $0x1082;
	s9 =	sld [smem:$0x3FB5]  }
0x2f: {  	lr =	sadd.s32 s0, s3;
	s0 =	sld [smem:$0x3FAC]  }
0x30: {  	s3 =	sld [smem:$0x3FAF]  }
0x31: {  	[smem:$0x3FB8] =	sst s10  }
0x32: {  	s10 =	sld [smem:$0x3FB6];
	_ =	sdelay $0x3  }
0x33: {  	p0 =	seq.s32 s10, $0x1;
	s10 =	sld [smem:$0x3FB8];
	_ =	sdelay $0x3  }
0x34: {  	[smem:$0x3FB8] =	sst s10  }
0x35: {  	s10 =	sld [smem:$0x3FB7];
	_ =	sdelay $0x3  }
0x36: {  	p1 =	seq.s32 s10, $0x1;
	s10 =	sld [smem:$0x3FB8];
	_ =	sdelay $0x3  }
0x37: {  	[smem:$0x3FB8] =	sst s10  }
0x38: {  	s10 =	sld [smem:$0x3FB9]  }
0x39: {  	_ = 	snop;
	(pc) =	sbr.ind lr, $3  }
0x3a: {  	_ = 	snop  }
0x3b: {  	_ = 	snop  }
0x3c: {  	p2 =	seq.s32 s10, $0x1;
	s10 =	sld [smem:$0x3FB8]  }
0x3d: {  	_ =	shalt  }
0x3e: {  	_ =	shalt  }
0x3f: {  	_ =	shalt  }
0x40: {  	_ =	shalt  }
0x41: {  	_ =	shalt  }
0x42: {  	_ =	shalt  }
0x43: {  	_ =	shalt  }
0x44: {  	_ =	shalt  }
0x45: {  	_ =	shalt  }
0x46: {  	_ =	shalt  }
0x47: {  	_ =	shalt  }
0x48: {  	_ =	shalt  }
0x49: {  	_ =	shalt  }
0x4a: {  	_ =	shalt  }
0x4b: {  	_ =	shalt  }
0x4c: {  	_ =	shalt  }
0x4d: {  	_ =	shalt  }
0x4e: {  	_ =	shalt  }
0x4f: {  	_ =	shalt  }
0x50: {  	_ =	shalt  }
0x51: {  	_ =	shalt  }
0x52: {  	_ =	shalt  }
0x53: {  	_ =	shalt  }
0x54: {  	_ =	shalt  }
0x55: {  	_ =	shalt  }
0x56: {  	_ =	shalt  }
0x57: {  	_ =	shalt  }
0x58: {  	_ =	shalt  }
0x59: {  	_ =	shalt  }
0x5a: {  	_ =	shalt  }
0x5b: {  	_ =	shalt  }
0x5c: {  	_ =	shalt  }
0x5d: {  	_ =	shalt  }
0x5e: {  	_ =	shalt  }
0x5f: {  	_ =	shalt  }
0x60: {  	_ =	shalt  }
0x61: {  	_ =	shalt  }
0x62: {  	_ =	shalt  }
0x63: {  	_ =	shalt  }
0x64: {  	_ =	shalt  }
0x65: {  	_ =	shalt  }
0x66: {  	_ =	shalt  }
0x67: {  	_ =	shalt  }
0x68: {  	_ =	shalt  }
0x69: {  	_ =	shalt  }
0x6a: {  	_ =	shalt  }
0x6b: {  	_ =	shalt  }
0x6c: {  	_ =	shalt  }
0x6d: {  	_ =	shalt  }
0x6e: {  	_ =	shalt  }
0x6f: {  	_ =	shalt  }
0x70: {  	_ =	shalt  }
0x71: {  	_ =	shalt  }
0x72: {  	_ =	shalt  }
0x73: {  	_ =	shalt  }
0x74: {  	_ =	shalt  }
0x75: {  	_ =	shalt  }
0x76: {  	_ =	shalt  }
0x77: {  	_ =	shalt  }
0x78: {  	_ =	shalt  }
0x79: {  	_ =	shalt  }
0x7a: {  	_ =	shalt  }
0x7b: {  	_ =	shalt  }
0x7c: {  	_ =	shalt  }
0x7d: {  	_ =	shalt  }
0x7e: {  	_ =	shalt  }
0x7f: {  	_ =	shalt  }
0x80: {  	_ =	shalt  }
0x81: {  	_ =	shalt  }
0x82: {  	_ =	shalt  }
0x83: {  	_ =	shalt  }
0x84: {  	_ =	shalt  }
0x85: {  	_ =	shalt  }
0x86: {  	_ =	shalt  }
0x87: {  	_ =	shalt  }
.Lfunc_end0:
.L_simem_size_0:
called_computation_lowered:
.L_overlay_start_0:
0x88: {  	s2 =	sld [smem:$0x3FD9]  }
0x89: {  	s3 =	sld [smem:$0x3FFE];
	_ =	sdelay $0x1  }
0x8a: {  	s1 =	srdreg.scid  }
0x8b: {  	s0 =	sand.u32 $0x1, s1  }
0x8c: {  	s17 =	sshll.u32 s0, $0xA;
	s2 =	sadd.s32 s3, s2  }
0x8d: {  	s2 =	sadd.s32 s2, s17  }
0x8e: {  	[smem:$0x3FC4] =	sst s2  }
0x8f: {  	_ = 	snop  }
0x90: {  	s2 =	sld [smem:$0x3FD0];
	(tm) =	ssettm $0x1  }
0x91: {  	s18 =	sld [smem:$0x3FFB];
	_ =	sdelay $0x3  }
0x92: {  	_ =	strace s18  }
0x93: {  	s3 =	sld [smem:$0x3FFC];
	_ =	sdelay $0x3  }
0x94: {  	_ =	strace s3  }
0x95: {  	s3 =	sld [smem:$0x3FFD];
	_ =	sdelay $0x3  }
0x96: {  	_ =	strace s3  }
0x97: {  	_ =	strace $0x8FFFFFFF  }
0x98: {  	s19 =	sld [smem:$0x3FDB];
	_ =	sdelay $0x1  }
0x99: {  	s4 =	simm.s32 $_scs_section_size  }
0x9a: {  	s5 =	simm.s32 $_size__tile_overlayer_lowered;
	s6 =	simm.s32 $_tile_overlayer_lowered  }
0x9b: {  	s22 =	simm.s32 $0x1BFF;
	s21 =	sshll.u32 s6, $0x1;
	s3 =	sadd.s32 s4, s19  }
0x9c: {  	s7 =	simm.s32 $0x0;
	s20 =	sshll.u32 s5, $0x1;
	s5 =	sadd.s32 s21, s3  }
0x9d: {  	[timem:s7], [sflag:s22] =	dma.local [hbm:s5], s20  }
0x9e: {  	_ =	swait.ge [sflag:s22], s20  }
0x9f: {  	s4 =	ssub.s32 $0x0, s20;
	[sflag:s22] =	ssyncset.done $0x0  }
0xa0: {  	[sflag:s22] =	ssyncadd.s32 s4;
	_ =	sdelay $0x1  }
0xa1: {  	s23 =	simm.s32 $0x1B8B  }
0xa2: {  	_ =	swait.ge [sflag:s23], $0x1  }
0xa3: {  	[sflag:s23] =	ssyncset.done $0x0  }
0xa4: {  	s25 =	simm.s32 $0x1B8E;
	s24 =	sld [smem:$0x3FFE];
	[sflag:s23] =	ssyncadd.s32 $0xFFFFFFFF  }
0xa5: {  	s26 =	simm.s32 $execute0_lowered;
	[smem:$0x3FD2] =	sst s25  }
0xa6: {  	s5 =	sshll.u32 s26, $0x1;
	_ =	strace $0x80000046;
	[dreg:$0x1] =	wrdreg $0xFFFFFFFF  }
0xa7: {  	s28 =	simm.s32 $_size_execute0_lowered;
	s3 =	sadd.s32 s3, s5;
	[dreg:$0x0] =	wrdreg $0x0  }
0xa8: {  	s5 =	sshll.u32 s28, $0x1;
	[dreg:$0x2] =	wrdreg s3  }
0xa9: {  	[dreg:$0x3] =	wrdreg s5  }
0xaa: {  	[dreg:$0x4] =	wrdreg $0xC0  }
0xab: {  	_ =	task [dreg:s7], $0x5FFFF  }
0xac: {  	[dreg:$0x1] =	wrdreg $0xFFFFFFFF  }
0xad: {  	[dreg:$0x0] =	wrdreg $0x60  }
0xae: {  	[dreg:$0x2] =	wrdreg s24  }
0xaf: {  	[dreg:$0x3] =	wrdreg s2  }
0xb0: {  	[dreg:$0x4] =	wrdreg $0x9  }
0xb1: {  	_ =	task.clear_ibuf [dreg:s7], $0x5FFFF;
	_ =	strace $0x90000046  }
0xb2: {  	s29 =	simm.s32 $0x9;
	_ =	strace $0x80000048  }
0xb3: {  	_ =	swait.ge [sflag:s29], $0x1  }
0xb4: {  	[sflag:s29] =	ssyncadd.s32 $0xFFFFFFFF  }
0xb5: {  	_ =	strace $0x90000048  }
0xb6: {  	_ =	sfence  }
0xb7: {  	s30 =	sld [smem:$0x0];
	_ =	sdelay $0x2  }
0xb8: {  	s31 =	sshll.u32 s1, $0xD;
	s1 =	sshrl.u32 s1, $0x2  }
0xb9: {  	s3 =	sand.u32 $0x4000, s31;
	s1 =	sadd.s32 s1, s30  }
0xba: {  	s0 =	sor.u32 s3, s0;
	s1 =	sshll.u32 s1, $0x11  }
0xbb: {  	s0 =	sor.u32 s1, s0  }
0xbc: {  	s0 =	sadd.s32 $0x8F2B, s0  }
0xbd: {  	[sflag:s0] =	ssyncadd.remote.s32 $0x1  }
0xbe: {  	_ =	sfence.sel $0xFFFF  }
0xbf: {  	[dreg:$0x0] =	wrdreg $0xFFFFFFFF;
	(pc) =	sbr.abs _section_cstart, $3  }
0xc0: {  	[dreg:$0x1] =	wrdreg $0xFFFFFFFF  }
0xc1: {  	_ =	task.clear_ibuf [dreg:s7], $0x2FFFF;
	_ =	strace $0x9FFFFFFF  }
0xc2: {  	(tm) =	ssettm $0x7FFFFFFF  }
0xc3: {  	_ =	shalt  }
tec
execute0_lowered:
.L_overlay_start_1:
0x0: {  	(tag) =	ssettag $0x1  }
0x1: {  	s0 =	rddreg [dreg:$0x0]  }
0x2: {  	s1 =	srdreg.scid;
	s2 =	stileid.u32;
	s3 =	simm.s32 $0x0  }
0x3: {  	s1 =	sand.u32 $0x1, s1;
	[smem:$0x7FF] =	sst s3;
	s5 =	sadd.s32 $0xA400, s0  }
0x4: {  	s6 =	sadd.s32 $0x5400, s0;
	_ =	strace $0x80000047;
	[smem:$0x7FB] =	sst s5  }
0x5: {  	s2 =	sshll.u32 s2, $0x1;
	s7 =	sadd.s32 $0x400, s0;
	[smem:$0x7FC] =	sst s6  }
0x6: {  	s4 =	sor.u32 s1, s2;
	[smem:$0x7FD] =	sst s7  }
0x7: {  	s25 =	sor.u32 $0x40, s4;
	[smem:$0x7F9] =	sst s4  }
0x8: {  	s26 =	sor.u32 $0x60, s4;
	[smem:$0x7F3] =	sst s25  }
0x9: {  	s1 =	ssub.s32 $0x2, s1;
	s28 =	sor.u32 $0x20, s4;
	[smem:$0x7F4] =	sst s26  }
0xa: {  	s2 =	smul.u32 $0xA, s4;
	s29 =	sor.u32 $0x80, s4;
	[smem:$0x7F5] =	sst s28  }
0xb: {  	s18 =	smul.u32 $0x50, s4;
	s30 =	sor.u32 $0xA0, s4;
	[smem:$0x7F6] =	sst s29  }
0xc: {  	s19 =	sshrl.u32 s1, $0x1;
	s31 =	ssub.s32 $0x7F0, s4;
	[smem:$0x7F7] =	sst s30  }
0xd: {  	s0 =	ssub.s32 s1, s19;
	[smem:$0x7FA] =	sst s31;
	s20 =	sadd.s32 s6, s2  }
0xe: {  	s21 =	sshrl.u32 s18, $0x3;
	s2 =	sadd.s32 s7, s2;
	[smem:$0x7ED] =	sst s20  }
0xf: {  	s0 =	smax.u32 s0, $0x1;
	[smem:$0x7EE] =	sst s2;
	s22 =	sadd.s32 $0x140, s21  }
.Ltmp0:
0x10: {  	[smem:$0x7F8] =	sst s0;
	s23 =	sadd.s32 s6, s22;
	(pc) =	sbr.rel .LBB2_1-.Ltmp0, $4  }
0x11: {  	s1 =	sadd.s32 $0x280, s21;
	s2 =	sadd.s32 s7, s22;
	[smem:$0x7EF] =	sst s23  }
0x12: {  	s24 =	sadd.s32 s6, s1;
	[smem:$0x7F0] =	sst s2  }
0x13: {  	s1 =	sadd.s32 s7, s1;
	[smem:$0x7F1] =	sst s24  }
0x14: {  	[smem:$0x7F2] =	sst s1;
	s1 =	simm.s32 $0x0  }
.LBB2_15:
0x15: {  	s1 =	sld [smem:$0x7EC]  }
0x16: {  	s0 =	sld [smem:$0x7F8];
	_ =	sdelay $0x1  }
0x17: {  	s1 =	sadd.s32 $0x1, s1  }
0x18: {  	p0 =	sne.s32 s1, s0  }
.Ltmp1:
0x19: {  	_ = 	snop;
	(pc) =	sbr.rel @!p0 .LBB2_16-.Ltmp1, $1  }
0x1a: {  	_ =	sdelay $0x3  }
.LBB2_1:
0x1b: {  	s17 =	sld [smem:$0x7ED];
	_ =	sdelay $0x1  }
0x1c: {  	s0 =	simm.s32 $0x0;
	s18 =	sld [smem:$0x7EE]  }
0x1d: {  	[tilespmem:s0], [sflag:$0x1] =	stream.linear.gather [hbm4b:s17+s0], $0x50, $0x38;
	[tilespmem:$0x1E300] =	vst v63  }
0x1e: {  	s2 =	simm.s32 $0x80;
	s19 =	sld [smem:$0x7EF]  }
0x1f: {  	[tilespmem:s2], [sflag:$0x1] =	stream.linear.gather [hbm4b:s18+s0], $0x50, $0x38;
	[tilespmem:$0x1E300] =	vst v63  }
0x20: {  	s3 =	simm.s32 $0x100;
	s20 =	sld [smem:$0x7F0]  }
0x21: {  	[tilespmem:s3], [sflag:$0x2] =	stream.linear.gather [hbm4b:s19+s0], $0x50, $0x38;
	[tilespmem:$0x1E300] =	vst v63  }
0x22: {  	s4 =	simm.s32 $0x180;
	s21 =	sld [smem:$0x7F1]  }
0x23: {  	[tilespmem:s4], [sflag:$0x2] =	stream.linear.gather [hbm4b:s20+s0], $0x50, $0x38;
	[tilespmem:$0x1E300] =	vst v63  }
0x24: {  	s8 =	simm.s32 $0x200;
	s22 =	sld [smem:$0x7F2]  }
0x25: {  	[tilespmem:s8], [sflag:$0x3] =	stream.linear.gather [hbm4b:s21+s0], $0x50, $0x38;
	[tilespmem:$0x1E300] =	vst v63  }
0x26: {  	[smem:$0x7EC] =	sst s1;
	s23 =	simm.s32 $0x280;
	s24 =	simm.s32 $0x1  }
0x27: {  	[tilespmem:s23], [sflag:$0x3] =	stream.linear.gather [hbm4b:s22+s0], $0x50, $0x38;
	[tilespmem:$0x1E300] =	vst v63  }
0x28: {  	_ =	swait.ge [sflag:s24], $0x50  }
0x29: {  	[sflag:s24] =	ssyncset.done $0x0  }
0x2a: {  	[sflag:s24] =	ssyncadd.s32 $0xFFFFFFB0  }
0x2b: {  	_ =	swait.ge [sflag:s24], $0x50  }
0x2c: {  	[sflag:s24] =	ssyncset.done $0x0  }
0x2d: {  	s25 =	simm.s32 $0x50;
	s26 =	simm.s32 $0x300;
	[sflag:s24] =	ssyncadd.s32 $0xFFFFFFB0  }
0x2e: {  	[tilespmem:s26], [sflag:$0x4] =	stream.indirect.gather [hbm4b:s5+s25], $0x80, s0, s25, $0xb8;
	[tilespmem:$0x1E300] =	vst v63  }
0x2f: {  	s28 =	simm.s32 $0x2B00;
	s29 =	simm.s32 $0x2  }
0x30: {  	[tilespmem:s28], [sflag:$0x4] =	stream.indirect.gather [hbm4b:s5+s25], $0x80, s2, s25, $0xb8;
	[tilespmem:$0x1E300] =	vst v63  }
0x31: {  	_ =	swait.ge [sflag:s29], $0x50  }
0x32: {  	[sflag:s29] =	ssyncset.done $0x0  }
0x33: {  	[sflag:s29] =	ssyncadd.s32 $0xFFFFFFB0  }
0x34: {  	_ =	swait.ge [sflag:s29], $0x50  }
.Ltmp2:
0x35: {  	[sflag:s29] =	ssyncset.done $0x0;
	(pc) =	sbr.rel .LBB2_2-.Ltmp2, $4  }
0x36: {  	s30 =	simm.s32 $0x5300;
	[sflag:s29] =	ssyncadd.s32 $0xFFFFFFB0  }
0x37: {  	[tilespmem:s30], [sflag:$0x5] =	stream.indirect.gather [hbm4b:s5+s25], $0x80, s3, s25, $0xb8;
	[tilespmem:$0x1E300] =	vst v63  }
0x38: {  	s31 =	simm.s32 $0x7B00;
	s0 =	simm.s32 $0x0  }
0x39: {  	[tilespmem:s31], [sflag:$0x5] =	stream.indirect.gather [hbm4b:s5+s25], $0x80, s4, s25, $0xb8;
	[tilespmem:$0x1E300] =	vst v63  }
.LBB2_14:
0x3a: {  	s0 =	sld [smem:$0x7EA];
	_ =	sdelay $0x2  }
0x3b: {  	s0 =	sadd.s32 $0x1, s0  }
0x3c: {  	p0 =	sne.s32 s0, $0x16  }
.Ltmp3:
0x3d: {  	_ = 	snop;
	(pc) =	sbr.rel @!p0 .LBB2_15-.Ltmp3, $1  }
0x3e: {  	_ =	sdelay $0x3  }
.LBB2_2:
0x3f: {  	s29 =	sld [smem:$0x7F3]  }
0x40: {  	s4 =	smul.u32 $0x60, s0;
	_ =	sdelay $0x1  }
0x41: {  	s3 =	smov.u32 s0;
	s0 =	sadd.s32 s29, s4  }
0x42: {  	p0 =	sgt.u32 s0, $0x7CF  }
0x43: {  	[smem:$0x7E9] =	sst s0;
	s0 =	simm.s32 @!p0 $0x3  }
0x44: {  	_ =	swait.ge @!p0 [sflag:s0], $0x50  }
0x45: {  	[sflag:s0] =	ssyncset.done @!p0 $0x0  }
0x46: {  	[sflag:s0] =	ssyncadd.s32 @!p0 $0xFFFFFFB0  }
0x47: {  	_ =	swait.ge @!p0 [sflag:s0], $0x50  }
0x48: {  	s1 =	simm.s32 @!p0 $0x200;
	[sflag:s0] =	ssyncset.done @!p0 $0x0;
	s30 =	sld [smem:$0x7F9]  }
0x49: {  	s2 =	simm.s32 @!p0 $0xA300;
	[sflag:s0] =	ssyncadd.s32 @!p0 $0xFFFFFFB0;
	s0 =	simm.s32 @!p0 $0x50  }
0x4a: {  	[tilespmem:s2], [sflag:$0x6] =	stream.indirect.gather @!p0 [hbm4b:s5+s0], $0x80, s1, s0, $0xb8;
	[tilespmem:$0x1E300] =	vst v63  }
0x4b: {  	s1 =	simm.s32 @!p0 $0x280;
	s2 =	simm.s32 @!p0 $0xCB00;
	s9 =	sor.u32 s30, s4  }
0x4c: {  	[tilespmem:s2], [sflag:$0x6] =	stream.indirect.gather @!p0 [hbm4b:s5+s0], $0x80, s1, s0, $0xb8;
	[tilespmem:$0x1E300] =	vst v63  }
0x4d: {  	p3 =	sgt.u32 s9, $0x7CF  }
0x4e: {  	s0 =	simm.s32 @!p3 $0x4  }
0x4f: {  	_ =	swait.ge @!p3 [sflag:s0], $0x2800  }
0x50: {  	s31 =	sld [smem:$0x7F4];
	_ =	sdelay $0x2  }
0x51: {  	[sflag:s0] =	ssyncset.done @!p3 $0x0;
	s1 =	sadd.s32 s31, s4  }
0x52: {  	[sflag:s0] =	ssyncadd.s32 @!p3 $0xFFFFD800;
	p2 =	sgt.u32 s1, $0x7CF  }
0x53: {  	_ =	swait.ge @!p3 [sflag:s0], $0x2800;
	s1 =	smul.u32 @!p2 $0xA, s1  }
0x54: {  	[sflag:s0] =	ssyncset.done @!p3 $0x0  }
0x55: {  	[sflag:s0] =	ssyncadd.s32 @!p3 $0xFFFFD800;
	s2 =	simm.s32 @!p2 $0x0;
	s0 =	sadd.s32 @!p2 s6, s1  }
0x56: {  	[tilespmem:s2], [sflag:$0x1] =	stream.linear.gather @!p2 [hbm4b:s0+s2], $0x50, $0x38;
	[tilespmem:$0x1E300] =	vst v63  }
0x57: {  	s8 =	simm.s32 @!p2 $0x80;
	s0 =	sadd.s32 @!p2 s7, s1  }
0x58: {  	[tilespmem:s8], [sflag:$0x1] =	stream.linear.gather @!p2 [hbm4b:s0+s2], $0x50, $0x38;
	[tilespmem:$0x1E300] =	vst v63  }
.Ltmp4:
0x59: {  	p1 =	seq.s32 s3, $0x0;
	(pc) =	sbr.rel @p3 .LBB2_6-.Ltmp4, $4  }
0x5a: {  	[smem:$0x7EA] =	sst s3;
	s0 =	simm.s32 @!p1 $0x7  }
0x5b: {  	_ =	swait.ge @!p1 [sflag:s0], $0x5000  }
0x5c: {  	[sflag:s0] =	ssyncset.done @!p1 $0x0  }
0x5d: {  	[smem:$0x7EB] =	sst s4;
	[sflag:s0] =	ssyncadd.s32 @!p1 $0xFFFFB000  }
0x5e: {  	[smem:$0x7E8] =	sst s9;
	s12 =	simm.s32 $0x400  }
0x5f: {  	s6 =	simm.s32 $0x2C00;
	v0 =	vld [tilespmem:s12+$0x80]  }
0x60: {  	v1 =	vld [tilespmem:s6+$0x80];
	_ =	sdelay $0x2  }
0x61: {  	s3 =	simm.s32 $0x0  }
0x62: {  	v2 =	vld [tilespmem:s12+$0xFFFFFF00];
	s0 =	sand.u32 $0x7, s3  }
0x63: {  	s2 =	simm.s32 $0x180;
	v3 =	vld [tilespmem:s6+$0xFFFFFF00];
	s1 =	sand.u32 $0x7800, s3;
	s0 =	sshll.u32 s0, $0x7;
	v4 =	vshll.u32 v0, $0x10;
	v5 =	vshll.u32 v1, $0x10  }
0x64: {  	v6 =	vld [tilespmem:s12+$0xFFFFFF80];
	s16 =	sand.u32 $0x380, s2;
	s13 =	sadd.s32 $0xF300, s1;
	s5 =	sadd.s32 $0x0, s0;
	v0 =	vand.u32 $0xFFFF0000, v0;
	v1 =	vand.u32 $0xFFFF0000, v1;
	v4 =	vmul.f32 v5, v4  }
0x65: {  	s1 =	sadd.s32 s16, s13;
	s4 =	sadd.s32 $0x180, s5;
	v5 =	vld [tilespmem:s6+$0xFFFFFF80];
	v0 =	vmul.f32 v1, v0  }
0x66: {  	s17 =	sor.u32 $0x400, s4;
	[tilespmem:s1+$0x0] =	vst v4  }
0x67: {  	p3 =	por $0x0, $0x0;
	s7 =	simm.s32 $0x1;
	[tilespmem:s17+$0xF300] =	vst v0  }
0x68: {  	s7 =	simm.s32 @!p3 $0x0;
	v1 =	vshll.u32 v3, $0x10;
	v0 =	vshll.u32 v2, $0x10;
	v4 =	vld [tilespmem:s12+$0x90]  }
0x69: {  	s19 =	sand.u32 $0x200, s3;
	s18 =	sshll.u32 s7, $0x9;
	v3 =	vand.u32 $0xFFFF0000, v3;
	v2 =	vand.u32 $0xFFFF0000, v2;
	v7 =	vld [tilespmem:s6+$0x90];
	v0 =	vmul.f32 v1, v0  }
0x6a: {  	s8 =	simm.s32 $0x80;
	s14 =	sadd.s32 $0x0, s18;
	s15 =	sadd.s32 s19, s13;
	v1 =	vshll.u32 v6, $0x10;
	v2 =	vmul.f32 v3, v2;
	v8 =	vshll.u32 v5, $0x10  }
0x6b: {  	s20 =	sand.u32 $0x280, s8;
	s21 =	sor.u32 $0x400, s14;
	v3 =	vld [tilespmem:s12+$0x0];
	v6 =	vand.u32 $0xFFFF0000, v6;
	v5 =	vand.u32 $0xFFFF0000, v5;
	[tilespmem:s15+$0x0] =	vst v0;
	v0 =	vmul.f32 v8, v1  }
0x6c: {  	s2 =	sadd.s32 s20, s13;
	s16 =	sadd.s32 $0x80, s5;
	v1 =	vld [tilespmem:s6+$0x0];
	v5 =	vmul.f32 v5, v6;
	[tilespmem:s21+$0xF300] =	vst v2  }
0x6d: {  	s5 =	sor.u32 $0x400, s16;
	v2 =	vld [tilespmem:s12+$0xFFFFFF10];
	[tilespmem:s2+$0x0] =	vst v0  }
0x6e: {  	v8 =	vld [tilespmem:s6+$0xFFFFFF10];
	v0 =	vshll.u32 v4, $0x10;
	v6 =	vshll.u32 v7, $0x10;
	[tilespmem:s5+$0xF300] =	vst v5  }
0x6f: {  	v4 =	vand.u32 $0xFFFF0000, v4;
	v5 =	vand.u32 $0xFFFF0000, v7;
	v0 =	vmul.f32 v6, v0;
	v6 =	vld [tilespmem:s12+$0xFFFFFF90]  }
0x70: {  	s3 =	sand.u32 $0x3, s3;
	v4 =	vmul.f32 v5, v4;
	v5 =	vld [tilespmem:s6+$0xFFFFFF90]  }
0x71: {  	s22 =	simm.s32 $0x100;
	s3 =	sshll.u32 s3, $0x8;
	s23 =	sor.u32 $0x410, s4;
	v7 =	vshll.u32 v3, $0x10;
	v9 =	vshll.u32 v1, $0x10;
	[tilespmem:s1+$0x10] =	vst v0  }
0x72: {  	s3 =	sadd.s32 $0x0, s3;
	s5 =	sand.u32 $0x300, s22;
	v1 =	vand.u32 $0xFFFF0000, v1;
	v0 =	vand.u32 $0xFFFF0000, v3;
	v3 =	vmul.f32 v9, v7;
	[tilespmem:s23+$0xF300] =	vst v4  }
0x73: {  	s18 =	sadd.s32 $0x100, s3;
	s21 =	sadd.s32 s5, s13;
	v0 =	vmul.f32 v1, v0;
	v1 =	vshll.u32 v2, $0x10;
	v4 =	vshll.u32 v8, $0x10;
	v7 =	vld [tilespmem:s12+$0xA0]  }
0x74: {  	s24 =	sor.u32 $0x400, s18;
	v2 =	vand.u32 $0xFFFF0000, v2;
	[tilespmem:s21+$0x0] =	vst v3;
	v3 =	vand.u32 $0xFFFF0000, v8;
	v1 =	vmul.f32 v4, v1;
	v4 =	vld [tilespmem:s6+$0xA0]  }
0x75: {  	v8 =	vshll.u32 v6, $0x10;
	[tilespmem:s24+$0xF300] =	vst v0;
	v0 =	vmul.f32 v3, v2;
	v2 =	vshll.u32 v5, $0x10  }
0x76: {  	s25 =	sor.u32 $0x410, s14;
	v3 =	vand.u32 $0xFFFF0000, v6;
	v5 =	vand.u32 $0xFFFF0000, v5;
	v6 =	vld [tilespmem:s12+$0x10];
	[tilespmem:s15+$0x10] =	vst v1;
	v1 =	vmul.f32 v2, v8  }
0x77: {  	v2 =	vmul.f32 v5, v3;
	v3 =	vld [tilespmem:s6+$0x10];
	[tilespmem:s25+$0xF300] =	vst v0  }
0x78: {  	s26 =	sor.u32 $0x410, s16;
	v0 =	vld [tilespmem:s12+$0xFFFFFF20];
	[tilespmem:s2+$0x10] =	vst v1  }
0x79: {  	v1 =	vld [tilespmem:s6+$0xFFFFFF20];
	[tilespmem:s26+$0xF300] =	vst v2;
	v2 =	vshll.u32 v7, $0x10;
	v5 =	vshll.u32 v4, $0x10  }
0x7a: {  	v7 =	vand.u32 $0xFFFF0000, v7;
	v4 =	vand.u32 $0xFFFF0000, v4;
	v8 =	vld [tilespmem:s12+$0xFFFFFFA0];
	v2 =	vmul.f32 v5, v2  }
0x7b: {  	v5 =	vld [tilespmem:s6+$0xFFFFFFA0];
	v4 =	vmul.f32 v4, v7  }
0x7c: {  	s3 =	sor.u32 $0x420, s4;
	v7 =	vshll.u32 v6, $0x10;
	v9 =	vshll.u32 v3, $0x10;
	[tilespmem:s1+$0x20] =	vst v2  }
0x7d: {  	v3 =	vand.u32 $0xFFFF0000, v3;
	v2 =	vand.u32 $0xFFFF0000, v6;
	v6 =	vmul.f32 v9, v7;
	[tilespmem:s3+$0xF300] =	vst v4  }
0x7e: {  	v4 =	vshll.u32 v0, $0x10;
	v2 =	vmul.f32 v3, v2;
	v3 =	vshll.u32 v1, $0x10;
	v7 =	vld [tilespmem:s12+$0xB0]  }
0x7f: {  	s5 =	sor.u32 $0x410, s18;
	v0 =	vand.u32 $0xFFFF0000, v0;
	v1 =	vand.u32 $0xFFFF0000, v1;
	[tilespmem:s21+$0x10] =	vst v6;
	v3 =	vmul.f32 v3, v4;
	v4 =	vld [tilespmem:s6+$0xB0]  }
0x80: {  	v0 =	vmul.f32 v1, v0;
	v6 =	vshll.u32 v8, $0x10;
	[tilespmem:s5+$0xF300] =	vst v2;
	v1 =	vshll.u32 v5, $0x10  }
0x81: {  	s7 =	sor.u32 $0x420, s14;
	v2 =	vand.u32 $0xFFFF0000, v8;
	v5 =	vand.u32 $0xFFFF0000, v5;
	v8 =	vld [tilespmem:s12+$0x20];
	[tilespmem:s15+$0x20] =	vst v3;
	v1 =	vmul.f32 v1, v6  }
0x82: {  	v2 =	vmul.f32 v5, v2;
	v3 =	vld [tilespmem:s6+$0x20];
	[tilespmem:s7+$0xF300] =	vst v0  }
0x83: {  	s8 =	sor.u32 $0x420, s16;
	v0 =	vld [tilespmem:s12+$0xFFFFFF30];
	[tilespmem:s2+$0x20] =	vst v1  }
0x84: {  	v1 =	vld [tilespmem:s6+$0xFFFFFF30];
	[tilespmem:s8+$0xF300] =	vst v2;
	v2 =	vshll.u32 v7, $0x10;
	v5 =	vshll.u32 v4, $0x10  }
0x85: {  	v7 =	vand.u32 $0xFFFF0000, v7;
	v4 =	vand.u32 $0xFFFF0000, v4;
	v6 =	vld [tilespmem:s12+$0xFFFFFFB0];
	v2 =	vmul.f32 v5, v2  }
0x86: {  	v5 =	vld [tilespmem:s6+$0xFFFFFFB0];
	v4 =	vmul.f32 v4, v7  }
0x87: {  	s9 =	sor.u32 $0x430, s4;
	v7 =	vshll.u32 v8, $0x10;
	v9 =	vshll.u32 v3, $0x10;
	[tilespmem:s1+$0x30] =	vst v2  }
0x88: {  	v3 =	vand.u32 $0xFFFF0000, v3;
	v2 =	vand.u32 $0xFFFF0000, v8;
	v7 =	vmul.f32 v9, v7;
	[tilespmem:s9+$0xF300] =	vst v4  }
0x89: {  	v4 =	vshll.u32 v0, $0x10;
	v2 =	vmul.f32 v3, v2;
	v3 =	vshll.u32 v1, $0x10;
	v8 =	vld [tilespmem:s12+$0xC0]  }
0x8a: {  	s10 =	sor.u32 $0x420, s18;
	v0 =	vand.u32 $0xFFFF0000, v0;
	v1 =	vand.u32 $0xFFFF0000, v1;
	[tilespmem:s21+$0x20] =	vst v7;
	v3 =	vmul.f32 v3, v4;
	v4 =	vld [tilespmem:s6+$0xC0]  }
0x8b: {  	v0 =	vmul.f32 v1, v0;
	v7 =	vshll.u32 v6, $0x10;
	[tilespmem:s10+$0xF300] =	vst v2;
	v1 =	vshll.u32 v5, $0x10  }
0x8c: {  	s11 =	sor.u32 $0x430, s14;
	v2 =	vand.u32 $0xFFFF0000, v6;
	v5 =	vand.u32 $0xFFFF0000, v5;
	v6 =	vld [tilespmem:s12+$0x30];
	[tilespmem:s15+$0x30] =	vst v3;
	v1 =	vmul.f32 v1, v7  }
0x8d: {  	v2 =	vmul.f32 v5, v2;
	v3 =	vld [tilespmem:s6+$0x30];
	[tilespmem:s11+$0xF300] =	vst v0  }
0x8e: {  	s13 =	sor.u32 $0x430, s16;
	v0 =	vld [tilespmem:s12+$0xFFFFFF40];
	[tilespmem:s2+$0x30] =	vst v1  }
0x8f: {  	v1 =	vld [tilespmem:s6+$0xFFFFFF40];
	[tilespmem:s13+$0xF300] =	vst v2;
	v2 =	vshll.u32 v8, $0x10;
	v5 =	vshll.u32 v4, $0x10  }
0x90: {  	v8 =	vand.u32 $0xFFFF0000, v8;
	v4 =	vand.u32 $0xFFFF0000, v4;
	v7 =	vld [tilespmem:s12+$0xFFFFFFC0];
	v2 =	vmul.f32 v5, v2  }
0x91: {  	v5 =	vld [tilespmem:s6+$0xFFFFFFC0];
	v4 =	vmul.f32 v4, v8  }
0x92: {  	s17 =	sor.u32 $0x440, s4;
	v8 =	vshll.u32 v6, $0x10;
	v9 =	vshll.u32 v3, $0x10;
	[tilespmem:s1+$0x40] =	vst v2  }
0x93: {  	v3 =	vand.u32 $0xFFFF0000, v3;
	v2 =	vand.u32 $0xFFFF0000, v6;
	v6 =	vmul.f32 v9, v8;
	[tilespmem:s17+$0xF300] =	vst v4  }
0x94: {  	v4 =	vshll.u32 v0, $0x10;
	v2 =	vmul.f32 v3, v2;
	v3 =	vshll.u32 v1, $0x10;
	v8 =	vld [tilespmem:s12+$0xD0]  }
0x95: {  	s19 =	sor.u32 $0x430, s18;
	v0 =	vand.u32 $0xFFFF0000, v0;
	v1 =	vand.u32 $0xFFFF0000, v1;
	[tilespmem:s21+$0x30] =	vst v6;
	v3 =	vmul.f32 v3, v4;
	v4 =	vld [tilespmem:s6+$0xD0]  }
0x96: {  	s26 =	simm.s32 $0x2E00;
	v0 =	vmul.f32 v1, v0;
	v6 =	vshll.u32 v7, $0x10;
	[tilespmem:s19+$0xF300] =	vst v2;
	v1 =	vshll.u32 v5, $0x10  }
0x97: {  	s20 =	sor.u32 $0x440, s14;
	v10 =	vld [tilespmem:s26+$0x80];
	v2 =	vand.u32 $0xFFFF0000, v7;
	v5 =	vand.u32 $0xFFFF0000, v5;
	[tilespmem:s15+$0x40] =	vst v3;
	v1 =	vmul.f32 v1, v6  }
0x98: {  	v7 =	vld [tilespmem:s12+$0x40];
	v2 =	vmul.f32 v5, v2;
	[tilespmem:s20+$0xF300] =	vst v0  }
0x99: {  	s22 =	sor.u32 $0x440, s16;
	v3 =	vld [tilespmem:s6+$0x40];
	[tilespmem:s2+$0x40] =	vst v1  }
0x9a: {  	v0 =	vld [tilespmem:s12+$0xFFFFFF50];
	[tilespmem:s22+$0xF300] =	vst v2;
	v2 =	vshll.u32 v8, $0x10;
	v5 =	vshll.u32 v4, $0x10  }
0x9b: {  	v1 =	vld [tilespmem:s6+$0xFFFFFF50];
	v8 =	vand.u32 $0xFFFF0000, v8;
	v4 =	vand.u32 $0xFFFF0000, v4;
	v2 =	vmul.f32 v5, v2  }
0x9c: {  	v6 =	vld [tilespmem:s12+$0xFFFFFFD0];
	v4 =	vmul.f32 v4, v8  }
0x9d: {  	s23 =	sor.u32 $0x450, s4;
	v13 =	vshll.u32 v10, $0x10;
	s10 =	simm.s32 $0x600;
	v5 =	vld [tilespmem:s6+$0xFFFFFFD0];
	[tilespmem:s1+$0x50] =	vst v2  }
0x9e: {  	v10 =	vand.u32 $0xFFFF0000, v10;
	v9 =	vld [tilespmem:s10+$0x80];
	v8 =	vshll.u32 v7, $0x10;
	v2 =	vshll.u32 v3, $0x10;
	[tilespmem:s23+$0xF300] =	vst v4  }
0x9f: {  	v7 =	vand.u32 $0xFFFF0000, v7;
	v3 =	vand.u32 $0xFFFF0000, v3;
	v2 =	vmul.f32 v2, v8;
	v8 =	vld [tilespmem:s12+$0xE0]  }
0xa0: {  	v4 =	vshll.u32 v0, $0x10;
	v3 =	vmul.f32 v3, v7;
	v7 =	vshll.u32 v1, $0x10;
	v11 =	vld [tilespmem:s6+$0xE0]  }
0xa1: {  	s29 =	simm.s32 $0x4;
	s24 =	sor.u32 $0x440, s18;
	v14 =	vld [tilespmem:s26+$0x0];
	v0 =	vand.u32 $0xFFFF0000, v0;
	v1 =	vand.u32 $0xFFFF0000, v1;
	v4 =	vmul.f32 v7, v4;
	[tilespmem:s21+$0x40] =	vst v2  }
0xa2: {  	s25 =	sor.u32 $0x450, s14;
	s8 =	sand.u32 $0x7, s29;
	v12 =	vld [tilespmem:s10+$0xFFFFFF00];
	s17 =	simm.s32 $0x400;
	v0 =	vmul.f32 v1, v0;
	v7 =	vshll.u32 v6, $0x10;
	v1 =	vshll.u32 v5, $0x10;
	[tilespmem:s24+$0xF300] =	vst v3  }
0xa3: {  	s9 =	sshll.u32 s8, $0x7;
	s13 =	simm.s32 $0x380;
	s11 =	sand.u32 $0x7800, s17;
	v2 =	vand.u32 $0xFFFF0000, v5;
	v5 =	vld [tilespmem:s26+$0xFFFFFF00];
	v1 =	vmul.f32 v1, v7;
	v7 =	vshll.u32 v9, $0x10;
	[tilespmem:s15+$0x50] =	vst v4  }
0xa4: {  	s3 =	sadd.s32 $0x400, s9;
	s0 =	sadd.s32 $0xF300, s11;
	s19 =	sand.u32 $0x380, s13;
	v6 =	vand.u32 $0xFFFF0000, v6;
	v4 =	vld [tilespmem:s26+$0xFFFFFF80];
	v9 =	vand.u32 $0xFFFF0000, v9;
	v7 =	vmul.f32 v13, v7;
	[tilespmem:s25+$0xF300] =	vst v0  }
0xa5: {  	s11 =	sadd.s32 $0x180, s3;
	s31 =	sadd.s32 s19, s0;
	v3 =	vld [tilespmem:s10+$0xFFFFFF80];
	v9 =	vmul.f32 v10, v9;
	[tilespmem:s2+$0x50] =	vst v1;
	v10 =	vshll.u32 v8, $0x10;
	v13 =	vshll.u32 v11, $0x10  }
0xa6: {  	s20 =	sor.u32 $0x400, s11;
	v0 =	vld [tilespmem:s10+$0x0];
	[tilespmem:s31+$0x0] =	vst v7;
	v7 =	vand.u32 $0xFFFF0000, v8;
	v8 =	vand.u32 $0xFFFF0000, v11;
	v10 =	vmul.f32 v13, v10  }
0xa7: {  	v2 =	vmul.f32 v2, v6;
	v6 =	vshll.u32 v12, $0x10;
	[tilespmem:s20+$0xF300] =	vst v9;
	v9 =	vld [tilespmem:s12+$0x50];
	v7 =	vmul.f32 v8, v7  }
0xa8: {  	p3 =	por !p3, !p3;
	s5 =	simm.s32 $0x1;
	s22 =	sor.u32 $0x460, s4;
	v11 =	vand.u32 $0xFFFF0000, v12;
	v8 =	vshll.u32 v5, $0x10;
	v5 =	vand.u32 $0xFFFF0000, v5;
	v12 =	vld [tilespmem:s10+$0x90];
	[tilespmem:s1+$0x60] =	vst v10  }
0xa9: {  	s5 =	simm.s32 @!p3 $0x0;
	s23 =	sor.u32 $0x450, s16;
	s24 =	simm.s32 $0x200;
	v13 =	vshll.u32 v4, $0x10;
	v15 =	vld [tilespmem:s26+$0x90];
	v1 =	vand.u32 $0xFFFF0000, v4;
	v4 =	vmul.f32 v8, v6;
	[tilespmem:s22+$0xF300] =	vst v7  }
0xaa: {  	s5 =	sshll.u32 s5, $0x9;
	s25 =	sand.u32 $0x200, s24;
	[tilespmem:s23+$0xF300] =	vst v2;
	v2 =	vmul.f32 v5, v11;
	v5 =	vshll.u32 v14, $0x10;
	v11 =	vand.u32 $0xFFFF0000, v14;
	v7 =	vld [tilespmem:s12+$0xF0]  }
0xab: {  	s9 =	simm.s32 $0x280;
	s13 =	sadd.s32 s25, s0;
	v10 =	vshll.u32 v3, $0x10;
	v3 =	vand.u32 $0xFFFF0000, v3;
	v6 =	vshll.u32 v0, $0x10;
	s22 =	sadd.s32 $0x400, s5;
	v8 =	vld [tilespmem:s6+$0xF0]  }
0xac: {  	s19 =	sand.u32 $0x280, s9;
	s9 =	simm.s32 $0x2;
	v0 =	vand.u32 $0xFFFF0000, v0;
	[tilespmem:s13+$0x0] =	vst v4;
	v4 =	vmul.f32 v13, v10;
	v1 =	vmul.f32 v1, v3;
	v3 =	vld [tilespmem:s6+$0x50];
	s20 =	sor.u32 $0x400, s22  }
0xad: {  	s25 =	simm.s32 $0x300;
	s23 =	sadd.s32 s19, s0;
	s5 =	sadd.s32 $0x80, s3;
	v0 =	vmul.f32 v11, v0;
	v10 =	vshll.u32 v9, $0x10;
	[tilespmem:s20+$0xF300] =	vst v2;
	v2 =	vmul.f32 v5, v6;
	v5 =	vld [tilespmem:s12+$0xFFFFFF60]  }
0xae: {  	s8 =	sand.u32 $0x300, s25;
	s19 =	sor.u32 $0x400, s5;
	v6 =	vand.u32 $0xFFFF0000, v9;
	[tilespmem:s23+$0x0] =	vst v4;
	s20 =	sand.u32 $0x3, s9;
	v9 =	vld [tilespmem:s10+$0xFFFFFF10];
	v4 =	vshll.u32 v12, $0x10;
	v11 =	vshll.u32 v15, $0x10  }
0xaf: {  	s8 =	sadd.s32 s8, s0;
	v13 =	vld [tilespmem:s26+$0xFFFFFF10];
	[tilespmem:s19+$0xF300] =	vst v1;
	v1 =	vand.u32 $0xFFFF0000, v12;
	v12 =	vand.u32 $0xFFFF0000, v15;
	s0 =	sshll.u32 s20, $0x8;
	v4 =	vmul.f32 v11, v4  }
0xb0: {  	v11 =	vld [tilespmem:s10+$0xFFFFFF90];
	[tilespmem:s8+$0x0] =	vst v2;
	v1 =	vmul.f32 v12, v1;
	s0 =	sadd.s32 $0x400, s0;
	v2 =	vshll.u32 v7, $0x10;
	v12 =	vshll.u32 v8, $0x10  }
0xb1: {  	s25 =	sor.u32 $0x410, s11;
	v14 =	vld [tilespmem:s26+$0xFFFFFF90];
	s0 =	sadd.s32 $0x100, s0;
	[tilespmem:s31+$0x10] =	vst v4;
	v4 =	vand.u32 $0xFFFF0000, v7;
	v7 =	vand.u32 $0xFFFF0000, v8;
	v8 =	vshll.u32 v3, $0x10  }
0xb2: {  	v3 =	vand.u32 $0xFFFF0000, v3;
	s7 =	sor.u32 $0x400, s0;
	v2 =	vmul.f32 v12, v2;
	[tilespmem:s25+$0xF300] =	vst v1;
	v1 =	vld [tilespmem:s6+$0xFFFFFF60];
	v4 =	vmul.f32 v7, v4  }
0xb3: {  	v12 =	vld [tilespmem:s12+$0xFFFFFFE0];
	v8 =	vmul.f32 v8, v10;
	v3 =	vmul.f32 v3, v6;
	[tilespmem:s7+$0xF300] =	vst v0;
	v7 =	vshll.u32 v9, $0x10  }
0xb4: {  	s4 =	sor.u32 $0x470, s4;
	v9 =	vand.u32 $0xFFFF0000, v9;
	v10 =	vand.u32 $0xFFFF0000, v13;
	v0 =	vld [tilespmem:s26+$0xA0];
	[tilespmem:s1+$0x70] =	vst v2;
	v2 =	vshll.u32 v13, $0x10  }
0xb5: {  	v13 =	vld [tilespmem:s10+$0xA0];
	v6 =	vand.u32 $0xFFFF0000, v11;
	[tilespmem:s4+$0xF300] =	vst v4;
	v2 =	vmul.f32 v2, v7;
	v4 =	vshll.u32 v11, $0x10  }
0xb6: {  	[tilespmem:s21+$0x50] =	vst v8;
	v7 =	vmul.f32 v10, v9;
	v9 =	vshll.u32 v14, $0x10;
	v10 =	vand.u32 $0xFFFF0000, v14;
	v11 =	vld [tilespmem:s10+$0x10]  }
0xb7: {  	s19 =	sor.u32 $0x410, s22;
	v8 =	vshll.u32 v5, $0x10;
	[tilespmem:s13+$0x10] =	vst v2;
	v2 =	vmul.f32 v9, v4;
	v4 =	vmul.f32 v10, v6;
	v6 =	vld [tilespmem:s26+$0x10]  }
0xb8: {  	v5 =	vand.u32 $0xFFFF0000, v5;
	v9 =	vld [tilespmem:s6+$0xFFFFFFE0];
	[tilespmem:s19+$0xF300] =	vst v7;
	v7 =	vshll.u32 v1, $0x10;
	v1 =	vand.u32 $0xFFFF0000, v1  }
0xb9: {  	s20 =	sor.u32 $0x410, s5;
	v14 =	vshll.u32 v0, $0x10;
	v0 =	vand.u32 $0xFFFF0000, v0;
	v10 =	vld [tilespmem:s10+$0xFFFFFF20];
	[tilespmem:s23+$0x10] =	vst v2;
	v2 =	vmul.f32 v7, v8  }
0xba: {  	s25 =	sor.u32 $0x450, s18;
	v7 =	vshll.u32 v12, $0x10;
	v8 =	vand.u32 $0xFFFF0000, v12;
	v12 =	vld [tilespmem:s26+$0xFFFFFF20];
	[tilespmem:s20+$0xF300] =	vst v4;
	v4 =	vshll.u32 v13, $0x10  }
0xbb: {  	[tilespmem:s25+$0xF300] =	vst v3;
	v1 =	vmul.f32 v1, v5;
	v13 =	vand.u32 $0xFFFF0000, v13;
	v5 =	vld [tilespmem:s10+$0xFFFFFFA0];
	v4 =	vmul.f32 v14, v4  }
0xbc: {  	v3 =	vld [tilespmem:s26+$0xFFFFFFA0];
	v14 =	vshll.u32 v11, $0x10;
	v0 =	vmul.f32 v0, v13;
	[tilespmem:s15+$0x60] =	vst v2;
	v15 =	vshll.u32 v6, $0x10  }
0xbd: {  	s4 =	sor.u32 $0x420, s11;
	v2 =	vand.u32 $0xFFFF0000, v11;
	v6 =	vand.u32 $0xFFFF0000, v6;
	v11 =	vmul.f32 v15, v14;
	[tilespmem:s31+$0x20] =	vst v4;
	v4 =	vld [tilespmem:s12+$0x60]  }
0xbe: {  	v2 =	vmul.f32 v6, v2;
	v14 =	vshll.u32 v9, $0x10;
	v13 =	vshll.u32 v10, $0x10;
	[tilespmem:s4+$0xF300] =	vst v0;
	v0 =	vld [tilespmem:s6+$0x60]  }
0xbf: {  	s7 =	sor.u32 $0x410, s0;
	v10 =	vand.u32 $0xFFFF0000, v10;
	v6 =	vshll.u32 v12, $0x10;
	v12 =	vand.u32 $0xFFFF0000, v12;
	[tilespmem:s8+$0x10] =	vst v11;
	v11 =	vld [tilespmem:s10+$0xB0]  }
0xc0: {  	s19 =	sor.u32 $0x460, s14;
	v6 =	vmul.f32 v6, v13;
	v10 =	vmul.f32 v12, v10;
	v13 =	vshll.u32 v5, $0x10;
	[tilespmem:s7+$0xF300] =	vst v2;
	v2 =	vld [tilespmem:s26+$0xB0]  }
0xc1: {  	[tilespmem:s19+$0xF300] =	vst v1;
	v5 =	vand.u32 $0xFFFF0000, v5;
	v12 =	vshll.u32 v3, $0x10;
	v3 =	vand.u32 $0xFFFF0000, v3;
	v15 =	vld [tilespmem:s10+$0x20]  }
0xc2: {  	s20 =	sor.u32 $0x420, s22;
	[tilespmem:s13+$0x20] =	vst v6;
	v1 =	vmul.f32 v12, v13;
	v3 =	vmul.f32 v3, v5;
	v5 =	vld [tilespmem:s26+$0x20];
	v6 =	vand.u32 $0xFFFF0000, v9  }
0xc3: {  	[tilespmem:s20+$0xF300] =	vst v10;
	v10 =	vshll.u32 v4, $0x10;
	v4 =	vand.u32 $0xFFFF0000, v4;
	v6 =	vmul.f32 v6, v8  }
0xc4: {  	s25 =	sor.u32 $0x420, s5;
	v12 =	vshll.u32 v0, $0x10;
	v13 =	vld [tilespmem:s10+$0xFFFFFF30];
	[tilespmem:s23+$0x20] =	vst v1;
	v1 =	vmul.f32 v14, v7;
	v0 =	vand.u32 $0xFFFF0000, v0  }
0xc5: {  	v7 =	vld [tilespmem:s26+$0xFFFFFF30];
	[tilespmem:s25+$0xF300] =	vst v3;
	v3 =	vshll.u32 v11, $0x10;
	v10 =	vmul.f32 v12, v10;
	v8 =	vshll.u32 v2, $0x10  }
0xc6: {  	s3 =	sor.u32 $0x460, s16;
	v11 =	vand.u32 $0xFFFF0000, v11;
	v12 =	vld [tilespmem:s10+$0xFFFFFFB0];
	v2 =	vand.u32 $0xFFFF0000, v2;
	[tilespmem:s2+$0x60] =	vst v1;
	v3 =	vmul.f32 v8, v3  }
0xc7: {  	v1 =	vld [tilespmem:s26+$0xFFFFFFB0];
	v8 =	vshll.u32 v15, $0x10;
	v14 =	vshll.u32 v5, $0x10;
	v2 =	vmul.f32 v2, v11;
	[tilespmem:s3+$0xF300] =	vst v6  }
0xc8: {  	s4 =	sor.u32 $0x430, s11;
	v9 =	vld [tilespmem:s12+$0xFFFFFF70];
	v6 =	vand.u32 $0xFFFF0000, v15;
	v5 =	vand.u32 $0xFFFF0000, v5;
	v8 =	vmul.f32 v14, v8;
	[tilespmem:s31+$0x30] =	vst v3  }
0xc9: {  	v0 =	vmul.f32 v0, v4;
	v5 =	vmul.f32 v5, v6;
	v3 =	vld [tilespmem:s6+$0xFFFFFF70];
	v11 =	vshll.u32 v13, $0x10;
	[tilespmem:s4+$0xF300] =	vst v2  }
0xca: {  	s7 =	sor.u32 $0x420, s0;
	v13 =	vand.u32 $0xFFFF0000, v13;
	v6 =	vshll.u32 v7, $0x10;
	v7 =	vand.u32 $0xFFFF0000, v7;
	[tilespmem:s8+$0x20] =	vst v8;
	v8 =	vld [tilespmem:s10+$0xC0]  }
0xcb: {  	v4 =	vmul.f32 v6, v11;
	v7 =	vmul.f32 v7, v13;
	[tilespmem:s7+$0xF300] =	vst v5;
	v5 =	vld [tilespmem:s26+$0xC0]  }
0xcc: {  	[tilespmem:s21+$0x60] =	vst v10;
	v6 =	vshll.u32 v12, $0x10;
	v11 =	vand.u32 $0xFFFF0000, v12;
	v12 =	vshll.u32 v1, $0x10;
	v13 =	vld [tilespmem:s10+$0x30]  }
0xcd: {  	s19 =	sor.u32 $0x430, s22;
	v1 =	vand.u32 $0xFFFF0000, v1;
	[tilespmem:s13+$0x30] =	vst v4;
	v4 =	vmul.f32 v12, v6;
	v6 =	vld [tilespmem:s26+$0x30]  }
0xce: {  	v10 =	vshll.u32 v9, $0x10;
	v2 =	vld [tilespmem:s12+$0xFFFFFFF0];
	v1 =	vmul.f32 v1, v11;
	[tilespmem:s19+$0xF300] =	vst v7  }
0xcf: {  	s20 =	sor.u32 $0x430, s5;
	v9 =	vand.u32 $0xFFFF0000, v9;
	v7 =	vshll.u32 v3, $0x10;
	v3 =	vand.u32 $0xFFFF0000, v3;
	v12 =	vld [tilespmem:s10+$0xFFFFFF40];
	[tilespmem:s23+$0x30] =	vst v4  }
0xd0: {  	s25 =	sor.u32 $0x460, s18;
	v4 =	vmul.f32 v7, v10;
	v10 =	vld [tilespmem:s26+$0xFFFFFF40];
	[tilespmem:s20+$0xF300] =	vst v1;
	v9 =	vmul.f32 v3, v9;
	v1 =	vshll.u32 v8, $0x10  }
0xd1: {  	[tilespmem:s25+$0xF300] =	vst v0;
	v14 =	vshll.u32 v5, $0x10;
	v3 =	vld [tilespmem:s10+$0xFFFFFFC0];
	v8 =	vand.u32 $0xFFFF0000, v8;
	v5 =	vand.u32 $0xFFFF0000, v5  }
0xd2: {  	s7 =	sor.u32 $0x470, s14;
	v0 =	vld [tilespmem:s26+$0xFFFFFFC0];
	v1 =	vmul.f32 v14, v1;
	v14 =	vshll.u32 v13, $0x10;
	v15 =	vshll.u32 v6, $0x10;
	[tilespmem:s15+$0x70] =	vst v4  }
0xd3: {  	v11 =	vld [tilespmem:s6+$0xFFFFFFF0];
	v5 =	vmul.f32 v5, v8;
	v4 =	vand.u32 $0xFFFF0000, v13;
	v6 =	vand.u32 $0xFFFF0000, v6;
	[tilespmem:s7+$0xF300] =	vst v9  }
0xd4: {  	s4 =	sor.u32 $0x440, s11;
	v7 =	vshll.u32 v2, $0x10;
	v8 =	vmul.f32 v15, v14;
	v4 =	vmul.f32 v6, v4;
	v6 =	vld [tilespmem:s6+$0x70];
	[tilespmem:s31+$0x40] =	vst v1  }
0xd5: {  	v2 =	vand.u32 $0xFFFF0000, v2;
	v1 =	vld [tilespmem:s12+$0x70];
	v13 =	vshll.u32 v12, $0x10;
	[tilespmem:s4+$0xF300] =	vst v5;
	v5 =	vshll.u32 v10, $0x10  }
0xd6: {  	s6 =	sor.u32 $0x430, s0;
	v12 =	vand.u32 $0xFFFF0000, v12;
	v10 =	vand.u32 $0xFFFF0000, v10;
	[tilespmem:s8+$0x30] =	vst v8;
	v14 =	vld [tilespmem:s10+$0xD0];
	v5 =	vmul.f32 v5, v13  }
0xd7: {  	v13 =	vshll.u32 v3, $0x10;
	[tilespmem:s6+$0xF300] =	vst v4;
	v16 =	vld [tilespmem:s26+$0xD0];
	v10 =	vmul.f32 v10, v12;
	v4 =	vshll.u32 v0, $0x10  }
0xd8: {  	s28 =	sor.u32 $0x440, s0;
	s14 =	sor.u32 $0x440, s22;
	v15 =	vand.u32 $0xFFFF0000, v3;
	v0 =	vand.u32 $0xFFFF0000, v0;
	v3 =	vld [tilespmem:s10+$0x40];
	v9 =	vmul.f32 v4, v13;
	[tilespmem:s13+$0x40] =	vst v5  }
0xd9: {  	s30 =	sor.u32 $0x470, s0;
	s1 =	simm.s32 $0x800;
	v8 =	vshll.u32 v11, $0x10;
	v11 =	vand.u32 $0xFFFF0000, v11;
	v12 =	vmul.f32 v0, v15;
	v4 =	vld [tilespmem:s26+$0x40];
	[tilespmem:s14+$0xF300] =	vst v10  }
0xda: {  	s19 =	sor.u32 $0x470, s18;
	s18 =	sor.u32 $0x450, s0;
	s15 =	sor.u32 $0x440, s5;
	v7 =	vmul.f32 v8, v7;
	v15 =	vmul.f32 v11, v2;
	v13 =	vshll.u32 v6, $0x10;
	[tilespmem:s23+$0x40] =	vst v9  }
0xdb: {  	s25 =	smov.u32 s23;
	s12 =	sor.u32 $0x470, s16;
	s16 =	sor.u32 $0x460, s22;
	v2 =	vand.u32 $0xFFFF0000, v6;
	v10 =	vshll.u32 v1, $0x10;
	v0 =	vand.u32 $0xFFFF0000, v1;
	v5 =	vld [tilespmem:s10+$0xFFFFFF50];
	[tilespmem:s15+$0xF300] =	vst v12  }
0xdc: {  	s20 =	simm.s32 $0x4;
	s7 =	sor.u32 $0x450, s5;
	v8 =	vld [tilespmem:s26+$0xFFFFFF50];
	v1 =	vmul.f32 v13, v10;
	v9 =	vshll.u32 v14, $0x10;
	v11 =	vshll.u32 v16, $0x10;
	[dreg:$0xb] =	wrdreg s16  }
0xdd: {  	s4 =	sor.u32 $0x470, s5;
	s6 =	sor.u32 $0x460, s5;
	s23 =	sor.u32 $0x450, s22;
	v10 =	vand.u32 $0xFFFF0000, v14;
	v13 =	vand.u32 $0xFFFF0000, v16;
	v6 =	vld [tilespmem:s10+$0xFFFFFFD0];
	v9 =	vmul.f32 v11, v9;
	[tilespmem:s2+$0x70] =	vst v7  }
0xde: {  	s14 =	sor.u32 $0x460, s0;
	s16 =	simm.s32 $0x2E00;
	s2 =	sor.u32 $0x470, s22;
	v7 =	vld [tilespmem:s26+$0xFFFFFFD0];
	v11 =	vshll.u32 v3, $0x10;
	v12 =	vshll.u32 v4, $0x10;
	v10 =	vmul.f32 v13, v10;
	[tilespmem:s12+$0xF300] =	vst v15  }
.LBB2_4:
0xdf: {  	[dreg:$0x1c] =	wrdreg s6;
	v13 =	vld [tilespmem:s1+$0x80];
	v3 =	vand.u32 $0xFFFF0000, v3;
	v4 =	vand.u32 $0xFFFF0000, v4;
	v11 =	vmul.f32 v12, v11;
	s0 =	sor.u32 $0x450, s11;
	s26 =	sadd.s32 $0x200, s26;
	[tilespmem:s31+$0x50] =	vst v9  }
0xe0: {  	[dreg:$0xe] =	wrdreg s14;
	v3 =	vmul.f32 v4, v3;
	v9 =	vld [tilespmem:s26+$0x80];
	[tilespmem:s0+$0xF300] =	vst v10  }
0xe1: {  	[dreg:$0x7] =	wrdreg s2;
	v0 =	vmul.f32 v2, v0;
	[tilespmem:s8+$0x40] =	vst v11;
	v10 =	vld [tilespmem:s10+$0xE0];
	v12 =	vshll.u32 v5, $0x10;
	v4 =	vshll.u32 v8, $0x10  }
0xe2: {  	[dreg:$0x4] =	wrdreg s4;
	[tilespmem:s28+$0xF300] =	vst v3;
	v3 =	vld [tilespmem:s16+$0xE0];
	v5 =	vand.u32 $0xFFFF0000, v5;
	v8 =	vand.u32 $0xFFFF0000, v8;
	v2 =	vmul.f32 v4, v12  }
0xe3: {  	s15 =	sadd.s32 $0x2, s9;
	p3 =	por !p3, !p3;
	s14 =	sadd.s32 $0x4, s29;
	v11 =	vld [tilespmem:s1+$0xFFFFFF00];
	[tilespmem:s21+$0x70] =	vst v1;
	v4 =	vshll.u32 v6, $0x10;
	v5 =	vmul.f32 v8, v5;
	v8 =	vshll.u32 v7, $0x10  }
0xe4: {  	s17 =	sadd.s32 $0x400, s17;
	s24 =	sadd.s32 $0x200, s24;
	s3 =	sand.u32 $0x7, s14;
	v1 =	vld [tilespmem:s26+$0xFFFFFF00];
	v6 =	vand.u32 $0xFFFF0000, v6;
	v7 =	vand.u32 $0xFFFF0000, v7;
	[tilespmem:s13+$0x50] =	vst v2;
	v2 =	vmul.f32 v8, v4  }
0xe5: {  	s9 =	sand.u32 $0x7800, s17;
	s5 =	sadd.s32 $0x180, s24;
	s3 =	sshll.u32 s3, $0x7;
	v4 =	vmul.f32 v7, v6;
	v6 =	vld [tilespmem:s1+$0xFFFFFF80];
	v7 =	vshll.u32 v13, $0x10;
	v8 =	vshll.u32 v9, $0x10;
	[tilespmem:s23+$0xF300] =	vst v5  }
0xe6: {  	s12 =	sadd.s32 s17, s3;
	s3 =	sadd.s32 $0xF300, s9;
	s21 =	sand.u32 $0x380, s5;
	v12 =	vand.u32 $0xFFFF0000, v13;
	v9 =	vand.u32 $0xFFFF0000, v9;
	v5 =	vld [tilespmem:s26+$0xFFFFFF80];
	v7 =	vmul.f32 v8, v7;
	[tilespmem:s25+$0x50] =	vst v2  }
0xe7: {  	s2 =	simm.s32 $0x1;
	s9 =	sadd.s32 s21, s3;
	s21 =	sadd.s32 $0x180, s12;
	v8 =	vmul.f32 v9, v12;
	v9 =	vshll.u32 v3, $0x10;
	v12 =	vld [tilespmem:s26+$0x0];
	[tilespmem:s7+$0xF300] =	vst v4;
	v4 =	vshll.u32 v10, $0x10  }
0xe8: {  	s4 =	sor.u32 $0x460, s11;
	s6 =	sand.u32 $0x3, s15;
	s23 =	sor.u32 $0x400, s21;
	v3 =	vand.u32 $0xFFFF0000, v3;
	v2 =	vld [tilespmem:s1+$0x0];
	[tilespmem:s9+$0x0] =	vst v7;
	v7 =	vand.u32 $0xFFFF0000, v10;
	v4 =	vmul.f32 v9, v4  }
0xe9: {  	s2 =	simm.s32 @!p3 $0x0;
	s29 =	sadd.s32 $0x80, s12;
	s12 =	smov.u32 s31;
	v10 =	vshll.u32 v1, $0x10;
	[tilespmem:s23+$0xF300] =	vst v8;
	v8 =	vld [tilespmem:s10+$0x50];
	v3 =	vmul.f32 v3, v7  }
0xea: {  	[dreg:$0x1f] =	wrdreg s17;
	s0 =	sshll.u32 s6, $0x8;
	s2 =	sshll.u32 s2, $0x9;
	v1 =	vand.u32 $0xFFFF0000, v1;
	v9 =	vshll.u32 v11, $0x10;
	v7 =	vand.u32 $0xFFFF0000, v11;
	v13 =	vld [tilespmem:s1+$0x90];
	[tilespmem:s12+$0x60] =	vst v4  }
0xeb: {  	s6 =	sand.u32 $0x200, s24;
	s0 =	sadd.s32 s17, s0;
	s5 =	sadd.s32 s2, s17;
	v11 =	vshll.u32 v6, $0x10;
	v6 =	vand.u32 $0xFFFF0000, v6;
	v14 =	vld [tilespmem:s26+$0x90];
	[tilespmem:s4+$0xF300] =	vst v3;
	v3 =	vmul.f32 v10, v9  }
0xec: {  	s31 =	sadd.s32 $0x100, s0;
	s0 =	sadd.s32 s6, s3;
	s7 =	sadd.s32 $0x100, s24;
	[tilespmem:s19+$0xF300] =	vst v0;
	v0 =	vmul.f32 v1, v7;
	v4 =	vshll.u32 v5, $0x10;
	v5 =	vand.u32 $0xFFFF0000, v5;
	v10 =	vld [tilespmem:s10+$0xF0]  }
0xed: {  	s22 =	sadd.s32 $0x80, s24;
	s17 =	sand.u32 $0x300, s7;
	s7 =	sor.u32 $0x400, s5;
	v1 =	vshll.u32 v12, $0x10;
	v7 =	vand.u32 $0xFFFF0000, v12;
	v9 =	vshll.u32 v2, $0x10;
	v12 =	vld [tilespmem:s16+$0xF0];
	[tilespmem:s0+$0x0] =	vst v3  }
0xee: {  	s22 =	sand.u32 $0x280, s22;
	v2 =	vand.u32 $0xFFFF0000, v2;
	v3 =	vmul.f32 v4, v11;
	v4 =	vmul.f32 v5, v6;
	v5 =	vld [tilespmem:s16+$0x50];
	[tilespmem:s7+$0xF300] =	vst v0  }
0xef: {  	s22 =	sadd.s32 s22, s3;
	v6 =	vshll.u32 v8, $0x10;
	v0 =	vmul.f32 v1, v9;
	v1 =	vmul.f32 v7, v2;
	v2 =	vld [tilespmem:s10+$0xFFFFFF60]  }
0xf0: {  	[smem:$0x7E2] =	sst s25;
	s25 =	smov.u32 s8;
	s8 =	sor.u32 $0x400, s29;
	v7 =	vand.u32 $0xFFFF0000, v8;
	v8 =	vld [tilespmem:s1+$0xFFFFFF10];
	[tilespmem:s22+$0x0] =	vst v3;
	v3 =	vshll.u32 v13, $0x10;
	v9 =	vshll.u32 v14, $0x10  }
0xf1: {  	s3 =	sadd.s32 s17, s3;
	v11 =	vld [tilespmem:s26+$0xFFFFFF10];
	[tilespmem:s8+$0xF300] =	vst v4;
	v4 =	vand.u32 $0xFFFF0000, v13;
	v13 =	vand.u32 $0xFFFF0000, v14;
	v3 =	vmul.f32 v9, v3  }
0xf2: {  	s11 =	sor.u32 $0x470, s11;
	s2 =	sor.u32 $0x400, s31;
	[tilespmem:s3+$0x0] =	vst v0;
	s8 =	sor.u32 $0x460, s31;
	v9 =	vld [tilespmem:s1+$0xFFFFFF90];
	v0 =	vmul.f32 v13, v4;
	v4 =	vshll.u32 v10, $0x10;
	v13 =	vshll.u32 v12, $0x10  }
0xf3: {  	s6 =	sor.u32 $0x410, s31;
	v14 =	vld [tilespmem:s26+$0xFFFFFF90];
	[smem:$0x7E7] =	sst s8;
	s8 =	sor.u32 $0x410, s21;
	v4 =	vmul.f32 v13, v4;
	[tilespmem:s9+$0x10] =	vst v3  }
0xf4: {  	[smem:$0x7DF] =	sst s6;
	s6 =	sor.u32 $0x420, s31;
	v13 =	vld [tilespmem:s10+$0xFFFFFFE0];
	v3 =	vand.u32 $0xFFFF0000, v10;
	v10 =	vand.u32 $0xFFFF0000, v12;
	v12 =	vshll.u32 v5, $0x10;
	[tilespmem:s8+$0xF300] =	vst v0  }
0xf5: {  	[smem:$0x7E4] =	sst s6;
	s6 =	sor.u32 $0x440, s29;
	v0 =	vld [tilespmem:s16+$0xFFFFFF60];
	v3 =	vmul.f32 v10, v3;
	v10 =	vshll.u32 v8, $0x10;
	v8 =	vand.u32 $0xFFFF0000, v8;
	[tilespmem:s12+$0x70] =	vst v4  }
0xf6: {  	s28 =	sor.u32 $0x440, s31;
	[dreg:$0x10] =	wrdreg s6;
	s6 =	sor.u32 $0x450, s31;
	[tilespmem:s2+$0xF300] =	vst v1;
	v6 =	vmul.f32 v12, v6;
	v4 =	vshll.u32 v11, $0x10;
	v11 =	vand.u32 $0xFFFF0000, v11;
	v12 =	vld [tilespmem:s1+$0xA0]  }
0xf7: {  	s23 =	sor.u32 $0x460, s29;
	v5 =	vand.u32 $0xFFFF0000, v5;
	[tilespmem:s11+$0xF300] =	vst v3;
	s11 =	smov.u32 s21;
	s21 =	smov.u32 s25;
	v3 =	vmul.f32 v4, v10;
	v8 =	vmul.f32 v11, v8;
	v11 =	vld [tilespmem:s1+$0x10]  }
0xf8: {  	[smem:$0x7E3] =	sst s23;
	s17 =	smov.u32 s13;
	s23 =	sor.u32 $0x420, s29;
	v5 =	vmul.f32 v5, v7;
	v4 =	vshll.u32 v9, $0x10;
	v1 =	vld [tilespmem:s26+$0xA0];
	[tilespmem:s21+$0x50] =	vst v6  }
0xf9: {  	s13 =	sor.u32 $0x410, s5;
	[smem:$0x7E1] =	sst s23;
	s23 =	sor.u32 $0x430, s29;
	v7 =	vand.u32 $0xFFFF0000, v9;
	v9 =	vshll.u32 v14, $0x10;
	v10 =	vand.u32 $0xFFFF0000, v14;
	[tilespmem:s0+$0x10] =	vst v3;
	v6 =	vld [tilespmem:s26+$0x10]  }
0xfa: {  	s19 =	smov.u32 s18;
	[smem:$0x7E6] =	sst s23;
	s7 =	sor.u32 $0x420, s5;
	v3 =	vmul.f32 v9, v4;
	v4 =	vmul.f32 v10, v7;
	v7 =	vshll.u32 v2, $0x10;
	v9 =	vld [tilespmem:s16+$0xFFFFFFE0];
	[tilespmem:s13+$0xF300] =	vst v8  }
0xfb: {  	[smem:$0x7E0] =	sst s7;
	s7 =	sor.u32 $0x430, s5;
	v2 =	vand.u32 $0xFFFF0000, v2;
	[tilespmem:s19+$0xF300] =	vst v5;
	v8 =	vshll.u32 v0, $0x10;
	v0 =	vand.u32 $0xFFFF0000, v0;
	v10 =	vld [tilespmem:s1+$0xFFFFFF20]  }
0xfc: {  	s18 =	sor.u32 $0x410, s29;
	[smem:$0x7E5] =	sst s7;
	s7 =	sor.u32 $0x440, s5;
	[tilespmem:s22+$0x10] =	vst v3;
	v3 =	vmul.f32 v8, v7;
	v7 =	vshll.u32 v13, $0x10;
	v8 =	vand.u32 $0xFFFF0000, v13;
	v13 =	vld [tilespmem:s26+$0xFFFFFF20]  }
0xfd: {  	s23 =	sor.u32 $0x430, s31;
	[dreg:$0x16] =	wrdreg s7;
	s7 =	sor.u32 $0x450, s29;
	v0 =	vmul.f32 v0, v2;
	[tilespmem:s18+$0xF300] =	vst v4;
	v4 =	vshll.u32 v12, $0x10;
	v14 =	vshll.u32 v1, $0x10  }
0xfe: {  	s29 =	sor.u32 $0x470, s29;
	s8 =	smov.u32 s3;
	s3 =	rddreg [dreg:$0xb];
	v12 =	vand.u32 $0xFFFF0000, v12;
	v2 =	vld [tilespmem:s1+$0xFFFFFFA0];
	v1 =	vand.u32 $0xFFFF0000, v1;
	[tilespmem:s17+$0x60] =	vst v3;
	v4 =	vmul.f32 v14, v4  }
0xff: {  	[dreg:$0x13] =	wrdreg s29;
	s29 =	sor.u32 $0x470, s31;
	s31 =	smov.u32 s9;
	v5 =	vld [tilespmem:s26+$0xFFFFFFA0];
	v14 =	vshll.u32 v11, $0x10;
	v15 =	vshll.u32 v6, $0x10;
	v1 =	vmul.f32 v1, v12;
	[tilespmem:s3+$0xF300] =	vst v0  }
0x100: {  	s9 =	smov.u32 s15;
	s25 =	sld [smem:$0x7DF];
	s15 =	sor.u32 $0x420, s11;
	v3 =	vand.u32 $0xFFFF0000, v11;
	v6 =	vand.u32 $0xFFFF0000, v6;
	v11 =	vmul.f32 v15, v14;
	[tilespmem:s31+$0x20] =	vst v4;
	v4 =	vld [tilespmem:s10+$0x60]  }
0x101: {  	s12 =	smov.u32 s30;
	v3 =	vmul.f32 v6, v3;
	v12 =	vshll.u32 v10, $0x10;
	v6 =	vshll.u32 v13, $0x10;
	[tilespmem:s15+$0xF300] =	vst v1;
	v1 =	vld [tilespmem:s16+$0x60]  }
0x102: {  	s19 =	smov.u32 s12;
	s12 =	sld [smem:$0x7E0];
	v10 =	vand.u32 $0xFFFF0000, v10;
	v13 =	vand.u32 $0xFFFF0000, v13;
	[tilespmem:s8+$0x10] =	vst v11;
	v6 =	vmul.f32 v6, v12;
	v11 =	vld [tilespmem:s1+$0xB0]  }
0x103: {  	v14 =	vshll.u32 v9, $0x10;
	v10 =	vmul.f32 v13, v10;
	v12 =	vshll.u32 v2, $0x10;
	[tilespmem:s25+$0xF300] =	vst v3;
	v3 =	vld [tilespmem:s26+$0xB0]  }
0x104: {  	v2 =	vand.u32 $0xFFFF0000, v2;
	v13 =	vshll.u32 v5, $0x10;
	v5 =	vand.u32 $0xFFFF0000, v5;
	v15 =	vld [tilespmem:s1+$0x20];
	[tilespmem:s0+$0x20] =	vst v6  }
0x105: {  	s13 =	sld [smem:$0x7E1];
	v0 =	vmul.f32 v13, v12;
	v2 =	vmul.f32 v5, v2;
	v5 =	vld [tilespmem:s26+$0x20];
	v6 =	vand.u32 $0xFFFF0000, v9;
	[tilespmem:s12+$0xF300] =	vst v10  }
0x106: {  	s3 =	sld [smem:$0x7E2];
	v6 =	vmul.f32 v6, v8;
	v9 =	vld [tilespmem:s10+$0xFFFFFF70];
	v10 =	vshll.u32 v4, $0x10;
	v4 =	vand.u32 $0xFFFF0000, v4  }
0x107: {  	v13 =	vld [tilespmem:s1+$0xFFFFFF30];
	[tilespmem:s22+$0x20] =	vst v0;
	v0 =	vmul.f32 v14, v7;
	v12 =	vshll.u32 v1, $0x10;
	v1 =	vand.u32 $0xFFFF0000, v1  }
0x108: {  	v7 =	vld [tilespmem:s26+$0xFFFFFF30];
	[tilespmem:s13+$0xF300] =	vst v2;
	v2 =	vshll.u32 v11, $0x10;
	v8 =	vshll.u32 v3, $0x10;
	v10 =	vmul.f32 v12, v10  }
0x109: {  	s30 =	smov.u32 s29;
	s29 =	smov.u32 s14;
	s14 =	rddreg [dreg:$0x1c];
	v12 =	vld [tilespmem:s1+$0xFFFFFFB0];
	v11 =	vand.u32 $0xFFFF0000, v11;
	v3 =	vand.u32 $0xFFFF0000, v3;
	[tilespmem:s3+$0x60] =	vst v0;
	v2 =	vmul.f32 v8, v2  }
0x10a: {  	s4 =	sor.u32 $0x460, s5;
	s18 =	smov.u32 s6;
	v0 =	vld [tilespmem:s26+$0xFFFFFFB0];
	v8 =	vshll.u32 v15, $0x10;
	v14 =	vshll.u32 v5, $0x10;
	v3 =	vmul.f32 v3, v11;
	[tilespmem:s14+$0xF300] =	vst v6  }
0x10b: {  	s6 =	smov.u32 s4;
	s4 =	sld [smem:$0x7E4];
	s25 =	sor.u32 $0x430, s11;
	v6 =	vand.u32 $0xFFFF0000, v15;
	v5 =	vand.u32 $0xFFFF0000, v5;
	v8 =	vmul.f32 v14, v8;
	[tilespmem:s31+$0x30] =	vst v2;
	v2 =	vld [tilespmem:s16+$0xFFFFFF70]  }
0x10c: {  	v1 =	vmul.f32 v1, v4;
	v5 =	vmul.f32 v5, v6;
	v11 =	vshll.u32 v13, $0x10;
	[tilespmem:s25+$0xF300] =	vst v3;
	v3 =	vld [tilespmem:s10+$0xFFFFFFF0]  }
0x10d: {  	v13 =	vand.u32 $0xFFFF0000, v13;
	v6 =	vshll.u32 v7, $0x10;
	v7 =	vand.u32 $0xFFFF0000, v7;
	[tilespmem:s8+$0x20] =	vst v8;
	v8 =	vld [tilespmem:s1+$0xC0]  }
0x10e: {  	s12 =	sld [smem:$0x7E5];
	v4 =	vmul.f32 v6, v11;
	v7 =	vmul.f32 v7, v13;
	[tilespmem:s4+$0xF300] =	vst v5;
	v5 =	vld [tilespmem:s26+$0xC0]  }
0x10f: {  	v6 =	vshll.u32 v12, $0x10;
	v11 =	vand.u32 $0xFFFF0000, v12;
	v12 =	vshll.u32 v0, $0x10;
	v13 =	vld [tilespmem:s1+$0x30];
	[tilespmem:s21+$0x60] =	vst v10  }
0x110: {  	v0 =	vand.u32 $0xFFFF0000, v0;
	[tilespmem:s0+$0x30] =	vst v4;
	v4 =	vmul.f32 v12, v6;
	v6 =	vld [tilespmem:s26+$0x30]  }
0x111: {  	s13 =	sld [smem:$0x7E6];
	v10 =	vshll.u32 v9, $0x10;
	v0 =	vmul.f32 v0, v11;
	[tilespmem:s12+$0xF300] =	vst v7;
	v11 =	vld [tilespmem:s16+$0xFFFFFFF0];
	v7 =	vshll.u32 v2, $0x10  }
0x112: {  	v9 =	vand.u32 $0xFFFF0000, v9;
	v2 =	vand.u32 $0xFFFF0000, v2;
	v12 =	vld [tilespmem:s1+$0xFFFFFF40];
	[tilespmem:s22+$0x30] =	vst v4;
	v4 =	vmul.f32 v7, v10  }
0x113: {  	v7 =	vshll.u32 v3, $0x10;
	v10 =	vand.u32 $0xFFFF0000, v3;
	v3 =	vld [tilespmem:s26+$0xFFFFFF40];
	v2 =	vmul.f32 v2, v9  }
0x114: {  	s14 =	rddreg [dreg:$0xe];
	[tilespmem:s13+$0xF300] =	vst v0;
	v0 =	vshll.u32 v8, $0x10;
	v14 =	vshll.u32 v5, $0x10;
	v8 =	vand.u32 $0xFFFF0000, v8  }
0x115: {  	[tilespmem:s14+$0xF300] =	vst v1;
	v5 =	vand.u32 $0xFFFF0000, v5;
	v9 =	vld [tilespmem:s1+$0xFFFFFFC0];
	v0 =	vmul.f32 v14, v0;
	v14 =	vshll.u32 v13, $0x10  }
0x116: {  	[dreg:$0x19] =	wrdreg s23;
	v1 =	vld [tilespmem:s26+$0xFFFFFFC0];
	v5 =	vmul.f32 v5, v8;
	[tilespmem:s17+$0x70] =	vst v4;
	v4 =	vand.u32 $0xFFFF0000, v13;
	v15 =	vshll.u32 v6, $0x10  }
0x117: {  	s2 =	rddreg [dreg:$0x19];
	s25 =	sor.u32 $0x440, s11;
	v6 =	vand.u32 $0xFFFF0000, v6;
	v8 =	vmul.f32 v15, v14;
	[tilespmem:s31+$0x40] =	vst v0;
	v0 =	vld [tilespmem:s10+$0x70];
	v13 =	vshll.u32 v12, $0x10  }
0x118: {  	s15 =	sld [smem:$0x7E3];
	v12 =	vand.u32 $0xFFFF0000, v12;
	v4 =	vmul.f32 v6, v4;
	v6 =	vld [tilespmem:s16+$0x70];
	[tilespmem:s25+$0xF300] =	vst v5;
	v5 =	vshll.u32 v3, $0x10  }
0x119: {  	s20 =	sadd.s32 $0x4, s20;
	[dreg:$0xb] =	wrdreg s6;
	v3 =	vand.u32 $0xFFFF0000, v3;
	[tilespmem:s8+$0x30] =	vst v8;
	v14 =	vld [tilespmem:s1+$0xD0];
	v8 =	vshll.u32 v11, $0x10;
	v5 =	vmul.f32 v5, v13  }
0x11a: {  	s23 =	sor.u32 $0x450, s5;
	s5 =	sor.u32 $0x470, s5;
	s4 =	rddreg [dreg:$0x7];
	v15 =	vld [tilespmem:s26+$0xD0];
	v12 =	vmul.f32 v3, v12;
	v13 =	vshll.u32 v9, $0x10;
	v9 =	vand.u32 $0xFFFF0000, v9;
	[tilespmem:s2+$0xF300] =	vst v4  }
0x11b: {  	s6 =	smov.u32 s15;
	s15 =	sld [smem:$0x7E7];
	s13 =	smov.u32 s0;
	[tilespmem:s4+$0xF300] =	vst v2;
	v4 =	vshll.u32 v1, $0x10;
	v1 =	vand.u32 $0xFFFF0000, v1;
	v7 =	vmul.f32 v8, v7;
	v3 =	vld [tilespmem:s1+$0x40]  }
0x11c: {  	p4 =	slt.u32 s20, $0x4C;
	s2 =	smov.u32 s5;
	s5 =	rddreg [dreg:$0x16];
	[tilespmem:s13+$0x40] =	vst v5;
	v2 =	vmul.f32 v4, v13;
	v1 =	vmul.f32 v1, v9;
	v4 =	vld [tilespmem:s26+$0x40]  }
.Ltmp5:
0x11d: {  	s12 =	rddreg [dreg:$0x10];
	v9 =	vand.u32 $0xFFFF0000, v11;
	[tilespmem:s5+$0xF300] =	vst v12;
	v11 =	vshll.u32 v0, $0x10;
	v12 =	vshll.u32 v6, $0x10;
	(pc) =	sbr.rel @p4 .LBB2_4-.Ltmp5, $4  }
0x11e: {  	s14 =	smov.u32 s15;
	s15 =	rddreg [dreg:$0x4];
	v0 =	vand.u32 $0xFFFF0000, v0;
	v13 =	vmul.f32 v9, v10;
	v5 =	vld [tilespmem:s1+$0xFFFFFF50];
	[tilespmem:s22+$0x40] =	vst v2;
	v2 =	vand.u32 $0xFFFF0000, v6  }
0x11f: {  	s17 =	rddreg [dreg:$0x1f];
	v8 =	vld [tilespmem:s26+$0xFFFFFF50];
	[tilespmem:s12+$0xF300] =	vst v1;
	v9 =	vshll.u32 v14, $0x10;
	v10 =	vshll.u32 v15, $0x10;
	v1 =	vmul.f32 v12, v11  }
0x120: {  	s10 =	smov.u32 s1;
	s25 =	smov.u32 s22;
	s22 =	rddreg [dreg:$0x13];
	v14 =	vand.u32 $0xFFFF0000, v14;
	v15 =	vand.u32 $0xFFFF0000, v15;
	v6 =	vld [tilespmem:s1+$0xFFFFFFD0];
	v9 =	vmul.f32 v10, v9;
	[tilespmem:s3+$0x70] =	vst v7  }
0x121: {  	s16 =	smov.u32 s26;
	s4 =	smov.u32 s22;
	v10 =	vmul.f32 v15, v14;
	s1 =	sadd.s32 $0x200, s1;
	v7 =	vld [tilespmem:s26+$0xFFFFFFD0];
	v11 =	vshll.u32 v3, $0x10;
	v12 =	vshll.u32 v4, $0x10;
	[tilespmem:s15+$0xF300] =	vst v13  }
0x122: {  	v3 =	vand.u32 $0xFFFF0000, v3;
	v4 =	vand.u32 $0xFFFF0000, v4;
	v11 =	vmul.f32 v12, v11  }
0x123: {  	v3 =	vmul.f32 v4, v3  }
0x124: {  	[tilespmem:s8+$0x40] =	vst v11  }
0x125: {  	v61 =	vshll.u32 v5, $0x10;
	v62 =	vshll.u32 v8, $0x10;
	[tilespmem:s28+$0xF300] =	vst v3  }
0x126: {  	[tilespmem:s31+$0x50] =	vst v9;
	s0 =	sor.u32 $0x450, s11;
	v63 =	vand.u32 $0xFFFF0000, v5;
	v13 =	vand.u32 $0xFFFF0000, v8;
	v14 =	vmul.f32 v62, v61;
	v3 =	vld [tilespmem:s10+$0x50]  }
0x127: {  	[tilespmem:s0+$0xF300] =	vst v10;
	v5 =	vmul.f32 v13, v63;
	v60 =	vld [tilespmem:s16+$0x50]  }
0x128: {  	v17 =	vld [tilespmem:s10+$0xE0];
	[tilespmem:s13+$0x50] =	vst v14  }
0x129: {  	v20 =	vld [tilespmem:s16+$0xE0];
	v15 =	vshll.u32 v6, $0x10;
	v16 =	vshll.u32 v7, $0x10;
	[tilespmem:s23+$0xF300] =	vst v5  }
0x12a: {  	v18 =	vand.u32 $0xFFFF0000, v6;
	v19 =	vand.u32 $0xFFFF0000, v7;
	v8 =	vmul.f32 v16, v15;
	v23 =	vld [tilespmem:s10+$0xFFFFFF60]  }
0x12b: {  	v6 =	vmul.f32 v19, v18;
	v24 =	vld [tilespmem:s16+$0xFFFFFF60]  }
0x12c: {  	[tilespmem:s25+$0x50] =	vst v8;
	v21 =	vshll.u32 v3, $0x10;
	v22 =	vshll.u32 v60, $0x10  }
0x12d: {  	[tilespmem:s7+$0xF300] =	vst v6;
	v3 =	vand.u32 $0xFFFF0000, v3;
	v4 =	vand.u32 $0xFFFF0000, v60;
	v5 =	vmul.f32 v22, v21  }
0x12e: {  	v25 =	vld [tilespmem:s10+$0xFFFFFFE0];
	v3 =	vmul.f32 v4, v3  }
0x12f: {  	v27 =	vshll.u32 v17, $0x10;
	v28 =	vshll.u32 v20, $0x10;
	v26 =	vld [tilespmem:s16+$0xFFFFFFE0];
	[tilespmem:s8+$0x50] =	vst v5  }
0x130: {  	v31 =	vshll.u32 v23, $0x10;
	v32 =	vshll.u32 v24, $0x10;
	[tilespmem:s18+$0xF300] =	vst v3;
	v3 =	vmul.f32 v28, v27  }
0x131: {  	v11 =	vand.u32 $0xFFFF0000, v17;
	v9 =	vand.u32 $0xFFFF0000, v20;
	v34 =	vmul.f32 v32, v31;
	v29 =	vld [tilespmem:s10+$0x60]  }
0x132: {  	v9 =	vmul.f32 v9, v11;
	v30 =	vld [tilespmem:s16+$0x60];
	[tilespmem:s31+$0x60] =	vst v3  }
0x133: {  	s28 =	sor.u32 $0x460, s11;
	v33 =	vand.u32 $0xFFFF0000, v23;
	v6 =	vand.u32 $0xFFFF0000, v24;
	[tilespmem:s13+$0x60] =	vst v34  }
0x134: {  	v35 =	vshll.u32 v25, $0x10;
	v36 =	vshll.u32 v26, $0x10;
	v3 =	vmul.f32 v6, v33;
	[tilespmem:s28+$0xF300] =	vst v9  }
0x135: {  	v4 =	vand.u32 $0xFFFF0000, v25;
	v5 =	vand.u32 $0xFFFF0000, v26;
	v6 =	vmul.f32 v36, v35;
	v37 =	vld [tilespmem:s10+$0xF0];
	s0 =	rddreg [dreg:$0xb]  }
0x136: {  	v4 =	vmul.f32 v5, v4;
	v38 =	vld [tilespmem:s16+$0xF0];
	[tilespmem:s0+$0xF300] =	vst v3  }
0x137: {  	[tilespmem:s25+$0x60] =	vst v6;
	v39 =	vshll.u32 v29, $0x10;
	v40 =	vshll.u32 v30, $0x10;
	v41 =	vld [tilespmem:s10+$0xFFFFFF70]  }
0x138: {  	[tilespmem:s6+$0xF300] =	vst v4;
	v10 =	vand.u32 $0xFFFF0000, v29;
	v7 =	vand.u32 $0xFFFF0000, v30;
	v42 =	vld [tilespmem:s16+$0xFFFFFF70];
	v3 =	vmul.f32 v40, v39  }
0x139: {  	v44 =	vld [tilespmem:s10+$0xFFFFFFF0];
	v43 =	vmul.f32 v7, v10  }
0x13a: {  	v45 =	vld [tilespmem:s16+$0xFFFFFFF0];
	[tilespmem:s8+$0x60] =	vst v3  }
0x13b: {  	[tilespmem:s14+$0xF300] =	vst v43  }
0x13c: {  	v0 =	vmul.f32 v2, v0;
	v46 =	vshll.u32 v37, $0x10;
	v47 =	vshll.u32 v38, $0x10;
	v48 =	vld [tilespmem:s10+$0x70]  }
0x13d: {  	[tilespmem:s21+$0x70] =	vst v1;
	v49 =	vand.u32 $0xFFFF0000, v37;
	v8 =	vand.u32 $0xFFFF0000, v38;
	v2 =	vmul.f32 v47, v46;
	v50 =	vld [tilespmem:s16+$0x70]  }
0x13e: {  	[tilespmem:s19+$0xF300] =	vst v0;
	v51 =	vmul.f32 v8, v49;
	v52 =	vshll.u32 v41, $0x10;
	v53 =	vshll.u32 v42, $0x10  }
0x13f: {  	s29 =	sor.u32 $0x470, s11;
	v55 =	vshll.u32 v44, $0x10;
	v56 =	vshll.u32 v45, $0x10;
	[tilespmem:s31+$0x70] =	vst v2;
	v1 =	vmul.f32 v53, v52  }
0x140: {  	v54 =	vand.u32 $0xFFFF0000, v41;
	v4 =	vand.u32 $0xFFFF0000, v42;
	v0 =	vmul.f32 v56, v55;
	[tilespmem:s29+$0xF300] =	vst v51  }
0x141: {  	v57 =	vand.u32 $0xFFFF0000, v44;
	v58 =	vand.u32 $0xFFFF0000, v45;
	v2 =	vmul.f32 v4, v54;
	[tilespmem:s13+$0x70] =	vst v1  }
0x142: {  	v1 =	vmul.f32 v58, v57;
	[tilespmem:s25+$0x70] =	vst v0;
	v59 =	vshll.u32 v48, $0x10;
	v60 =	vshll.u32 v50, $0x10  }
0x143: {  	[tilespmem:s2+$0xF300] =	vst v2;
	v61 =	vand.u32 $0xFFFF0000, v48;
	v62 =	vand.u32 $0xFFFF0000, v50;
	v2 =	vmul.f32 v60, v59  }
0x144: {  	[tilespmem:s4+$0xF300] =	vst v1;
	v63 =	vmul.f32 v62, v61  }
0x145: {  	s0 =	sld [smem:$0x7E8];
	[tilespmem:s8+$0x70] =	vst v2  }
0x146: {  	s1 =	rddreg [dreg:$0x1];
	[tilespmem:s30+$0xF300] =	vst v63  }
0x147: {  	s5 =	sld [smem:$0x7FB]  }
0x148: {  	s31 =	simm.s32 $0xF300;
	s0 =	smul.u32 $0xA00, s0;
	s6 =	sld [smem:$0x7FC]  }
0x149: {  	s2 =	simm.s32 @!p2 $0x0;
	s8 =	simm.s32 @!p2 $0x80;
	s7 =	sld [smem:$0x7FD]  }
0x14a: {  	s30 =	simm.s32 $0x0;
	s4 =	sld [smem:$0x7EB];
	s0 =	sadd.s32 s1, s0  }
0x14b: {  	[hbm4b:s0+s30] =	stream.linear.scatter [tilespmem:s31], [sflag:$0x7], $0x5000, $0x38;
	[tilespmem:$0x1E300] =	vst v63  }
.LBB2_6:
0x14c: {  	s0 =	simm.s32 @!p2 $0x1  }
0x14d: {  	_ =	swait.ge @!p2 [sflag:s0], $0x50  }
0x14e: {  	[sflag:s0] =	ssyncset.done @!p2 $0x0  }
0x14f: {  	[sflag:s0] =	ssyncadd.s32 @!p2 $0xFFFFFFB0  }
0x150: {  	_ =	swait.ge @!p2 [sflag:s0], $0x50  }
0x151: {  	s1 =	simm.s32 @!p2 $0x300;
	[sflag:s0] =	ssyncset.done @!p2 $0x0  }
0x152: {  	s30 =	sld [smem:$0x7F5];
	[sflag:s0] =	ssyncadd.s32 @!p2 $0xFFFFFFB0;
	s0 =	simm.s32 @!p2 $0x50  }
0x153: {  	[tilespmem:s1], [sflag:$0x4] =	stream.indirect.gather @!p2 [hbm4b:s5+s0], $0x80, s2, s0, $0xb8;
	[tilespmem:$0x1E300] =	vst v63  }
0x154: {  	s1 =	simm.s32 @!p2 $0x2B00  }
0x155: {  	[tilespmem:s1], [sflag:$0x4] =	stream.indirect.gather @!p2 [hbm4b:s5+s0], $0x80, s8, s0, $0xb8;
	[tilespmem:$0x1E300] =	vst v63  }
0x156: {  	s8 =	sadd.s32 s30, s4  }
0x157: {  	p3 =	sgt.u32 s8, $0x7CF  }
0x158: {  	s0 =	simm.s32 @!p3 $0x5  }
0x159: {  	_ =	swait.ge @!p3 [sflag:s0], $0x2800  }
0x15a: {  	s31 =	sld [smem:$0x7F6];
	_ =	sdelay $0x1  }
0x15b: {  	[sflag:s0] =	ssyncset.done @!p3 $0x0  }
0x15c: {  	[sflag:s0] =	ssyncadd.s32 @!p3 $0xFFFFD800;
	s1 =	sadd.s32 s31, s4  }
0x15d: {  	_ =	swait.ge @!p3 [sflag:s0], $0x2800;
	p2 =	sgt.u32 s1, $0x7CF  }
0x15e: {  	[sflag:s0] =	ssyncset.done @!p3 $0x0;
	s1 =	smul.u32 @!p2 $0xA, s1  }
0x15f: {  	[sflag:s0] =	ssyncadd.s32 @!p3 $0xFFFFD800  }
0x160: {  	s2 =	simm.s32 @!p2 $0x0;
	s3 =	simm.s32 @!p2 $0x100;
	s0 =	sadd.s32 @!p2 s6, s1  }
0x161: {  	[tilespmem:s3], [sflag:$0x2] =	stream.linear.gather @!p2 [hbm4b:s0+s2], $0x50, $0x38;
	[tilespmem:$0x1E300] =	vst v63  }
0x162: {  	s9 =	simm.s32 @!p2 $0x180;
	s0 =	sadd.s32 @!p2 s7, s1  }
0x163: {  	[tilespmem:s9], [sflag:$0x2] =	stream.linear.gather @!p2 [hbm4b:s0+s2], $0x50, $0x38;
	[tilespmem:$0x1E300] =	vst v63  }
.Ltmp6:
0x164: {  	_ = 	snop;
	(pc) =	sbr.rel @p3 .LBB2_10-.Ltmp6, $4  }
0x165: {  	s0 =	simm.s32 @!p1 $0x8  }
0x166: {  	_ =	swait.ge @!p1 [sflag:s0], $0x5000  }
0x167: {  	[sflag:s0] =	ssyncset.done @!p1 $0x0  }
0x168: {  	[sflag:s0] =	ssyncadd.s32 @!p1 $0xFFFFB000  }
0x169: {  	[smem:$0x7DE] =	sst s8;
	s12 =	simm.s32 $0x5400  }
0x16a: {  	s6 =	simm.s32 $0x7C00;
	v0 =	vld [tilespmem:s12+$0x80]  }
0x16b: {  	v1 =	vld [tilespmem:s6+$0x80];
	_ =	sdelay $0x2  }
0x16c: {  	s3 =	simm.s32 $0x0  }
0x16d: {  	v2 =	vld [tilespmem:s12+$0xFFFFFF00];
	s0 =	sand.u32 $0x7, s3  }
0x16e: {  	s2 =	simm.s32 $0x180;
	v3 =	vld [tilespmem:s6+$0xFFFFFF00];
	s1 =	sand.u32 $0x7800, s3;
	s0 =	sshll.u32 s0, $0x7;
	v4 =	vshll.u32 v0, $0x10;
	v5 =	vshll.u32 v1, $0x10  }
0x16f: {  	v6 =	vld [tilespmem:s12+$0xFFFFFF80];
	s22 =	sand.u32 $0x380, s2;
	s21 =	sadd.s32 $0x14300, s1;
	s5 =	sadd.s32 $0x0, s0;
	v0 =	vand.u32 $0xFFFF0000, v0;
	v1 =	vand.u32 $0xFFFF0000, v1;
	v4 =	vmul.f32 v5, v4  }
0x170: {  	s1 =	sadd.s32 s22, s21;
	s4 =	sadd.s32 $0x180, s5;
	v5 =	vld [tilespmem:s6+$0xFFFFFF80];
	v0 =	vmul.f32 v1, v0  }
0x171: {  	s23 =	sor.u32 $0x400, s4;
	[tilespmem:s1+$0x0] =	vst v4  }
0x172: {  	p3 =	por $0x0, $0x0;
	s7 =	simm.s32 $0x1;
	[tilespmem:s23+$0x14300] =	vst v0  }
0x173: {  	s7 =	simm.s32 @!p3 $0x0;
	v1 =	vshll.u32 v3, $0x10;
	v0 =	vshll.u32 v2, $0x10;
	v4 =	vld [tilespmem:s12+$0x90]  }
0x174: {  	s25 =	sand.u32 $0x200, s3;
	s24 =	sshll.u32 s7, $0x9;
	v3 =	vand.u32 $0xFFFF0000, v3;
	v2 =	vand.u32 $0xFFFF0000, v2;
	v7 =	vld [tilespmem:s6+$0x90];
	v0 =	vmul.f32 v1, v0  }
0x175: {  	s26 =	simm.s32 $0x80;
	s14 =	sadd.s32 $0x0, s24;
	s15 =	sadd.s32 s25, s21;
	v1 =	vshll.u32 v6, $0x10;
	v2 =	vmul.f32 v3, v2;
	v8 =	vshll.u32 v5, $0x10  }
0x176: {  	s8 =	sand.u32 $0x280, s26;
	s9 =	sor.u32 $0x400, s14;
	v3 =	vld [tilespmem:s12+$0x0];
	v6 =	vand.u32 $0xFFFF0000, v6;
	v5 =	vand.u32 $0xFFFF0000, v5;
	[tilespmem:s15+$0x0] =	vst v0;
	v0 =	vmul.f32 v8, v1  }
0x177: {  	s2 =	sadd.s32 s8, s21;
	s16 =	sadd.s32 $0x80, s5;
	v1 =	vld [tilespmem:s6+$0x0];
	v5 =	vmul.f32 v5, v6;
	[tilespmem:s9+$0x14300] =	vst v2  }
0x178: {  	s5 =	sor.u32 $0x400, s16;
	v2 =	vld [tilespmem:s12+$0xFFFFFF10];
	[tilespmem:s2+$0x0] =	vst v0  }
0x179: {  	v8 =	vld [tilespmem:s6+$0xFFFFFF10];
	v0 =	vshll.u32 v4, $0x10;
	v6 =	vshll.u32 v7, $0x10;
	[tilespmem:s5+$0x14300] =	vst v5  }
0x17a: {  	v4 =	vand.u32 $0xFFFF0000, v4;
	v5 =	vand.u32 $0xFFFF0000, v7;
	v0 =	vmul.f32 v6, v0;
	v6 =	vld [tilespmem:s12+$0xFFFFFF90]  }
0x17b: {  	s3 =	sand.u32 $0x3, s3;
	v4 =	vmul.f32 v5, v4;
	v5 =	vld [tilespmem:s6+$0xFFFFFF90]  }
0x17c: {  	s10 =	simm.s32 $0x100;
	s3 =	sshll.u32 s3, $0x8;
	s11 =	sor.u32 $0x410, s4;
	v7 =	vshll.u32 v3, $0x10;
	v9 =	vshll.u32 v1, $0x10;
	[tilespmem:s1+$0x10] =	vst v0  }
0x17d: {  	s3 =	sadd.s32 $0x0, s3;
	s5 =	sand.u32 $0x300, s10;
	v1 =	vand.u32 $0xFFFF0000, v1;
	v0 =	vand.u32 $0xFFFF0000, v3;
	v3 =	vmul.f32 v9, v7;
	[tilespmem:s11+$0x14300] =	vst v4  }
0x17e: {  	s18 =	sadd.s32 $0x100, s3;
	s21 =	sadd.s32 s5, s21;
	v0 =	vmul.f32 v1, v0;
	v1 =	vshll.u32 v2, $0x10;
	v4 =	vshll.u32 v8, $0x10;
	v7 =	vld [tilespmem:s12+$0xA0]  }
0x17f: {  	s13 =	sor.u32 $0x400, s18;
	v2 =	vand.u32 $0xFFFF0000, v2;
	[tilespmem:s21+$0x0] =	vst v3;
	v3 =	vand.u32 $0xFFFF0000, v8;
	v1 =	vmul.f32 v4, v1;
	v4 =	vld [tilespmem:s6+$0xA0]  }
0x180: {  	v8 =	vshll.u32 v6, $0x10;
	[tilespmem:s13+$0x14300] =	vst v0;
	v0 =	vmul.f32 v3, v2;
	v2 =	vshll.u32 v5, $0x10  }
0x181: {  	s17 =	sor.u32 $0x410, s14;
	v3 =	vand.u32 $0xFFFF0000, v6;
	v5 =	vand.u32 $0xFFFF0000, v5;
	v6 =	vld [tilespmem:s12+$0x10];
	[tilespmem:s15+$0x10] =	vst v1;
	v1 =	vmul.f32 v2, v8  }
0x182: {  	v2 =	vmul.f32 v5, v3;
	v3 =	vld [tilespmem:s6+$0x10];
	[tilespmem:s17+$0x14300] =	vst v0  }
0x183: {  	s19 =	sor.u32 $0x410, s16;
	v0 =	vld [tilespmem:s12+$0xFFFFFF20];
	[tilespmem:s2+$0x10] =	vst v1  }
0x184: {  	v1 =	vld [tilespmem:s6+$0xFFFFFF20];
	[tilespmem:s19+$0x14300] =	vst v2;
	v2 =	vshll.u32 v7, $0x10;
	v5 =	vshll.u32 v4, $0x10  }
0x185: {  	v7 =	vand.u32 $0xFFFF0000, v7;
	v4 =	vand.u32 $0xFFFF0000, v4;
	v8 =	vld [tilespmem:s12+$0xFFFFFFA0];
	v2 =	vmul.f32 v5, v2  }
0x186: {  	v5 =	vld [tilespmem:s6+$0xFFFFFFA0];
	v4 =	vmul.f32 v4, v7  }
0x187: {  	s20 =	sor.u32 $0x420, s4;
	v7 =	vshll.u32 v6, $0x10;
	v9 =	vshll.u32 v3, $0x10;
	[tilespmem:s1+$0x20] =	vst v2  }
0x188: {  	v3 =	vand.u32 $0xFFFF0000, v3;
	v2 =	vand.u32 $0xFFFF0000, v6;
	v6 =	vmul.f32 v9, v7;
	[tilespmem:s20+$0x14300] =	vst v4  }
0x189: {  	v4 =	vshll.u32 v0, $0x10;
	v2 =	vmul.f32 v3, v2;
	v3 =	vshll.u32 v1, $0x10;
	v7 =	vld [tilespmem:s12+$0xB0]  }
0x18a: {  	s22 =	sor.u32 $0x410, s18;
	v0 =	vand.u32 $0xFFFF0000, v0;
	v1 =	vand.u32 $0xFFFF0000, v1;
	[tilespmem:s21+$0x10] =	vst v6;
	v3 =	vmul.f32 v3, v4;
	v4 =	vld [tilespmem:s6+$0xB0]  }
0x18b: {  	v0 =	vmul.f32 v1, v0;
	v6 =	vshll.u32 v8, $0x10;
	[tilespmem:s22+$0x14300] =	vst v2;
	v1 =	vshll.u32 v5, $0x10  }
0x18c: {  	s23 =	sor.u32 $0x420, s14;
	v2 =	vand.u32 $0xFFFF0000, v8;
	v5 =	vand.u32 $0xFFFF0000, v5;
	v8 =	vld [tilespmem:s12+$0x20];
	[tilespmem:s15+$0x20] =	vst v3;
	v1 =	vmul.f32 v1, v6  }
0x18d: {  	v2 =	vmul.f32 v5, v2;
	v3 =	vld [tilespmem:s6+$0x20];
	[tilespmem:s23+$0x14300] =	vst v0  }
0x18e: {  	s24 =	sor.u32 $0x420, s16;
	v0 =	vld [tilespmem:s12+$0xFFFFFF30];
	[tilespmem:s2+$0x20] =	vst v1  }
0x18f: {  	v1 =	vld [tilespmem:s6+$0xFFFFFF30];
	[tilespmem:s24+$0x14300] =	vst v2;
	v2 =	vshll.u32 v7, $0x10;
	v5 =	vshll.u32 v4, $0x10  }
0x190: {  	v7 =	vand.u32 $0xFFFF0000, v7;
	v4 =	vand.u32 $0xFFFF0000, v4;
	v6 =	vld [tilespmem:s12+$0xFFFFFFB0];
	v2 =	vmul.f32 v5, v2  }
0x191: {  	v5 =	vld [tilespmem:s6+$0xFFFFFFB0];
	v4 =	vmul.f32 v4, v7  }
0x192: {  	s25 =	sor.u32 $0x430, s4;
	v7 =	vshll.u32 v8, $0x10;
	v9 =	vshll.u32 v3, $0x10;
	[tilespmem:s1+$0x30] =	vst v2  }
0x193: {  	v3 =	vand.u32 $0xFFFF0000, v3;
	v2 =	vand.u32 $0xFFFF0000, v8;
	v7 =	vmul.f32 v9, v7;
	[tilespmem:s25+$0x14300] =	vst v4  }
0x194: {  	v4 =	vshll.u32 v0, $0x10;
	v2 =	vmul.f32 v3, v2;
	v3 =	vshll.u32 v1, $0x10;
	v8 =	vld [tilespmem:s12+$0xC0]  }
0x195: {  	s26 =	sor.u32 $0x420, s18;
	v0 =	vand.u32 $0xFFFF0000, v0;
	v1 =	vand.u32 $0xFFFF0000, v1;
	[tilespmem:s21+$0x20] =	vst v7;
	v3 =	vmul.f32 v3, v4;
	v4 =	vld [tilespmem:s6+$0xC0]  }
0x196: {  	v0 =	vmul.f32 v1, v0;
	v7 =	vshll.u32 v6, $0x10;
	[tilespmem:s26+$0x14300] =	vst v2;
	v1 =	vshll.u32 v5, $0x10  }
0x197: {  	s3 =	sor.u32 $0x430, s14;
	v2 =	vand.u32 $0xFFFF0000, v6;
	v5 =	vand.u32 $0xFFFF0000, v5;
	v6 =	vld [tilespmem:s12+$0x30];
	[tilespmem:s15+$0x30] =	vst v3;
	v1 =	vmul.f32 v1, v7  }
0x198: {  	v2 =	vmul.f32 v5, v2;
	v3 =	vld [tilespmem:s6+$0x30];
	[tilespmem:s3+$0x14300] =	vst v0  }
0x199: {  	s5 =	sor.u32 $0x430, s16;
	v0 =	vld [tilespmem:s12+$0xFFFFFF40];
	[tilespmem:s2+$0x30] =	vst v1  }
0x19a: {  	v1 =	vld [tilespmem:s6+$0xFFFFFF40];
	[tilespmem:s5+$0x14300] =	vst v2;
	v2 =	vshll.u32 v8, $0x10;
	v5 =	vshll.u32 v4, $0x10  }
0x19b: {  	v8 =	vand.u32 $0xFFFF0000, v8;
	v4 =	vand.u32 $0xFFFF0000, v4;
	v7 =	vld [tilespmem:s12+$0xFFFFFFC0];
	v2 =	vmul.f32 v5, v2  }
0x19c: {  	v5 =	vld [tilespmem:s6+$0xFFFFFFC0];
	v4 =	vmul.f32 v4, v8  }
0x19d: {  	s7 =	sor.u32 $0x440, s4;
	v8 =	vshll.u32 v6, $0x10;
	v9 =	vshll.u32 v3, $0x10;
	[tilespmem:s1+$0x40] =	vst v2  }
0x19e: {  	v3 =	vand.u32 $0xFFFF0000, v3;
	v2 =	vand.u32 $0xFFFF0000, v6;
	v6 =	vmul.f32 v9, v8;
	[tilespmem:s7+$0x14300] =	vst v4  }
0x19f: {  	v4 =	vshll.u32 v0, $0x10;
	v2 =	vmul.f32 v3, v2;
	v3 =	vshll.u32 v1, $0x10;
	v8 =	vld [tilespmem:s12+$0xD0]  }
0x1a0: {  	s8 =	sor.u32 $0x430, s18;
	v0 =	vand.u32 $0xFFFF0000, v0;
	v1 =	vand.u32 $0xFFFF0000, v1;
	[tilespmem:s21+$0x30] =	vst v6;
	v3 =	vmul.f32 v3, v4;
	v4 =	vld [tilespmem:s6+$0xD0]  }
0x1a1: {  	s26 =	simm.s32 $0x7E00;
	v0 =	vmul.f32 v1, v0;
	v6 =	vshll.u32 v7, $0x10;
	[tilespmem:s8+$0x14300] =	vst v2;
	v1 =	vshll.u32 v5, $0x10  }
0x1a2: {  	s9 =	sor.u32 $0x440, s14;
	v10 =	vld [tilespmem:s26+$0x80];
	v2 =	vand.u32 $0xFFFF0000, v7;
	v5 =	vand.u32 $0xFFFF0000, v5;
	[tilespmem:s15+$0x40] =	vst v3;
	v1 =	vmul.f32 v1, v6  }
0x1a3: {  	v7 =	vld [tilespmem:s12+$0x40];
	v2 =	vmul.f32 v5, v2;
	[tilespmem:s9+$0x14300] =	vst v0  }
0x1a4: {  	s10 =	sor.u32 $0x440, s16;
	v3 =	vld [tilespmem:s6+$0x40];
	[tilespmem:s2+$0x40] =	vst v1  }
0x1a5: {  	v0 =	vld [tilespmem:s12+$0xFFFFFF50];
	[tilespmem:s10+$0x14300] =	vst v2;
	v2 =	vshll.u32 v8, $0x10;
	v5 =	vshll.u32 v4, $0x10  }
0x1a6: {  	v1 =	vld [tilespmem:s6+$0xFFFFFF50];
	v8 =	vand.u32 $0xFFFF0000, v8;
	v4 =	vand.u32 $0xFFFF0000, v4;
	v2 =	vmul.f32 v5, v2  }
0x1a7: {  	v6 =	vld [tilespmem:s12+$0xFFFFFFD0];
	v4 =	vmul.f32 v4, v8  }
0x1a8: {  	s11 =	sor.u32 $0x450, s4;
	v13 =	vshll.u32 v10, $0x10;
	s10 =	simm.s32 $0x5600;
	v5 =	vld [tilespmem:s6+$0xFFFFFFD0];
	[tilespmem:s1+$0x50] =	vst v2  }
0x1a9: {  	v10 =	vand.u32 $0xFFFF0000, v10;
	v9 =	vld [tilespmem:s10+$0x80];
	v8 =	vshll.u32 v7, $0x10;
	v2 =	vshll.u32 v3, $0x10;
	[tilespmem:s11+$0x14300] =	vst v4  }
0x1aa: {  	v7 =	vand.u32 $0xFFFF0000, v7;
	v3 =	vand.u32 $0xFFFF0000, v3;
	v2 =	vmul.f32 v2, v8;
	v8 =	vld [tilespmem:s12+$0xE0]  }
0x1ab: {  	v4 =	vshll.u32 v0, $0x10;
	v3 =	vmul.f32 v3, v7;
	v7 =	vshll.u32 v1, $0x10;
	v11 =	vld [tilespmem:s6+$0xE0]  }
0x1ac: {  	s29 =	simm.s32 $0x4;
	s13 =	sor.u32 $0x440, s18;
	v14 =	vld [tilespmem:s26+$0x0];
	v0 =	vand.u32 $0xFFFF0000, v0;
	v1 =	vand.u32 $0xFFFF0000, v1;
	v4 =	vmul.f32 v7, v4;
	[tilespmem:s21+$0x40] =	vst v2  }
0x1ad: {  	s17 =	simm.s32 $0x400;
	s19 =	sor.u32 $0x450, s14;
	s20 =	sand.u32 $0x7, s29;
	v12 =	vld [tilespmem:s10+$0xFFFFFF00];
	v0 =	vmul.f32 v1, v0;
	v7 =	vshll.u32 v6, $0x10;
	v1 =	vshll.u32 v5, $0x10;
	[tilespmem:s13+$0x14300] =	vst v3  }
0x1ae: {  	s22 =	sshll.u32 s20, $0x7;
	s23 =	sand.u32 $0x7800, s17;
	s24 =	simm.s32 $0x380;
	v2 =	vand.u32 $0xFFFF0000, v5;
	v5 =	vld [tilespmem:s26+$0xFFFFFF00];
	v1 =	vmul.f32 v1, v7;
	v7 =	vshll.u32 v9, $0x10;
	[tilespmem:s15+$0x50] =	vst v4  }
0x1af: {  	s0 =	sadd.s32 $0x14300, s23;
	s25 =	sand.u32 $0x380, s24;
	s3 =	sadd.s32 $0x400, s22;
	v6 =	vand.u32 $0xFFFF0000, v6;
	v4 =	vld [tilespmem:s26+$0xFFFFFF80];
	v9 =	vand.u32 $0xFFFF0000, v9;
	v7 =	vmul.f32 v13, v7;
	[tilespmem:s19+$0x14300] =	vst v0  }
0x1b0: {  	s31 =	sadd.s32 s25, s0;
	s11 =	sadd.s32 $0x180, s3;
	v3 =	vld [tilespmem:s10+$0xFFFFFF80];
	v9 =	vmul.f32 v10, v9;
	[tilespmem:s2+$0x50] =	vst v1;
	v10 =	vshll.u32 v8, $0x10;
	v13 =	vshll.u32 v11, $0x10  }
0x1b1: {  	s8 =	sor.u32 $0x400, s11;
	v0 =	vld [tilespmem:s10+$0x0];
	[tilespmem:s31+$0x0] =	vst v7;
	v7 =	vand.u32 $0xFFFF0000, v8;
	v8 =	vand.u32 $0xFFFF0000, v11;
	v10 =	vmul.f32 v13, v10  }
0x1b2: {  	p3 =	por !p3, !p3;
	v2 =	vmul.f32 v2, v6;
	v6 =	vshll.u32 v12, $0x10;
	[tilespmem:s8+$0x14300] =	vst v9;
	v9 =	vld [tilespmem:s12+$0x50];
	v7 =	vmul.f32 v8, v7  }
0x1b3: {  	s20 =	simm.s32 $0x280;
	s5 =	simm.s32 $0x1;
	s9 =	sor.u32 $0x460, s4;
	v11 =	vand.u32 $0xFFFF0000, v12;
	v8 =	vshll.u32 v5, $0x10;
	v5 =	vand.u32 $0xFFFF0000, v5;
	v12 =	vld [tilespmem:s10+$0x90];
	[tilespmem:s1+$0x60] =	vst v10  }
0x1b4: {  	s24 =	simm.s32 $0x200;
	s5 =	simm.s32 @!p3 $0x0;
	s13 =	sor.u32 $0x450, s16;
	v13 =	vshll.u32 v4, $0x10;
	v15 =	vld [tilespmem:s26+$0x90];
	v1 =	vand.u32 $0xFFFF0000, v4;
	v4 =	vmul.f32 v8, v6;
	[tilespmem:s9+$0x14300] =	vst v7  }
0x1b5: {  	s5 =	sshll.u32 s5, $0x9;
	s19 =	sand.u32 $0x200, s24;
	[tilespmem:s13+$0x14300] =	vst v2;
	v2 =	vmul.f32 v5, v11;
	v5 =	vshll.u32 v14, $0x10;
	v11 =	vand.u32 $0xFFFF0000, v14;
	v7 =	vld [tilespmem:s12+$0xF0]  }
0x1b6: {  	s22 =	sand.u32 $0x280, s20;
	s23 =	sadd.s32 $0x400, s5;
	s13 =	sadd.s32 s19, s0;
	v10 =	vshll.u32 v3, $0x10;
	v3 =	vand.u32 $0xFFFF0000, v3;
	v6 =	vshll.u32 v0, $0x10;
	v8 =	vld [tilespmem:s6+$0xF0]  }
0x1b7: {  	s22 =	sadd.s32 s22, s0;
	s25 =	sor.u32 $0x400, s23;
	v0 =	vand.u32 $0xFFFF0000, v0;
	[tilespmem:s13+$0x0] =	vst v4;
	v4 =	vmul.f32 v13, v10;
	v1 =	vmul.f32 v1, v3;
	v3 =	vld [tilespmem:s6+$0x50];
	s9 =	simm.s32 $0x300  }
0x1b8: {  	s5 =	sadd.s32 $0x80, s3;
	v0 =	vmul.f32 v11, v0;
	[tilespmem:s25+$0x14300] =	vst v2;
	v2 =	vmul.f32 v5, v6;
	v5 =	vld [tilespmem:s12+$0xFFFFFF60];
	s8 =	sand.u32 $0x300, s9;
	s9 =	simm.s32 $0x2;
	v10 =	vshll.u32 v9, $0x10  }
0x1b9: {  	s19 =	sor.u32 $0x400, s5;
	v6 =	vand.u32 $0xFFFF0000, v9;
	v9 =	vld [tilespmem:s10+$0xFFFFFF10];
	[tilespmem:s22+$0x0] =	vst v4;
	s20 =	sand.u32 $0x3, s9;
	v4 =	vshll.u32 v12, $0x10;
	v11 =	vshll.u32 v15, $0x10  }
0x1ba: {  	s8 =	sadd.s32 s8, s0;
	v13 =	vld [tilespmem:s26+$0xFFFFFF10];
	[tilespmem:s19+$0x14300] =	vst v1;
	v1 =	vand.u32 $0xFFFF0000, v12;
	v12 =	vand.u32 $0xFFFF0000, v15;
	s0 =	sshll.u32 s20, $0x8;
	v4 =	vmul.f32 v11, v4  }
0x1bb: {  	[tilespmem:s8+$0x0] =	vst v2;
	v11 =	vld [tilespmem:s10+$0xFFFFFF90];
	v1 =	vmul.f32 v12, v1;
	s0 =	sadd.s32 $0x400, s0;
	v2 =	vshll.u32 v7, $0x10;
	v12 =	vshll.u32 v8, $0x10  }
0x1bc: {  	s25 =	sor.u32 $0x410, s11;
	v14 =	vld [tilespmem:s26+$0xFFFFFF90];
	s0 =	sadd.s32 $0x100, s0;
	[tilespmem:s31+$0x10] =	vst v4;
	v4 =	vand.u32 $0xFFFF0000, v7;
	v7 =	vand.u32 $0xFFFF0000, v8;
	v8 =	vshll.u32 v3, $0x10  }
0x1bd: {  	v3 =	vand.u32 $0xFFFF0000, v3;
	s7 =	sor.u32 $0x400, s0;
	v2 =	vmul.f32 v12, v2;
	[tilespmem:s25+$0x14300] =	vst v1;
	v1 =	vld [tilespmem:s6+$0xFFFFFF60];
	v4 =	vmul.f32 v7, v4  }
0x1be: {  	v7 =	vshll.u32 v9, $0x10;
	v9 =	vand.u32 $0xFFFF0000, v9;
	v12 =	vld [tilespmem:s12+$0xFFFFFFE0];
	v8 =	vmul.f32 v8, v10;
	[tilespmem:s7+$0x14300] =	vst v0  }
0x1bf: {  	s4 =	sor.u32 $0x470, s4;
	v10 =	vand.u32 $0xFFFF0000, v13;
	v3 =	vmul.f32 v3, v6;
	v0 =	vld [tilespmem:s26+$0xA0];
	[tilespmem:s1+$0x70] =	vst v2;
	v2 =	vshll.u32 v13, $0x10  }
0x1c0: {  	v13 =	vld [tilespmem:s10+$0xA0];
	v6 =	vand.u32 $0xFFFF0000, v11;
	[tilespmem:s4+$0x14300] =	vst v4;
	v2 =	vmul.f32 v2, v7;
	v4 =	vshll.u32 v11, $0x10  }
0x1c1: {  	[tilespmem:s21+$0x50] =	vst v8;
	v7 =	vmul.f32 v10, v9;
	v9 =	vshll.u32 v14, $0x10;
	v10 =	vand.u32 $0xFFFF0000, v14;
	v11 =	vld [tilespmem:s10+$0x10]  }
0x1c2: {  	s19 =	sor.u32 $0x410, s23;
	v8 =	vshll.u32 v5, $0x10;
	[tilespmem:s13+$0x10] =	vst v2;
	v2 =	vmul.f32 v9, v4;
	v4 =	vmul.f32 v10, v6;
	v6 =	vld [tilespmem:s26+$0x10]  }
0x1c3: {  	v5 =	vand.u32 $0xFFFF0000, v5;
	v9 =	vld [tilespmem:s6+$0xFFFFFFE0];
	[tilespmem:s19+$0x14300] =	vst v7;
	v7 =	vshll.u32 v1, $0x10;
	v1 =	vand.u32 $0xFFFF0000, v1  }
0x1c4: {  	s20 =	sor.u32 $0x410, s5;
	v14 =	vshll.u32 v0, $0x10;
	v0 =	vand.u32 $0xFFFF0000, v0;
	v10 =	vld [tilespmem:s10+$0xFFFFFF20];
	[tilespmem:s22+$0x10] =	vst v2;
	v2 =	vmul.f32 v7, v8  }
0x1c5: {  	s25 =	sor.u32 $0x450, s18;
	v7 =	vshll.u32 v12, $0x10;
	v8 =	vand.u32 $0xFFFF0000, v12;
	v12 =	vld [tilespmem:s26+$0xFFFFFF20];
	[tilespmem:s20+$0x14300] =	vst v4;
	v4 =	vshll.u32 v13, $0x10  }
0x1c6: {  	[tilespmem:s25+$0x14300] =	vst v3;
	v1 =	vmul.f32 v1, v5;
	v13 =	vand.u32 $0xFFFF0000, v13;
	v5 =	vld [tilespmem:s10+$0xFFFFFFA0];
	v4 =	vmul.f32 v14, v4  }
0x1c7: {  	v3 =	vld [tilespmem:s26+$0xFFFFFFA0];
	v14 =	vshll.u32 v11, $0x10;
	v0 =	vmul.f32 v0, v13;
	[tilespmem:s15+$0x60] =	vst v2;
	v15 =	vshll.u32 v6, $0x10  }
0x1c8: {  	s4 =	sor.u32 $0x420, s11;
	v2 =	vand.u32 $0xFFFF0000, v11;
	v6 =	vand.u32 $0xFFFF0000, v6;
	v11 =	vmul.f32 v15, v14;
	[tilespmem:s31+$0x20] =	vst v4;
	v4 =	vld [tilespmem:s12+$0x60]  }
0x1c9: {  	v2 =	vmul.f32 v6, v2;
	v14 =	vshll.u32 v9, $0x10;
	v13 =	vshll.u32 v10, $0x10;
	[tilespmem:s4+$0x14300] =	vst v0;
	v0 =	vld [tilespmem:s6+$0x60]  }
0x1ca: {  	s7 =	sor.u32 $0x410, s0;
	v10 =	vand.u32 $0xFFFF0000, v10;
	v6 =	vshll.u32 v12, $0x10;
	v12 =	vand.u32 $0xFFFF0000, v12;
	[tilespmem:s8+$0x10] =	vst v11;
	v11 =	vld [tilespmem:s10+$0xB0]  }
0x1cb: {  	s19 =	sor.u32 $0x460, s14;
	v6 =	vmul.f32 v6, v13;
	v10 =	vmul.f32 v12, v10;
	v13 =	vshll.u32 v5, $0x10;
	[tilespmem:s7+$0x14300] =	vst v2;
	v2 =	vld [tilespmem:s26+$0xB0]  }
0x1cc: {  	[tilespmem:s19+$0x14300] =	vst v1;
	v5 =	vand.u32 $0xFFFF0000, v5;
	v12 =	vshll.u32 v3, $0x10;
	v3 =	vand.u32 $0xFFFF0000, v3;
	v15 =	vld [tilespmem:s10+$0x20]  }
0x1cd: {  	s20 =	sor.u32 $0x420, s23;
	[tilespmem:s13+$0x20] =	vst v6;
	v1 =	vmul.f32 v12, v13;
	v3 =	vmul.f32 v3, v5;
	v5 =	vld [tilespmem:s26+$0x20];
	v6 =	vand.u32 $0xFFFF0000, v9  }
0x1ce: {  	[tilespmem:s20+$0x14300] =	vst v10;
	v10 =	vshll.u32 v4, $0x10;
	v4 =	vand.u32 $0xFFFF0000, v4;
	v6 =	vmul.f32 v6, v8  }
0x1cf: {  	s25 =	sor.u32 $0x420, s5;
	v12 =	vshll.u32 v0, $0x10;
	v13 =	vld [tilespmem:s10+$0xFFFFFF30];
	[tilespmem:s22+$0x20] =	vst v1;
	v1 =	vmul.f32 v14, v7;
	v0 =	vand.u32 $0xFFFF0000, v0  }
0x1d0: {  	v7 =	vld [tilespmem:s26+$0xFFFFFF30];
	[tilespmem:s25+$0x14300] =	vst v3;
	v3 =	vshll.u32 v11, $0x10;
	v10 =	vmul.f32 v12, v10;
	v8 =	vshll.u32 v2, $0x10  }
0x1d1: {  	s3 =	sor.u32 $0x460, s16;
	v11 =	vand.u32 $0xFFFF0000, v11;
	v12 =	vld [tilespmem:s10+$0xFFFFFFB0];
	v2 =	vand.u32 $0xFFFF0000, v2;
	[tilespmem:s2+$0x60] =	vst v1;
	v3 =	vmul.f32 v8, v3  }
0x1d2: {  	v1 =	vld [tilespmem:s26+$0xFFFFFFB0];
	v8 =	vshll.u32 v15, $0x10;
	v14 =	vshll.u32 v5, $0x10;
	v2 =	vmul.f32 v2, v11;
	[tilespmem:s3+$0x14300] =	vst v6  }
0x1d3: {  	s4 =	sor.u32 $0x430, s11;
	v9 =	vld [tilespmem:s12+$0xFFFFFF70];
	v6 =	vand.u32 $0xFFFF0000, v15;
	v5 =	vand.u32 $0xFFFF0000, v5;
	v8 =	vmul.f32 v14, v8;
	[tilespmem:s31+$0x30] =	vst v3  }
0x1d4: {  	v0 =	vmul.f32 v0, v4;
	v5 =	vmul.f32 v5, v6;
	v3 =	vld [tilespmem:s6+$0xFFFFFF70];
	v11 =	vshll.u32 v13, $0x10;
	[tilespmem:s4+$0x14300] =	vst v2  }
0x1d5: {  	s7 =	sor.u32 $0x420, s0;
	v13 =	vand.u32 $0xFFFF0000, v13;
	v6 =	vshll.u32 v7, $0x10;
	v7 =	vand.u32 $0xFFFF0000, v7;
	[tilespmem:s8+$0x20] =	vst v8;
	v8 =	vld [tilespmem:s10+$0xC0]  }
0x1d6: {  	v4 =	vmul.f32 v6, v11;
	v7 =	vmul.f32 v7, v13;
	[tilespmem:s7+$0x14300] =	vst v5;
	v5 =	vld [tilespmem:s26+$0xC0]  }
0x1d7: {  	[tilespmem:s21+$0x60] =	vst v10;
	v6 =	vshll.u32 v12, $0x10;
	v11 =	vand.u32 $0xFFFF0000, v12;
	v12 =	vshll.u32 v1, $0x10;
	v13 =	vld [tilespmem:s10+$0x30]  }
0x1d8: {  	s19 =	sor.u32 $0x430, s23;
	v1 =	vand.u32 $0xFFFF0000, v1;
	[tilespmem:s13+$0x30] =	vst v4;
	v4 =	vmul.f32 v12, v6;
	v6 =	vld [tilespmem:s26+$0x30]  }
0x1d9: {  	v10 =	vshll.u32 v9, $0x10;
	v2 =	vld [tilespmem:s12+$0xFFFFFFF0];
	v1 =	vmul.f32 v1, v11;
	[tilespmem:s19+$0x14300] =	vst v7  }
0x1da: {  	s20 =	sor.u32 $0x430, s5;
	v9 =	vand.u32 $0xFFFF0000, v9;
	v7 =	vshll.u32 v3, $0x10;
	v3 =	vand.u32 $0xFFFF0000, v3;
	v12 =	vld [tilespmem:s10+$0xFFFFFF40];
	[tilespmem:s22+$0x30] =	vst v4  }
0x1db: {  	s25 =	sor.u32 $0x460, s18;
	v4 =	vmul.f32 v7, v10;
	v10 =	vld [tilespmem:s26+$0xFFFFFF40];
	[tilespmem:s20+$0x14300] =	vst v1;
	v9 =	vmul.f32 v3, v9;
	v1 =	vshll.u32 v8, $0x10  }
0x1dc: {  	[tilespmem:s25+$0x14300] =	vst v0;
	v14 =	vshll.u32 v5, $0x10;
	v3 =	vld [tilespmem:s10+$0xFFFFFFC0];
	v8 =	vand.u32 $0xFFFF0000, v8;
	v5 =	vand.u32 $0xFFFF0000, v5  }
0x1dd: {  	s7 =	sor.u32 $0x470, s14;
	v0 =	vld [tilespmem:s26+$0xFFFFFFC0];
	v1 =	vmul.f32 v14, v1;
	v14 =	vshll.u32 v13, $0x10;
	v15 =	vshll.u32 v6, $0x10;
	[tilespmem:s15+$0x70] =	vst v4  }
0x1de: {  	v11 =	vld [tilespmem:s6+$0xFFFFFFF0];
	v5 =	vmul.f32 v5, v8;
	v4 =	vand.u32 $0xFFFF0000, v13;
	v6 =	vand.u32 $0xFFFF0000, v6;
	[tilespmem:s7+$0x14300] =	vst v9  }
0x1df: {  	s4 =	sor.u32 $0x440, s11;
	v7 =	vshll.u32 v2, $0x10;
	v8 =	vmul.f32 v15, v14;
	v4 =	vmul.f32 v6, v4;
	v6 =	vld [tilespmem:s6+$0x70];
	[tilespmem:s31+$0x40] =	vst v1  }
0x1e0: {  	v2 =	vand.u32 $0xFFFF0000, v2;
	v1 =	vld [tilespmem:s12+$0x70];
	v13 =	vshll.u32 v12, $0x10;
	[tilespmem:s4+$0x14300] =	vst v5;
	v5 =	vshll.u32 v10, $0x10  }
0x1e1: {  	s6 =	sor.u32 $0x430, s0;
	v12 =	vand.u32 $0xFFFF0000, v12;
	v10 =	vand.u32 $0xFFFF0000, v10;
	[tilespmem:s8+$0x30] =	vst v8;
	v14 =	vld [tilespmem:s10+$0xD0];
	v5 =	vmul.f32 v5, v13  }
0x1e2: {  	v13 =	vshll.u32 v3, $0x10;
	[tilespmem:s6+$0x14300] =	vst v4;
	v16 =	vld [tilespmem:s26+$0xD0];
	v10 =	vmul.f32 v10, v12;
	v4 =	vshll.u32 v0, $0x10  }
0x1e3: {  	s28 =	sor.u32 $0x440, s0;
	s14 =	sor.u32 $0x440, s23;
	v15 =	vand.u32 $0xFFFF0000, v3;
	v0 =	vand.u32 $0xFFFF0000, v0;
	v3 =	vld [tilespmem:s10+$0x40];
	v9 =	vmul.f32 v4, v13;
	[tilespmem:s13+$0x40] =	vst v5  }
0x1e4: {  	s30 =	sor.u32 $0x470, s0;
	s1 =	simm.s32 $0x5800;
	v8 =	vshll.u32 v11, $0x10;
	v11 =	vand.u32 $0xFFFF0000, v11;
	v12 =	vmul.f32 v0, v15;
	v4 =	vld [tilespmem:s26+$0x40];
	[tilespmem:s14+$0x14300] =	vst v10  }
0x1e5: {  	s19 =	sor.u32 $0x470, s18;
	s18 =	sor.u32 $0x450, s0;
	s15 =	sor.u32 $0x440, s5;
	v7 =	vmul.f32 v8, v7;
	v15 =	vmul.f32 v11, v2;
	v13 =	vshll.u32 v6, $0x10;
	[tilespmem:s22+$0x40] =	vst v9  }
0x1e6: {  	s25 =	smov.u32 s22;
	s12 =	sor.u32 $0x470, s16;
	s16 =	sor.u32 $0x460, s23;
	v2 =	vand.u32 $0xFFFF0000, v6;
	v10 =	vshll.u32 v1, $0x10;
	v0 =	vand.u32 $0xFFFF0000, v1;
	v5 =	vld [tilespmem:s10+$0xFFFFFF50];
	[tilespmem:s15+$0x14300] =	vst v12  }
0x1e7: {  	s20 =	simm.s32 $0x4;
	s7 =	sor.u32 $0x450, s5;
	v8 =	vld [tilespmem:s26+$0xFFFFFF50];
	v1 =	vmul.f32 v13, v10;
	v9 =	vshll.u32 v14, $0x10;
	v11 =	vshll.u32 v16, $0x10;
	[dreg:$0xc] =	wrdreg s16  }
0x1e8: {  	s4 =	sor.u32 $0x470, s5;
	s6 =	sor.u32 $0x460, s5;
	s22 =	sor.u32 $0x450, s23;
	v10 =	vand.u32 $0xFFFF0000, v14;
	v13 =	vand.u32 $0xFFFF0000, v16;
	v6 =	vld [tilespmem:s10+$0xFFFFFFD0];
	v9 =	vmul.f32 v11, v9;
	[tilespmem:s2+$0x70] =	vst v7  }
0x1e9: {  	s14 =	sor.u32 $0x460, s0;
	s16 =	simm.s32 $0x7E00;
	s2 =	sor.u32 $0x470, s23;
	v7 =	vld [tilespmem:s26+$0xFFFFFFD0];
	v11 =	vshll.u32 v3, $0x10;
	v12 =	vshll.u32 v4, $0x10;
	v10 =	vmul.f32 v13, v10;
	[tilespmem:s12+$0x14300] =	vst v15  }
.LBB2_8:
0x1ea: {  	[dreg:$0x1d] =	wrdreg s6;
	v13 =	vld [tilespmem:s1+$0x80];
	v3 =	vand.u32 $0xFFFF0000, v3;
	v4 =	vand.u32 $0xFFFF0000, v4;
	v11 =	vmul.f32 v12, v11;
	s0 =	sor.u32 $0x450, s11;
	s26 =	sadd.s32 $0x200, s26;
	[tilespmem:s31+$0x50] =	vst v9  }
0x1eb: {  	[dreg:$0xf] =	wrdreg s14;
	v3 =	vmul.f32 v4, v3;
	v9 =	vld [tilespmem:s26+$0x80];
	[tilespmem:s0+$0x14300] =	vst v10  }
0x1ec: {  	[dreg:$0x8] =	wrdreg s2;
	v0 =	vmul.f32 v2, v0;
	[tilespmem:s8+$0x40] =	vst v11;
	v10 =	vld [tilespmem:s10+$0xE0];
	v12 =	vshll.u32 v5, $0x10;
	v4 =	vshll.u32 v8, $0x10  }
0x1ed: {  	[dreg:$0x5] =	wrdreg s4;
	[tilespmem:s28+$0x14300] =	vst v3;
	v3 =	vld [tilespmem:s16+$0xE0];
	v5 =	vand.u32 $0xFFFF0000, v5;
	v8 =	vand.u32 $0xFFFF0000, v8;
	v2 =	vmul.f32 v4, v12  }
0x1ee: {  	s15 =	sadd.s32 $0x2, s9;
	p3 =	por !p3, !p3;
	s14 =	sadd.s32 $0x4, s29;
	v11 =	vld [tilespmem:s1+$0xFFFFFF00];
	[tilespmem:s21+$0x70] =	vst v1;
	v4 =	vshll.u32 v6, $0x10;
	v5 =	vmul.f32 v8, v5;
	v8 =	vshll.u32 v7, $0x10  }
0x1ef: {  	s24 =	sadd.s32 $0x200, s24;
	s3 =	sand.u32 $0x7, s14;
	s17 =	sadd.s32 $0x400, s17;
	v1 =	vld [tilespmem:s26+$0xFFFFFF00];
	v6 =	vand.u32 $0xFFFF0000, v6;
	v7 =	vand.u32 $0xFFFF0000, v7;
	[tilespmem:s13+$0x50] =	vst v2;
	v2 =	vmul.f32 v8, v4  }
0x1f0: {  	s5 =	sadd.s32 $0x180, s24;
	s3 =	sshll.u32 s3, $0x7;
	s9 =	sand.u32 $0x7800, s17;
	v4 =	vmul.f32 v7, v6;
	v6 =	vld [tilespmem:s1+$0xFFFFFF80];
	v7 =	vshll.u32 v13, $0x10;
	v8 =	vshll.u32 v9, $0x10;
	[tilespmem:s22+$0x14300] =	vst v5  }
0x1f1: {  	s12 =	sadd.s32 s17, s3;
	s3 =	sadd.s32 $0x14300, s9;
	s21 =	sand.u32 $0x380, s5;
	v12 =	vand.u32 $0xFFFF0000, v13;
	v9 =	vand.u32 $0xFFFF0000, v9;
	v5 =	vld [tilespmem:s26+$0xFFFFFF80];
	v7 =	vmul.f32 v8, v7;
	[tilespmem:s25+$0x50] =	vst v2  }
0x1f2: {  	s2 =	simm.s32 $0x1;
	s9 =	sadd.s32 s21, s3;
	s21 =	sadd.s32 $0x180, s12;
	v8 =	vmul.f32 v9, v12;
	v9 =	vshll.u32 v3, $0x10;
	v12 =	vld [tilespmem:s26+$0x0];
	[tilespmem:s7+$0x14300] =	vst v4;
	v4 =	vshll.u32 v10, $0x10  }
0x1f3: {  	s4 =	sor.u32 $0x460, s11;
	s6 =	sand.u32 $0x3, s15;
	s23 =	sor.u32 $0x400, s21;
	v3 =	vand.u32 $0xFFFF0000, v3;
	v2 =	vld [tilespmem:s1+$0x0];
	[tilespmem:s9+$0x0] =	vst v7;
	v7 =	vand.u32 $0xFFFF0000, v10;
	v4 =	vmul.f32 v9, v4  }
0x1f4: {  	s2 =	simm.s32 @!p3 $0x0;
	s29 =	sadd.s32 $0x80, s12;
	s12 =	smov.u32 s31;
	v10 =	vshll.u32 v1, $0x10;
	[tilespmem:s23+$0x14300] =	vst v8;
	v8 =	vld [tilespmem:s10+$0x50];
	v3 =	vmul.f32 v3, v7  }
0x1f5: {  	s0 =	sshll.u32 s6, $0x8;
	s2 =	sshll.u32 s2, $0x9;
	s6 =	sand.u32 $0x200, s24;
	v1 =	vand.u32 $0xFFFF0000, v1;
	v9 =	vshll.u32 v11, $0x10;
	v7 =	vand.u32 $0xFFFF0000, v11;
	v13 =	vld [tilespmem:s1+$0x90];
	[tilespmem:s12+$0x60] =	vst v4  }
0x1f6: {  	[smem:$0x7DD] =	sst s17;
	s0 =	sadd.s32 s17, s0;
	s5 =	sadd.s32 s2, s17;
	v11 =	vshll.u32 v6, $0x10;
	v6 =	vand.u32 $0xFFFF0000, v6;
	v14 =	vld [tilespmem:s26+$0x90];
	[tilespmem:s4+$0x14300] =	vst v3;
	v3 =	vmul.f32 v10, v9  }
0x1f7: {  	s31 =	sadd.s32 $0x100, s0;
	s0 =	sadd.s32 s6, s3;
	s7 =	sadd.s32 $0x100, s24;
	[tilespmem:s19+$0x14300] =	vst v0;
	v0 =	vmul.f32 v1, v7;
	v4 =	vshll.u32 v5, $0x10;
	v5 =	vand.u32 $0xFFFF0000, v5;
	v10 =	vld [tilespmem:s10+$0xF0]  }
0x1f8: {  	s22 =	sadd.s32 $0x80, s24;
	s17 =	sand.u32 $0x300, s7;
	s7 =	sor.u32 $0x400, s5;
	v1 =	vshll.u32 v12, $0x10;
	v7 =	vand.u32 $0xFFFF0000, v12;
	v9 =	vshll.u32 v2, $0x10;
	v12 =	vld [tilespmem:s16+$0xF0];
	[tilespmem:s0+$0x0] =	vst v3  }
0x1f9: {  	s22 =	sand.u32 $0x280, s22;
	s23 =	sor.u32 $0x460, s29;
	v2 =	vand.u32 $0xFFFF0000, v2;
	v3 =	vmul.f32 v4, v11;
	v4 =	vmul.f32 v5, v6;
	v5 =	vld [tilespmem:s16+$0x50];
	[tilespmem:s7+$0x14300] =	vst v0  }
0x1fa: {  	[smem:$0x7D8] =	sst s23;
	s23 =	sadd.s32 s22, s3;
	v6 =	vshll.u32 v8, $0x10;
	v0 =	vmul.f32 v1, v9;
	v1 =	vmul.f32 v7, v2;
	v2 =	vld [tilespmem:s10+$0xFFFFFF60]  }
0x1fb: {  	[smem:$0x7D7] =	sst s25;
	s25 =	smov.u32 s8;
	s8 =	sor.u32 $0x400, s29;
	v7 =	vand.u32 $0xFFFF0000, v8;
	v8 =	vld [tilespmem:s1+$0xFFFFFF10];
	[tilespmem:s23+$0x0] =	vst v3;
	v3 =	vshll.u32 v13, $0x10;
	v9 =	vshll.u32 v14, $0x10  }
0x1fc: {  	s3 =	sadd.s32 s17, s3;
	v11 =	vld [tilespmem:s26+$0xFFFFFF10];
	[tilespmem:s8+$0x14300] =	vst v4;
	v4 =	vand.u32 $0xFFFF0000, v13;
	v13 =	vand.u32 $0xFFFF0000, v14;
	v3 =	vmul.f32 v9, v3  }
0x1fd: {  	[tilespmem:s3+$0x0] =	vst v0;
	s8 =	sor.u32 $0x460, s31;
	v9 =	vld [tilespmem:s1+$0xFFFFFF90];
	v0 =	vmul.f32 v13, v4;
	v4 =	vshll.u32 v10, $0x10;
	v13 =	vshll.u32 v12, $0x10  }
0x1fe: {  	s11 =	sor.u32 $0x470, s11;
	v14 =	vld [tilespmem:s26+$0xFFFFFF90];
	[smem:$0x7DC] =	sst s8;
	s8 =	sor.u32 $0x410, s21;
	v4 =	vmul.f32 v13, v4;
	[tilespmem:s9+$0x10] =	vst v3  }
0x1ff: {  	s2 =	sor.u32 $0x400, s31;
	s6 =	sor.u32 $0x410, s31;
	v13 =	vld [tilespmem:s10+$0xFFFFFFE0];
	v3 =	vand.u32 $0xFFFF0000, v10;
	v10 =	vand.u32 $0xFFFF0000, v12;
	v12 =	vshll.u32 v5, $0x10;
	[tilespmem:s8+$0x14300] =	vst v0  }
0x200: {  	[smem:$0x7D4] =	sst s6;
	s6 =	sor.u32 $0x420, s31;
	v0 =	vld [tilespmem:s16+$0xFFFFFF60];
	v3 =	vmul.f32 v10, v3;
	v10 =	vshll.u32 v8, $0x10;
	v8 =	vand.u32 $0xFFFF0000, v8;
	[tilespmem:s12+$0x70] =	vst v4  }
0x201: {  	s28 =	sor.u32 $0x440, s31;
	[smem:$0x7D9] =	sst s6;
	s6 =	sor.u32 $0x440, s29;
	[tilespmem:s2+$0x14300] =	vst v1;
	v6 =	vmul.f32 v12, v6;
	v4 =	vshll.u32 v11, $0x10;
	v11 =	vand.u32 $0xFFFF0000, v11;
	v12 =	vld [tilespmem:s1+$0xA0]  }
0x202: {  	[dreg:$0x11] =	wrdreg s6;
	v5 =	vand.u32 $0xFFFF0000, v5;
	[tilespmem:s11+$0x14300] =	vst v3;
	s11 =	smov.u32 s21;
	s21 =	smov.u32 s25;
	v3 =	vmul.f32 v4, v10;
	v8 =	vmul.f32 v11, v8;
	v11 =	vld [tilespmem:s1+$0x10]  }
0x203: {  	s6 =	sor.u32 $0x450, s31;
	s17 =	smov.u32 s13;
	s22 =	sor.u32 $0x420, s29;
	v5 =	vmul.f32 v5, v7;
	v4 =	vshll.u32 v9, $0x10;
	v1 =	vld [tilespmem:s26+$0xA0];
	[tilespmem:s21+$0x50] =	vst v6  }
0x204: {  	s13 =	sor.u32 $0x410, s5;
	[smem:$0x7D6] =	sst s22;
	s22 =	sor.u32 $0x430, s29;
	v7 =	vand.u32 $0xFFFF0000, v9;
	v9 =	vshll.u32 v14, $0x10;
	v10 =	vand.u32 $0xFFFF0000, v14;
	[tilespmem:s0+$0x10] =	vst v3;
	v6 =	vld [tilespmem:s26+$0x10]  }
0x205: {  	s19 =	smov.u32 s18;
	[smem:$0x7DB] =	sst s22;
	s7 =	sor.u32 $0x420, s5;
	v3 =	vmul.f32 v9, v4;
	v4 =	vmul.f32 v10, v7;
	v7 =	vshll.u32 v2, $0x10;
	v9 =	vld [tilespmem:s16+$0xFFFFFFE0];
	[tilespmem:s13+$0x14300] =	vst v8  }
0x206: {  	[smem:$0x7D5] =	sst s7;
	s7 =	sor.u32 $0x430, s5;
	v2 =	vand.u32 $0xFFFF0000, v2;
	[tilespmem:s19+$0x14300] =	vst v5;
	v8 =	vshll.u32 v0, $0x10;
	v0 =	vand.u32 $0xFFFF0000, v0;
	v10 =	vld [tilespmem:s1+$0xFFFFFF20]  }
0x207: {  	s18 =	sor.u32 $0x410, s29;
	[smem:$0x7DA] =	sst s7;
	s7 =	sor.u32 $0x440, s5;
	[tilespmem:s23+$0x10] =	vst v3;
	v3 =	vmul.f32 v8, v7;
	v7 =	vshll.u32 v13, $0x10;
	v8 =	vand.u32 $0xFFFF0000, v13;
	v13 =	vld [tilespmem:s26+$0xFFFFFF20]  }
0x208: {  	s22 =	sor.u32 $0x430, s31;
	[dreg:$0x17] =	wrdreg s7;
	s7 =	sor.u32 $0x450, s29;
	v0 =	vmul.f32 v0, v2;
	[tilespmem:s18+$0x14300] =	vst v4;
	v4 =	vshll.u32 v12, $0x10;
	v14 =	vshll.u32 v1, $0x10  }
0x209: {  	s29 =	sor.u32 $0x470, s29;
	s8 =	smov.u32 s3;
	s3 =	rddreg [dreg:$0xc];
	v12 =	vand.u32 $0xFFFF0000, v12;
	v2 =	vld [tilespmem:s1+$0xFFFFFFA0];
	v1 =	vand.u32 $0xFFFF0000, v1;
	[tilespmem:s17+$0x60] =	vst v3;
	v4 =	vmul.f32 v14, v4  }
0x20a: {  	[dreg:$0x14] =	wrdreg s29;
	s29 =	sor.u32 $0x470, s31;
	s31 =	smov.u32 s9;
	v5 =	vld [tilespmem:s26+$0xFFFFFFA0];
	v14 =	vshll.u32 v11, $0x10;
	v15 =	vshll.u32 v6, $0x10;
	v1 =	vmul.f32 v1, v12;
	[tilespmem:s3+$0x14300] =	vst v0  }
0x20b: {  	s9 =	smov.u32 s15;
	s25 =	sld [smem:$0x7D4];
	s15 =	sor.u32 $0x420, s11;
	v3 =	vand.u32 $0xFFFF0000, v11;
	v6 =	vand.u32 $0xFFFF0000, v6;
	v11 =	vmul.f32 v15, v14;
	[tilespmem:s31+$0x20] =	vst v4;
	v4 =	vld [tilespmem:s10+$0x60]  }
0x20c: {  	s12 =	smov.u32 s30;
	v3 =	vmul.f32 v6, v3;
	v12 =	vshll.u32 v10, $0x10;
	v6 =	vshll.u32 v13, $0x10;
	[tilespmem:s15+$0x14300] =	vst v1;
	v1 =	vld [tilespmem:s16+$0x60]  }
0x20d: {  	s19 =	smov.u32 s12;
	s12 =	sld [smem:$0x7D5];
	v10 =	vand.u32 $0xFFFF0000, v10;
	v13 =	vand.u32 $0xFFFF0000, v13;
	[tilespmem:s8+$0x10] =	vst v11;
	v6 =	vmul.f32 v6, v12;
	v11 =	vld [tilespmem:s1+$0xB0]  }
0x20e: {  	v14 =	vshll.u32 v9, $0x10;
	v10 =	vmul.f32 v13, v10;
	v12 =	vshll.u32 v2, $0x10;
	[tilespmem:s25+$0x14300] =	vst v3;
	v3 =	vld [tilespmem:s26+$0xB0]  }
0x20f: {  	v2 =	vand.u32 $0xFFFF0000, v2;
	v13 =	vshll.u32 v5, $0x10;
	v5 =	vand.u32 $0xFFFF0000, v5;
	v15 =	vld [tilespmem:s1+$0x20];
	[tilespmem:s0+$0x20] =	vst v6  }
0x210: {  	s13 =	sld [smem:$0x7D6];
	v0 =	vmul.f32 v13, v12;
	v2 =	vmul.f32 v5, v2;
	v5 =	vld [tilespmem:s26+$0x20];
	v6 =	vand.u32 $0xFFFF0000, v9;
	[tilespmem:s12+$0x14300] =	vst v10  }
0x211: {  	s3 =	sld [smem:$0x7D7];
	v6 =	vmul.f32 v6, v8;
	v9 =	vld [tilespmem:s10+$0xFFFFFF70];
	v10 =	vshll.u32 v4, $0x10;
	v4 =	vand.u32 $0xFFFF0000, v4  }
0x212: {  	v13 =	vld [tilespmem:s1+$0xFFFFFF30];
	[tilespmem:s23+$0x20] =	vst v0;
	v0 =	vmul.f32 v14, v7;
	v12 =	vshll.u32 v1, $0x10;
	v1 =	vand.u32 $0xFFFF0000, v1  }
0x213: {  	v7 =	vld [tilespmem:s26+$0xFFFFFF30];
	[tilespmem:s13+$0x14300] =	vst v2;
	v2 =	vshll.u32 v11, $0x10;
	v8 =	vshll.u32 v3, $0x10;
	v10 =	vmul.f32 v12, v10  }
0x214: {  	s30 =	smov.u32 s29;
	s29 =	smov.u32 s14;
	s14 =	rddreg [dreg:$0x1d];
	v12 =	vld [tilespmem:s1+$0xFFFFFFB0];
	v11 =	vand.u32 $0xFFFF0000, v11;
	v3 =	vand.u32 $0xFFFF0000, v3;
	[tilespmem:s3+$0x60] =	vst v0;
	v2 =	vmul.f32 v8, v2  }
0x215: {  	s4 =	sor.u32 $0x460, s5;
	s18 =	smov.u32 s6;
	v0 =	vld [tilespmem:s26+$0xFFFFFFB0];
	v8 =	vshll.u32 v15, $0x10;
	v14 =	vshll.u32 v5, $0x10;
	v3 =	vmul.f32 v3, v11;
	[tilespmem:s14+$0x14300] =	vst v6  }
0x216: {  	s6 =	smov.u32 s4;
	s4 =	sld [smem:$0x7D9];
	s25 =	sor.u32 $0x430, s11;
	v6 =	vand.u32 $0xFFFF0000, v15;
	v5 =	vand.u32 $0xFFFF0000, v5;
	v8 =	vmul.f32 v14, v8;
	[tilespmem:s31+$0x30] =	vst v2;
	v2 =	vld [tilespmem:s16+$0xFFFFFF70]  }
0x217: {  	v1 =	vmul.f32 v1, v4;
	v5 =	vmul.f32 v5, v6;
	v11 =	vshll.u32 v13, $0x10;
	[tilespmem:s25+$0x14300] =	vst v3;
	v3 =	vld [tilespmem:s10+$0xFFFFFFF0]  }
0x218: {  	v13 =	vand.u32 $0xFFFF0000, v13;
	v6 =	vshll.u32 v7, $0x10;
	v7 =	vand.u32 $0xFFFF0000, v7;
	[tilespmem:s8+$0x20] =	vst v8;
	v8 =	vld [tilespmem:s1+$0xC0]  }
0x219: {  	s12 =	sld [smem:$0x7DA];
	v4 =	vmul.f32 v6, v11;
	v7 =	vmul.f32 v7, v13;
	[tilespmem:s4+$0x14300] =	vst v5;
	v5 =	vld [tilespmem:s26+$0xC0]  }
0x21a: {  	v6 =	vshll.u32 v12, $0x10;
	v11 =	vand.u32 $0xFFFF0000, v12;
	v12 =	vshll.u32 v0, $0x10;
	v13 =	vld [tilespmem:s1+$0x30];
	[tilespmem:s21+$0x60] =	vst v10  }
0x21b: {  	v0 =	vand.u32 $0xFFFF0000, v0;
	[tilespmem:s0+$0x30] =	vst v4;
	v4 =	vmul.f32 v12, v6;
	v6 =	vld [tilespmem:s26+$0x30]  }
0x21c: {  	s13 =	sld [smem:$0x7DB];
	v10 =	vshll.u32 v9, $0x10;
	v0 =	vmul.f32 v0, v11;
	[tilespmem:s12+$0x14300] =	vst v7;
	v11 =	vld [tilespmem:s16+$0xFFFFFFF0];
	v7 =	vshll.u32 v2, $0x10  }
0x21d: {  	v9 =	vand.u32 $0xFFFF0000, v9;
	v2 =	vand.u32 $0xFFFF0000, v2;
	v12 =	vld [tilespmem:s1+$0xFFFFFF40];
	[tilespmem:s23+$0x30] =	vst v4;
	v4 =	vmul.f32 v7, v10  }
0x21e: {  	v7 =	vshll.u32 v3, $0x10;
	v10 =	vand.u32 $0xFFFF0000, v3;
	v3 =	vld [tilespmem:s26+$0xFFFFFF40];
	v2 =	vmul.f32 v2, v9  }
0x21f: {  	s14 =	rddreg [dreg:$0xf];
	[tilespmem:s13+$0x14300] =	vst v0;
	v0 =	vshll.u32 v8, $0x10;
	v14 =	vshll.u32 v5, $0x10;
	v8 =	vand.u32 $0xFFFF0000, v8  }
0x220: {  	[tilespmem:s14+$0x14300] =	vst v1;
	v5 =	vand.u32 $0xFFFF0000, v5;
	v9 =	vld [tilespmem:s1+$0xFFFFFFC0];
	v0 =	vmul.f32 v14, v0;
	v14 =	vshll.u32 v13, $0x10  }
0x221: {  	[dreg:$0x1a] =	wrdreg s22;
	v1 =	vld [tilespmem:s26+$0xFFFFFFC0];
	v5 =	vmul.f32 v5, v8;
	[tilespmem:s17+$0x70] =	vst v4;
	v4 =	vand.u32 $0xFFFF0000, v13;
	v15 =	vshll.u32 v6, $0x10  }
0x222: {  	s2 =	rddreg [dreg:$0x1a];
	s25 =	sor.u32 $0x440, s11;
	v6 =	vand.u32 $0xFFFF0000, v6;
	v8 =	vmul.f32 v15, v14;
	[tilespmem:s31+$0x40] =	vst v0;
	v0 =	vld [tilespmem:s10+$0x70];
	v13 =	vshll.u32 v12, $0x10  }
0x223: {  	s15 =	sld [smem:$0x7D8];
	v12 =	vand.u32 $0xFFFF0000, v12;
	v4 =	vmul.f32 v6, v4;
	v6 =	vld [tilespmem:s16+$0x70];
	[tilespmem:s25+$0x14300] =	vst v5;
	v5 =	vshll.u32 v3, $0x10  }
0x224: {  	s20 =	sadd.s32 $0x4, s20;
	[dreg:$0xc] =	wrdreg s6;
	v3 =	vand.u32 $0xFFFF0000, v3;
	[tilespmem:s8+$0x30] =	vst v8;
	v14 =	vld [tilespmem:s1+$0xD0];
	v8 =	vshll.u32 v11, $0x10;
	v5 =	vmul.f32 v5, v13  }
0x225: {  	s22 =	sor.u32 $0x450, s5;
	s5 =	sor.u32 $0x470, s5;
	s4 =	rddreg [dreg:$0x8];
	v15 =	vld [tilespmem:s26+$0xD0];
	v12 =	vmul.f32 v3, v12;
	v13 =	vshll.u32 v9, $0x10;
	v9 =	vand.u32 $0xFFFF0000, v9;
	[tilespmem:s2+$0x14300] =	vst v4  }
0x226: {  	s6 =	smov.u32 s15;
	s15 =	sld [smem:$0x7DC];
	s13 =	smov.u32 s0;
	[tilespmem:s4+$0x14300] =	vst v2;
	v4 =	vshll.u32 v1, $0x10;
	v1 =	vand.u32 $0xFFFF0000, v1;
	v7 =	vmul.f32 v8, v7;
	v3 =	vld [tilespmem:s1+$0x40]  }
0x227: {  	p4 =	slt.u32 s20, $0x4C;
	s2 =	smov.u32 s5;
	s5 =	rddreg [dreg:$0x17];
	[tilespmem:s13+$0x40] =	vst v5;
	v2 =	vmul.f32 v4, v13;
	v1 =	vmul.f32 v1, v9;
	v4 =	vld [tilespmem:s26+$0x40]  }
.Ltmp7:
0x228: {  	s12 =	rddreg [dreg:$0x11];
	v9 =	vand.u32 $0xFFFF0000, v11;
	[tilespmem:s5+$0x14300] =	vst v12;
	v11 =	vshll.u32 v0, $0x10;
	v12 =	vshll.u32 v6, $0x10;
	(pc) =	sbr.rel @p4 .LBB2_8-.Ltmp7, $4  }
0x229: {  	s14 =	smov.u32 s15;
	s15 =	rddreg [dreg:$0x5];
	v0 =	vand.u32 $0xFFFF0000, v0;
	v13 =	vmul.f32 v9, v10;
	v5 =	vld [tilespmem:s1+$0xFFFFFF50];
	[tilespmem:s23+$0x40] =	vst v2;
	v2 =	vand.u32 $0xFFFF0000, v6  }
0x22a: {  	s17 =	sld [smem:$0x7DD];
	v8 =	vld [tilespmem:s26+$0xFFFFFF50];
	[tilespmem:s12+$0x14300] =	vst v1;
	v9 =	vshll.u32 v14, $0x10;
	v10 =	vshll.u32 v15, $0x10;
	v1 =	vmul.f32 v12, v11  }
0x22b: {  	s10 =	smov.u32 s1;
	s25 =	smov.u32 s23;
	s23 =	rddreg [dreg:$0x14];
	v14 =	vand.u32 $0xFFFF0000, v14;
	v15 =	vand.u32 $0xFFFF0000, v15;
	v6 =	vld [tilespmem:s1+$0xFFFFFFD0];
	v9 =	vmul.f32 v10, v9;
	[tilespmem:s3+$0x70] =	vst v7  }
0x22c: {  	s16 =	smov.u32 s26;
	s4 =	smov.u32 s23;
	v10 =	vmul.f32 v15, v14;
	s1 =	sadd.s32 $0x200, s1;
	v7 =	vld [tilespmem:s26+$0xFFFFFFD0];
	v11 =	vshll.u32 v3, $0x10;
	v12 =	vshll.u32 v4, $0x10;
	[tilespmem:s15+$0x14300] =	vst v13  }
0x22d: {  	v3 =	vand.u32 $0xFFFF0000, v3;
	v4 =	vand.u32 $0xFFFF0000, v4;
	v11 =	vmul.f32 v12, v11  }
0x22e: {  	v3 =	vmul.f32 v4, v3  }
0x22f: {  	[tilespmem:s8+$0x40] =	vst v11  }
0x230: {  	v61 =	vshll.u32 v5, $0x10;
	v62 =	vshll.u32 v8, $0x10;
	[tilespmem:s28+$0x14300] =	vst v3  }
0x231: {  	[tilespmem:s31+$0x50] =	vst v9;
	s0 =	sor.u32 $0x450, s11;
	v63 =	vand.u32 $0xFFFF0000, v5;
	v13 =	vand.u32 $0xFFFF0000, v8;
	v14 =	vmul.f32 v62, v61;
	v3 =	vld [tilespmem:s10+$0x50]  }
0x232: {  	[tilespmem:s0+$0x14300] =	vst v10;
	v5 =	vmul.f32 v13, v63;
	v60 =	vld [tilespmem:s16+$0x50]  }
0x233: {  	v17 =	vld [tilespmem:s10+$0xE0];
	[tilespmem:s13+$0x50] =	vst v14  }
0x234: {  	v20 =	vld [tilespmem:s16+$0xE0];
	v15 =	vshll.u32 v6, $0x10;
	v16 =	vshll.u32 v7, $0x10;
	[tilespmem:s22+$0x14300] =	vst v5  }
0x235: {  	v18 =	vand.u32 $0xFFFF0000, v6;
	v19 =	vand.u32 $0xFFFF0000, v7;
	v8 =	vmul.f32 v16, v15;
	v23 =	vld [tilespmem:s10+$0xFFFFFF60]  }
0x236: {  	v6 =	vmul.f32 v19, v18;
	v24 =	vld [tilespmem:s16+$0xFFFFFF60]  }
0x237: {  	[tilespmem:s25+$0x50] =	vst v8;
	v21 =	vshll.u32 v3, $0x10;
	v22 =	vshll.u32 v60, $0x10  }
0x238: {  	[tilespmem:s7+$0x14300] =	vst v6;
	v3 =	vand.u32 $0xFFFF0000, v3;
	v4 =	vand.u32 $0xFFFF0000, v60;
	v5 =	vmul.f32 v22, v21  }
0x239: {  	v25 =	vld [tilespmem:s10+$0xFFFFFFE0];
	v3 =	vmul.f32 v4, v3  }
0x23a: {  	v27 =	vshll.u32 v17, $0x10;
	v28 =	vshll.u32 v20, $0x10;
	v26 =	vld [tilespmem:s16+$0xFFFFFFE0];
	[tilespmem:s8+$0x50] =	vst v5  }
0x23b: {  	v31 =	vshll.u32 v23, $0x10;
	v32 =	vshll.u32 v24, $0x10;
	[tilespmem:s18+$0x14300] =	vst v3;
	v3 =	vmul.f32 v28, v27  }
0x23c: {  	v11 =	vand.u32 $0xFFFF0000, v17;
	v9 =	vand.u32 $0xFFFF0000, v20;
	v34 =	vmul.f32 v32, v31;
	v29 =	vld [tilespmem:s10+$0x60]  }
0x23d: {  	v9 =	vmul.f32 v9, v11;
	v30 =	vld [tilespmem:s16+$0x60];
	[tilespmem:s31+$0x60] =	vst v3  }
0x23e: {  	s28 =	sor.u32 $0x460, s11;
	v33 =	vand.u32 $0xFFFF0000, v23;
	v6 =	vand.u32 $0xFFFF0000, v24;
	[tilespmem:s13+$0x60] =	vst v34  }
0x23f: {  	v35 =	vshll.u32 v25, $0x10;
	v36 =	vshll.u32 v26, $0x10;
	v3 =	vmul.f32 v6, v33;
	[tilespmem:s28+$0x14300] =	vst v9  }
0x240: {  	v4 =	vand.u32 $0xFFFF0000, v25;
	v5 =	vand.u32 $0xFFFF0000, v26;
	v6 =	vmul.f32 v36, v35;
	v37 =	vld [tilespmem:s10+$0xF0];
	s0 =	rddreg [dreg:$0xc]  }
0x241: {  	v4 =	vmul.f32 v5, v4;
	v38 =	vld [tilespmem:s16+$0xF0];
	[tilespmem:s0+$0x14300] =	vst v3  }
0x242: {  	[tilespmem:s25+$0x60] =	vst v6;
	v39 =	vshll.u32 v29, $0x10;
	v40 =	vshll.u32 v30, $0x10;
	v41 =	vld [tilespmem:s10+$0xFFFFFF70]  }
0x243: {  	[tilespmem:s6+$0x14300] =	vst v4;
	v10 =	vand.u32 $0xFFFF0000, v29;
	v7 =	vand.u32 $0xFFFF0000, v30;
	v42 =	vld [tilespmem:s16+$0xFFFFFF70];
	v3 =	vmul.f32 v40, v39  }
0x244: {  	v44 =	vld [tilespmem:s10+$0xFFFFFFF0];
	v43 =	vmul.f32 v7, v10  }
0x245: {  	v45 =	vld [tilespmem:s16+$0xFFFFFFF0];
	[tilespmem:s8+$0x60] =	vst v3  }
0x246: {  	[tilespmem:s14+$0x14300] =	vst v43  }
0x247: {  	v0 =	vmul.f32 v2, v0;
	v46 =	vshll.u32 v37, $0x10;
	v47 =	vshll.u32 v38, $0x10;
	v48 =	vld [tilespmem:s10+$0x70]  }
0x248: {  	[tilespmem:s21+$0x70] =	vst v1;
	v49 =	vand.u32 $0xFFFF0000, v37;
	v8 =	vand.u32 $0xFFFF0000, v38;
	v2 =	vmul.f32 v47, v46;
	v50 =	vld [tilespmem:s16+$0x70]  }
0x249: {  	[tilespmem:s19+$0x14300] =	vst v0;
	v51 =	vmul.f32 v8, v49;
	v52 =	vshll.u32 v41, $0x10;
	v53 =	vshll.u32 v42, $0x10  }
0x24a: {  	s29 =	sor.u32 $0x470, s11;
	v55 =	vshll.u32 v44, $0x10;
	v56 =	vshll.u32 v45, $0x10;
	[tilespmem:s31+$0x70] =	vst v2;
	v1 =	vmul.f32 v53, v52  }
0x24b: {  	v54 =	vand.u32 $0xFFFF0000, v41;
	v4 =	vand.u32 $0xFFFF0000, v42;
	v0 =	vmul.f32 v56, v55;
	[tilespmem:s29+$0x14300] =	vst v51  }
0x24c: {  	v57 =	vand.u32 $0xFFFF0000, v44;
	v58 =	vand.u32 $0xFFFF0000, v45;
	v2 =	vmul.f32 v4, v54;
	[tilespmem:s13+$0x70] =	vst v1  }
0x24d: {  	v1 =	vmul.f32 v58, v57;
	[tilespmem:s25+$0x70] =	vst v0;
	v59 =	vshll.u32 v48, $0x10;
	v60 =	vshll.u32 v50, $0x10  }
0x24e: {  	[tilespmem:s2+$0x14300] =	vst v2;
	v61 =	vand.u32 $0xFFFF0000, v48;
	v62 =	vand.u32 $0xFFFF0000, v50;
	v2 =	vmul.f32 v60, v59  }
0x24f: {  	[tilespmem:s4+$0x14300] =	vst v1;
	v63 =	vmul.f32 v62, v61  }
0x250: {  	s0 =	sld [smem:$0x7DE];
	[tilespmem:s8+$0x70] =	vst v2  }
0x251: {  	s1 =	rddreg [dreg:$0x1];
	[tilespmem:s30+$0x14300] =	vst v63  }
0x252: {  	s5 =	sld [smem:$0x7FB]  }
0x253: {  	s3 =	simm.s32 @!p2 $0x100;
	s0 =	smul.u32 $0xA00, s0;
	s6 =	sld [smem:$0x7FC]  }
0x254: {  	s9 =	simm.s32 @!p2 $0x180;
	s31 =	simm.s32 $0x14300;
	s7 =	sld [smem:$0x7FD]  }
0x255: {  	s30 =	simm.s32 $0x0;
	s4 =	sld [smem:$0x7EB];
	s0 =	sadd.s32 s1, s0  }
0x256: {  	[hbm4b:s0+s30] =	stream.linear.scatter [tilespmem:s31], [sflag:$0x8], $0x5000, $0x38;
	[tilespmem:$0x1E300] =	vst v63  }
.LBB2_10:
0x257: {  	s0 =	simm.s32 @!p2 $0x2  }
0x258: {  	_ =	swait.ge @!p2 [sflag:s0], $0x50  }
0x259: {  	[sflag:s0] =	ssyncset.done @!p2 $0x0  }
0x25a: {  	[sflag:s0] =	ssyncadd.s32 @!p2 $0xFFFFFFB0  }
0x25b: {  	_ =	swait.ge @!p2 [sflag:s0], $0x50  }
0x25c: {  	[sflag:s0] =	ssyncset.done @!p2 $0x0  }
0x25d: {  	s1 =	simm.s32 @!p2 $0x5300;
	[sflag:s0] =	ssyncadd.s32 @!p2 $0xFFFFFFB0;
	s0 =	simm.s32 @!p2 $0x50  }
0x25e: {  	[tilespmem:s1], [sflag:$0x5] =	stream.indirect.gather @!p2 [hbm4b:s5+s0], $0x80, s3, s0, $0xb8;
	[tilespmem:$0x1E300] =	vst v63  }
0x25f: {  	s1 =	simm.s32 @!p2 $0x7B00  }
0x260: {  	[tilespmem:s1], [sflag:$0x5] =	stream.indirect.gather @!p2 [hbm4b:s5+s0], $0x80, s9, s0, $0xb8;
	[tilespmem:$0x1E300] =	vst v63  }
0x261: {  	s0 =	simm.s32 @!p0 $0x6  }
0x262: {  	_ =	swait.ge @!p0 [sflag:s0], $0x2800  }
0x263: {  	s31 =	sld [smem:$0x7F7];
	_ =	sdelay $0x1  }
0x264: {  	[sflag:s0] =	ssyncset.done @!p0 $0x0  }
0x265: {  	[sflag:s0] =	ssyncadd.s32 @!p0 $0xFFFFD800;
	s1 =	sadd.s32 s31, s4  }
0x266: {  	_ =	swait.ge @!p0 [sflag:s0], $0x2800;
	p2 =	sgt.u32 s1, $0x7CF  }
0x267: {  	[sflag:s0] =	ssyncset.done @!p0 $0x0;
	s1 =	smul.u32 @!p2 $0xA, s1  }
0x268: {  	[sflag:s0] =	ssyncadd.s32 @!p0 $0xFFFFD800  }
0x269: {  	s2 =	simm.s32 @!p2 $0x0;
	s3 =	simm.s32 @!p2 $0x200;
	s0 =	sadd.s32 @!p2 s6, s1  }
0x26a: {  	[tilespmem:s3], [sflag:$0x3] =	stream.linear.gather @!p2 [hbm4b:s0+s2], $0x50, $0x38;
	[tilespmem:$0x1E300] =	vst v63  }
0x26b: {  	s0 =	sadd.s32 @!p2 s7, s1;
	s1 =	simm.s32 @!p2 $0x280  }
0x26c: {  	[tilespmem:s1], [sflag:$0x3] =	stream.linear.gather @!p2 [hbm4b:s0+s2], $0x50, $0x38;
	[tilespmem:$0x1E300] =	vst v63  }
0x26d: {  	s0 =	sld [smem:$0x7FA];
	_ =	sdelay $0x2  }
0x26e: {  	p2 =	sge.u32 @!p1 s4, s0  }
.Ltmp8:
0x26f: {  	p1 =	por p2, p1;
	(pc) =	sbr.rel @p0 .LBB2_14-.Ltmp8, $4  }
0x270: {  	s0 =	simm.s32 @!p1 $0x9  }
0x271: {  	_ =	swait.ge @!p1 [sflag:s0], $0x5000  }
0x272: {  	[sflag:s0] =	ssyncset.done @!p1 $0x0  }
0x273: {  	[sflag:s0] =	ssyncadd.s32 @!p1 $0xFFFFB000  }
0x274: {  	s10 =	simm.s32 $0xA400  }
0x275: {  	s6 =	simm.s32 $0xCC00;
	v0 =	vld [tilespmem:s10+$0x80]  }
0x276: {  	v1 =	vld [tilespmem:s6+$0x80];
	_ =	sdelay $0x2  }
0x277: {  	s3 =	simm.s32 $0x0  }
0x278: {  	v2 =	vld [tilespmem:s10+$0xFFFFFF00];
	s0 =	sand.u32 $0x7, s3  }
0x279: {  	s2 =	simm.s32 $0x180;
	v3 =	vld [tilespmem:s6+$0xFFFFFF00];
	s1 =	sand.u32 $0x7800, s3;
	s0 =	sshll.u32 s0, $0x7;
	v4 =	vshll.u32 v0, $0x10;
	v5 =	vshll.u32 v1, $0x10  }
0x27a: {  	v6 =	vld [tilespmem:s10+$0xFFFFFF80];
	s23 =	sand.u32 $0x380, s2;
	s22 =	sadd.s32 $0x19300, s1;
	s5 =	sadd.s32 $0x0, s0;
	v0 =	vand.u32 $0xFFFF0000, v0;
	v1 =	vand.u32 $0xFFFF0000, v1;
	v4 =	vmul.f32 v5, v4  }
0x27b: {  	s1 =	sadd.s32 s23, s22;
	s4 =	sadd.s32 $0x180, s5;
	v5 =	vld [tilespmem:s6+$0xFFFFFF80];
	v0 =	vmul.f32 v1, v0  }
0x27c: {  	s24 =	sor.u32 $0x400, s4;
	[tilespmem:s1+$0x0] =	vst v4  }
0x27d: {  	p0 =	por $0x0, $0x0;
	s7 =	simm.s32 $0x1;
	[tilespmem:s24+$0x19300] =	vst v0  }
0x27e: {  	s7 =	simm.s32 @!p0 $0x0;
	v1 =	vshll.u32 v3, $0x10;
	v0 =	vshll.u32 v2, $0x10;
	v4 =	vld [tilespmem:s10+$0x90]  }
0x27f: {  	s26 =	sand.u32 $0x200, s3;
	s25 =	sshll.u32 s7, $0x9;
	v3 =	vand.u32 $0xFFFF0000, v3;
	v2 =	vand.u32 $0xFFFF0000, v2;
	v7 =	vld [tilespmem:s6+$0x90];
	v0 =	vmul.f32 v1, v0  }
0x280: {  	s8 =	simm.s32 $0x80;
	s19 =	sadd.s32 $0x0, s25;
	s17 =	sadd.s32 s26, s22;
	v1 =	vshll.u32 v6, $0x10;
	v2 =	vmul.f32 v3, v2;
	v8 =	vshll.u32 v5, $0x10  }
0x281: {  	s29 =	sand.u32 $0x280, s8;
	s31 =	sor.u32 $0x400, s19;
	v3 =	vld [tilespmem:s10+$0x0];
	v6 =	vand.u32 $0xFFFF0000, v6;
	v5 =	vand.u32 $0xFFFF0000, v5;
	[tilespmem:s17+$0x0] =	vst v0;
	v0 =	vmul.f32 v8, v1  }
0x282: {  	s2 =	sadd.s32 s29, s22;
	s16 =	sadd.s32 $0x80, s5;
	v1 =	vld [tilespmem:s6+$0x0];
	v5 =	vmul.f32 v5, v6;
	[tilespmem:s31+$0x19300] =	vst v2  }
0x283: {  	s5 =	sor.u32 $0x400, s16;
	v2 =	vld [tilespmem:s10+$0xFFFFFF10];
	[tilespmem:s2+$0x0] =	vst v0  }
0x284: {  	v8 =	vld [tilespmem:s6+$0xFFFFFF10];
	v0 =	vshll.u32 v4, $0x10;
	v6 =	vshll.u32 v7, $0x10;
	[tilespmem:s5+$0x19300] =	vst v5  }
0x285: {  	v4 =	vand.u32 $0xFFFF0000, v4;
	v5 =	vand.u32 $0xFFFF0000, v7;
	v0 =	vmul.f32 v6, v0;
	v6 =	vld [tilespmem:s10+$0xFFFFFF90]  }
0x286: {  	s3 =	sand.u32 $0x3, s3;
	v4 =	vmul.f32 v5, v4;
	v5 =	vld [tilespmem:s6+$0xFFFFFF90]  }
0x287: {  	s8 =	simm.s32 $0x100;
	s3 =	sshll.u32 s3, $0x8;
	s9 =	sor.u32 $0x410, s4;
	v7 =	vshll.u32 v3, $0x10;
	v9 =	vshll.u32 v1, $0x10;
	[tilespmem:s1+$0x10] =	vst v0  }
0x288: {  	s3 =	sadd.s32 $0x0, s3;
	s5 =	sand.u32 $0x300, s8;
	v1 =	vand.u32 $0xFFFF0000, v1;
	v0 =	vand.u32 $0xFFFF0000, v3;
	v3 =	vmul.f32 v9, v7;
	[tilespmem:s9+$0x19300] =	vst v4  }
0x289: {  	s18 =	sadd.s32 $0x100, s3;
	s26 =	sadd.s32 s5, s22;
	v0 =	vmul.f32 v1, v0;
	v1 =	vshll.u32 v2, $0x10;
	v4 =	vshll.u32 v8, $0x10;
	v7 =	vld [tilespmem:s10+$0xA0]  }
0x28a: {  	s11 =	sor.u32 $0x400, s18;
	v2 =	vand.u32 $0xFFFF0000, v2;
	[tilespmem:s26+$0x0] =	vst v3;
	v3 =	vand.u32 $0xFFFF0000, v8;
	v1 =	vmul.f32 v4, v1;
	v4 =	vld [tilespmem:s6+$0xA0]  }
0x28b: {  	v8 =	vshll.u32 v6, $0x10;
	[tilespmem:s11+$0x19300] =	vst v0;
	v0 =	vmul.f32 v3, v2;
	v2 =	vshll.u32 v5, $0x10  }
0x28c: {  	s12 =	sor.u32 $0x410, s19;
	v3 =	vand.u32 $0xFFFF0000, v6;
	v5 =	vand.u32 $0xFFFF0000, v5;
	v6 =	vld [tilespmem:s10+$0x10];
	[tilespmem:s17+$0x10] =	vst v1;
	v1 =	vmul.f32 v2, v8  }
0x28d: {  	v2 =	vmul.f32 v5, v3;
	v3 =	vld [tilespmem:s6+$0x10];
	[tilespmem:s12+$0x19300] =	vst v0  }
0x28e: {  	s13 =	sor.u32 $0x410, s16;
	v0 =	vld [tilespmem:s10+$0xFFFFFF20];
	[tilespmem:s2+$0x10] =	vst v1  }
0x28f: {  	v1 =	vld [tilespmem:s6+$0xFFFFFF20];
	[tilespmem:s13+$0x19300] =	vst v2;
	v2 =	vshll.u32 v7, $0x10;
	v5 =	vshll.u32 v4, $0x10  }
0x290: {  	v7 =	vand.u32 $0xFFFF0000, v7;
	v4 =	vand.u32 $0xFFFF0000, v4;
	v8 =	vld [tilespmem:s10+$0xFFFFFFA0];
	v2 =	vmul.f32 v5, v2  }
0x291: {  	v5 =	vld [tilespmem:s6+$0xFFFFFFA0];
	v4 =	vmul.f32 v4, v7  }
0x292: {  	s14 =	sor.u32 $0x420, s4;
	v7 =	vshll.u32 v6, $0x10;
	v9 =	vshll.u32 v3, $0x10;
	[tilespmem:s1+$0x20] =	vst v2  }
0x293: {  	v3 =	vand.u32 $0xFFFF0000, v3;
	v2 =	vand.u32 $0xFFFF0000, v6;
	v6 =	vmul.f32 v9, v7;
	[tilespmem:s14+$0x19300] =	vst v4  }
0x294: {  	v4 =	vshll.u32 v0, $0x10;
	v2 =	vmul.f32 v3, v2;
	v3 =	vshll.u32 v1, $0x10;
	v7 =	vld [tilespmem:s10+$0xB0]  }
0x295: {  	s15 =	sor.u32 $0x410, s18;
	v0 =	vand.u32 $0xFFFF0000, v0;
	v1 =	vand.u32 $0xFFFF0000, v1;
	[tilespmem:s26+$0x10] =	vst v6;
	v3 =	vmul.f32 v3, v4;
	v4 =	vld [tilespmem:s6+$0xB0]  }
0x296: {  	v0 =	vmul.f32 v1, v0;
	v6 =	vshll.u32 v8, $0x10;
	[tilespmem:s15+$0x19300] =	vst v2;
	v1 =	vshll.u32 v5, $0x10  }
0x297: {  	s20 =	sor.u32 $0x420, s19;
	v2 =	vand.u32 $0xFFFF0000, v8;
	v5 =	vand.u32 $0xFFFF0000, v5;
	v8 =	vld [tilespmem:s10+$0x20];
	[tilespmem:s17+$0x20] =	vst v3;
	v1 =	vmul.f32 v1, v6  }
0x298: {  	v2 =	vmul.f32 v5, v2;
	v3 =	vld [tilespmem:s6+$0x20];
	[tilespmem:s20+$0x19300] =	vst v0  }
0x299: {  	s21 =	sor.u32 $0x420, s16;
	v0 =	vld [tilespmem:s10+$0xFFFFFF30];
	[tilespmem:s2+$0x20] =	vst v1  }
0x29a: {  	v1 =	vld [tilespmem:s6+$0xFFFFFF30];
	[tilespmem:s21+$0x19300] =	vst v2;
	v2 =	vshll.u32 v7, $0x10;
	v5 =	vshll.u32 v4, $0x10  }
0x29b: {  	v7 =	vand.u32 $0xFFFF0000, v7;
	v4 =	vand.u32 $0xFFFF0000, v4;
	v6 =	vld [tilespmem:s10+$0xFFFFFFB0];
	v2 =	vmul.f32 v5, v2  }
0x29c: {  	v5 =	vld [tilespmem:s6+$0xFFFFFFB0];
	v4 =	vmul.f32 v4, v7  }
0x29d: {  	s22 =	sor.u32 $0x430, s4;
	v7 =	vshll.u32 v8, $0x10;
	v9 =	vshll.u32 v3, $0x10;
	[tilespmem:s1+$0x30] =	vst v2  }
0x29e: {  	v3 =	vand.u32 $0xFFFF0000, v3;
	v2 =	vand.u32 $0xFFFF0000, v8;
	v7 =	vmul.f32 v9, v7;
	[tilespmem:s22+$0x19300] =	vst v4  }
0x29f: {  	v4 =	vshll.u32 v0, $0x10;
	v2 =	vmul.f32 v3, v2;
	v3 =	vshll.u32 v1, $0x10;
	v8 =	vld [tilespmem:s10+$0xC0]  }
0x2a0: {  	s23 =	sor.u32 $0x420, s18;
	v0 =	vand.u32 $0xFFFF0000, v0;
	v1 =	vand.u32 $0xFFFF0000, v1;
	[tilespmem:s26+$0x20] =	vst v7;
	v3 =	vmul.f32 v3, v4;
	v4 =	vld [tilespmem:s6+$0xC0]  }
0x2a1: {  	v0 =	vmul.f32 v1, v0;
	v7 =	vshll.u32 v6, $0x10;
	[tilespmem:s23+$0x19300] =	vst v2;
	v1 =	vshll.u32 v5, $0x10  }
0x2a2: {  	s24 =	sor.u32 $0x430, s19;
	v2 =	vand.u32 $0xFFFF0000, v6;
	v5 =	vand.u32 $0xFFFF0000, v5;
	v6 =	vld [tilespmem:s10+$0x30];
	[tilespmem:s17+$0x30] =	vst v3;
	v1 =	vmul.f32 v1, v7  }
0x2a3: {  	v2 =	vmul.f32 v5, v2;
	v3 =	vld [tilespmem:s6+$0x30];
	[tilespmem:s24+$0x19300] =	vst v0  }
0x2a4: {  	s25 =	sor.u32 $0x430, s16;
	v0 =	vld [tilespmem:s10+$0xFFFFFF40];
	[tilespmem:s2+$0x30] =	vst v1  }
0x2a5: {  	v1 =	vld [tilespmem:s6+$0xFFFFFF40];
	[tilespmem:s25+$0x19300] =	vst v2;
	v2 =	vshll.u32 v8, $0x10;
	v5 =	vshll.u32 v4, $0x10  }
0x2a6: {  	v8 =	vand.u32 $0xFFFF0000, v8;
	v4 =	vand.u32 $0xFFFF0000, v4;
	v7 =	vld [tilespmem:s10+$0xFFFFFFC0];
	v2 =	vmul.f32 v5, v2  }
0x2a7: {  	v5 =	vld [tilespmem:s6+$0xFFFFFFC0];
	v4 =	vmul.f32 v4, v8  }
0x2a8: {  	s29 =	sor.u32 $0x440, s4;
	v8 =	vshll.u32 v6, $0x10;
	v9 =	vshll.u32 v3, $0x10;
	[tilespmem:s1+$0x40] =	vst v2  }
0x2a9: {  	v3 =	vand.u32 $0xFFFF0000, v3;
	v2 =	vand.u32 $0xFFFF0000, v6;
	v6 =	vmul.f32 v9, v8;
	[tilespmem:s29+$0x19300] =	vst v4  }
0x2aa: {  	v4 =	vshll.u32 v0, $0x10;
	v2 =	vmul.f32 v3, v2;
	v3 =	vshll.u32 v1, $0x10;
	v8 =	vld [tilespmem:s10+$0xD0]  }
0x2ab: {  	s31 =	sor.u32 $0x430, s18;
	v0 =	vand.u32 $0xFFFF0000, v0;
	v1 =	vand.u32 $0xFFFF0000, v1;
	[tilespmem:s26+$0x30] =	vst v6;
	v3 =	vmul.f32 v3, v4;
	v4 =	vld [tilespmem:s6+$0xD0]  }
0x2ac: {  	v0 =	vmul.f32 v1, v0;
	v6 =	vshll.u32 v7, $0x10;
	[tilespmem:s31+$0x19300] =	vst v2;
	v1 =	vshll.u32 v5, $0x10  }
0x2ad: {  	s3 =	sor.u32 $0x440, s19;
	v2 =	vand.u32 $0xFFFF0000, v7;
	v5 =	vand.u32 $0xFFFF0000, v5;
	v7 =	vld [tilespmem:s10+$0x40];
	[tilespmem:s17+$0x40] =	vst v3;
	v1 =	vmul.f32 v1, v6  }
0x2ae: {  	v2 =	vmul.f32 v5, v2;
	v3 =	vld [tilespmem:s6+$0x40];
	[tilespmem:s3+$0x19300] =	vst v0  }
0x2af: {  	s5 =	sor.u32 $0x440, s16;
	v0 =	vld [tilespmem:s10+$0xFFFFFF50];
	[tilespmem:s2+$0x40] =	vst v1  }
0x2b0: {  	v1 =	vld [tilespmem:s6+$0xFFFFFF50];
	[tilespmem:s5+$0x19300] =	vst v2;
	v2 =	vshll.u32 v8, $0x10;
	v5 =	vshll.u32 v4, $0x10  }
0x2b1: {  	v6 =	vld [tilespmem:s10+$0xFFFFFFD0];
	v2 =	vmul.f32 v5, v2  }
0x2b2: {  	s21 =	simm.s32 $0xCE00;
	v8 =	vand.u32 $0xFFFF0000, v8;
	v4 =	vand.u32 $0xFFFF0000, v4;
	v5 =	vld [tilespmem:s6+$0xFFFFFFD0]  }
0x2b3: {  	s9 =	simm.s32 $0xA600;
	v10 =	vld [tilespmem:s21+$0x80];
	v4 =	vmul.f32 v4, v8;
	v8 =	vshll.u32 v7, $0x10;
	[tilespmem:s1+$0x50] =	vst v2;
	v2 =	vshll.u32 v3, $0x10  }
0x2b4: {  	s7 =	sor.u32 $0x450, s4;
	v9 =	vld [tilespmem:s9+$0x80];
	v7 =	vand.u32 $0xFFFF0000, v7;
	v3 =	vand.u32 $0xFFFF0000, v3;
	v2 =	vmul.f32 v2, v8  }
0x2b5: {  	v12 =	vld [tilespmem:s9+$0xFFFFFF00];
	[tilespmem:s7+$0x19300] =	vst v4;
	v4 =	vshll.u32 v0, $0x10;
	v3 =	vmul.f32 v3, v7;
	v7 =	vshll.u32 v1, $0x10  }
0x2b6: {  	s8 =	sor.u32 $0x440, s18;
	v0 =	vand.u32 $0xFFFF0000, v0;
	v1 =	vand.u32 $0xFFFF0000, v1;
	v8 =	vld [tilespmem:s10+$0xE0];
	v4 =	vmul.f32 v7, v4;
	[tilespmem:s26+$0x40] =	vst v2  }
0x2b7: {  	s30 =	simm.s32 $0x4;
	s15 =	simm.s32 $0x400;
	v11 =	vld [tilespmem:s6+$0xE0];
	v0 =	vmul.f32 v1, v0;
	v7 =	vshll.u32 v6, $0x10;
	v1 =	vshll.u32 v5, $0x10;
	[tilespmem:s8+$0x19300] =	vst v3  }
0x2b8: {  	s11 =	sor.u32 $0x450, s19;
	s13 =	simm.s32 $0x400;
	v2 =	vand.u32 $0xFFFF0000, v5;
	v5 =	vld [tilespmem:s21+$0xFFFFFF00];
	v1 =	vmul.f32 v1, v7;
	[dreg:$0xa] =	wrdreg s15  }
0x2b9: {  	s12 =	sand.u32 $0x7, s30;
	s20 =	simm.s32 $0x380;
	v13 =	vshll.u32 v10, $0x10;
	s7 =	sand.u32 $0x7800, s13;
	v7 =	vshll.u32 v9, $0x10;
	[tilespmem:s17+$0x50] =	vst v4  }
0x2ba: {  	s14 =	sshll.u32 s12, $0x7;
	s23 =	sand.u32 $0x380, s20;
	s0 =	sadd.s32 $0x19300, s7;
	v6 =	vand.u32 $0xFFFF0000, v6;
	v7 =	vmul.f32 v13, v7;
	v3 =	vld [tilespmem:s9+$0xFFFFFF80];
	[tilespmem:s2+$0x50] =	vst v1  }
0x2bb: {  	s22 =	sadd.s32 $0x400, s14;
	v10 =	vand.u32 $0xFFFF0000, v10;
	s14 =	sadd.s32 s23, s0;
	v9 =	vand.u32 $0xFFFF0000, v9;
	v2 =	vmul.f32 v2, v6;
	v4 =	vld [tilespmem:s21+$0xFFFFFF80];
	[tilespmem:s11+$0x19300] =	vst v0  }
0x2bc: {  	s29 =	sor.u32 $0x450, s16;
	v9 =	vmul.f32 v10, v9;
	v14 =	vld [tilespmem:s21+$0x0];
	s11 =	sadd.s32 $0x180, s22;
	v10 =	vshll.u32 v8, $0x10;
	v13 =	vshll.u32 v11, $0x10;
	[tilespmem:s14+$0x0] =	vst v7  }
0x2bd: {  	v0 =	vld [tilespmem:s9+$0x0];
	v7 =	vand.u32 $0xFFFF0000, v8;
	v8 =	vand.u32 $0xFFFF0000, v11;
	[tilespmem:s29+$0x19300] =	vst v2;
	s24 =	sor.u32 $0x400, s11;
	v10 =	vmul.f32 v13, v10  }
0x2be: {  	p0 =	por !p0, !p0;
	s5 =	simm.s32 $0x1;
	v6 =	vshll.u32 v12, $0x10;
	v7 =	vmul.f32 v8, v7;
	[tilespmem:s24+$0x19300] =	vst v9;
	v9 =	vld [tilespmem:s10+$0x50]  }
0x2bf: {  	s25 =	sor.u32 $0x460, s4;
	s5 =	simm.s32 @!p0 $0x0;
	v11 =	vand.u32 $0xFFFF0000, v12;
	v8 =	vshll.u32 v5, $0x10;
	v5 =	vand.u32 $0xFFFF0000, v5;
	v12 =	vld [tilespmem:s9+$0x90];
	[tilespmem:s1+$0x60] =	vst v10  }
0x2c0: {  	s12 =	simm.s32 $0x280;
	s5 =	sshll.u32 s5, $0x9;
	s24 =	simm.s32 $0x200;
	v2 =	vmul.f32 v5, v11;
	v15 =	vld [tilespmem:s21+$0x90];
	v10 =	vshll.u32 v3, $0x10;
	v13 =	vshll.u32 v4, $0x10;
	[tilespmem:s25+$0x19300] =	vst v7  }
0x2c1: {  	s13 =	sand.u32 $0x280, s12;
	s12 =	simm.s32 $0x300;
	s31 =	sand.u32 $0x200, s24;
	v3 =	vand.u32 $0xFFFF0000, v3;
	v1 =	vand.u32 $0xFFFF0000, v4;
	v4 =	vmul.f32 v8, v6;
	v7 =	vld [tilespmem:s10+$0xF0]  }
0x2c2: {  	s29 =	sadd.s32 $0x400, s5;
	s5 =	sadd.s32 $0x80, s22;
	s15 =	sadd.s32 s31, s0;
	v5 =	vshll.u32 v14, $0x10;
	v11 =	vand.u32 $0xFFFF0000, v14;
	v6 =	vshll.u32 v0, $0x10;
	v8 =	vld [tilespmem:s6+$0xF0]  }
0x2c3: {  	s22 =	sand.u32 $0x300, s12;
	s12 =	simm.s32 $0x2;
	s20 =	sor.u32 $0x400, s29;
	v0 =	vand.u32 $0xFFFF0000, v0;
	v1 =	vmul.f32 v1, v3;
	v3 =	vld [tilespmem:s6+$0x50];
	[tilespmem:s15+$0x0] =	vst v4;
	v4 =	vmul.f32 v13, v10  }
0x2c4: {  	s13 =	sadd.s32 s13, s0;
	s25 =	sand.u32 $0x3, s12;
	v0 =	vmul.f32 v11, v0;
	v10 =	vshll.u32 v9, $0x10;
	[tilespmem:s20+$0x19300] =	vst v2;
	v2 =	vmul.f32 v5, v6;
	v5 =	vld [tilespmem:s10+$0xFFFFFF60]  }
0x2c5: {  	s23 =	sor.u32 $0x400, s5;
	s8 =	sadd.s32 s22, s0;
	s0 =	sshll.u32 s25, $0x8;
	v6 =	vand.u32 $0xFFFF0000, v9;
	v9 =	vld [tilespmem:s9+$0xFFFFFF10];
	[tilespmem:s13+$0x0] =	vst v4;
	v4 =	vshll.u32 v12, $0x10;
	v11 =	vshll.u32 v15, $0x10  }
0x2c6: {  	s0 =	sadd.s32 $0x400, s0;
	v13 =	vld [tilespmem:s21+$0xFFFFFF10];
	[tilespmem:s23+$0x19300] =	vst v1;
	v1 =	vand.u32 $0xFFFF0000, v12;
	v12 =	vand.u32 $0xFFFF0000, v15;
	v4 =	vmul.f32 v11, v4  }
0x2c7: {  	s0 =	sadd.s32 $0x100, s0;
	[tilespmem:s8+$0x0] =	vst v2;
	v11 =	vld [tilespmem:s9+$0xFFFFFF90];
	v1 =	vmul.f32 v12, v1;
	v2 =	vshll.u32 v7, $0x10;
	v12 =	vshll.u32 v8, $0x10  }
0x2c8: {  	s3 =	sor.u32 $0x470, s4;
	s4 =	sor.u32 $0x400, s0;
	v14 =	vld [tilespmem:s21+$0xFFFFFF90];
	[tilespmem:s14+$0x10] =	vst v4;
	v4 =	vand.u32 $0xFFFF0000, v7;
	v7 =	vand.u32 $0xFFFF0000, v8;
	v2 =	vmul.f32 v12, v2  }
0x2c9: {  	s31 =	sor.u32 $0x410, s11;
	[tilespmem:s4+$0x19300] =	vst v0;
	v8 =	vshll.u32 v3, $0x10;
	v3 =	vand.u32 $0xFFFF0000, v3;
	v12 =	vld [tilespmem:s10+$0xFFFFFFE0];
	v4 =	vmul.f32 v7, v4  }
0x2ca: {  	[tilespmem:s31+$0x19300] =	vst v1;
	v1 =	vld [tilespmem:s6+$0xFFFFFF60];
	v8 =	vmul.f32 v8, v10;
	v3 =	vmul.f32 v3, v6;
	v7 =	vshll.u32 v9, $0x10  }
0x2cb: {  	v9 =	vand.u32 $0xFFFF0000, v9;
	[tilespmem:s1+$0x70] =	vst v2;
	v2 =	vshll.u32 v13, $0x10;
	v10 =	vand.u32 $0xFFFF0000, v13;
	v13 =	vld [tilespmem:s9+$0xA0]  }
0x2cc: {  	v0 =	vld [tilespmem:s21+$0xA0];
	[tilespmem:s3+$0x19300] =	vst v4;
	v2 =	vmul.f32 v2, v7;
	v7 =	vmul.f32 v10, v9;
	v4 =	vshll.u32 v11, $0x10  }
0x2cd: {  	[tilespmem:s26+$0x50] =	vst v8;
	v6 =	vand.u32 $0xFFFF0000, v11;
	v9 =	vshll.u32 v14, $0x10;
	v10 =	vand.u32 $0xFFFF0000, v14;
	v11 =	vld [tilespmem:s9+$0x10]  }
0x2ce: {  	s7 =	sor.u32 $0x410, s29;
	v8 =	vshll.u32 v5, $0x10;
	[tilespmem:s15+$0x10] =	vst v2;
	v2 =	vmul.f32 v9, v4;
	v4 =	vmul.f32 v10, v6;
	v6 =	vld [tilespmem:s21+$0x10]  }
0x2cf: {  	v5 =	vand.u32 $0xFFFF0000, v5;
	v9 =	vld [tilespmem:s6+$0xFFFFFFE0];
	[tilespmem:s7+$0x19300] =	vst v7;
	v7 =	vshll.u32 v1, $0x10;
	v1 =	vand.u32 $0xFFFF0000, v1  }
0x2d0: {  	s20 =	sor.u32 $0x410, s5;
	v10 =	vld [tilespmem:s9+$0xFFFFFF20];
	[tilespmem:s13+$0x10] =	vst v2;
	v2 =	vmul.f32 v7, v8;
	v7 =	vshll.u32 v12, $0x10;
	v8 =	vand.u32 $0xFFFF0000, v12  }
0x2d1: {  	s22 =	sor.u32 $0x450, s18;
	v12 =	vld [tilespmem:s21+$0xFFFFFF20];
	v14 =	vshll.u32 v0, $0x10;
	v1 =	vmul.f32 v1, v5;
	[tilespmem:s20+$0x19300] =	vst v4;
	v4 =	vshll.u32 v13, $0x10  }
0x2d2: {  	[tilespmem:s22+$0x19300] =	vst v3;
	v0 =	vand.u32 $0xFFFF0000, v0;
	v13 =	vand.u32 $0xFFFF0000, v13;
	v5 =	vld [tilespmem:s9+$0xFFFFFFA0];
	v4 =	vmul.f32 v14, v4  }
0x2d3: {  	v3 =	vld [tilespmem:s21+$0xFFFFFFA0];
	v14 =	vshll.u32 v11, $0x10;
	v0 =	vmul.f32 v0, v13;
	[tilespmem:s17+$0x60] =	vst v2;
	v15 =	vshll.u32 v6, $0x10  }
0x2d4: {  	s23 =	sor.u32 $0x420, s11;
	v2 =	vand.u32 $0xFFFF0000, v11;
	v6 =	vand.u32 $0xFFFF0000, v6;
	v11 =	vmul.f32 v15, v14;
	[tilespmem:s14+$0x20] =	vst v4;
	v4 =	vld [tilespmem:s10+$0x60]  }
0x2d5: {  	v2 =	vmul.f32 v6, v2;
	v14 =	vshll.u32 v9, $0x10;
	v13 =	vshll.u32 v10, $0x10;
	[tilespmem:s23+$0x19300] =	vst v0;
	v0 =	vld [tilespmem:s6+$0x60]  }
0x2d6: {  	s25 =	sor.u32 $0x410, s0;
	v10 =	vand.u32 $0xFFFF0000, v10;
	v6 =	vshll.u32 v12, $0x10;
	v12 =	vand.u32 $0xFFFF0000, v12;
	[tilespmem:s8+$0x10] =	vst v11;
	v11 =	vld [tilespmem:s9+$0xB0]  }
0x2d7: {  	s31 =	sor.u32 $0x460, s19;
	v6 =	vmul.f32 v6, v13;
	v10 =	vmul.f32 v12, v10;
	v13 =	vshll.u32 v5, $0x10;
	[tilespmem:s25+$0x19300] =	vst v2;
	v2 =	vld [tilespmem:s21+$0xB0]  }
0x2d8: {  	[tilespmem:s31+$0x19300] =	vst v1;
	v5 =	vand.u32 $0xFFFF0000, v5;
	v12 =	vshll.u32 v3, $0x10;
	v3 =	vand.u32 $0xFFFF0000, v3;
	v15 =	vld [tilespmem:s9+$0x20]  }
0x2d9: {  	s3 =	sor.u32 $0x420, s29;
	[tilespmem:s15+$0x20] =	vst v6;
	v1 =	vmul.f32 v12, v13;
	v3 =	vmul.f32 v3, v5;
	v5 =	vld [tilespmem:s21+$0x20];
	v6 =	vand.u32 $0xFFFF0000, v9  }
0x2da: {  	[tilespmem:s3+$0x19300] =	vst v10;
	v10 =	vshll.u32 v4, $0x10;
	v4 =	vand.u32 $0xFFFF0000, v4;
	v6 =	vmul.f32 v6, v8  }
0x2db: {  	s4 =	sor.u32 $0x420, s5;
	v12 =	vshll.u32 v0, $0x10;
	v13 =	vld [tilespmem:s9+$0xFFFFFF30];
	[tilespmem:s13+$0x20] =	vst v1;
	v1 =	vmul.f32 v14, v7;
	v0 =	vand.u32 $0xFFFF0000, v0  }
0x2dc: {  	v7 =	vld [tilespmem:s21+$0xFFFFFF30];
	[tilespmem:s4+$0x19300] =	vst v3;
	v3 =	vshll.u32 v11, $0x10;
	v10 =	vmul.f32 v12, v10;
	v8 =	vshll.u32 v2, $0x10  }
0x2dd: {  	s7 =	sor.u32 $0x460, s16;
	v11 =	vand.u32 $0xFFFF0000, v11;
	v12 =	vld [tilespmem:s9+$0xFFFFFFB0];
	v2 =	vand.u32 $0xFFFF0000, v2;
	[tilespmem:s2+$0x60] =	vst v1;
	v3 =	vmul.f32 v8, v3  }
0x2de: {  	v1 =	vld [tilespmem:s21+$0xFFFFFFB0];
	v8 =	vshll.u32 v15, $0x10;
	v14 =	vshll.u32 v5, $0x10;
	v2 =	vmul.f32 v2, v11;
	[tilespmem:s7+$0x19300] =	vst v6  }
0x2df: {  	s20 =	sor.u32 $0x430, s11;
	v9 =	vld [tilespmem:s10+$0xFFFFFF70];
	v6 =	vand.u32 $0xFFFF0000, v15;
	v5 =	vand.u32 $0xFFFF0000, v5;
	v8 =	vmul.f32 v14, v8;
	[tilespmem:s14+$0x30] =	vst v3  }
0x2e0: {  	v0 =	vmul.f32 v0, v4;
	v5 =	vmul.f32 v5, v6;
	v3 =	vld [tilespmem:s6+$0xFFFFFF70];
	v11 =	vshll.u32 v13, $0x10;
	[tilespmem:s20+$0x19300] =	vst v2  }
0x2e1: {  	s22 =	sor.u32 $0x420, s0;
	v13 =	vand.u32 $0xFFFF0000, v13;
	v6 =	vshll.u32 v7, $0x10;
	v7 =	vand.u32 $0xFFFF0000, v7;
	[tilespmem:s8+$0x20] =	vst v8;
	v8 =	vld [tilespmem:s9+$0xC0]  }
0x2e2: {  	v4 =	vmul.f32 v6, v11;
	v7 =	vmul.f32 v7, v13;
	[tilespmem:s22+$0x19300] =	vst v5;
	v5 =	vld [tilespmem:s21+$0xC0]  }
0x2e3: {  	[tilespmem:s26+$0x60] =	vst v10;
	v6 =	vshll.u32 v12, $0x10;
	v11 =	vand.u32 $0xFFFF0000, v12;
	v12 =	vshll.u32 v1, $0x10;
	v13 =	vld [tilespmem:s9+$0x30]  }
0x2e4: {  	s23 =	sor.u32 $0x430, s29;
	v1 =	vand.u32 $0xFFFF0000, v1;
	[tilespmem:s15+$0x30] =	vst v4;
	v4 =	vmul.f32 v12, v6;
	v6 =	vld [tilespmem:s21+$0x30]  }
0x2e5: {  	v10 =	vshll.u32 v9, $0x10;
	v2 =	vld [tilespmem:s10+$0xFFFFFFF0];
	v1 =	vmul.f32 v1, v11;
	[tilespmem:s23+$0x19300] =	vst v7;
	v7 =	vshll.u32 v3, $0x10  }
0x2e6: {  	s25 =	sor.u32 $0x430, s5;
	v9 =	vand.u32 $0xFFFF0000, v9;
	v3 =	vand.u32 $0xFFFF0000, v3;
	v12 =	vld [tilespmem:s9+$0xFFFFFF40];
	[tilespmem:s13+$0x30] =	vst v4;
	v4 =	vmul.f32 v7, v10  }
0x2e7: {  	s31 =	sor.u32 $0x460, s18;
	v10 =	vld [tilespmem:s21+$0xFFFFFF40];
	[tilespmem:s25+$0x19300] =	vst v1;
	v9 =	vmul.f32 v3, v9;
	v1 =	vshll.u32 v8, $0x10;
	v14 =	vshll.u32 v5, $0x10  }
0x2e8: {  	[tilespmem:s31+$0x19300] =	vst v0;
	v3 =	vld [tilespmem:s9+$0xFFFFFFC0];
	v8 =	vand.u32 $0xFFFF0000, v8;
	v5 =	vand.u32 $0xFFFF0000, v5;
	v1 =	vmul.f32 v14, v1  }
0x2e9: {  	v0 =	vld [tilespmem:s21+$0xFFFFFFC0];
	v14 =	vshll.u32 v13, $0x10;
	v15 =	vshll.u32 v6, $0x10;
	v5 =	vmul.f32 v5, v8;
	[tilespmem:s17+$0x70] =	vst v4  }
0x2ea: {  	s4 =	sor.u32 $0x440, s11;
	v11 =	vld [tilespmem:s6+$0xFFFFFFF0];
	v4 =	vand.u32 $0xFFFF0000, v13;
	v6 =	vand.u32 $0xFFFF0000, v6;
	v8 =	vmul.f32 v15, v14;
	[tilespmem:s14+$0x40] =	vst v1  }
0x2eb: {  	v7 =	vshll.u32 v2, $0x10;
	v4 =	vmul.f32 v6, v4;
	v6 =	vld [tilespmem:s6+$0x70];
	[tilespmem:s4+$0x19300] =	vst v5  }
0x2ec: {  	v2 =	vand.u32 $0xFFFF0000, v2;
	v1 =	vld [tilespmem:s10+$0x70];
	v13 =	vshll.u32 v12, $0x10;
	s10 =	sor.u32 $0x470, s19;
	v5 =	vshll.u32 v10, $0x10;
	[tilespmem:s8+$0x30] =	vst v8  }
0x2ed: {  	s7 =	sor.u32 $0x430, s0;
	v12 =	vand.u32 $0xFFFF0000, v12;
	v10 =	vand.u32 $0xFFFF0000, v10;
	[tilespmem:s10+$0x19300] =	vst v9;
	v14 =	vld [tilespmem:s9+$0xD0];
	v5 =	vmul.f32 v5, v13  }
0x2ee: {  	v13 =	vshll.u32 v3, $0x10;
	[tilespmem:s7+$0x19300] =	vst v4;
	v16 =	vld [tilespmem:s21+$0xD0];
	v10 =	vmul.f32 v10, v12;
	v4 =	vshll.u32 v0, $0x10  }
0x2ef: {  	s28 =	sor.u32 $0x440, s0;
	s17 =	sor.u32 $0x440, s29;
	v15 =	vand.u32 $0xFFFF0000, v3;
	v0 =	vand.u32 $0xFFFF0000, v0;
	v3 =	vld [tilespmem:s9+$0x40];
	v9 =	vmul.f32 v4, v13;
	[tilespmem:s15+$0x40] =	vst v5  }
0x2f0: {  	s1 =	simm.s32 $0xA800;
	s16 =	sor.u32 $0x470, s16;
	v8 =	vshll.u32 v11, $0x10;
	v11 =	vand.u32 $0xFFFF0000, v11;
	v12 =	vmul.f32 v0, v15;
	v4 =	vld [tilespmem:s21+$0x40];
	[tilespmem:s17+$0x19300] =	vst v10  }
0x2f1: {  	s31 =	sor.u32 $0x460, s29;
	s20 =	simm.s32 $0x4;
	s22 =	sor.u32 $0x440, s5;
	v7 =	vmul.f32 v8, v7;
	v15 =	vmul.f32 v11, v2;
	v13 =	vshll.u32 v6, $0x10;
	[tilespmem:s13+$0x40] =	vst v9  }
0x2f2: {  	s23 =	sor.u32 $0x450, s5;
	s25 =	smov.u32 s15;
	s6 =	sor.u32 $0x460, s5;
	v2 =	vand.u32 $0xFFFF0000, v6;
	v10 =	vshll.u32 v1, $0x10;
	v0 =	vand.u32 $0xFFFF0000, v1;
	v5 =	vld [tilespmem:s9+$0xFFFFFF50];
	[tilespmem:s22+$0x19300] =	vst v12  }
0x2f3: {  	s19 =	sor.u32 $0x470, s18;
	s18 =	sor.u32 $0x450, s0;
	v8 =	vld [tilespmem:s21+$0xFFFFFF50];
	v1 =	vmul.f32 v13, v10;
	v9 =	vshll.u32 v14, $0x10;
	v11 =	vshll.u32 v16, $0x10;
	[dreg:$0x3] =	wrdreg s31  }
0x2f4: {  	s10 =	sor.u32 $0x460, s0;
	s4 =	sor.u32 $0x470, s5;
	s7 =	sor.u32 $0x470, s0;
	v10 =	vand.u32 $0xFFFF0000, v14;
	v13 =	vand.u32 $0xFFFF0000, v16;
	v6 =	vld [tilespmem:s9+$0xFFFFFFD0];
	v9 =	vmul.f32 v11, v9;
	[tilespmem:s2+$0x70] =	vst v7  }
0x2f5: {  	s15 =	sor.u32 $0x450, s29;
	s2 =	sor.u32 $0x470, s29;
	v7 =	vld [tilespmem:s21+$0xFFFFFFD0];
	v11 =	vshll.u32 v3, $0x10;
	v12 =	vshll.u32 v4, $0x10;
	v10 =	vmul.f32 v13, v10;
	[tilespmem:s16+$0x19300] =	vst v15;
	s16 =	simm.s32 $0xCE00  }
.LBB2_12:
0x2f6: {  	[dreg:$0x1e] =	wrdreg s6  }
0x2f7: {  	[dreg:$0xd] =	wrdreg s10;
	v13 =	vld [tilespmem:s1+$0x80];
	v3 =	vand.u32 $0xFFFF0000, v3;
	v4 =	vand.u32 $0xFFFF0000, v4;
	v11 =	vmul.f32 v12, v11;
	s0 =	sor.u32 $0x450, s11;
	s21 =	sadd.s32 $0x200, s21;
	[tilespmem:s14+$0x50] =	vst v9  }
0x2f8: {  	[dreg:$0x9] =	wrdreg s2;
	v3 =	vmul.f32 v4, v3;
	v9 =	vld [tilespmem:s21+$0x80];
	[tilespmem:s0+$0x19300] =	vst v10  }
0x2f9: {  	[dreg:$0x6] =	wrdreg s4;
	p0 =	por !p0, !p0;
	v0 =	vmul.f32 v2, v0;
	[tilespmem:s8+$0x40] =	vst v11;
	v10 =	vld [tilespmem:s9+$0xE0];
	v12 =	vshll.u32 v5, $0x10;
	v4 =	vshll.u32 v8, $0x10  }
0x2fa: {  	s2 =	simm.s32 $0x1;
	s30 =	sadd.s32 $0x4, s30;
	s5 =	rddreg [dreg:$0xa];
	[tilespmem:s28+$0x19300] =	vst v3;
	v3 =	vld [tilespmem:s16+$0xE0];
	v5 =	vand.u32 $0xFFFF0000, v5;
	v8 =	vand.u32 $0xFFFF0000, v8;
	v2 =	vmul.f32 v4, v12  }
0x2fb: {  	s24 =	sadd.s32 $0x200, s24;
	s3 =	sand.u32 $0x7, s30;
	s12 =	sadd.s32 $0x2, s12;
	v11 =	vld [tilespmem:s1+$0xFFFFFF00];
	[tilespmem:s26+$0x70] =	vst v1;
	v4 =	vshll.u32 v6, $0x10;
	v5 =	vmul.f32 v8, v5;
	v8 =	vshll.u32 v7, $0x10  }
0x2fc: {  	s3 =	sshll.u32 s3, $0x7;
	[smem:$0x7CB] =	sst s12;
	v1 =	vld [tilespmem:s21+$0xFFFFFF00];
	s26 =	sadd.s32 $0x400, s5;
	v6 =	vand.u32 $0xFFFF0000, v6;
	v7 =	vand.u32 $0xFFFF0000, v7;
	[tilespmem:s25+$0x50] =	vst v2;
	v2 =	vmul.f32 v8, v4  }
0x2fd: {  	s4 =	sand.u32 $0x3, s12;
	s5 =	sadd.s32 $0x180, s24;
	s6 =	sand.u32 $0x7800, s26;
	v4 =	vmul.f32 v7, v6;
	v6 =	vld [tilespmem:s1+$0xFFFFFF80];
	v7 =	vshll.u32 v13, $0x10;
	v8 =	vshll.u32 v9, $0x10;
	[tilespmem:s15+$0x19300] =	vst v5  }
0x2fe: {  	s10 =	sadd.s32 s26, s3;
	v12 =	vand.u32 $0xFFFF0000, v13;
	s12 =	sand.u32 $0x380, s5;
	s3 =	sadd.s32 $0x19300, s6;
	v9 =	vand.u32 $0xFFFF0000, v9;
	v5 =	vld [tilespmem:s21+$0xFFFFFF80];
	v7 =	vmul.f32 v8, v7;
	[tilespmem:s13+$0x50] =	vst v2  }
0x2ff: {  	s17 =	smov.u32 s8;
	s31 =	sadd.s32 $0x180, s10;
	s8 =	sadd.s32 s12, s3;
	v8 =	vmul.f32 v9, v12;
	v9 =	vshll.u32 v3, $0x10;
	v12 =	vld [tilespmem:s21+$0x0];
	[tilespmem:s23+$0x19300] =	vst v4;
	v4 =	vshll.u32 v10, $0x10  }
0x300: {  	s2 =	simm.s32 @!p0 $0x0;
	s0 =	sshll.u32 s4, $0x8;
	s29 =	sor.u32 $0x400, s31;
	v3 =	vand.u32 $0xFFFF0000, v3;
	v2 =	vld [tilespmem:s1+$0x0];
	[tilespmem:s8+$0x0] =	vst v7;
	v7 =	vand.u32 $0xFFFF0000, v10;
	v4 =	vmul.f32 v9, v4  }
0x301: {  	s2 =	sshll.u32 s2, $0x9;
	s0 =	sadd.s32 s26, s0;
	[dreg:$0xa] =	wrdreg s26;
	v10 =	vshll.u32 v1, $0x10;
	[tilespmem:s29+$0x19300] =	vst v8;
	v8 =	vld [tilespmem:s9+$0x50];
	v3 =	vmul.f32 v3, v7  }
0x302: {  	s5 =	sadd.s32 s2, s26;
	s26 =	sadd.s32 $0x80, s10;
	s10 =	sor.u32 $0x460, s11;
	v1 =	vand.u32 $0xFFFF0000, v1;
	v9 =	vshll.u32 v11, $0x10;
	v7 =	vand.u32 $0xFFFF0000, v11;
	v13 =	vld [tilespmem:s1+$0x90];
	[tilespmem:s14+$0x60] =	vst v4  }
0x303: {  	s22 =	sadd.s32 $0x100, s0;
	s12 =	sand.u32 $0x200, s24;
	v11 =	vshll.u32 v6, $0x10;
	v6 =	vand.u32 $0xFFFF0000, v6;
	v14 =	vld [tilespmem:s21+$0x90];
	[tilespmem:s10+$0x19300] =	vst v3;
	v3 =	vmul.f32 v10, v9  }
0x304: {  	s15 =	sadd.s32 $0x80, s24;
	s0 =	sadd.s32 s12, s3;
	s23 =	sadd.s32 $0x100, s24;
	[tilespmem:s19+$0x19300] =	vst v0;
	v0 =	vmul.f32 v1, v7;
	v4 =	vshll.u32 v5, $0x10;
	v5 =	vand.u32 $0xFFFF0000, v5;
	v10 =	vld [tilespmem:s9+$0xF0]  }
0x305: {  	s4 =	sand.u32 $0x280, s15;
	s15 =	sand.u32 $0x300, s23;
	s23 =	sor.u32 $0x400, s5;
	v1 =	vshll.u32 v12, $0x10;
	v7 =	vand.u32 $0xFFFF0000, v12;
	v9 =	vshll.u32 v2, $0x10;
	v12 =	vld [tilespmem:s16+$0xF0];
	[tilespmem:s0+$0x0] =	vst v3  }
0x306: {  	v2 =	vand.u32 $0xFFFF0000, v2;
	v3 =	vmul.f32 v4, v11;
	v4 =	vmul.f32 v5, v6;
	v5 =	vld [tilespmem:s16+$0x50];
	[tilespmem:s23+$0x19300] =	vst v0  }
0x307: {  	[smem:$0x7CE] =	sst s13;
	s6 =	sor.u32 $0x460, s26;
	s29 =	sadd.s32 s4, s3;
	v6 =	vshll.u32 v8, $0x10;
	v0 =	vmul.f32 v1, v9;
	v1 =	vmul.f32 v7, v2;
	v2 =	vld [tilespmem:s9+$0xFFFFFF60]  }
0x308: {  	s28 =	sor.u32 $0x400, s26;
	s13 =	smov.u32 s7;
	s7 =	sor.u32 $0x430, s5;
	v7 =	vand.u32 $0xFFFF0000, v8;
	v8 =	vld [tilespmem:s1+$0xFFFFFF10];
	[tilespmem:s29+$0x0] =	vst v3;
	v3 =	vshll.u32 v13, $0x10;
	v9 =	vshll.u32 v14, $0x10  }
0x309: {  	[smem:$0x7D1] =	sst s7;
	s7 =	sor.u32 $0x460, s22;
	s3 =	sadd.s32 s15, s3;
	v11 =	vld [tilespmem:s21+$0xFFFFFF10];
	[tilespmem:s28+$0x19300] =	vst v4;
	v4 =	vand.u32 $0xFFFF0000, v13;
	v13 =	vand.u32 $0xFFFF0000, v14;
	v3 =	vmul.f32 v9, v3  }
0x30a: {  	s2 =	sor.u32 $0x400, s22;
	[smem:$0x7D3] =	sst s7;
	s7 =	smov.u32 s14;
	[tilespmem:s3+$0x0] =	vst v0;
	v9 =	vld [tilespmem:s1+$0xFFFFFF90];
	v0 =	vmul.f32 v13, v4;
	v4 =	vshll.u32 v10, $0x10;
	v13 =	vshll.u32 v12, $0x10  }
0x30b: {  	s14 =	smov.u32 s30;
	s30 =	sor.u32 $0x410, s31;
	s23 =	sor.u32 $0x430, s26;
	v14 =	vld [tilespmem:s21+$0xFFFFFF90];
	v4 =	vmul.f32 v13, v4;
	[tilespmem:s8+$0x10] =	vst v3  }
0x30c: {  	s19 =	smov.u32 s18;
	[smem:$0x7D2] =	sst s23;
	s23 =	sor.u32 $0x440, s26;
	v13 =	vld [tilespmem:s9+$0xFFFFFFE0];
	v3 =	vand.u32 $0xFFFF0000, v10;
	v10 =	vand.u32 $0xFFFF0000, v12;
	v12 =	vshll.u32 v5, $0x10;
	[tilespmem:s30+$0x19300] =	vst v0  }
0x30d: {  	s18 =	sor.u32 $0x410, s26;
	s10 =	sor.u32 $0x420, s26;
	[dreg:$0x12] =	wrdreg s23;
	v0 =	vld [tilespmem:s16+$0xFFFFFF60];
	v3 =	vmul.f32 v10, v3;
	v10 =	vshll.u32 v8, $0x10;
	v8 =	vand.u32 $0xFFFF0000, v8;
	[tilespmem:s7+$0x70] =	vst v4  }
0x30e: {  	s23 =	sor.u32 $0x450, s26;
	s26 =	sor.u32 $0x470, s26;
	[tilespmem:s2+$0x19300] =	vst v1;
	v6 =	vmul.f32 v12, v6;
	s7 =	sor.u32 $0x470, s11;
	v4 =	vshll.u32 v11, $0x10;
	v11 =	vand.u32 $0xFFFF0000, v11;
	v12 =	vld [tilespmem:s1+$0xA0]  }
0x30f: {  	[dreg:$0x15] =	wrdreg s26;
	s26 =	smov.u32 s17;
	v5 =	vand.u32 $0xFFFF0000, v5;
	[tilespmem:s7+$0x19300] =	vst v3;
	v3 =	vmul.f32 v4, v10;
	v8 =	vmul.f32 v11, v8;
	v11 =	vld [tilespmem:s1+$0x10]  }
0x310: {  	v5 =	vmul.f32 v5, v7;
	v4 =	vshll.u32 v9, $0x10;
	[tilespmem:s26+$0x50] =	vst v6;
	v1 =	vld [tilespmem:s21+$0xA0]  }
0x311: {  	[smem:$0x7CF] =	sst s6;
	s12 =	sor.u32 $0x410, s5;
	s6 =	sor.u32 $0x420, s22;
	v7 =	vand.u32 $0xFFFF0000, v9;
	v9 =	vshll.u32 v14, $0x10;
	v10 =	vand.u32 $0xFFFF0000, v14;
	v6 =	vld [tilespmem:s21+$0x10];
	[tilespmem:s0+$0x10] =	vst v3  }
0x312: {  	[smem:$0x7D0] =	sst s6;
	s6 =	sor.u32 $0x440, s5;
	v3 =	vmul.f32 v9, v4;
	v4 =	vmul.f32 v10, v7;
	v7 =	vshll.u32 v2, $0x10;
	v9 =	vld [tilespmem:s16+$0xFFFFFFE0];
	[tilespmem:s12+$0x19300] =	vst v8  }
0x313: {  	[dreg:$0x18] =	wrdreg s6;
	s15 =	sor.u32 $0x420, s5;
	[tilespmem:s19+$0x19300] =	vst v5;
	v2 =	vand.u32 $0xFFFF0000, v2;
	v8 =	vshll.u32 v0, $0x10;
	v0 =	vand.u32 $0xFFFF0000, v0;
	v10 =	vld [tilespmem:s1+$0xFFFFFF20]  }
0x314: {  	s6 =	sor.u32 $0x450, s22;
	[smem:$0x7CC] =	sst s15;
	[tilespmem:s29+$0x10] =	vst v3;
	v3 =	vmul.f32 v8, v7;
	v7 =	vshll.u32 v13, $0x10;
	v8 =	vand.u32 $0xFFFF0000, v13;
	v13 =	vld [tilespmem:s21+$0xFFFFFF20]  }
0x315: {  	s15 =	sor.u32 $0x430, s22;
	[smem:$0x7CD] =	sst s10;
	s10 =	sor.u32 $0x410, s22;
	v0 =	vmul.f32 v0, v2;
	[tilespmem:s18+$0x19300] =	vst v4;
	v4 =	vshll.u32 v12, $0x10;
	v14 =	vshll.u32 v1, $0x10  }
0x316: {  	s28 =	sor.u32 $0x440, s22;
	s11 =	smov.u32 s31;
	s31 =	rddreg [dreg:$0x3];
	v12 =	vand.u32 $0xFFFF0000, v12;
	v2 =	vld [tilespmem:s1+$0xFFFFFFA0];
	v1 =	vand.u32 $0xFFFF0000, v1;
	[tilespmem:s25+$0x60] =	vst v3;
	v4 =	vmul.f32 v14, v4  }
0x317: {  	s22 =	sor.u32 $0x470, s22;
	s30 =	smov.u32 s14;
	s14 =	smov.u32 s8;
	v5 =	vld [tilespmem:s21+$0xFFFFFFA0];
	v15 =	vshll.u32 v6, $0x10;
	v14 =	vshll.u32 v11, $0x10;
	v1 =	vmul.f32 v1, v12;
	[tilespmem:s31+$0x19300] =	vst v0  }
0x318: {  	s7 =	smov.u32 s22;
	s22 =	sor.u32 $0x420, s11;
	v3 =	vand.u32 $0xFFFF0000, v11;
	v6 =	vand.u32 $0xFFFF0000, v6;
	v11 =	vmul.f32 v15, v14;
	[tilespmem:s14+$0x20] =	vst v4;
	v4 =	vld [tilespmem:s9+$0x60]  }
0x319: {  	s8 =	smov.u32 s3;
	v3 =	vmul.f32 v6, v3;
	v12 =	vshll.u32 v10, $0x10;
	v6 =	vshll.u32 v13, $0x10;
	[tilespmem:s22+$0x19300] =	vst v1;
	v1 =	vld [tilespmem:s16+$0x60]  }
0x31a: {  	s18 =	smov.u32 s6;
	s6 =	sld [smem:$0x7CC];
	v10 =	vand.u32 $0xFFFF0000, v10;
	v13 =	vand.u32 $0xFFFF0000, v13;
	[tilespmem:s8+$0x10] =	vst v11;
	v6 =	vmul.f32 v6, v12;
	v11 =	vld [tilespmem:s1+$0xB0]  }
0x31b: {  	v14 =	vshll.u32 v9, $0x10;
	v10 =	vmul.f32 v13, v10;
	v12 =	vshll.u32 v2, $0x10;
	[tilespmem:s10+$0x19300] =	vst v3;
	v3 =	vld [tilespmem:s21+$0xB0]  }
0x31c: {  	v2 =	vand.u32 $0xFFFF0000, v2;
	v13 =	vshll.u32 v5, $0x10;
	v5 =	vand.u32 $0xFFFF0000, v5;
	v15 =	vld [tilespmem:s1+$0x20];
	[tilespmem:s0+$0x20] =	vst v6  }
0x31d: {  	s4 =	sor.u32 $0x460, s5;
	s10 =	sld [smem:$0x7CD];
	v0 =	vmul.f32 v13, v12;
	v2 =	vmul.f32 v5, v2;
	v5 =	vld [tilespmem:s21+$0x20];
	v6 =	vand.u32 $0xFFFF0000, v9;
	[tilespmem:s6+$0x19300] =	vst v10  }
0x31e: {  	s3 =	smov.u32 s4;
	s4 =	sld [smem:$0x7CE];
	v6 =	vmul.f32 v6, v8;
	v9 =	vld [tilespmem:s9+$0xFFFFFF70];
	v10 =	vshll.u32 v4, $0x10;
	v4 =	vand.u32 $0xFFFF0000, v4  }
0x31f: {  	v13 =	vld [tilespmem:s1+$0xFFFFFF30];
	[tilespmem:s29+$0x20] =	vst v0;
	v0 =	vmul.f32 v14, v7;
	v12 =	vshll.u32 v1, $0x10;
	v1 =	vand.u32 $0xFFFF0000, v1  }
0x320: {  	v7 =	vld [tilespmem:s21+$0xFFFFFF30];
	[tilespmem:s10+$0x19300] =	vst v2;
	v2 =	vshll.u32 v11, $0x10;
	v8 =	vshll.u32 v3, $0x10;
	v10 =	vmul.f32 v12, v10  }
0x321: {  	s17 =	smov.u32 s13;
	s13 =	rddreg [dreg:$0x1e];
	v12 =	vld [tilespmem:s1+$0xFFFFFFB0];
	v11 =	vand.u32 $0xFFFF0000, v11;
	v3 =	vand.u32 $0xFFFF0000, v3;
	[tilespmem:s4+$0x60] =	vst v0;
	v2 =	vmul.f32 v8, v2  }
0x322: {  	v0 =	vld [tilespmem:s21+$0xFFFFFFB0];
	v8 =	vshll.u32 v15, $0x10;
	v14 =	vshll.u32 v5, $0x10;
	v3 =	vmul.f32 v3, v11;
	[tilespmem:s13+$0x19300] =	vst v6  }
0x323: {  	s31 =	sld [smem:$0x7D0];
	s22 =	sor.u32 $0x430, s11;
	v6 =	vand.u32 $0xFFFF0000, v15;
	v5 =	vand.u32 $0xFFFF0000, v5;
	v8 =	vmul.f32 v14, v8;
	[tilespmem:s14+$0x30] =	vst v2;
	v2 =	vld [tilespmem:s16+$0xFFFFFF70]  }
0x324: {  	v1 =	vmul.f32 v1, v4;
	v5 =	vmul.f32 v5, v6;
	v11 =	vshll.u32 v13, $0x10;
	[tilespmem:s22+$0x19300] =	vst v3;
	v3 =	vld [tilespmem:s9+$0xFFFFFFF0]  }
0x325: {  	[dreg:$0x3] =	wrdreg s3;
	v13 =	vand.u32 $0xFFFF0000, v13;
	v6 =	vshll.u32 v7, $0x10;
	v7 =	vand.u32 $0xFFFF0000, v7;
	[tilespmem:s8+$0x20] =	vst v8;
	v8 =	vld [tilespmem:s1+$0xC0]  }
0x326: {  	s3 =	sld [smem:$0x7D1];
	v4 =	vmul.f32 v6, v11;
	v7 =	vmul.f32 v7, v13;
	[tilespmem:s31+$0x19300] =	vst v5;
	v5 =	vld [tilespmem:s21+$0xC0]  }
0x327: {  	v6 =	vshll.u32 v12, $0x10;
	v11 =	vand.u32 $0xFFFF0000, v12;
	v12 =	vshll.u32 v0, $0x10;
	v13 =	vld [tilespmem:s1+$0x30];
	[tilespmem:s26+$0x60] =	vst v10  }
0x328: {  	v0 =	vand.u32 $0xFFFF0000, v0;
	[tilespmem:s0+$0x30] =	vst v4;
	v4 =	vmul.f32 v12, v6;
	v6 =	vld [tilespmem:s21+$0x30]  }
0x329: {  	s10 =	sld [smem:$0x7D2];
	v10 =	vshll.u32 v9, $0x10;
	v0 =	vmul.f32 v0, v11;
	[tilespmem:s3+$0x19300] =	vst v7;
	v11 =	vld [tilespmem:s16+$0xFFFFFFF0];
	v7 =	vshll.u32 v2, $0x10  }
0x32a: {  	v9 =	vand.u32 $0xFFFF0000, v9;
	v2 =	vand.u32 $0xFFFF0000, v2;
	v12 =	vld [tilespmem:s1+$0xFFFFFF40];
	[tilespmem:s29+$0x30] =	vst v4;
	v4 =	vmul.f32 v7, v10  }
0x32b: {  	v7 =	vshll.u32 v3, $0x10;
	v10 =	vand.u32 $0xFFFF0000, v3;
	v3 =	vld [tilespmem:s21+$0xFFFFFF40];
	v2 =	vmul.f32 v2, v9  }
0x32c: {  	s13 =	rddreg [dreg:$0xd];
	[tilespmem:s10+$0x19300] =	vst v0;
	v0 =	vshll.u32 v8, $0x10;
	v14 =	vshll.u32 v5, $0x10;
	v8 =	vand.u32 $0xFFFF0000, v8  }
0x32d: {  	[tilespmem:s13+$0x19300] =	vst v1;
	v5 =	vand.u32 $0xFFFF0000, v5;
	v9 =	vld [tilespmem:s1+$0xFFFFFFC0];
	v0 =	vmul.f32 v14, v0;
	v14 =	vshll.u32 v13, $0x10  }
0x32e: {  	s19 =	smov.u32 s17;
	s17 =	sld [smem:$0x7CF];
	v1 =	vld [tilespmem:s21+$0xFFFFFFC0];
	v5 =	vmul.f32 v5, v8;
	[tilespmem:s25+$0x70] =	vst v4;
	v4 =	vand.u32 $0xFFFF0000, v13;
	v15 =	vshll.u32 v6, $0x10  }
0x32f: {  	[dreg:$0x1b] =	wrdreg s15;
	s31 =	sor.u32 $0x440, s11;
	v6 =	vand.u32 $0xFFFF0000, v6;
	v8 =	vmul.f32 v15, v14;
	[tilespmem:s14+$0x40] =	vst v0;
	v0 =	vld [tilespmem:s9+$0x70];
	v13 =	vshll.u32 v12, $0x10  }
0x330: {  	s2 =	rddreg [dreg:$0x1b];
	v12 =	vand.u32 $0xFFFF0000, v12;
	v4 =	vmul.f32 v6, v4;
	v6 =	vld [tilespmem:s16+$0x70];
	[tilespmem:s31+$0x19300] =	vst v5;
	v5 =	vshll.u32 v3, $0x10  }
0x331: {  	s6 =	smov.u32 s17;
	s17 =	sld [smem:$0x7D3];
	v3 =	vand.u32 $0xFFFF0000, v3;
	[tilespmem:s8+$0x30] =	vst v8;
	v14 =	vld [tilespmem:s1+$0xD0];
	v8 =	vshll.u32 v11, $0x10;
	v5 =	vmul.f32 v5, v13  }
0x332: {  	s13 =	rddreg [dreg:$0x9];
	v15 =	vld [tilespmem:s21+$0xD0];
	v12 =	vmul.f32 v3, v12;
	v13 =	vshll.u32 v9, $0x10;
	v9 =	vand.u32 $0xFFFF0000, v9;
	[tilespmem:s2+$0x19300] =	vst v4  }
0x333: {  	s20 =	sadd.s32 $0x4, s20;
	s22 =	smov.u32 s0;
	[tilespmem:s13+$0x19300] =	vst v2;
	v4 =	vshll.u32 v1, $0x10;
	v1 =	vand.u32 $0xFFFF0000, v1;
	v7 =	vmul.f32 v8, v7;
	v3 =	vld [tilespmem:s1+$0x40]  }
0x334: {  	p1 =	slt.u32 s20, $0x4C;
	s10 =	smov.u32 s17;
	s17 =	rddreg [dreg:$0x18];
	[tilespmem:s22+$0x40] =	vst v5;
	v2 =	vmul.f32 v4, v13;
	v1 =	vmul.f32 v1, v9;
	v4 =	vld [tilespmem:s21+$0x40]  }
.Ltmp9:
0x335: {  	s12 =	sld [smem:$0x7CB];
	v9 =	vand.u32 $0xFFFF0000, v11;
	[tilespmem:s17+$0x19300] =	vst v12;
	v11 =	vshll.u32 v0, $0x10;
	v12 =	vshll.u32 v6, $0x10;
	(pc) =	sbr.rel @p1 .LBB2_12-.Ltmp9, $4  }
0x336: {  	s15 =	sor.u32 $0x450, s5;
	s25 =	smov.u32 s22;
	s22 =	rddreg [dreg:$0x12];
	v0 =	vand.u32 $0xFFFF0000, v0;
	v13 =	vmul.f32 v9, v10;
	v5 =	vld [tilespmem:s1+$0xFFFFFF50];
	[tilespmem:s29+$0x40] =	vst v2;
	v2 =	vand.u32 $0xFFFF0000, v6  }
0x337: {  	s5 =	sor.u32 $0x470, s5;
	s13 =	smov.u32 s29;
	s31 =	rddreg [dreg:$0x15];
	v8 =	vld [tilespmem:s21+$0xFFFFFF50];
	[tilespmem:s22+$0x19300] =	vst v1;
	v9 =	vshll.u32 v14, $0x10;
	v10 =	vshll.u32 v15, $0x10;
	v1 =	vmul.f32 v12, v11  }
0x338: {  	s9 =	smov.u32 s1;
	s16 =	smov.u32 s21;
	s29 =	rddreg [dreg:$0x6];
	v14 =	vand.u32 $0xFFFF0000, v14;
	v15 =	vand.u32 $0xFFFF0000, v15;
	v6 =	vld [tilespmem:s1+$0xFFFFFFD0];
	v9 =	vmul.f32 v10, v9;
	[tilespmem:s4+$0x70] =	vst v7  }
0x339: {  	s2 =	smov.u32 s5;
	v10 =	vmul.f32 v15, v14;
	s1 =	sadd.s32 $0x200, s1;
	s4 =	smov.u32 s31;
	v7 =	vld [tilespmem:s21+$0xFFFFFFD0];
	v11 =	vshll.u32 v3, $0x10;
	v12 =	vshll.u32 v4, $0x10;
	[tilespmem:s29+$0x19300] =	vst v13  }
0x33a: {  	v3 =	vand.u32 $0xFFFF0000, v3;
	v4 =	vand.u32 $0xFFFF0000, v4;
	v11 =	vmul.f32 v12, v11  }
0x33b: {  	v3 =	vmul.f32 v4, v3  }
0x33c: {  	[tilespmem:s8+$0x40] =	vst v11  }
0x33d: {  	v61 =	vshll.u32 v5, $0x10;
	v62 =	vshll.u32 v8, $0x10;
	[tilespmem:s28+$0x19300] =	vst v3  }
0x33e: {  	[tilespmem:s14+$0x50] =	vst v9;
	s0 =	sor.u32 $0x450, s11;
	v63 =	vand.u32 $0xFFFF0000, v5;
	v13 =	vand.u32 $0xFFFF0000, v8;
	v14 =	vmul.f32 v62, v61;
	v3 =	vld [tilespmem:s9+$0x50]  }
0x33f: {  	[tilespmem:s0+$0x19300] =	vst v10;
	v5 =	vmul.f32 v13, v63;
	v60 =	vld [tilespmem:s16+$0x50]  }
0x340: {  	v17 =	vld [tilespmem:s9+$0xE0];
	[tilespmem:s25+$0x50] =	vst v14  }
0x341: {  	v20 =	vld [tilespmem:s16+$0xE0];
	v15 =	vshll.u32 v6, $0x10;
	v16 =	vshll.u32 v7, $0x10;
	[tilespmem:s15+$0x19300] =	vst v5  }
0x342: {  	v18 =	vand.u32 $0xFFFF0000, v6;
	v19 =	vand.u32 $0xFFFF0000, v7;
	v8 =	vmul.f32 v16, v15;
	v23 =	vld [tilespmem:s9+$0xFFFFFF60]  }
0x343: {  	v6 =	vmul.f32 v19, v18;
	v24 =	vld [tilespmem:s16+$0xFFFFFF60]  }
0x344: {  	[tilespmem:s13+$0x50] =	vst v8;
	v21 =	vshll.u32 v3, $0x10;
	v22 =	vshll.u32 v60, $0x10  }
0x345: {  	[tilespmem:s23+$0x19300] =	vst v6;
	v3 =	vand.u32 $0xFFFF0000, v3;
	v4 =	vand.u32 $0xFFFF0000, v60;
	v5 =	vmul.f32 v22, v21  }
0x346: {  	v25 =	vld [tilespmem:s9+$0xFFFFFFE0];
	v3 =	vmul.f32 v4, v3  }
0x347: {  	v27 =	vshll.u32 v17, $0x10;
	v28 =	vshll.u32 v20, $0x10;
	v26 =	vld [tilespmem:s16+$0xFFFFFFE0];
	[tilespmem:s8+$0x50] =	vst v5  }
0x348: {  	v31 =	vshll.u32 v23, $0x10;
	v32 =	vshll.u32 v24, $0x10;
	[tilespmem:s18+$0x19300] =	vst v3;
	v3 =	vmul.f32 v28, v27  }
0x349: {  	v11 =	vand.u32 $0xFFFF0000, v17;
	v9 =	vand.u32 $0xFFFF0000, v20;
	v34 =	vmul.f32 v32, v31  }
0x34a: {  	v9 =	vmul.f32 v9, v11;
	v29 =	vld [tilespmem:s9+$0x60];
	[tilespmem:s14+$0x60] =	vst v3  }
0x34b: {  	s28 =	sor.u32 $0x460, s11;
	v33 =	vand.u32 $0xFFFF0000, v23;
	v6 =	vand.u32 $0xFFFF0000, v24;
	v30 =	vld [tilespmem:s16+$0x60];
	[tilespmem:s25+$0x60] =	vst v34  }
0x34c: {  	v35 =	vshll.u32 v25, $0x10;
	v36 =	vshll.u32 v26, $0x10;
	v3 =	vmul.f32 v6, v33;
	[tilespmem:s28+$0x19300] =	vst v9  }
0x34d: {  	v4 =	vand.u32 $0xFFFF0000, v25;
	v5 =	vand.u32 $0xFFFF0000, v26;
	v6 =	vmul.f32 v36, v35;
	v37 =	vld [tilespmem:s9+$0xF0];
	s0 =	rddreg [dreg:$0x3]  }
0x34e: {  	v4 =	vmul.f32 v5, v4;
	v38 =	vld [tilespmem:s16+$0xF0];
	[tilespmem:s0+$0x19300] =	vst v3  }
0x34f: {  	[tilespmem:s13+$0x60] =	vst v6;
	v41 =	vld [tilespmem:s9+$0xFFFFFF70]  }
0x350: {  	[tilespmem:s6+$0x19300] =	vst v4;
	v39 =	vshll.u32 v29, $0x10;
	v40 =	vshll.u32 v30, $0x10;
	v42 =	vld [tilespmem:s16+$0xFFFFFF70]  }
0x351: {  	v10 =	vand.u32 $0xFFFF0000, v29;
	v7 =	vand.u32 $0xFFFF0000, v30;
	v44 =	vld [tilespmem:s9+$0xFFFFFFF0];
	v3 =	vmul.f32 v40, v39  }
0x352: {  	v45 =	vld [tilespmem:s16+$0xFFFFFFF0];
	v43 =	vmul.f32 v7, v10  }
0x353: {  	[tilespmem:s8+$0x60] =	vst v3  }
0x354: {  	v0 =	vmul.f32 v2, v0;
	v46 =	vshll.u32 v37, $0x10;
	v47 =	vshll.u32 v38, $0x10;
	[tilespmem:s10+$0x19300] =	vst v43  }
0x355: {  	[tilespmem:s26+$0x70] =	vst v1;
	v49 =	vand.u32 $0xFFFF0000, v37;
	v8 =	vand.u32 $0xFFFF0000, v38;
	v2 =	vmul.f32 v47, v46;
	v48 =	vld [tilespmem:s9+$0x70]  }
0x356: {  	[tilespmem:s19+$0x19300] =	vst v0;
	v51 =	vmul.f32 v8, v49;
	v50 =	vld [tilespmem:s16+$0x70];
	v52 =	vshll.u32 v41, $0x10;
	v53 =	vshll.u32 v42, $0x10  }
0x357: {  	s29 =	sor.u32 $0x470, s11;
	v55 =	vshll.u32 v44, $0x10;
	v56 =	vshll.u32 v45, $0x10;
	[tilespmem:s14+$0x70] =	vst v2;
	v1 =	vmul.f32 v53, v52  }
0x358: {  	v54 =	vand.u32 $0xFFFF0000, v41;
	v4 =	vand.u32 $0xFFFF0000, v42;
	v0 =	vmul.f32 v56, v55;
	[tilespmem:s29+$0x19300] =	vst v51  }
0x359: {  	v57 =	vand.u32 $0xFFFF0000, v44;
	v58 =	vand.u32 $0xFFFF0000, v45;
	v2 =	vmul.f32 v4, v54;
	[tilespmem:s25+$0x70] =	vst v1  }
0x35a: {  	v1 =	vmul.f32 v58, v57;
	[tilespmem:s13+$0x70] =	vst v0  }
0x35b: {  	[tilespmem:s2+$0x19300] =	vst v2;
	v59 =	vshll.u32 v48, $0x10;
	v60 =	vshll.u32 v50, $0x10  }
0x35c: {  	v61 =	vand.u32 $0xFFFF0000, v48;
	v62 =	vand.u32 $0xFFFF0000, v50;
	[tilespmem:s4+$0x19300] =	vst v1;
	v2 =	vmul.f32 v60, v59  }
0x35d: {  	v63 =	vmul.f32 v62, v61;
	s0 =	sld [smem:$0x7E9]  }
0x35e: {  	[tilespmem:s8+$0x70] =	vst v2  }
.Ltmp10:
0x35f: {  	s1 =	rddreg [dreg:$0x1];
	[tilespmem:s7+$0x19300] =	vst v63;
	(pc) =	sbr.rel .LBB2_14-.Ltmp10, $4  }
0x360: {  	s0 =	smul.u32 $0xA00, s0;
	s5 =	sld [smem:$0x7FB]  }
0x361: {  	s30 =	simm.s32 $0x0;
	s6 =	sld [smem:$0x7FC]  }
0x362: {  	s31 =	simm.s32 $0x19300;
	s7 =	sld [smem:$0x7FD];
	s0 =	sadd.s32 s1, s0  }
0x363: {  	[hbm4b:s0+s30] =	stream.linear.scatter [tilespmem:s31], [sflag:$0x9], $0x5000, $0x38;
	[tilespmem:$0x1E300] =	vst v63  }
.LBB2_16:
0x364: {  	_ =	sfence.sel $0x180000  }
0x365: {  	[bflag:$0x0] =	sbarrier.arrive $0xFFFF  }
0x366: {  	_ =	strace $0x90000047  }
0x367: {  	s0 =	stileid.u32;
	[bflag:$0x2] =	sbarrier.arrive $0xFFFF  }
0x368: {  	p0 =	sne.s32 s0, $0x0;
	s0 =	rddreg [dreg:$0x2]  }
0x369: {  	s0 =	sadd.s32 @!p0 $0x100000, s0  }
0x36a: {  	[sflag:s0] =	ssyncadd.tile.s32 @!p0 $0x1;
	_ =	shalt  }
.Lfunc_end2:
_tile_overlayer_lowered:
.L_overlay_start_2:
0x36b: {  	(tag) =	ssettag $0x2  }
0x36c: {  	s0 =	rddreg [dreg:$0x0];
	s2 =	stileid.u32  }
0x36d: {  	s1 =	rddreg [dreg:$0x1];
	p0 =	sne.s32 s2, $0x0  }
0x36e: {  	s3 =	rddreg [dreg:$0x2];
	[bflag:$0x3] =	sbarrier.arrive $0xFFFF;
	s2 =	simm.s32 @!p0 $0x1C0A  }
0x36f: {  	[timem:s3], [sflag:s2] =	dma.local @!p0 [hbm:s0], s1  }
0x370: {  	s0 =	simm.s32 @!p0 $0xA  }
0x371: {  	_ =	swait.ge @!p0 [sflag:s0], s1  }
0x372: {  	s1 =	ssub.s32 @!p0 $0x0, s1;
	[sflag:s0] =	ssyncset.done @!p0 $0x0  }
0x373: {  	[sflag:s0] =	ssyncadd.s32 @!p0 s1  }
0x374: {  	[bflag:$0x3] =	sbarrier.arrive $0xFFFF  }
0x375: {  	_ =	shalt  }

</sc_bundles>
